<compile_context>
chip_gen: v7x
topology: tpu7x:2x2x1
jax: 0.10.2.dev20260603
libtpu: 0.0.44.dev20260713+nightly
codegen_flags: <defaults>
</compile_context>

<pallas_src>
import jax
import jax.numpy as jnp
from jax import lax
from jax.experimental import pallas as pl
from jax.experimental.pallas import tpu as pltpu
from jax.experimental.pallas import tpu_sc as plsc

B, L, D = 4, 8192, 768
NC, NS = 2, 16
NW = NC * NS
ROWS_PER_W = L // NW
CHUNK = 8
NCHUNK = ROWS_PER_W // CHUNK
NVROW = D // 16
NSLOT = 4


def _body(x_hbm, emb_hbm, out_hbm, buf0, buf1, buf2, buf3,
          in_sem0, in_sem1, in_sem2, in_sem3,
          out_sem0, out_sem1, out_sem2, out_sem3):
    wid = lax.axis_index("s") * NC + lax.axis_index("c")
    row_base = wid * ROWS_PER_W
    bufs = (buf0, buf1, buf2, buf3)
    in_sems = (in_sem0, in_sem1, in_sem2, in_sem3)
    out_sems = (out_sem0, out_sem1, out_sem2, out_sem3)

    def start_in(ci, s):
        l0 = row_base + ci * CHUNK
        pltpu.async_copy(emb_hbm.at[pl.ds(l0, CHUNK)],
                         bufs[s].at[pl.ds(B * CHUNK, CHUNK)], in_sems[s])
        for b in range(B):
            pltpu.async_copy(x_hbm.at[pl.ds(b * L + l0, CHUNK)],
                             bufs[s].at[pl.ds(b * CHUNK, CHUNK)], in_sems[s])

    def wait_in(s):
        for b in range(B + 1):
            pltpu.make_async_copy(emb_hbm.at[pl.ds(0, CHUNK)],
                                  bufs[s].at[pl.ds(b * CHUNK, CHUNK)],
                                  in_sems[s]).wait()

    def start_out(ci, s):
        l0 = row_base + ci * CHUNK
        for b in range(B):
            pltpu.async_copy(bufs[s].at[pl.ds(b * CHUNK, CHUNK)],
                             out_hbm.at[pl.ds(b * L + l0, CHUNK)], out_sems[s])

    def wait_out(s):
        for b in range(B):
            pltpu.make_async_copy(bufs[s].at[pl.ds(b * CHUNK, CHUNK)],
                                  out_hbm.at[pl.ds(0, CHUNK)], out_sems[s]).wait()

    def compute(s):
        def vec_body(c, _):
            sl = pl.ds(c * 16, 16)
            for r in range(CHUNK):
                e = bufs[s][B * CHUNK + r, sl]
                for b in range(B):
                    bufs[s][b * CHUNK + r, sl] = bufs[s][b * CHUNK + r, sl] + e
            return 0

        lax.fori_loop(0, NVROW, vec_body, 0)

    start_in(0, 0)
    start_in(1, 1)

    def step(g, _):
        for s in range(NSLOT):
            ci = g * NSLOT + s
            wait_in(s)
            sn = (s + 2) % NSLOT

            @pl.when(ci >= 2)
            def _():
                wait_out(sn)

            @pl.when(ci + 2 < NCHUNK)
            def _():
                start_in(ci + 2, sn)

            compute(s)
            start_out(ci, s)
        return 0

    lax.fori_loop(0, NCHUNK // NSLOT, step, 0)
    wait_out((NCHUNK - 2) % NSLOT)
    wait_out((NCHUNK - 1) % NSLOT)


@jax.jit
def _run(x2, emb):
    mesh = plsc.VectorSubcoreMesh(core_axis_name="c", subcore_axis_name="s")
    k = pl.kernel(
        _body,
        out_type=jax.ShapeDtypeStruct((B * L, D), jnp.float32),
        mesh=mesh,
        scratch_types=[
            pltpu.VMEM(((B + 1) * CHUNK, D), jnp.float32),
            pltpu.VMEM(((B + 1) * CHUNK, D), jnp.float32),
            pltpu.VMEM(((B + 1) * CHUNK, D), jnp.float32),
            pltpu.VMEM(((B + 1) * CHUNK, D), jnp.float32),
            pltpu.SemaphoreType.DMA,
            pltpu.SemaphoreType.DMA,
            pltpu.SemaphoreType.DMA,
            pltpu.SemaphoreType.DMA,
            pltpu.SemaphoreType.DMA,
            pltpu.SemaphoreType.DMA,
            pltpu.SemaphoreType.DMA,
            pltpu.SemaphoreType.DMA,
        ],
    )
    return k(x2, emb).reshape(B, L, D)


def kernel(x, emb):
    return _run(x.reshape(B * L, D), emb)

# --- scband reference (transcript-rebuilt; emitter-appended) ---
"""Pipeline reference for scband-learnable-absolute-position-embedding-3985729651235 (READ-ONLY COPY).

The authoritative reference and input builder live on the scoring server;
editing this copy changes nothing except your own understanding.
"""

import jax, jax.numpy as jnp
import numpy as np

MAX_POS = 8192
HIDDEN = 768

def setup_inputs(seed: int = 0) -> dict:
    key = jax.random.key(seed)
    k1, k2 = jax.random.split(key)
    x = jax.random.normal(k1, (4, 8192, 768), dtype=jnp.float32)
    # learned embedding table, default nn.Embedding init ~ N(0,1)
    emb = jax.random.normal(k2, (MAX_POS, HIDDEN), dtype=jnp.float32)
    return {"x": x, "emb": emb}

def reference(x, emb):
    # position_ids = arange(max_pos)[: x.size(-2)]
    L = x.shape[-2]
    position_ids = jnp.arange(MAX_POS)[:L]
    pos_emb = jnp.take(emb, position_ids, axis=0)  # (L, d) embedding gather
    # x is 3-dim (b, l, d): add broadcasted positional embedding
    return x + pos_emb[None, :, :]

if __name__ == "__main__":
    import jax
    _d = setup_inputs()
    print(jax.jit(kernel)(*tuple(_d.values())))

</pallas_src>

<mosaic_0001>
#map = affine_map<(d0, d1) -> (0, 0)>
module attributes {stable_mosaic.version = 14 : i64} {
  func.func @_body(%arg0: i32, %arg1: i32, %arg2: memref<32768x768xf32, #tpu.memory_space<hbm>>, %arg3: memref<8192x768xf32, #tpu.memory_space<hbm>>, %arg4: memref<32768x768xf32, #tpu.memory_space<hbm>>, %arg5: memref<40x768xf32, #tpu.memory_space<vmem>>, %arg6: memref<40x768xf32, #tpu.memory_space<vmem>>, %arg7: memref<40x768xf32, #tpu.memory_space<vmem>>, %arg8: memref<40x768xf32, #tpu.memory_space<vmem>>, %arg9: memref<!tpu.dma_semaphore, #tpu.memory_space<semaphore_mem>>, %arg10: memref<!tpu.dma_semaphore, #tpu.memory_space<semaphore_mem>>, %arg11: memref<!tpu.dma_semaphore, #tpu.memory_space<semaphore_mem>>, %arg12: memref<!tpu.dma_semaphore, #tpu.memory_space<semaphore_mem>>, %arg13: memref<!tpu.dma_semaphore, #tpu.memory_space<semaphore_mem>>, %arg14: memref<!tpu.dma_semaphore, #tpu.memory_space<semaphore_mem>>, %arg15: memref<!tpu.dma_semaphore, #tpu.memory_space<semaphore_mem>>, %arg16: memref<!tpu.dma_semaphore, #tpu.memory_space<semaphore_mem>>) attributes {dimension_semantics = [#tpu.dimension_semantics<core_parallel>, #tpu.dimension_semantics<subcore_parallel>], iteration_bounds = array<i64: 2, 16>, scalar_prefetch = 0 : i64, scratch_operands = 12 : i64, tpu.core_type = #tpu.core_type<sc_vector_subcore>, window_params = [{transform_indices = #map}, {transform_indices = #map}, {transform_indices = #map}]} {
    %mul3A = arith.constant 2 : i32
    %mul3A_0 = arith.muli %arg1, %mul3A : i32
    %add3A = arith.addi %mul3A_0, %arg0 : i32
    %mul3A_1 = arith.constant 256 : i32
    %mul3A_2 = arith.muli %add3A, %mul3A_1 : i32
    %add3A_3 = arith.constant 0 : i32
    %add3A_4 = arith.addi %mul3A_2, %add3A_3 : i32
    %dma_start3A = arith.constant 32 : i32
    %dma_start3A_5 = arith.constant 0 : i32
    %dma_start3A_6 = tpu.memref_slice %arg5[%dma_start3A, %dma_start3A_5] : memref<40x768xf32, #tpu.memory_space<vmem>> -> memref<8x768xf32, #tpu.memory_space<vmem>>
    %dma_start3A_7 = arith.constant 0 : i32
    %dma_start3A_8 = tpu.memref_slice %arg3[%add3A_4, %dma_start3A_7] : memref<8192x768xf32, #tpu.memory_space<hbm>> -> memref<8x768xf32, #tpu.memory_space<hbm>>
    %dma_start3A_9 = arith.constant 32 : i32
    %dma_start3A_10 = arith.constant 0 : i32
    %dma_start3A_11 = tpu.memref_slice %arg5[%dma_start3A_9, %dma_start3A_10] : memref<40x768xf32, #tpu.memory_space<vmem>> -> memref<8x768xf32, #tpu.memory_space<vmem>>
    %dma_start3A_12 = arith.constant 0 : i32
    %dma_start3A_13 = tpu.memref_slice %arg3[%add3A_4, %dma_start3A_12] : memref<8192x768xf32, #tpu.memory_space<hbm>> -> memref<8x768xf32, #tpu.memory_space<hbm>>
    tpu.enqueue_dma source(%dma_start3A_13 : memref<8x768xf32, #tpu.memory_space<hbm>>) target(%dma_start3A_11 : memref<8x768xf32, #tpu.memory_space<vmem>>) target_semaphore(%arg9 : memref<!tpu.dma_semaphore, #tpu.memory_space<semaphore_mem>>)
    %add3A_14 = arith.constant 0 : i32
    %add3A_15 = arith.addi %add3A_14, %add3A_4 : i32
    %dma_start3A_16 = arith.constant 0 : i32
    %dma_start3A_17 = arith.constant 0 : i32
    %dma_start3A_18 = tpu.memref_slice %arg5[%dma_start3A_16, %dma_start3A_17] : memref<40x768xf32, #tpu.memory_space<vmem>> -> memref<8x768xf32, #tpu.memory_space<vmem>>
    %dma_start3A_19 = arith.constant 0 : i32
    %dma_start3A_20 = tpu.memref_slice %arg2[%add3A_15, %dma_start3A_19] : memref<32768x768xf32, #tpu.memory_space<hbm>> -> memref<8x768xf32, #tpu.memory_space<hbm>>
    %dma_start3A_21 = arith.constant 0 : i32
    %dma_start3A_22 = arith.constant 0 : i32
    %dma_start3A_23 = tpu.memref_slice %arg5[%dma_start3A_21, %dma_start3A_22] : memref<40x768xf32, #tpu.memory_space<vmem>> -> memref<8x768xf32, #tpu.memory_space<vmem>>
    %dma_start3A_24 = arith.constant 0 : i32
    %dma_start3A_25 = tpu.memref_slice %arg2[%add3A_15, %dma_start3A_24] : memref<32768x768xf32, #tpu.memory_space<hbm>> -> memref<8x768xf32, #tpu.memory_space<hbm>>
    tpu.enqueue_dma source(%dma_start3A_25 : memref<8x768xf32, #tpu.memory_space<hbm>>) target(%dma_start3A_23 : memref<8x768xf32, #tpu.memory_space<vmem>>) target_semaphore(%arg9 : memref<!tpu.dma_semaphore, #tpu.memory_space<semaphore_mem>>)
    %add3A_26 = arith.constant 8192 : i32
    %add3A_27 = arith.addi %add3A_26, %add3A_4 : i32
    %dma_start3A_28 = arith.constant 8 : i32
    %dma_start3A_29 = arith.constant 0 : i32
    %dma_start3A_30 = tpu.memref_slice %arg5[%dma_start3A_28, %dma_start3A_29] : memref<40x768xf32, #tpu.memory_space<vmem>> -> memref<8x768xf32, #tpu.memory_space<vmem>>
    %dma_start3A_31 = arith.constant 0 : i32
    %dma_start3A_32 = tpu.memref_slice %arg2[%add3A_27, %dma_start3A_31] : memref<32768x768xf32, #tpu.memory_space<hbm>> -> memref<8x768xf32, #tpu.memory_space<hbm>>
    %dma_start3A_33 = arith.constant 8 : i32
    %dma_start3A_34 = arith.constant 0 : i32
    %dma_start3A_35 = tpu.memref_slice %arg5[%dma_start3A_33, %dma_start3A_34] : memref<40x768xf32, #tpu.memory_space<vmem>> -> memref<8x768xf32, #tpu.memory_space<vmem>>
    %dma_start3A_36 = arith.constant 0 : i32
    %dma_start3A_37 = tpu.memref_slice %arg2[%add3A_27, %dma_start3A_36] : memref<32768x768xf32, #tpu.memory_space<hbm>> -> memref<8x768xf32, #tpu.memory_space<hbm>>
    tpu.enqueue_dma source(%dma_start3A_37 : memref<8x768xf32, #tpu.memory_space<hbm>>) target(%dma_start3A_35 : memref<8x768xf32, #tpu.memory_space<vmem>>) target_semaphore(%arg9 : memref<!tpu.dma_semaphore, #tpu.memory_space<semaphore_mem>>)
    %add3A_38 = arith.constant 16384 : i32
    %add3A_39 = arith.addi %add3A_38, %add3A_4 : i32
    %dma_start3A_40 = arith.constant 16 : i32
    %dma_start3A_41 = arith.constant 0 : i32
    %dma_start3A_42 = tpu.memref_slice %arg5[%dma_start3A_40, %dma_start3A_41] : memref<40x768xf32, #tpu.memory_space<vmem>> -> memref<8x768xf32, #tpu.memory_space<vmem>>
    %dma_start3A_43 = arith.constant 0 : i32
    %dma_start3A_44 = tpu.memref_slice %arg2[%add3A_39, %dma_start3A_43] : memref<32768x768xf32, #tpu.memory_space<hbm>> -> memref<8x768xf32, #tpu.memory_space<hbm>>
    %dma_start3A_45 = arith.constant 16 : i32
    %dma_start3A_46 = arith.constant 0 : i32
    %dma_start3A_47 = tpu.memref_slice %arg5[%dma_start3A_45, %dma_start3A_46] : memref<40x768xf32, #tpu.memory_space<vmem>> -> memref<8x768xf32, #tpu.memory_space<vmem>>
    %dma_start3A_48 = arith.constant 0 : i32
    %dma_start3A_49 = tpu.memref_slice %arg2[%add3A_39, %dma_start3A_48] : memref<32768x768xf32, #tpu.memory_space<hbm>> -> memref<8x768xf32, #tpu.memory_space<hbm>>
    tpu.enqueue_dma source(%dma_start3A_49 : memref<8x768xf32, #tpu.memory_space<hbm>>) target(%dma_start3A_47 : memref<8x768xf32, #tpu.memory_space<vmem>>) target_semaphore(%arg9 : memref<!tpu.dma_semaphore, #tpu.memory_space<semaphore_mem>>)
    %add3A_50 = arith.constant 24576 : i32
    %add3A_51 = arith.addi %add3A_50, %add3A_4 : i32
    %dma_start3A_52 = arith.constant 24 : i32
    %dma_start3A_53 = arith.constant 0 : i32
    %dma_start3A_54 = tpu.memref_slice %arg5[%dma_start3A_52, %dma_start3A_53] : memref<40x768xf32, #tpu.memory_space<vmem>> -> memref<8x768xf32, #tpu.memory_space<vmem>>
    %dma_start3A_55 = arith.constant 0 : i32
    %dma_start3A_56 = tpu.memref_slice %arg2[%add3A_51, %dma_start3A_55] : memref<32768x768xf32, #tpu.memory_space<hbm>> -> memref<8x768xf32, #tpu.memory_space<hbm>>
    %dma_start3A_57 = arith.constant 24 : i32
    %dma_start3A_58 = arith.constant 0 : i32
    %dma_start3A_59 = tpu.memref_slice %arg5[%dma_start3A_57, %dma_start3A_58] : memref<40x768xf32, #tpu.memory_space<vmem>> -> memref<8x768xf32, #tpu.memory_space<vmem>>
    %dma_start3A_60 = arith.constant 0 : i32
    %dma_start3A_61 = tpu.memref_slice %arg2[%add3A_51, %dma_start3A_60] : memref<32768x768xf32, #tpu.memory_space<hbm>> -> memref<8x768xf32, #tpu.memory_space<hbm>>
    tpu.enqueue_dma source(%dma_start3A_61 : memref<8x768xf32, #tpu.memory_space<hbm>>) target(%dma_start3A_59 : memref<8x768xf32, #tpu.memory_space<vmem>>) target_semaphore(%arg9 : memref<!tpu.dma_semaphore, #tpu.memory_space<semaphore_mem>>)
    %add3A_62 = arith.constant 8 : i32
    %add3A_63 = arith.addi %mul3A_2, %add3A_62 : i32
    %dma_start3A_64 = arith.constant 32 : i32
    %dma_start3A_65 = arith.constant 0 : i32
    %dma_start3A_66 = tpu.memref_slice %arg6[%dma_start3A_64, %dma_start3A_65] : memref<40x768xf32, #tpu.memory_space<vmem>> -> memref<8x768xf32, #tpu.memory_space<vmem>>
    %dma_start3A_67 = arith.constant 0 : i32
    %dma_start3A_68 = tpu.memref_slice %arg3[%add3A_63, %dma_start3A_67] : memref<8192x768xf32, #tpu.memory_space<hbm>> -> memref<8x768xf32, #tpu.memory_space<hbm>>
    %dma_start3A_69 = arith.constant 32 : i32
    %dma_start3A_70 = arith.constant 0 : i32
    %dma_start3A_71 = tpu.memref_slice %arg6[%dma_start3A_69, %dma_start3A_70] : memref<40x768xf32, #tpu.memory_space<vmem>> -> memref<8x768xf32, #tpu.memory_space<vmem>>
    %dma_start3A_72 = arith.constant 0 : i32
    %dma_start3A_73 = tpu.memref_slice %arg3[%add3A_63, %dma_start3A_72] : memref<8192x768xf32, #tpu.memory_space<hbm>> -> memref<8x768xf32, #tpu.memory_space<hbm>>
    tpu.enqueue_dma source(%dma_start3A_73 : memref<8x768xf32, #tpu.memory_space<hbm>>) target(%dma_start3A_71 : memref<8x768xf32, #tpu.memory_space<vmem>>) target_semaphore(%arg10 : memref<!tpu.dma_semaphore, #tpu.memory_space<semaphore_mem>>)
    %add3A_74 = arith.constant 0 : i32
    %add3A_75 = arith.addi %add3A_74, %add3A_63 : i32
    %dma_start3A_76 = arith.constant 0 : i32
    %dma_start3A_77 = arith.constant 0 : i32
    %dma_start3A_78 = tpu.memref_slice %arg6[%dma_start3A_76, %dma_start3A_77] : memref<40x768xf32, #tpu.memory_space<vmem>> -> memref<8x768xf32, #tpu.memory_space<vmem>>
    %dma_start3A_79 = arith.constant 0 : i32
    %dma_start3A_80 = tpu.memref_slice %arg2[%add3A_75, %dma_start3A_79] : memref<32768x768xf32, #tpu.memory_space<hbm>> -> memref<8x768xf32, #tpu.memory_space<hbm>>
    %dma_start3A_81 = arith.constant 0 : i32
    %dma_start3A_82 = arith.constant 0 : i32
    %dma_start3A_83 = tpu.memref_slice %arg6[%dma_start3A_81, %dma_start3A_82] : memref<40x768xf32, #tpu.memory_space<vmem>> -> memref<8x768xf32, #tpu.memory_space<vmem>>
    %dma_start3A_84 = arith.constant 0 : i32
    %dma_start3A_85 = tpu.memref_slice %arg2[%add3A_75, %dma_start3A_84] : memref<32768x768xf32, #tpu.memory_space<hbm>> -> memref<8x768xf32, #tpu.memory_space<hbm>>
    tpu.enqueue_dma source(%dma_start3A_85 : memref<8x768xf32, #tpu.memory_space<hbm>>) target(%dma_start3A_83 : memref<8x768xf32, #tpu.memory_space<vmem>>) target_semaphore(%arg10 : memref<!tpu.dma_semaphore, #tpu.memory_space<semaphore_mem>>)
    %add3A_86 = arith.constant 8192 : i32
    %add3A_87 = arith.addi %add3A_86, %add3A_63 : i32
    %dma_start3A_88 = arith.constant 8 : i32
    %dma_start3A_89 = arith.constant 0 : i32
    %dma_start3A_90 = tpu.memref_slice %arg6[%dma_start3A_88, %dma_start3A_89] : memref<40x768xf32, #tpu.memory_space<vmem>> -> memref<8x768xf32, #tpu.memory_space<vmem>>
    %dma_start3A_91 = arith.constant 0 : i32
    %dma_start3A_92 = tpu.memref_slice %arg2[%add3A_87, %dma_start3A_91] : memref<32768x768xf32, #tpu.memory_space<hbm>> -> memref<8x768xf32, #tpu.memory_space<hbm>>
    %dma_start3A_93 = arith.constant 8 : i32
    %dma_start3A_94 = arith.constant 0 : i32
    %dma_start3A_95 = tpu.memref_slice %arg6[%dma_start3A_93, %dma_start3A_94] : memref<40x768xf32, #tpu.memory_space<vmem>> -> memref<8x768xf32, #tpu.memory_space<vmem>>
    %dma_start3A_96 = arith.constant 0 : i32
    %dma_start3A_97 = tpu.memref_slice %arg2[%add3A_87, %dma_start3A_96] : memref<32768x768xf32, #tpu.memory_space<hbm>> -> memref<8x768xf32, #tpu.memory_space<hbm>>
    tpu.enqueue_dma source(%dma_start3A_97 : memref<8x768xf32, #tpu.memory_space<hbm>>) target(%dma_start3A_95 : memref<8x768xf32, #tpu.memory_space<vmem>>) target_semaphore(%arg10 : memref<!tpu.dma_semaphore, #tpu.memory_space<semaphore_mem>>)
    %add3A_98 = arith.constant 16384 : i32
    %add3A_99 = arith.addi %add3A_98, %add3A_63 : i32
    %dma_start3A_100 = arith.constant 16 : i32
    %dma_start3A_101 = arith.constant 0 : i32
    %dma_start3A_102 = tpu.memref_slice %arg6[%dma_start3A_100, %dma_start3A_101] : memref<40x768xf32, #tpu.memory_space<vmem>> -> memref<8x768xf32, #tpu.memory_space<vmem>>
    %dma_start3A_103 = arith.constant 0 : i32
    %dma_start3A_104 = tpu.memref_slice %arg2[%add3A_99, %dma_start3A_103] : memref<32768x768xf32, #tpu.memory_space<hbm>> -> memref<8x768xf32, #tpu.memory_space<hbm>>
    %dma_start3A_105 = arith.constant 16 : i32
    %dma_start3A_106 = arith.constant 0 : i32
    %dma_start3A_107 = tpu.memref_slice %arg6[%dma_start3A_105, %dma_start3A_106] : memref<40x768xf32, #tpu.memory_space<vmem>> -> memref<8x768xf32, #tpu.memory_space<vmem>>
    %dma_start3A_108 = arith.constant 0 : i32
    %dma_start3A_109 = tpu.memref_slice %arg2[%add3A_99, %dma_start3A_108] : memref<32768x768xf32, #tpu.memory_space<hbm>> -> memref<8x768xf32, #tpu.memory_space<hbm>>
    tpu.enqueue_dma source(%dma_start3A_109 : memref<8x768xf32, #tpu.memory_space<hbm>>) target(%dma_start3A_107 : memref<8x768xf32, #tpu.memory_space<vmem>>) target_semaphore(%arg10 : memref<!tpu.dma_semaphore, #tpu.memory_space<semaphore_mem>>)
    %add3A_110 = arith.constant 24576 : i32
    %add3A_111 = arith.addi %add3A_110, %add3A_63 : i32
    %dma_start3A_112 = arith.constant 24 : i32
    %dma_start3A_113 = arith.constant 0 : i32
    %dma_start3A_114 = tpu.memref_slice %arg6[%dma_start3A_112, %dma_start3A_113] : memref<40x768xf32, #tpu.memory_space<vmem>> -> memref<8x768xf32, #tpu.memory_space<vmem>>
    %dma_start3A_115 = arith.constant 0 : i32
    %dma_start3A_116 = tpu.memref_slice %arg2[%add3A_111, %dma_start3A_115] : memref<32768x768xf32, #tpu.memory_space<hbm>> -> memref<8x768xf32, #tpu.memory_space<hbm>>
    %dma_start3A_117 = arith.constant 24 : i32
    %dma_start3A_118 = arith.constant 0 : i32
    %dma_start3A_119 = tpu.memref_slice %arg6[%dma_start3A_117, %dma_start3A_118] : memref<40x768xf32, #tpu.memory_space<vmem>> -> memref<8x768xf32, #tpu.memory_space<vmem>>
    %dma_start3A_120 = arith.constant 0 : i32
    %dma_start3A_121 = tpu.memref_slice %arg2[%add3A_111, %dma_start3A_120] : memref<32768x768xf32, #tpu.memory_space<hbm>> -> memref<8x768xf32, #tpu.memory_space<hbm>>
    tpu.enqueue_dma source(%dma_start3A_121 : memref<8x768xf32, #tpu.memory_space<hbm>>) target(%dma_start3A_119 : memref<8x768xf32, #tpu.memory_space<vmem>>) target_semaphore(%arg10 : memref<!tpu.dma_semaphore, #tpu.memory_space<semaphore_mem>>)
    %scan3A = arith.constant 0 : i32
    %scan3A_122 = arith.constant 0 : i32
    %scan3A_123 = arith.constant 8 : i32
    %scan3A_124 = arith.addi %scan3A_122, %scan3A_123 : i32
    %scan3A_125 = arith.constant 1 : i32
    %scan3A_126 = scf.for %scan3A_223 = %scan3A_122 to %scan3A_124 step %scan3A_125 iter_args(%scan3A_224 = %scan3A) -> (i32)  : i32 {
      %mul3A_225 = arith.constant 4 : i32
      %mul3A_226 = arith.muli %scan3A_223, %mul3A_225 : i32
      %add3A_227 = arith.constant 0 : i32
      %add3A_228 = arith.addi %mul3A_226, %add3A_227 : i32
      %dma_wait3A_229 = arith.constant 0 : i32
      %dma_wait3A_230 = arith.constant 0 : i32
      %dma_wait3A_231 = tpu.memref_slice %arg5[%dma_wait3A_229, %dma_wait3A_230] : memref<40x768xf32, #tpu.memory_space<vmem>> -> memref<8x768xf32, #tpu.memory_space<vmem>>
      %dma_wait3A_232 = arith.constant 0 : i32
      %dma_wait3A_233 = arith.constant 0 : i32
      %dma_wait3A_234 = tpu.memref_slice %arg3[%dma_wait3A_232, %dma_wait3A_233] : memref<8192x768xf32, #tpu.memory_space<hbm>> -> memref<8x768xf32, #tpu.memory_space<hbm>>
      %dma_wait3A_235 = arith.constant 0 : i32
      %dma_wait3A_236 = arith.constant 0 : i32
      %dma_wait3A_237 = tpu.memref_slice %arg5[%dma_wait3A_235, %dma_wait3A_236] : memref<40x768xf32, #tpu.memory_space<vmem>> -> memref<8x768xf32, #tpu.memory_space<vmem>>
      %dma_wait3A_238 = arith.constant 0 : i32
      %dma_wait3A_239 = arith.constant 0 : i32
      %dma_wait3A_240 = tpu.memref_slice %arg3[%dma_wait3A_238, %dma_wait3A_239] : memref<8192x768xf32, #tpu.memory_space<hbm>> -> memref<8x768xf32, #tpu.memory_space<hbm>>
      tpu.wait_dma2 semaphore(%arg9 : memref<!tpu.dma_semaphore, #tpu.memory_space<semaphore_mem>>) src(%dma_wait3A_240 : memref<8x768xf32, #tpu.memory_space<hbm>>) dst(%dma_wait3A_237 : memref<8x768xf32, #tpu.memory_space<vmem>>)
      %dma_wait3A_241 = arith.constant 8 : i32
      %dma_wait3A_242 = arith.constant 0 : i32
      %dma_wait3A_243 = tpu.memref_slice %arg5[%dma_wait3A_241, %dma_wait3A_242] : memref<40x768xf32, #tpu.memory_space<vmem>> -> memref<8x768xf32, #tpu.memory_space<vmem>>
      %dma_wait3A_244 = arith.constant 0 : i32
      %dma_wait3A_245 = arith.constant 0 : i32
      %dma_wait3A_246 = tpu.memref_slice %arg3[%dma_wait3A_244, %dma_wait3A_245] : memref<8192x768xf32, #tpu.memory_space<hbm>> -> memref<8x768xf32, #tpu.memory_space<hbm>>
      %dma_wait3A_247 = arith.constant 8 : i32
      %dma_wait3A_248 = arith.constant 0 : i32
      %dma_wait3A_249 = tpu.memref_slice %arg5[%dma_wait3A_247, %dma_wait3A_248] : memref<40x768xf32, #tpu.memory_space<vmem>> -> memref<8x768xf32, #tpu.memory_space<vmem>>
      %dma_wait3A_250 = arith.constant 0 : i32
      %dma_wait3A_251 = arith.constant 0 : i32
      %dma_wait3A_252 = tpu.memref_slice %arg3[%dma_wait3A_250, %dma_wait3A_251] : memref<8192x768xf32, #tpu.memory_space<hbm>> -> memref<8x768xf32, #tpu.memory_space<hbm>>
      tpu.wait_dma2 semaphore(%arg9 : memref<!tpu.dma_semaphore, #tpu.memory_space<semaphore_mem>>) src(%dma_wait3A_252 : memref<8x768xf32, #tpu.memory_space<hbm>>) dst(%dma_wait3A_249 : memref<8x768xf32, #tpu.memory_space<vmem>>)
      %dma_wait3A_253 = arith.constant 16 : i32
      %dma_wait3A_254 = arith.constant 0 : i32
      %dma_wait3A_255 = tpu.memref_slice %arg5[%dma_wait3A_253, %dma_wait3A_254] : memref<40x768xf32, #tpu.memory_space<vmem>> -> memref<8x768xf32, #tpu.memory_space<vmem>>
      %dma_wait3A_256 = arith.constant 0 : i32
      %dma_wait3A_257 = arith.constant 0 : i32
      %dma_wait3A_258 = tpu.memref_slice %arg3[%dma_wait3A_256, %dma_wait3A_257] : memref<8192x768xf32, #tpu.memory_space<hbm>> -> memref<8x768xf32, #tpu.memory_space<hbm>>
      %dma_wait3A_259 = arith.constant 16 : i32
      %dma_wait3A_260 = arith.constant 0 : i32
      %dma_wait3A_261 = tpu.memref_slice %arg5[%dma_wait3A_259, %dma_wait3A_260] : memref<40x768xf32, #tpu.memory_space<vmem>> -> memref<8x768xf32, #tpu.memory_space<vmem>>
      %dma_wait3A_262 = arith.constant 0 : i32
      %dma_wait3A_263 = arith.constant 0 : i32
      %dma_wait3A_264 = tpu.memref_slice %arg3[%dma_wait3A_262, %dma_wait3A_263] : memref<8192x768xf32, #tpu.memory_space<hbm>> -> memref<8x768xf32, #tpu.memory_space<hbm>>
      tpu.wait_dma2 semaphore(%arg9 : memref<!tpu.dma_semaphore, #tpu.memory_space<semaphore_mem>>) src(%dma_wait3A_264 : memref<8x768xf32, #tpu.memory_space<hbm>>) dst(%dma_wait3A_261 : memref<8x768xf32, #tpu.memory_space<vmem>>)
      %dma_wait3A_265 = arith.constant 24 : i32
      %dma_wait3A_266 = arith.constant 0 : i32
      %dma_wait3A_267 = tpu.memref_slice %arg5[%dma_wait3A_265, %dma_wait3A_266] : memref<40x768xf32, #tpu.memory_space<vmem>> -> memref<8x768xf32, #tpu.memory_space<vmem>>
      %dma_wait3A_268 = arith.constant 0 : i32
      %dma_wait3A_269 = arith.constant 0 : i32
      %dma_wait3A_270 = tpu.memref_slice %arg3[%dma_wait3A_268, %dma_wait3A_269] : memref<8192x768xf32, #tpu.memory_space<hbm>> -> memref<8x768xf32, #tpu.memory_space<hbm>>
      %dma_wait3A_271 = arith.constant 24 : i32
      %dma_wait3A_272 = arith.constant 0 : i32
      %dma_wait3A_273 = tpu.memref_slice %arg5[%dma_wait3A_271, %dma_wait3A_272] : memref<40x768xf32, #tpu.memory_space<vmem>> -> memref<8x768xf32, #tpu.memory_space<vmem>>
      %dma_wait3A_274 = arith.constant 0 : i32
      %dma_wait3A_275 = arith.constant 0 : i32
      %dma_wait3A_276 = tpu.memref_slice %arg3[%dma_wait3A_274, %dma_wait3A_275] : memref<8192x768xf32, #tpu.memory_space<hbm>> -> memref<8x768xf32, #tpu.memory_space<hbm>>
      tpu.wait_dma2 semaphore(%arg9 : memref<!tpu.dma_semaphore, #tpu.memory_space<semaphore_mem>>) src(%dma_wait3A_276 : memref<8x768xf32, #tpu.memory_space<hbm>>) dst(%dma_wait3A_273 : memref<8x768xf32, #tpu.memory_space<vmem>>)
      %dma_wait3A_277 = arith.constant 32 : i32
      %dma_wait3A_278 = arith.constant 0 : i32
      %dma_wait3A_279 = tpu.memref_slice %arg5[%dma_wait3A_277, %dma_wait3A_278] : memref<40x768xf32, #tpu.memory_space<vmem>> -> memref<8x768xf32, #tpu.memory_space<vmem>>
      %dma_wait3A_280 = arith.constant 0 : i32
      %dma_wait3A_281 = arith.constant 0 : i32
      %dma_wait3A_282 = tpu.memref_slice %arg3[%dma_wait3A_280, %dma_wait3A_281] : memref<8192x768xf32, #tpu.memory_space<hbm>> -> memref<8x768xf32, #tpu.memory_space<hbm>>
      %dma_wait3A_283 = arith.constant 32 : i32
      %dma_wait3A_284 = arith.constant 0 : i32
      %dma_wait3A_285 = tpu.memref_slice %arg5[%dma_wait3A_283, %dma_wait3A_284] : memref<40x768xf32, #tpu.memory_space<vmem>> -> memref<8x768xf32, #tpu.memory_space<vmem>>
      %dma_wait3A_286 = arith.constant 0 : i32
      %dma_wait3A_287 = arith.constant 0 : i32
      %dma_wait3A_288 = tpu.memref_slice %arg3[%dma_wait3A_286, %dma_wait3A_287] : memref<8192x768xf32, #tpu.memory_space<hbm>> -> memref<8x768xf32, #tpu.memory_space<hbm>>
      tpu.wait_dma2 semaphore(%arg9 : memref<!tpu.dma_semaphore, #tpu.memory_space<semaphore_mem>>) src(%dma_wait3A_288 : memref<8x768xf32, #tpu.memory_space<hbm>>) dst(%dma_wait3A_285 : memref<8x768xf32, #tpu.memory_space<vmem>>)
      %ge3A = arith.constant 2 : i32
      %ge3A_289 = arith.cmpi sge, %add3A_228, %ge3A : i32
      %convert_element_type3A = arith.extui %ge3A_289 : i1 to i32
      %cond3A = arith.constant 0 : i32
      %cond3A_290 = arith.cmpi ne, %convert_element_type3A, %cond3A : i32
      scf.if %cond3A_290 {
        %dma_wait3A_758 = arith.constant 0 : i32
        %dma_wait3A_759 = arith.constant 0 : i32
        %dma_wait3A_760 = tpu.memref_slice %arg7[%dma_wait3A_758, %dma_wait3A_759] : memref<40x768xf32, #tpu.memory_space<vmem>> -> memref<8x768xf32, #tpu.memory_space<vmem>>
        %dma_wait3A_761 = arith.constant 0 : i32
        %dma_wait3A_762 = arith.constant 0 : i32
        %dma_wait3A_763 = tpu.memref_slice %arg4[%dma_wait3A_761, %dma_wait3A_762] : memref<32768x768xf32, #tpu.memory_space<hbm>> -> memref<8x768xf32, #tpu.memory_space<hbm>>
        %dma_wait3A_764 = arith.constant 0 : i32
        %dma_wait3A_765 = arith.constant 0 : i32
        %dma_wait3A_766 = tpu.memref_slice %arg4[%dma_wait3A_764, %dma_wait3A_765] : memref<32768x768xf32, #tpu.memory_space<hbm>> -> memref<8x768xf32, #tpu.memory_space<hbm>>
        %dma_wait3A_767 = arith.constant 0 : i32
        %dma_wait3A_768 = arith.constant 0 : i32
        %dma_wait3A_769 = tpu.memref_slice %arg7[%dma_wait3A_767, %dma_wait3A_768] : memref<40x768xf32, #tpu.memory_space<vmem>> -> memref<8x768xf32, #tpu.memory_space<vmem>>
        tpu.wait_dma2 semaphore(%arg15 : memref<!tpu.dma_semaphore, #tpu.memory_space<semaphore_mem>>) src(%dma_wait3A_769 : memref<8x768xf32, #tpu.memory_space<vmem>>) dst(%dma_wait3A_766 : memref<8x768xf32, #tpu.memory_space<hbm>>)
        %dma_wait3A_770 = arith.constant 8 : i32
        %dma_wait3A_771 = arith.constant 0 : i32
        %dma_wait3A_772 = tpu.memref_slice %arg7[%dma_wait3A_770, %dma_wait3A_771] : memref<40x768xf32, #tpu.memory_space<vmem>> -> memref<8x768xf32, #tpu.memory_space<vmem>>
        %dma_wait3A_773 = arith.constant 0 : i32
        %dma_wait3A_774 = arith.constant 0 : i32
        %dma_wait3A_775 = tpu.memref_slice %arg4[%dma_wait3A_773, %dma_wait3A_774] : memref<32768x768xf32, #tpu.memory_space<hbm>> -> memref<8x768xf32, #tpu.memory_space<hbm>>
        %dma_wait3A_776 = arith.constant 0 : i32
        %dma_wait3A_777 = arith.constant 0 : i32
        %dma_wait3A_778 = tpu.memref_slice %arg4[%dma_wait3A_776, %dma_wait3A_777] : memref<32768x768xf32, #tpu.memory_space<hbm>> -> memref<8x768xf32, #tpu.memory_space<hbm>>
        %dma_wait3A_779 = arith.constant 8 : i32
        %dma_wait3A_780 = arith.constant 0 : i32
        %dma_wait3A_781 = tpu.memref_slice %arg7[%dma_wait3A_779, %dma_wait3A_780] : memref<40x768xf32, #tpu.memory_space<vmem>> -> memref<8x768xf32, #tpu.memory_space<vmem>>
        tpu.wait_dma2 semaphore(%arg15 : memref<!tpu.dma_semaphore, #tpu.memory_space<semaphore_mem>>) src(%dma_wait3A_781 : memref<8x768xf32, #tpu.memory_space<vmem>>) dst(%dma_wait3A_778 : memref<8x768xf32, #tpu.memory_space<hbm>>)
        %dma_wait3A_782 = arith.constant 16 : i32
        %dma_wait3A_783 = arith.constant 0 : i32
        %dma_wait3A_784 = tpu.memref_slice %arg7[%dma_wait3A_782, %dma_wait3A_783] : memref<40x768xf32, #tpu.memory_space<vmem>> -> memref<8x768xf32, #tpu.memory_space<vmem>>
        %dma_wait3A_785 = arith.constant 0 : i32
        %dma_wait3A_786 = arith.constant 0 : i32
        %dma_wait3A_787 = tpu.memref_slice %arg4[%dma_wait3A_785, %dma_wait3A_786] : memref<32768x768xf32, #tpu.memory_space<hbm>> -> memref<8x768xf32, #tpu.memory_space<hbm>>
        %dma_wait3A_788 = arith.constant 0 : i32
        %dma_wait3A_789 = arith.constant 0 : i32
        %dma_wait3A_790 = tpu.memref_slice %arg4[%dma_wait3A_788, %dma_wait3A_789] : memref<32768x768xf32, #tpu.memory_space<hbm>> -> memref<8x768xf32, #tpu.memory_space<hbm>>
        %dma_wait3A_791 = arith.constant 16 : i32
        %dma_wait3A_792 = arith.constant 0 : i32
        %dma_wait3A_793 = tpu.memref_slice %arg7[%dma_wait3A_791, %dma_wait3A_792] : memref<40x768xf32, #tpu.memory_space<vmem>> -> memref<8x768xf32, #tpu.memory_space<vmem>>
        tpu.wait_dma2 semaphore(%arg15 : memref<!tpu.dma_semaphore, #tpu.memory_space<semaphore_mem>>) src(%dma_wait3A_793 : memref<8x768xf32, #tpu.memory_space<vmem>>) dst(%dma_wait3A_790 : memref<8x768xf32, #tpu.memory_space<hbm>>)
        %dma_wait3A_794 = arith.constant 24 : i32
        %dma_wait3A_795 = arith.constant 0 : i32
        %dma_wait3A_796 = tpu.memref_slice %arg7[%dma_wait3A_794, %dma_wait3A_795] : memref<40x768xf32, #tpu.memory_space<vmem>> -> memref<8x768xf32, #tpu.memory_space<vmem>>
        %dma_wait3A_797 = arith.constant 0 : i32
        %dma_wait3A_798 = arith.constant 0 : i32
        %dma_wait3A_799 = tpu.memref_slice %arg4[%dma_wait3A_797, %dma_wait3A_798] : memref<32768x768xf32, #tpu.memory_space<hbm>> -> memref<8x768xf32, #tpu.memory_space<hbm>>
        %dma_wait3A_800 = arith.constant 0 : i32
        %dma_wait3A_801 = arith.constant 0 : i32
        %dma_wait3A_802 = tpu.memref_slice %arg4[%dma_wait3A_800, %dma_wait3A_801] : memref<32768x768xf32, #tpu.memory_space<hbm>> -> memref<8x768xf32, #tpu.memory_space<hbm>>
        %dma_wait3A_803 = arith.constant 24 : i32
        %dma_wait3A_804 = arith.constant 0 : i32
        %dma_wait3A_805 = tpu.memref_slice %arg7[%dma_wait3A_803, %dma_wait3A_804] : memref<40x768xf32, #tpu.memory_space<vmem>> -> memref<8x768xf32, #tpu.memory_space<vmem>>
        tpu.wait_dma2 semaphore(%arg15 : memref<!tpu.dma_semaphore, #tpu.memory_space<semaphore_mem>>) src(%dma_wait3A_805 : memref<8x768xf32, #tpu.memory_space<vmem>>) dst(%dma_wait3A_802 : memref<8x768xf32, #tpu.memory_space<hbm>>)
      } else {
      }
      %add3A_291 = arith.constant 2 : i32
      %add3A_292 = arith.addi %add3A_228, %add3A_291 : i32
      %lt3A = arith.constant 32 : i32
      %lt3A_293 = arith.cmpi slt, %add3A_292, %lt3A : i32
      %convert_element_type3A_294 = arith.extui %lt3A_293 : i1 to i32
      %cond3A_295 = arith.constant 0 : i32
      %cond3A_296 = arith.cmpi ne, %convert_element_type3A_294, %cond3A_295 : i32
      scf.if %cond3A_296 {
        %add3A_758 = arith.constant 2 : i32
        %add3A_759 = arith.addi %add3A_228, %add3A_758 : i32
        %mul3A_760 = arith.constant 8 : i32
        %mul3A_761 = arith.muli %add3A_759, %mul3A_760 : i32
        %add3A_762 = arith.addi %mul3A_2, %mul3A_761 : i32
        %dma_start3A_763 = arith.constant 32 : i32
        %dma_start3A_764 = arith.constant 0 : i32
        %dma_start3A_765 = tpu.memref_slice %arg7[%dma_start3A_763, %dma_start3A_764] : memref<40x768xf32, #tpu.memory_space<vmem>> -> memref<8x768xf32, #tpu.memory_space<vmem>>
        %dma_start3A_766 = arith.constant 0 : i32
        %dma_start3A_767 = tpu.memref_slice %arg3[%add3A_762, %dma_start3A_766] : memref<8192x768xf32, #tpu.memory_space<hbm>> -> memref<8x768xf32, #tpu.memory_space<hbm>>
        %dma_start3A_768 = arith.constant 32 : i32
        %dma_start3A_769 = arith.constant 0 : i32
        %dma_start3A_770 = tpu.memref_slice %arg7[%dma_start3A_768, %dma_start3A_769] : memref<40x768xf32, #tpu.memory_space<vmem>> -> memref<8x768xf32, #tpu.memory_space<vmem>>
        %dma_start3A_771 = arith.constant 0 : i32
        %dma_start3A_772 = tpu.memref_slice %arg3[%add3A_762, %dma_start3A_771] : memref<8192x768xf32, #tpu.memory_space<hbm>> -> memref<8x768xf32, #tpu.memory_space<hbm>>
        tpu.enqueue_dma source(%dma_start3A_772 : memref<8x768xf32, #tpu.memory_space<hbm>>) target(%dma_start3A_770 : memref<8x768xf32, #tpu.memory_space<vmem>>) target_semaphore(%arg11 : memref<!tpu.dma_semaphore, #tpu.memory_space<semaphore_mem>>)
        %add3A_773 = arith.constant 0 : i32
        %add3A_774 = arith.addi %add3A_773, %add3A_762 : i32
        %dma_start3A_775 = arith.constant 0 : i32
        %dma_start3A_776 = arith.constant 0 : i32
        %dma_start3A_777 = tpu.memref_slice %arg7[%dma_start3A_775, %dma_start3A_776] : memref<40x768xf32, #tpu.memory_space<vmem>> -> memref<8x768xf32, #tpu.memory_space<vmem>>
        %dma_start3A_778 = arith.constant 0 : i32
        %dma_start3A_779 = tpu.memref_slice %arg2[%add3A_774, %dma_start3A_778] : memref<32768x768xf32, #tpu.memory_space<hbm>> -> memref<8x768xf32, #tpu.memory_space<hbm>>
        %dma_start3A_780 = arith.constant 0 : i32
        %dma_start3A_781 = arith.constant 0 : i32
        %dma_start3A_782 = tpu.memref_slice %arg7[%dma_start3A_780, %dma_start3A_781] : memref<40x768xf32, #tpu.memory_space<vmem>> -> memref<8x768xf32, #tpu.memory_space<vmem>>
        %dma_start3A_783 = arith.constant 0 : i32
        %dma_start3A_784 = tpu.memref_slice %arg2[%add3A_774, %dma_start3A_783] : memref<32768x768xf32, #tpu.memory_space<hbm>> -> memref<8x768xf32, #tpu.memory_space<hbm>>
        tpu.enqueue_dma source(%dma_start3A_784 : memref<8x768xf32, #tpu.memory_space<hbm>>) target(%dma_start3A_782 : memref<8x768xf32, #tpu.memory_space<vmem>>) target_semaphore(%arg11 : memref<!tpu.dma_semaphore, #tpu.memory_space<semaphore_mem>>)
        %add3A_785 = arith.constant 8192 : i32
        %add3A_786 = arith.addi %add3A_785, %add3A_762 : i32
        %dma_start3A_787 = arith.constant 8 : i32
        %dma_start3A_788 = arith.constant 0 : i32
        %dma_start3A_789 = tpu.memref_slice %arg7[%dma_start3A_787, %dma_start3A_788] : memref<40x768xf32, #tpu.memory_space<vmem>> -> memref<8x768xf32, #tpu.memory_space<vmem>>
        %dma_start3A_790 = arith.constant 0 : i32
        %dma_start3A_791 = tpu.memref_slice %arg2[%add3A_786, %dma_start3A_790] : memref<32768x768xf32, #tpu.memory_space<hbm>> -> memref<8x768xf32, #tpu.memory_space<hbm>>
        %dma_start3A_792 = arith.constant 8 : i32
        %dma_start3A_793 = arith.constant 0 : i32
        %dma_start3A_794 = tpu.memref_slice %arg7[%dma_start3A_792, %dma_start3A_793] : memref<40x768xf32, #tpu.memory_space<vmem>> -> memref<8x768xf32, #tpu.memory_space<vmem>>
        %dma_start3A_795 = arith.constant 0 : i32
        %dma_start3A_796 = tpu.memref_slice %arg2[%add3A_786, %dma_start3A_795] : memref<32768x768xf32, #tpu.memory_space<hbm>> -> memref<8x768xf32, #tpu.memory_space<hbm>>
        tpu.enqueue_dma source(%dma_start3A_796 : memref<8x768xf32, #tpu.memory_space<hbm>>) target(%dma_start3A_794 : memref<8x768xf32, #tpu.memory_space<vmem>>) target_semaphore(%arg11 : memref<!tpu.dma_semaphore, #tpu.memory_space<semaphore_mem>>)
        %add3A_797 = arith.constant 16384 : i32
        %add3A_798 = arith.addi %add3A_797, %add3A_762 : i32
        %dma_start3A_799 = arith.constant 16 : i32
        %dma_start3A_800 = arith.constant 0 : i32
        %dma_start3A_801 = tpu.memref_slice %arg7[%dma_start3A_799, %dma_start3A_800] : memref<40x768xf32, #tpu.memory_space<vmem>> -> memref<8x768xf32, #tpu.memory_space<vmem>>
        %dma_start3A_802 = arith.constant 0 : i32
        %dma_start3A_803 = tpu.memref_slice %arg2[%add3A_798, %dma_start3A_802] : memref<32768x768xf32, #tpu.memory_space<hbm>> -> memref<8x768xf32, #tpu.memory_space<hbm>>
        %dma_start3A_804 = arith.constant 16 : i32
        %dma_start3A_805 = arith.constant 0 : i32
        %dma_start3A_806 = tpu.memref_slice %arg7[%dma_start3A_804, %dma_start3A_805] : memref<40x768xf32, #tpu.memory_space<vmem>> -> memref<8x768xf32, #tpu.memory_space<vmem>>
        %dma_start3A_807 = arith.constant 0 : i32
        %dma_start3A_808 = tpu.memref_slice %arg2[%add3A_798, %dma_start3A_807] : memref<32768x768xf32, #tpu.memory_space<hbm>> -> memref<8x768xf32, #tpu.memory_space<hbm>>
        tpu.enqueue_dma source(%dma_start3A_808 : memref<8x768xf32, #tpu.memory_space<hbm>>) target(%dma_start3A_806 : memref<8x768xf32, #tpu.memory_space<vmem>>) target_semaphore(%arg11 : memref<!tpu.dma_semaphore, #tpu.memory_space<semaphore_mem>>)
        %add3A_809 = arith.constant 24576 : i32
        %add3A_810 = arith.addi %add3A_809, %add3A_762 : i32
        %dma_start3A_811 = arith.constant 24 : i32
        %dma_start3A_812 = arith.constant 0 : i32
        %dma_start3A_813 = tpu.memref_slice %arg7[%dma_start3A_811, %dma_start3A_812] : memref<40x768xf32, #tpu.memory_space<vmem>> -> memref<8x768xf32, #tpu.memory_space<vmem>>
        %dma_start3A_814 = arith.constant 0 : i32
        %dma_start3A_815 = tpu.memref_slice %arg2[%add3A_810, %dma_start3A_814] : memref<32768x768xf32, #tpu.memory_space<hbm>> -> memref<8x768xf32, #tpu.memory_space<hbm>>
        %dma_start3A_816 = arith.constant 24 : i32
        %dma_start3A_817 = arith.constant 0 : i32
        %dma_start3A_818 = tpu.memref_slice %arg7[%dma_start3A_816, %dma_start3A_817] : memref<40x768xf32, #tpu.memory_space<vmem>> -> memref<8x768xf32, #tpu.memory_space<vmem>>
        %dma_start3A_819 = arith.constant 0 : i32
        %dma_start3A_820 = tpu.memref_slice %arg2[%add3A_810, %dma_start3A_819] : memref<32768x768xf32, #tpu.memory_space<hbm>> -> memref<8x768xf32, #tpu.memory_space<hbm>>
        tpu.enqueue_dma source(%dma_start3A_820 : memref<8x768xf32, #tpu.memory_space<hbm>>) target(%dma_start3A_818 : memref<8x768xf32, #tpu.memory_space<vmem>>) target_semaphore(%arg11 : memref<!tpu.dma_semaphore, #tpu.memory_space<semaphore_mem>>)
      } else {
      }
      %scan3A_297 = arith.constant 0 : i32
      %scan3A_298 = arith.constant 0 : i32
      %scan3A_299 = arith.constant 48 : i32
      %scan3A_300 = arith.addi %scan3A_298, %scan3A_299 : i32
      %scan3A_301 = arith.constant 1 : i32
      %scan3A_302 = scf.for %scan3A_758 = %scan3A_298 to %scan3A_300 step %scan3A_301 iter_args(%scan3A_759 = %scan3A_297) -> (i32)  : i32 {
        %mul3A_760 = arith.constant 16 : i32
        %mul3A_761 = arith.muli %scan3A_758, %mul3A_760 : i32
        %get3A = arith.constant 32 : i32
        %get3A_762 = arith.index_cast %get3A : i32 to index
        %get3A_763 = arith.index_cast %mul3A_761 : i32 to index
        %get3A_764 = tpu.vector_load %arg5[%get3A_762, %get3A_763] {strides = array<i32>} : memref<40x768xf32, #tpu.memory_space<vmem>>, vector<1x16xf32>,
        %get3A_765 = vector.shape_cast %get3A_764 : vector<1x16xf32> to vector<16xf32>
        %get3A_766 = arith.constant 0 : i32
        %get3A_767 = arith.index_cast %get3A_766 : i32 to index
        %get3A_768 = arith.index_cast %mul3A_761 : i32 to index
        %get3A_769 = tpu.vector_load %arg5[%get3A_767, %get3A_768] {strides = array<i32>} : memref<40x768xf32, #tpu.memory_space<vmem>>, vector<1x16xf32>,
        %get3A_770 = vector.shape_cast %get3A_769 : vector<1x16xf32> to vector<16xf32>
        %add3A_771 = arith.addf %get3A_770, %get3A_765 : vector<16xf32>
        %swap3A = arith.constant 0 : i32
        %swap3A_772 = arith.index_cast %swap3A : i32 to index
        %swap3A_773 = arith.index_cast %mul3A_761 : i32 to index
        %swap3A_774 = tpu.vector_load %arg5[%swap3A_772, %swap3A_773] {strides = array<i32>} : memref<40x768xf32, #tpu.memory_space<vmem>>, vector<1x16xf32>,
        %swap3A_775 = vector.shape_cast %swap3A_774 : vector<1x16xf32> to vector<16xf32>
        %swap3A_776 = vector.shape_cast %add3A_771 : vector<16xf32> to vector<1x16xf32>
        tpu.vector_store %arg5[%swap3A_772, %swap3A_773], %swap3A_776 {strides = array<i32>} : memref<40x768xf32, #tpu.memory_space<vmem>>, vector<1x16xf32>,
        %get3A_777 = arith.constant 8 : i32
        %get3A_778 = arith.index_cast %get3A_777 : i32 to index
        %get3A_779 = arith.index_cast %mul3A_761 : i32 to index
        %get3A_780 = tpu.vector_load %arg5[%get3A_778, %get3A_779] {strides = array<i32>} : memref<40x768xf32, #tpu.memory_space<vmem>>, vector<1x16xf32>,
        %get3A_781 = vector.shape_cast %get3A_780 : vector<1x16xf32> to vector<16xf32>
        %add3A_782 = arith.addf %get3A_781, %get3A_765 : vector<16xf32>
        %swap3A_783 = arith.constant 8 : i32
        %swap3A_784 = arith.index_cast %swap3A_783 : i32 to index
        %swap3A_785 = arith.index_cast %mul3A_761 : i32 to index
        %swap3A_786 = tpu.vector_load %arg5[%swap3A_784, %swap3A_785] {strides = array<i32>} : memref<40x768xf32, #tpu.memory_space<vmem>>, vector<1x16xf32>,
        %swap3A_787 = vector.shape_cast %swap3A_786 : vector<1x16xf32> to vector<16xf32>
        %swap3A_788 = vector.shape_cast %add3A_782 : vector<16xf32> to vector<1x16xf32>
        tpu.vector_store %arg5[%swap3A_784, %swap3A_785], %swap3A_788 {strides = array<i32>} : memref<40x768xf32, #tpu.memory_space<vmem>>, vector<1x16xf32>,
        %get3A_789 = arith.constant 16 : i32
        %get3A_790 = arith.index_cast %get3A_789 : i32 to index
        %get3A_791 = arith.index_cast %mul3A_761 : i32 to index
        %get3A_792 = tpu.vector_load %arg5[%get3A_790, %get3A_791] {strides = array<i32>} : memref<40x768xf32, #tpu.memory_space<vmem>>, vector<1x16xf32>,
        %get3A_793 = vector.shape_cast %get3A_792 : vector<1x16xf32> to vector<16xf32>
        %add3A_794 = arith.addf %get3A_793, %get3A_765 : vector<16xf32>
        %swap3A_795 = arith.constant 16 : i32
        %swap3A_796 = arith.index_cast %swap3A_795 : i32 to index
        %swap3A_797 = arith.index_cast %mul3A_761 : i32 to index
        %swap3A_798 = tpu.vector_load %arg5[%swap3A_796, %swap3A_797] {strides = array<i32>} : memref<40x768xf32, #tpu.memory_space<vmem>>, vector<1x16xf32>,
        %swap3A_799 = vector.shape_cast %swap3A_798 : vector<1x16xf32> to vector<16xf32>
        %swap3A_800 = vector.shape_cast %add3A_794 : vector<16xf32> to vector<1x16xf32>
        tpu.vector_store %arg5[%swap3A_796, %swap3A_797], %swap3A_800 {strides = array<i32>} : memref<40x768xf32, #tpu.memory_space<vmem>>, vector<1x16xf32>,
        %get3A_801 = arith.constant 24 : i32
        %get3A_802 = arith.index_cast %get3A_801 : i32 to index
        %get3A_803 = arith.index_cast %mul3A_761 : i32 to index
        %get3A_804 = tpu.vector_load %arg5[%get3A_802, %get3A_803] {strides = array<i32>} : memref<40x768xf32, #tpu.memory_space<vmem>>, vector<1x16xf32>,
        %get3A_805 = vector.shape_cast %get3A_804 : vector<1x16xf32> to vector<16xf32>
        %add3A_806 = arith.addf %get3A_805, %get3A_765 : vector<16xf32>
        %swap3A_807 = arith.constant 24 : i32
        %swap3A_808 = arith.index_cast %swap3A_807 : i32 to index
        %swap3A_809 = arith.index_cast %mul3A_761 : i32 to index
        %swap3A_810 = tpu.vector_load %arg5[%swap3A_808, %swap3A_809] {strides = array<i32>} : memref<40x768xf32, #tpu.memory_space<vmem>>, vector<1x16xf32>,
        %swap3A_811 = vector.shape_cast %swap3A_810 : vector<1x16xf32> to vector<16xf32>
        %swap3A_812 = vector.shape_cast %add3A_806 : vector<16xf32> to vector<1x16xf32>
        tpu.vector_store %arg5[%swap3A_808, %swap3A_809], %swap3A_812 {strides = array<i32>} : memref<40x768xf32, #tpu.memory_space<vmem>>, vector<1x16xf32>,
        %get3A_813 = arith.constant 33 : i32
        %get3A_814 = arith.index_cast %get3A_813 : i32 to index
        %get3A_815 = arith.index_cast %mul3A_761 : i32 to index
        %get3A_816 = tpu.vector_load %arg5[%get3A_814, %get3A_815] {strides = array<i32>} : memref<40x768xf32, #tpu.memory_space<vmem>>, vector<1x16xf32>,
        %get3A_817 = vector.shape_cast %get3A_816 : vector<1x16xf32> to vector<16xf32>
        %get3A_818 = arith.constant 1 : i32
        %get3A_819 = arith.index_cast %get3A_818 : i32 to index
        %get3A_820 = arith.index_cast %mul3A_761 : i32 to index
        %get3A_821 = tpu.vector_load %arg5[%get3A_819, %get3A_820] {strides = array<i32>} : memref<40x768xf32, #tpu.memory_space<vmem>>, vector<1x16xf32>,
        %get3A_822 = vector.shape_cast %get3A_821 : vector<1x16xf32> to vector<16xf32>
        %add3A_823 = arith.addf %get3A_822, %get3A_817 : vector<16xf32>
        %swap3A_824 = arith.constant 1 : i32
        %swap3A_825 = arith.index_cast %swap3A_824 : i32 to index
        %swap3A_826 = arith.index_cast %mul3A_761 : i32 to index
        %swap3A_827 = tpu.vector_load %arg5[%swap3A_825, %swap3A_826] {strides = array<i32>} : memref<40x768xf32, #tpu.memory_space<vmem>>, vector<1x16xf32>,
        %swap3A_828 = vector.shape_cast %swap3A_827 : vector<1x16xf32> to vector<16xf32>
        %swap3A_829 = vector.shape_cast %add3A_823 : vector<16xf32> to vector<1x16xf32>
        tpu.vector_store %arg5[%swap3A_825, %swap3A_826], %swap3A_829 {strides = array<i32>} : memref<40x768xf32, #tpu.memory_space<vmem>>, vector<1x16xf32>,
        %get3A_830 = arith.constant 9 : i32
        %get3A_831 = arith.index_cast %get3A_830 : i32 to index
        %get3A_832 = arith.index_cast %mul3A_761 : i32 to index
        %get3A_833 = tpu.vector_load %arg5[%get3A_831, %get3A_832] {strides = array<i32>} : memref<40x768xf32, #tpu.memory_space<vmem>>, vector<1x16xf32>,
        %get3A_834 = vector.shape_cast %get3A_833 : vector<1x16xf32> to vector<16xf32>
        %add3A_835 = arith.addf %get3A_834, %get3A_817 : vector<16xf32>
        %swap3A_836 = arith.constant 9 : i32
        %swap3A_837 = arith.index_cast %swap3A_836 : i32 to index
        %swap3A_838 = arith.index_cast %mul3A_761 : i32 to index
        %swap3A_839 = tpu.vector_load %arg5[%swap3A_837, %swap3A_838] {strides = array<i32>} : memref<40x768xf32, #tpu.memory_space<vmem>>, vector<1x16xf32>,
        %swap3A_840 = vector.shape_cast %swap3A_839 : vector<1x16xf32> to vector<16xf32>
        %swap3A_841 = vector.shape_cast %add3A_835 : vector<16xf32> to vector<1x16xf32>
        tpu.vector_store %arg5[%swap3A_837, %swap3A_838], %swap3A_841 {strides = array<i32>} : memref<40x768xf32, #tpu.memory_space<vmem>>, vector<1x16xf32>,
        %get3A_842 = arith.constant 17 : i32
        %get3A_843 = arith.index_cast %get3A_842 : i32 to index
        %get3A_844 = arith.index_cast %mul3A_761 : i32 to index
        %get3A_845 = tpu.vector_load %arg5[%get3A_843, %get3A_844] {strides = array<i32>} : memref<40x768xf32, #tpu.memory_space<vmem>>, vector<1x16xf32>,
        %get3A_846 = vector.shape_cast %get3A_845 : vector<1x16xf32> to vector<16xf32>
        %add3A_847 = arith.addf %get3A_846, %get3A_817 : vector<16xf32>
        %swap3A_848 = arith.constant 17 : i32
        %swap3A_849 = arith.index_cast %swap3A_848 : i32 to index
        %swap3A_850 = arith.index_cast %mul3A_761 : i32 to index
        %swap3A_851 = tpu.vector_load %arg5[%swap3A_849, %swap3A_850] {strides = array<i32>} : memref<40x768xf32, #tpu.memory_space<vmem>>, vector<1x16xf32>,
        %swap3A_852 = vector.shape_cast %swap3A_851 : vector<1x16xf32> to vector<16xf32>
        %swap3A_853 = vector.shape_cast %add3A_847 : vector<16xf32> to vector<1x16xf32>
        tpu.vector_store %arg5[%swap3A_849, %swap3A_850], %swap3A_853 {strides = array<i32>} : memref<40x768xf32, #tpu.memory_space<vmem>>, vector<1x16xf32>,
        %get3A_854 = arith.constant 25 : i32
        %get3A_855 = arith.index_cast %get3A_854 : i32 to index
        %get3A_856 = arith.index_cast %mul3A_761 : i32 to index
        %get3A_857 = tpu.vector_load %arg5[%get3A_855, %get3A_856] {strides = array<i32>} : memref<40x768xf32, #tpu.memory_space<vmem>>, vector<1x16xf32>,
        %get3A_858 = vector.shape_cast %get3A_857 : vector<1x16xf32> to vector<16xf32>
        %add3A_859 = arith.addf %get3A_858, %get3A_817 : vector<16xf32>
        %swap3A_860 = arith.constant 25 : i32
        %swap3A_861 = arith.index_cast %swap3A_860 : i32 to index
        %swap3A_862 = arith.index_cast %mul3A_761 : i32 to index
        %swap3A_863 = tpu.vector_load %arg5[%swap3A_861, %swap3A_862] {strides = array<i32>} : memref<40x768xf32, #tpu.memory_space<vmem>>, vector<1x16xf32>,
        %swap3A_864 = vector.shape_cast %swap3A_863 : vector<1x16xf32> to vector<16xf32>
        %swap3A_865 = vector.shape_cast %add3A_859 : vector<16xf32> to vector<1x16xf32>
        tpu.vector_store %arg5[%swap3A_861, %swap3A_862], %swap3A_865 {strides = array<i32>} : memref<40x768xf32, #tpu.memory_space<vmem>>, vector<1x16xf32>,
        %get3A_866 = arith.constant 34 : i32
        %get3A_867 = arith.index_cast %get3A_866 : i32 to index
        %get3A_868 = arith.index_cast %mul3A_761 : i32 to index
        %get3A_869 = tpu.vector_load %arg5[%get3A_867, %get3A_868] {strides = array<i32>} : memref<40x768xf32, #tpu.memory_space<vmem>>, vector<1x16xf32>,
        %get3A_870 = vector.shape_cast %get3A_869 : vector<1x16xf32> to vector<16xf32>
        %get3A_871 = arith.constant 2 : i32
        %get3A_872 = arith.index_cast %get3A_871 : i32 to index
        %get3A_873 = arith.index_cast %mul3A_761 : i32 to index
        %get3A_874 = tpu.vector_load %arg5[%get3A_872, %get3A_873] {strides = array<i32>} : memref<40x768xf32, #tpu.memory_space<vmem>>, vector<1x16xf32>,
        %get3A_875 = vector.shape_cast %get3A_874 : vector<1x16xf32> to vector<16xf32>
        %add3A_876 = arith.addf %get3A_875, %get3A_870 : vector<16xf32>
        %swap3A_877 = arith.constant 2 : i32
        %swap3A_878 = arith.index_cast %swap3A_877 : i32 to index
        %swap3A_879 = arith.index_cast %mul3A_761 : i32 to index
        %swap3A_880 = tpu.vector_load %arg5[%swap3A_878, %swap3A_879] {strides = array<i32>} : memref<40x768xf32, #tpu.memory_space<vmem>>, vector<1x16xf32>,
        %swap3A_881 = vector.shape_cast %swap3A_880 : vector<1x16xf32> to vector<16xf32>
        %swap3A_882 = vector.shape_cast %add3A_876 : vector<16xf32> to vector<1x16xf32>
        tpu.vector_store %arg5[%swap3A_878, %swap3A_879], %swap3A_882 {strides = array<i32>} : memref<40x768xf32, #tpu.memory_space<vmem>>, vector<1x16xf32>,
        %get3A_883 = arith.constant 10 : i32
        %get3A_884 = arith.index_cast %get3A_883 : i32 to index
        %get3A_885 = arith.index_cast %mul3A_761 : i32 to index
        %get3A_886 = tpu.vector_load %arg5[%get3A_884, %get3A_885] {strides = array<i32>} : memref<40x768xf32, #tpu.memory_space<vmem>>, vector<1x16xf32>,
        %get3A_887 = vector.shape_cast %get3A_886 : vector<1x16xf32> to vector<16xf32>
        %add3A_888 = arith.addf %get3A_887, %get3A_870 : vector<16xf32>
        %swap3A_889 = arith.constant 10 : i32
        %swap3A_890 = arith.index_cast %swap3A_889 : i32 to index
        %swap3A_891 = arith.index_cast %mul3A_761 : i32 to index
        %swap3A_892 = tpu.vector_load %arg5[%swap3A_890, %swap3A_891] {strides = array<i32>} : memref<40x768xf32, #tpu.memory_space<vmem>>, vector<1x16xf32>,
        %swap3A_893 = vector.shape_cast %swap3A_892 : vector<1x16xf32> to vector<16xf32>
        %swap3A_894 = vector.shape_cast %add3A_888 : vector<16xf32> to vector<1x16xf32>
        tpu.vector_store %arg5[%swap3A_890, %swap3A_891], %swap3A_894 {strides = array<i32>} : memref<40x768xf32, #tpu.memory_space<vmem>>, vector<1x16xf32>,
        %get3A_895 = arith.constant 18 : i32
        %get3A_896 = arith.index_cast %get3A_895 : i32 to index
        %get3A_897 = arith.index_cast %mul3A_761 : i32 to index
        %get3A_898 = tpu.vector_load %arg5[%get3A_896, %get3A_897] {strides = array<i32>} : memref<40x768xf32, #tpu.memory_space<vmem>>, vector<1x16xf32>,
        %get3A_899 = vector.shape_cast %get3A_898 : vector<1x16xf32> to vector<16xf32>
        %add3A_900 = arith.addf %get3A_899, %get3A_870 : vector<16xf32>
        %swap3A_901 = arith.constant 18 : i32
        %swap3A_902 = arith.index_cast %swap3A_901 : i32 to index
        %swap3A_903 = arith.index_cast %mul3A_761 : i32 to index
        %swap3A_904 = tpu.vector_load %arg5[%swap3A_902, %swap3A_903] {strides = array<i32>} : memref<40x768xf32, #tpu.memory_space<vmem>>, vector<1x16xf32>,
        %swap3A_905 = vector.shape_cast %swap3A_904 : vector<1x16xf32> to vector<16xf32>
        %swap3A_906 = vector.shape_cast %add3A_900 : vector<16xf32> to vector<1x16xf32>
        tpu.vector_store %arg5[%swap3A_902, %swap3A_903], %swap3A_906 {strides = array<i32>} : memref<40x768xf32, #tpu.memory_space<vmem>>, vector<1x16xf32>,
        %get3A_907 = arith.constant 26 : i32
        %get3A_908 = arith.index_cast %get3A_907 : i32 to index
        %get3A_909 = arith.index_cast %mul3A_761 : i32 to index
        %get3A_910 = tpu.vector_load %arg5[%get3A_908, %get3A_909] {strides = array<i32>} : memref<40x768xf32, #tpu.memory_space<vmem>>, vector<1x16xf32>,
        %get3A_911 = vector.shape_cast %get3A_910 : vector<1x16xf32> to vector<16xf32>
        %add3A_912 = arith.addf %get3A_911, %get3A_870 : vector<16xf32>
        %swap3A_913 = arith.constant 26 : i32
        %swap3A_914 = arith.index_cast %swap3A_913 : i32 to index
        %swap3A_915 = arith.index_cast %mul3A_761 : i32 to index
        %swap3A_916 = tpu.vector_load %arg5[%swap3A_914, %swap3A_915] {strides = array<i32>} : memref<40x768xf32, #tpu.memory_space<vmem>>, vector<1x16xf32>,
        %swap3A_917 = vector.shape_cast %swap3A_916 : vector<1x16xf32> to vector<16xf32>
        %swap3A_918 = vector.shape_cast %add3A_912 : vector<16xf32> to vector<1x16xf32>
        tpu.vector_store %arg5[%swap3A_914, %swap3A_915], %swap3A_918 {strides = array<i32>} : memref<40x768xf32, #tpu.memory_space<vmem>>, vector<1x16xf32>,
        %get3A_919 = arith.constant 35 : i32
        %get3A_920 = arith.index_cast %get3A_919 : i32 to index
        %get3A_921 = arith.index_cast %mul3A_761 : i32 to index
        %get3A_922 = tpu.vector_load %arg5[%get3A_920, %get3A_921] {strides = array<i32>} : memref<40x768xf32, #tpu.memory_space<vmem>>, vector<1x16xf32>,
        %get3A_923 = vector.shape_cast %get3A_922 : vector<1x16xf32> to vector<16xf32>
        %get3A_924 = arith.constant 3 : i32
        %get3A_925 = arith.index_cast %get3A_924 : i32 to index
        %get3A_926 = arith.index_cast %mul3A_761 : i32 to index
        %get3A_927 = tpu.vector_load %arg5[%get3A_925, %get3A_926] {strides = array<i32>} : memref<40x768xf32, #tpu.memory_space<vmem>>, vector<1x16xf32>,
        %get3A_928 = vector.shape_cast %get3A_927 : vector<1x16xf32> to vector<16xf32>
        %add3A_929 = arith.addf %get3A_928, %get3A_923 : vector<16xf32>
        %swap3A_930 = arith.constant 3 : i32
        %swap3A_931 = arith.index_cast %swap3A_930 : i32 to index
        %swap3A_932 = arith.index_cast %mul3A_761 : i32 to index
        %swap3A_933 = tpu.vector_load %arg5[%swap3A_931, %swap3A_932] {strides = array<i32>} : memref<40x768xf32, #tpu.memory_space<vmem>>, vector<1x16xf32>,
        %swap3A_934 = vector.shape_cast %swap3A_933 : vector<1x16xf32> to vector<16xf32>
        %swap3A_935 = vector.shape_cast %add3A_929 : vector<16xf32> to vector<1x16xf32>
        tpu.vector_store %arg5[%swap3A_931, %swap3A_932], %swap3A_935 {strides = array<i32>} : memref<40x768xf32, #tpu.memory_space<vmem>>, vector<1x16xf32>,
        %get3A_936 = arith.constant 11 : i32
        %get3A_937 = arith.index_cast %get3A_936 : i32 to index
        %get3A_938 = arith.index_cast %mul3A_761 : i32 to index
        %get3A_939 = tpu.vector_load %arg5[%get3A_937, %get3A_938] {strides = array<i32>} : memref<40x768xf32, #tpu.memory_space<vmem>>, vector<1x16xf32>,
        %get3A_940 = vector.shape_cast %get3A_939 : vector<1x16xf32> to vector<16xf32>
        %add3A_941 = arith.addf %get3A_940, %get3A_923 : vector<16xf32>
        %swap3A_942 = arith.constant 11 : i32
        %swap3A_943 = arith.index_cast %swap3A_942 : i32 to index
        %swap3A_944 = arith.index_cast %mul3A_761 : i32 to index
        %swap3A_945 = tpu.vector_load %arg5[%swap3A_943, %swap3A_944] {strides = array<i32>} : memref<40x768xf32, #tpu.memory_space<vmem>>, vector<1x16xf32>,
        %swap3A_946 = vector.shape_cast %swap3A_945 : vector<1x16xf32> to vector<16xf32>
        %swap3A_947 = vector.shape_cast %add3A_941 : vector<16xf32> to vector<1x16xf32>
        tpu.vector_store %arg5[%swap3A_943, %swap3A_944], %swap3A_947 {strides = array<i32>} : memref<40x768xf32, #tpu.memory_space<vmem>>, vector<1x16xf32>,
        %get3A_948 = arith.constant 19 : i32
        %get3A_949 = arith.index_cast %get3A_948 : i32 to index
        %get3A_950 = arith.index_cast %mul3A_761 : i32 to index
        %get3A_951 = tpu.vector_load %arg5[%get3A_949, %get3A_950] {strides = array<i32>} : memref<40x768xf32, #tpu.memory_space<vmem>>, vector<1x16xf32>,
        %get3A_952 = vector.shape_cast %get3A_951 : vector<1x16xf32> to vector<16xf32>
        %add3A_953 = arith.addf %get3A_952, %get3A_923 : vector<16xf32>
        %swap3A_954 = arith.constant 19 : i32
        %swap3A_955 = arith.index_cast %swap3A_954 : i32 to index
        %swap3A_956 = arith.index_cast %mul3A_761 : i32 to index
        %swap3A_957 = tpu.vector_load %arg5[%swap3A_955, %swap3A_956] {strides = array<i32>} : memref<40x768xf32, #tpu.memory_space<vmem>>, vector<1x16xf32>,
        %swap3A_958 = vector.shape_cast %swap3A_957 : vector<1x16xf32> to vector<16xf32>
        %swap3A_959 = vector.shape_cast %add3A_953 : vector<16xf32> to vector<1x16xf32>
        tpu.vector_store %arg5[%swap3A_955, %swap3A_956], %swap3A_959 {strides = array<i32>} : memref<40x768xf32, #tpu.memory_space<vmem>>, vector<1x16xf32>,
        %get3A_960 = arith.constant 27 : i32
        %get3A_961 = arith.index_cast %get3A_960 : i32 to index
        %get3A_962 = arith.index_cast %mul3A_761 : i32 to index
        %get3A_963 = tpu.vector_load %arg5[%get3A_961, %get3A_962] {strides = array<i32>} : memref<40x768xf32, #tpu.memory_space<vmem>>, vector<1x16xf32>,
        %get3A_964 = vector.shape_cast %get3A_963 : vector<1x16xf32> to vector<16xf32>
        %add3A_965 = arith.addf %get3A_964, %get3A_923 : vector<16xf32>
        %swap3A_966 = arith.constant 27 : i32
        %swap3A_967 = arith.index_cast %swap3A_966 : i32 to index
        %swap3A_968 = arith.index_cast %mul3A_761 : i32 to index
        %swap3A_969 = tpu.vector_load %arg5[%swap3A_967, %swap3A_968] {strides = array<i32>} : memref<40x768xf32, #tpu.memory_space<vmem>>, vector<1x16xf32>,
        %swap3A_970 = vector.shape_cast %swap3A_969 : vector<1x16xf32> to vector<16xf32>
        %swap3A_971 = vector.shape_cast %add3A_965 : vector<16xf32> to vector<1x16xf32>
        tpu.vector_store %arg5[%swap3A_967, %swap3A_968], %swap3A_971 {strides = array<i32>} : memref<40x768xf32, #tpu.memory_space<vmem>>, vector<1x16xf32>,
        %get3A_972 = arith.constant 36 : i32
        %get3A_973 = arith.index_cast %get3A_972 : i32 to index
        %get3A_974 = arith.index_cast %mul3A_761 : i32 to index
        %get3A_975 = tpu.vector_load %arg5[%get3A_973, %get3A_974] {strides = array<i32>} : memref<40x768xf32, #tpu.memory_space<vmem>>, vector<1x16xf32>,
        %get3A_976 = vector.shape_cast %get3A_975 : vector<1x16xf32> to vector<16xf32>
        %get3A_977 = arith.constant 4 : i32
        %get3A_978 = arith.index_cast %get3A_977 : i32 to index
        %get3A_979 = arith.index_cast %mul3A_761 : i32 to index
        %get3A_980 = tpu.vector_load %arg5[%get3A_978, %get3A_979] {strides = array<i32>} : memref<40x768xf32, #tpu.memory_space<vmem>>, vector<1x16xf32>,
        %get3A_981 = vector.shape_cast %get3A_980 : vector<1x16xf32> to vector<16xf32>
        %add3A_982 = arith.addf %get3A_981, %get3A_976 : vector<16xf32>
        %swap3A_983 = arith.constant 4 : i32
        %swap3A_984 = arith.index_cast %swap3A_983 : i32 to index
        %swap3A_985 = arith.index_cast %mul3A_761 : i32 to index
        %swap3A_986 = tpu.vector_load %arg5[%swap3A_984, %swap3A_985] {strides = array<i32>} : memref<40x768xf32, #tpu.memory_space<vmem>>, vector<1x16xf32>,
        %swap3A_987 = vector.shape_cast %swap3A_986 : vector<1x16xf32> to vector<16xf32>
        %swap3A_988 = vector.shape_cast %add3A_982 : vector<16xf32> to vector<1x16xf32>
        tpu.vector_store %arg5[%swap3A_984, %swap3A_985], %swap3A_988 {strides = array<i32>} : memref<40x768xf32, #tpu.memory_space<vmem>>, vector<1x16xf32>,
        %get3A_989 = arith.constant 12 : i32
        %get3A_990 = arith.index_cast %get3A_989 : i32 to index
        %get3A_991 = arith.index_cast %mul3A_761 : i32 to index
        %get3A_992 = tpu.vector_load %arg5[%get3A_990, %get3A_991] {strides = array<i32>} : memref<40x768xf32, #tpu.memory_space<vmem>>, vector<1x16xf32>,
        %get3A_993 = vector.shape_cast %get3A_992 : vector<1x16xf32> to vector<16xf32>
        %add3A_994 = arith.addf %get3A_993, %get3A_976 : vector<16xf32>
        %swap3A_995 = arith.constant 12 : i32
        %swap3A_996 = arith.index_cast %swap3A_995 : i32 to index
        %swap3A_997 = arith.index_cast %mul3A_761 : i32 to index
        %swap3A_998 = tpu.vector_load %arg5[%swap3A_996, %swap3A_997] {strides = array<i32>} : memref<40x768xf32, #tpu.memory_space<vmem>>, vector<1x16xf32>,
        %swap3A_999 = vector.shape_cast %swap3A_998 : vector<1x16xf32> to vector<16xf32>
        %swap3A_1000 = vector.shape_cast %add3A_994 : vector<16xf32> to vector<1x16xf32>
        tpu.vector_store %arg5[%swap3A_996, %swap3A_997], %swap3A_1000 {strides = array<i32>} : memref<40x768xf32, #tpu.memory_space<vmem>>, vector<1x16xf32>,
        %get3A_1001 = arith.constant 20 : i32
        %get3A_1002 = arith.index_cast %get3A_1001 : i32 to index
        %get3A_1003 = arith.index_cast %mul3A_761 : i32 to index
        %get3A_1004 = tpu.vector_load %arg5[%get3A_1002, %get3A_1003] {strides = array<i32>} : memref<40x768xf32, #tpu.memory_space<vmem>>, vector<1x16xf32>,
        %get3A_1005 = vector.shape_cast %get3A_1004 : vector<1x16xf32> to vector<16xf32>
        %add3A_1006 = arith.addf %get3A_1005, %get3A_976 : vector<16xf32>
        %swap3A_1007 = arith.constant 20 : i32
        %swap3A_1008 = arith.index_cast %swap3A_1007 : i32 to index
        %swap3A_1009 = arith.index_cast %mul3A_761 : i32 to index
        %swap3A_1010 = tpu.vector_load %arg5[%swap3A_1008, %swap3A_1009] {strides = array<i32>} : memref<40x768xf32, #tpu.memory_space<vmem>>, vector<1x16xf32>,
        %swap3A_1011 = vector.shape_cast %swap3A_1010 : vector<1x16xf32> to vector<16xf32>
        %swap3A_1012 = vector.shape_cast %add3A_1006 : vector<16xf32> to vector<1x16xf32>
        tpu.vector_store %arg5[%swap3A_1008, %swap3A_1009], %swap3A_1012 {strides = array<i32>} : memref<40x768xf32, #tpu.memory_space<vmem>>, vector<1x16xf32>,
        %get3A_1013 = arith.constant 28 : i32
        %get3A_1014 = arith.index_cast %get3A_1013 : i32 to index
        %get3A_1015 = arith.index_cast %mul3A_761 : i32 to index
        %get3A_1016 = tpu.vector_load %arg5[%get3A_1014, %get3A_1015] {strides = array<i32>} : memref<40x768xf32, #tpu.memory_space<vmem>>, vector<1x16xf32>,
        %get3A_1017 = vector.shape_cast %get3A_1016 : vector<1x16xf32> to vector<16xf32>
        %add3A_1018 = arith.addf %get3A_1017, %get3A_976 : vector<16xf32>
        %swap3A_1019 = arith.constant 28 : i32
        %swap3A_1020 = arith.index_cast %swap3A_1019 : i32 to index
        %swap3A_1021 = arith.index_cast %mul3A_761 : i32 to index
        %swap3A_1022 = tpu.vector_load %arg5[%swap3A_1020, %swap3A_1021] {strides = array<i32>} : memref<40x768xf32, #tpu.memory_space<vmem>>, vector<1x16xf32>,
        %swap3A_1023 = vector.shape_cast %swap3A_1022 : vector<1x16xf32> to vector<16xf32>
        %swap3A_1024 = vector.shape_cast %add3A_1018 : vector<16xf32> to vector<1x16xf32>
        tpu.vector_store %arg5[%swap3A_1020, %swap3A_1021], %swap3A_1024 {strides = array<i32>} : memref<40x768xf32, #tpu.memory_space<vmem>>, vector<1x16xf32>,
        %get3A_1025 = arith.constant 37 : i32
        %get3A_1026 = arith.index_cast %get3A_1025 : i32 to index
        %get3A_1027 = arith.index_cast %mul3A_761 : i32 to index
        %get3A_1028 = tpu.vector_load %arg5[%get3A_1026, %get3A_1027] {strides = array<i32>} : memref<40x768xf32, #tpu.memory_space<vmem>>, vector<1x16xf32>,
        %get3A_1029 = vector.shape_cast %get3A_1028 : vector<1x16xf32> to vector<16xf32>
        %get3A_1030 = arith.constant 5 : i32
        %get3A_1031 = arith.index_cast %get3A_1030 : i32 to index
        %get3A_1032 = arith.index_cast %mul3A_761 : i32 to index
        %get3A_1033 = tpu.vector_load %arg5[%get3A_1031, %get3A_1032] {strides = array<i32>} : memref<40x768xf32, #tpu.memory_space<vmem>>, vector<1x16xf32>,
        %get3A_1034 = vector.shape_cast %get3A_1033 : vector<1x16xf32> to vector<16xf32>
        %add3A_1035 = arith.addf %get3A_1034, %get3A_1029 : vector<16xf32>
        %swap3A_1036 = arith.constant 5 : i32
        %swap3A_1037 = arith.index_cast %swap3A_1036 : i32 to index
        %swap3A_1038 = arith.index_cast %mul3A_761 : i32 to index
        %swap3A_1039 = tpu.vector_load %arg5[%swap3A_1037, %swap3A_1038] {strides = array<i32>} : memref<40x768xf32, #tpu.memory_space<vmem>>, vector<1x16xf32>,
        %swap3A_1040 = vector.shape_cast %swap3A_1039 : vector<1x16xf32> to vector<16xf32>
        %swap3A_1041 = vector.shape_cast %add3A_1035 : vector<16xf32> to vector<1x16xf32>
        tpu.vector_store %arg5[%swap3A_1037, %swap3A_1038], %swap3A_1041 {strides = array<i32>} : memref<40x768xf32, #tpu.memory_space<vmem>>, vector<1x16xf32>,
        %get3A_1042 = arith.constant 13 : i32
        %get3A_1043 = arith.index_cast %get3A_1042 : i32 to index
        %get3A_1044 = arith.index_cast %mul3A_761 : i32 to index
        %get3A_1045 = tpu.vector_load %arg5[%get3A_1043, %get3A_1044] {strides = array<i32>} : memref<40x768xf32, #tpu.memory_space<vmem>>, vector<1x16xf32>,
        %get3A_1046 = vector.shape_cast %get3A_1045 : vector<1x16xf32> to vector<16xf32>
        %add3A_1047 = arith.addf %get3A_1046, %get3A_1029 : vector<16xf32>
        %swap3A_1048 = arith.constant 13 : i32
        %swap3A_1049 = arith.index_cast %swap3A_1048 : i32 to index
        %swap3A_1050 = arith.index_cast %mul3A_761 : i32 to index
        %swap3A_1051 = tpu.vector_load %arg5[%swap3A_1049, %swap3A_1050] {strides = array<i32>} : memref<40x768xf32, #tpu.memory_space<vmem>>, vector<1x16xf32>,
        %swap3A_1052 = vector.shape_cast %swap3A_1051 : vector<1x16xf32> to vector<16xf32>
        %swap3A_1053 = vector.shape_cast %add3A_1047 : vector<16xf32> to vector<1x16xf32>
        tpu.vector_store %arg5[%swap3A_1049, %swap3A_1050], %swap3A_1053 {strides = array<i32>} : memref<40x768xf32, #tpu.memory_space<vmem>>, vector<1x16xf32>,
        %get3A_1054 = arith.constant 21 : i32
        %get3A_1055 = arith.index_cast %get3A_1054 : i32 to index
        %get3A_1056 = arith.index_cast %mul3A_761 : i32 to index
        %get3A_1057 = tpu.vector_load %arg5[%get3A_1055, %get3A_1056] {strides = array<i32>} : memref<40x768xf32, #tpu.memory_space<vmem>>, vector<1x16xf32>,
        %get3A_1058 = vector.shape_cast %get3A_1057 : vector<1x16xf32> to vector<16xf32>
        %add3A_1059 = arith.addf %get3A_1058, %get3A_1029 : vector<16xf32>
        %swap3A_1060 = arith.constant 21 : i32
        %swap3A_1061 = arith.index_cast %swap3A_1060 : i32 to index
        %swap3A_1062 = arith.index_cast %mul3A_761 : i32 to index
        %swap3A_1063 = tpu.vector_load %arg5[%swap3A_1061, %swap3A_1062] {strides = array<i32>} : memref<40x768xf32, #tpu.memory_space<vmem>>, vector<1x16xf32>,
        %swap3A_1064 = vector.shape_cast %swap3A_1063 : vector<1x16xf32> to vector<16xf32>
        %swap3A_1065 = vector.shape_cast %add3A_1059 : vector<16xf32> to vector<1x16xf32>
        tpu.vector_store %arg5[%swap3A_1061, %swap3A_1062], %swap3A_1065 {strides = array<i32>} : memref<40x768xf32, #tpu.memory_space<vmem>>, vector<1x16xf32>,
        %get3A_1066 = arith.constant 29 : i32
        %get3A_1067 = arith.index_cast %get3A_1066 : i32 to index
        %get3A_1068 = arith.index_cast %mul3A_761 : i32 to index
        %get3A_1069 = tpu.vector_load %arg5[%get3A_1067, %get3A_1068] {strides = array<i32>} : memref<40x768xf32, #tpu.memory_space<vmem>>, vector<1x16xf32>,
        %get3A_1070 = vector.shape_cast %get3A_1069 : vector<1x16xf32> to vector<16xf32>
        %add3A_1071 = arith.addf %get3A_1070, %get3A_1029 : vector<16xf32>
        %swap3A_1072 = arith.constant 29 : i32
        %swap3A_1073 = arith.index_cast %swap3A_1072 : i32 to index
        %swap3A_1074 = arith.index_cast %mul3A_761 : i32 to index
        %swap3A_1075 = tpu.vector_load %arg5[%swap3A_1073, %swap3A_1074] {strides = array<i32>} : memref<40x768xf32, #tpu.memory_space<vmem>>, vector<1x16xf32>,
        %swap3A_1076 = vector.shape_cast %swap3A_1075 : vector<1x16xf32> to vector<16xf32>
        %swap3A_1077 = vector.shape_cast %add3A_1071 : vector<16xf32> to vector<1x16xf32>
        tpu.vector_store %arg5[%swap3A_1073, %swap3A_1074], %swap3A_1077 {strides = array<i32>} : memref<40x768xf32, #tpu.memory_space<vmem>>, vector<1x16xf32>,
        %get3A_1078 = arith.constant 38 : i32
        %get3A_1079 = arith.index_cast %get3A_1078 : i32 to index
        %get3A_1080 = arith.index_cast %mul3A_761 : i32 to index
        %get3A_1081 = tpu.vector_load %arg5[%get3A_1079, %get3A_1080] {strides = array<i32>} : memref<40x768xf32, #tpu.memory_space<vmem>>, vector<1x16xf32>,
        %get3A_1082 = vector.shape_cast %get3A_1081 : vector<1x16xf32> to vector<16xf32>
        %get3A_1083 = arith.constant 6 : i32
        %get3A_1084 = arith.index_cast %get3A_1083 : i32 to index
        %get3A_1085 = arith.index_cast %mul3A_761 : i32 to index
        %get3A_1086 = tpu.vector_load %arg5[%get3A_1084, %get3A_1085] {strides = array<i32>} : memref<40x768xf32, #tpu.memory_space<vmem>>, vector<1x16xf32>,
        %get3A_1087 = vector.shape_cast %get3A_1086 : vector<1x16xf32> to vector<16xf32>
        %add3A_1088 = arith.addf %get3A_1087, %get3A_1082 : vector<16xf32>
        %swap3A_1089 = arith.constant 6 : i32
        %swap3A_1090 = arith.index_cast %swap3A_1089 : i32 to index
        %swap3A_1091 = arith.index_cast %mul3A_761 : i32 to index
        %swap3A_1092 = tpu.vector_load %arg5[%swap3A_1090, %swap3A_1091] {strides = array<i32>} : memref<40x768xf32, #tpu.memory_space<vmem>>, vector<1x16xf32>,
        %swap3A_1093 = vector.shape_cast %swap3A_1092 : vector<1x16xf32> to vector<16xf32>
        %swap3A_1094 = vector.shape_cast %add3A_1088 : vector<16xf32> to vector<1x16xf32>
        tpu.vector_store %arg5[%swap3A_1090, %swap3A_1091], %swap3A_1094 {strides = array<i32>} : memref<40x768xf32, #tpu.memory_space<vmem>>, vector<1x16xf32>,
        %get3A_1095 = arith.constant 14 : i32
        %get3A_1096 = arith.index_cast %get3A_1095 : i32 to index
        %get3A_1097 = arith.index_cast %mul3A_761 : i32 to index
        %get3A_1098 = tpu.vector_load %arg5[%get3A_1096, %get3A_1097] {strides = array<i32>} : memref<40x768xf32, #tpu.memory_space<vmem>>, vector<1x16xf32>,
        %get3A_1099 = vector.shape_cast %get3A_1098 : vector<1x16xf32> to vector<16xf32>
        %add3A_1100 = arith.addf %get3A_1099, %get3A_1082 : vector<16xf32>
        %swap3A_1101 = arith.constant 14 : i32
        %swap3A_1102 = arith.index_cast %swap3A_1101 : i32 to index
        %swap3A_1103 = arith.index_cast %mul3A_761 : i32 to index
        %swap3A_1104 = tpu.vector_load %arg5[%swap3A_1102, %swap3A_1103] {strides = array<i32>} : memref<40x768xf32, #tpu.memory_space<vmem>>, vector<1x16xf32>,
        %swap3A_1105 = vector.shape_cast %swap3A_1104 : vector<1x16xf32> to vector<16xf32>
        %swap3A_1106 = vector.shape_cast %add3A_1100 : vector<16xf32> to vector<1x16xf32>
        tpu.vector_store %arg5[%swap3A_1102, %swap3A_1103], %swap3A_1106 {strides = array<i32>} : memref<40x768xf32, #tpu.memory_space<vmem>>, vector<1x16xf32>,
        %get3A_1107 = arith.constant 22 : i32
        %get3A_1108 = arith.index_cast %get3A_1107 : i32 to index
        %get3A_1109 = arith.index_cast %mul3A_761 : i32 to index
        %get3A_1110 = tpu.vector_load %arg5[%get3A_1108, %get3A_1109] {strides = array<i32>} : memref<40x768xf32, #tpu.memory_space<vmem>>, vector<1x16xf32>,
        %get3A_1111 = vector.shape_cast %get3A_1110 : vector<1x16xf32> to vector<16xf32>
        %add3A_1112 = arith.addf %get3A_1111, %get3A_1082 : vector<16xf32>
        %swap3A_1113 = arith.constant 22 : i32
        %swap3A_1114 = arith.index_cast %swap3A_1113 : i32 to index
        %swap3A_1115 = arith.index_cast %mul3A_761 : i32 to index
        %swap3A_1116 = tpu.vector_load %arg5[%swap3A_1114, %swap3A_1115] {strides = array<i32>} : memref<40x768xf32, #tpu.memory_space<vmem>>, vector<1x16xf32>,
        %swap3A_1117 = vector.shape_cast %swap3A_1116 : vector<1x16xf32> to vector<16xf32>
        %swap3A_1118 = vector.shape_cast %add3A_1112 : vector<16xf32> to vector<1x16xf32>
        tpu.vector_store %arg5[%swap3A_1114, %swap3A_1115], %swap3A_1118 {strides = array<i32>} : memref<40x768xf32, #tpu.memory_space<vmem>>, vector<1x16xf32>,
        %get3A_1119 = arith.constant 30 : i32
        %get3A_1120 = arith.index_cast %get3A_1119 : i32 to index
        %get3A_1121 = arith.index_cast %mul3A_761 : i32 to index
        %get3A_1122 = tpu.vector_load %arg5[%get3A_1120, %get3A_1121] {strides = array<i32>} : memref<40x768xf32, #tpu.memory_space<vmem>>, vector<1x16xf32>,
        %get3A_1123 = vector.shape_cast %get3A_1122 : vector<1x16xf32> to vector<16xf32>
        %add3A_1124 = arith.addf %get3A_1123, %get3A_1082 : vector<16xf32>
        %swap3A_1125 = arith.constant 30 : i32
        %swap3A_1126 = arith.index_cast %swap3A_1125 : i32 to index
        %swap3A_1127 = arith.index_cast %mul3A_761 : i32 to index
        %swap3A_1128 = tpu.vector_load %arg5[%swap3A_1126, %swap3A_1127] {strides = array<i32>} : memref<40x768xf32, #tpu.memory_space<vmem>>, vector<1x16xf32>,
        %swap3A_1129 = vector.shape_cast %swap3A_1128 : vector<1x16xf32> to vector<16xf32>
        %swap3A_1130 = vector.shape_cast %add3A_1124 : vector<16xf32> to vector<1x16xf32>
        tpu.vector_store %arg5[%swap3A_1126, %swap3A_1127], %swap3A_1130 {strides = array<i32>} : memref<40x768xf32, #tpu.memory_space<vmem>>, vector<1x16xf32>,
        %get3A_1131 = arith.constant 39 : i32
        %get3A_1132 = arith.index_cast %get3A_1131 : i32 to index
        %get3A_1133 = arith.index_cast %mul3A_761 : i32 to index
        %get3A_1134 = tpu.vector_load %arg5[%get3A_1132, %get3A_1133] {strides = array<i32>} : memref<40x768xf32, #tpu.memory_space<vmem>>, vector<1x16xf32>,
        %get3A_1135 = vector.shape_cast %get3A_1134 : vector<1x16xf32> to vector<16xf32>
        %get3A_1136 = arith.constant 7 : i32
        %get3A_1137 = arith.index_cast %get3A_1136 : i32 to index
        %get3A_1138 = arith.index_cast %mul3A_761 : i32 to index
        %get3A_1139 = tpu.vector_load %arg5[%get3A_1137, %get3A_1138] {strides = array<i32>} : memref<40x768xf32, #tpu.memory_space<vmem>>, vector<1x16xf32>,
        %get3A_1140 = vector.shape_cast %get3A_1139 : vector<1x16xf32> to vector<16xf32>
        %add3A_1141 = arith.addf %get3A_1140, %get3A_1135 : vector<16xf32>
        %swap3A_1142 = arith.constant 7 : i32
        %swap3A_1143 = arith.index_cast %swap3A_1142 : i32 to index
        %swap3A_1144 = arith.index_cast %mul3A_761 : i32 to index
        %swap3A_1145 = tpu.vector_load %arg5[%swap3A_1143, %swap3A_1144] {strides = array<i32>} : memref<40x768xf32, #tpu.memory_space<vmem>>, vector<1x16xf32>,
        %swap3A_1146 = vector.shape_cast %swap3A_1145 : vector<1x16xf32> to vector<16xf32>
        %swap3A_1147 = vector.shape_cast %add3A_1141 : vector<16xf32> to vector<1x16xf32>
        tpu.vector_store %arg5[%swap3A_1143, %swap3A_1144], %swap3A_1147 {strides = array<i32>} : memref<40x768xf32, #tpu.memory_space<vmem>>, vector<1x16xf32>,
        %get3A_1148 = arith.constant 15 : i32
        %get3A_1149 = arith.index_cast %get3A_1148 : i32 to index
        %get3A_1150 = arith.index_cast %mul3A_761 : i32 to index
        %get3A_1151 = tpu.vector_load %arg5[%get3A_1149, %get3A_1150] {strides = array<i32>} : memref<40x768xf32, #tpu.memory_space<vmem>>, vector<1x16xf32>,
        %get3A_1152 = vector.shape_cast %get3A_1151 : vector<1x16xf32> to vector<16xf32>
        %add3A_1153 = arith.addf %get3A_1152, %get3A_1135 : vector<16xf32>
        %swap3A_1154 = arith.constant 15 : i32
        %swap3A_1155 = arith.index_cast %swap3A_1154 : i32 to index
        %swap3A_1156 = arith.index_cast %mul3A_761 : i32 to index
        %swap3A_1157 = tpu.vector_load %arg5[%swap3A_1155, %swap3A_1156] {strides = array<i32>} : memref<40x768xf32, #tpu.memory_space<vmem>>, vector<1x16xf32>,
        %swap3A_1158 = vector.shape_cast %swap3A_1157 : vector<1x16xf32> to vector<16xf32>
        %swap3A_1159 = vector.shape_cast %add3A_1153 : vector<16xf32> to vector<1x16xf32>
        tpu.vector_store %arg5[%swap3A_1155, %swap3A_1156], %swap3A_1159 {strides = array<i32>} : memref<40x768xf32, #tpu.memory_space<vmem>>, vector<1x16xf32>,
        %get3A_1160 = arith.constant 23 : i32
        %get3A_1161 = arith.index_cast %get3A_1160 : i32 to index
        %get3A_1162 = arith.index_cast %mul3A_761 : i32 to index
        %get3A_1163 = tpu.vector_load %arg5[%get3A_1161, %get3A_1162] {strides = array<i32>} : memref<40x768xf32, #tpu.memory_space<vmem>>, vector<1x16xf32>,
        %get3A_1164 = vector.shape_cast %get3A_1163 : vector<1x16xf32> to vector<16xf32>
        %add3A_1165 = arith.addf %get3A_1164, %get3A_1135 : vector<16xf32>
        %swap3A_1166 = arith.constant 23 : i32
        %swap3A_1167 = arith.index_cast %swap3A_1166 : i32 to index
        %swap3A_1168 = arith.index_cast %mul3A_761 : i32 to index
        %swap3A_1169 = tpu.vector_load %arg5[%swap3A_1167, %swap3A_1168] {strides = array<i32>} : memref<40x768xf32, #tpu.memory_space<vmem>>, vector<1x16xf32>,
        %swap3A_1170 = vector.shape_cast %swap3A_1169 : vector<1x16xf32> to vector<16xf32>
        %swap3A_1171 = vector.shape_cast %add3A_1165 : vector<16xf32> to vector<1x16xf32>
        tpu.vector_store %arg5[%swap3A_1167, %swap3A_1168], %swap3A_1171 {strides = array<i32>} : memref<40x768xf32, #tpu.memory_space<vmem>>, vector<1x16xf32>,
        %get3A_1172 = arith.constant 31 : i32
        %get3A_1173 = arith.index_cast %get3A_1172 : i32 to index
        %get3A_1174 = arith.index_cast %mul3A_761 : i32 to index
        %get3A_1175 = tpu.vector_load %arg5[%get3A_1173, %get3A_1174] {strides = array<i32>} : memref<40x768xf32, #tpu.memory_space<vmem>>, vector<1x16xf32>,
        %get3A_1176 = vector.shape_cast %get3A_1175 : vector<1x16xf32> to vector<16xf32>
        %add3A_1177 = arith.addf %get3A_1176, %get3A_1135 : vector<16xf32>
        %swap3A_1178 = arith.constant 31 : i32
        %swap3A_1179 = arith.index_cast %swap3A_1178 : i32 to index
        %swap3A_1180 = arith.index_cast %mul3A_761 : i32 to index
        %swap3A_1181 = tpu.vector_load %arg5[%swap3A_1179, %swap3A_1180] {strides = array<i32>} : memref<40x768xf32, #tpu.memory_space<vmem>>, vector<1x16xf32>,
        %swap3A_1182 = vector.shape_cast %swap3A_1181 : vector<1x16xf32> to vector<16xf32>
        %swap3A_1183 = vector.shape_cast %add3A_1177 : vector<16xf32> to vector<1x16xf32>
        tpu.vector_store %arg5[%swap3A_1179, %swap3A_1180], %swap3A_1183 {strides = array<i32>} : memref<40x768xf32, #tpu.memory_space<vmem>>, vector<1x16xf32>,
        %scan3A_1184 = arith.constant 0 : i32
        scf.yield %scan3A_1184 : i32
      }
      %scan3A_303 = arith.constant 48 : i32
      %mul3A_304 = arith.constant 8 : i32
      %mul3A_305 = arith.muli %add3A_228, %mul3A_304 : i32
      %add3A_306 = arith.addi %mul3A_2, %mul3A_305 : i32
      %add3A_307 = arith.constant 0 : i32
      %add3A_308 = arith.addi %add3A_307, %add3A_306 : i32
      %dma_start3A_309 = arith.constant 0 : i32
      %dma_start3A_310 = arith.constant 0 : i32
      %dma_start3A_311 = tpu.memref_slice %arg5[%dma_start3A_309, %dma_start3A_310] : memref<40x768xf32, #tpu.memory_space<vmem>> -> memref<8x768xf32, #tpu.memory_space<vmem>>
      %dma_start3A_312 = arith.constant 0 : i32
      %dma_start3A_313 = tpu.memref_slice %arg4[%add3A_308, %dma_start3A_312] : memref<32768x768xf32, #tpu.memory_space<hbm>> -> memref<8x768xf32, #tpu.memory_space<hbm>>
      %dma_start3A_314 = arith.constant 0 : i32
      %dma_start3A_315 = tpu.memref_slice %arg4[%add3A_308, %dma_start3A_314] : memref<32768x768xf32, #tpu.memory_space<hbm>> -> memref<8x768xf32, #tpu.memory_space<hbm>>
      %dma_start3A_316 = arith.constant 0 : i32
      %dma_start3A_317 = arith.constant 0 : i32
      %dma_start3A_318 = tpu.memref_slice %arg5[%dma_start3A_316, %dma_start3A_317] : memref<40x768xf32, #tpu.memory_space<vmem>> -> memref<8x768xf32, #tpu.memory_space<vmem>>
      tpu.enqueue_dma source(%dma_start3A_318 : memref<8x768xf32, #tpu.memory_space<vmem>>) target(%dma_start3A_315 : memref<8x768xf32, #tpu.memory_space<hbm>>) target_semaphore(%arg13 : memref<!tpu.dma_semaphore, #tpu.memory_space<semaphore_mem>>)
      %add3A_319 = arith.constant 8192 : i32
      %add3A_320 = arith.addi %add3A_319, %add3A_306 : i32
      %dma_start3A_321 = arith.constant 8 : i32
      %dma_start3A_322 = arith.constant 0 : i32
      %dma_start3A_323 = tpu.memref_slice %arg5[%dma_start3A_321, %dma_start3A_322] : memref<40x768xf32, #tpu.memory_space<vmem>> -> memref<8x768xf32, #tpu.memory_space<vmem>>
      %dma_start3A_324 = arith.constant 0 : i32
      %dma_start3A_325 = tpu.memref_slice %arg4[%add3A_320, %dma_start3A_324] : memref<32768x768xf32, #tpu.memory_space<hbm>> -> memref<8x768xf32, #tpu.memory_space<hbm>>
      %dma_start3A_326 = arith.constant 0 : i32
      %dma_start3A_327 = tpu.memref_slice %arg4[%add3A_320, %dma_start3A_326] : memref<32768x768xf32, #tpu.memory_space<hbm>> -> memref<8x768xf32, #tpu.memory_space<hbm>>
      %dma_start3A_328 = arith.constant 8 : i32
      %dma_start3A_329 = arith.constant 0 : i32
      %dma_start3A_330 = tpu.memref_slice %arg5[%dma_start3A_328, %dma_start3A_329] : memref<40x768xf32, #tpu.memory_space<vmem>> -> memref<8x768xf32, #tpu.memory_space<vmem>>
      tpu.enqueue_dma source(%dma_start3A_330 : memref<8x768xf32, #tpu.memory_space<vmem>>) target(%dma_start3A_327 : memref<8x768xf32, #tpu.memory_space<hbm>>) target_semaphore(%arg13 : memref<!tpu.dma_semaphore, #tpu.memory_space<semaphore_mem>>)
      %add3A_331 = arith.constant 16384 : i32
      %add3A_332 = arith.addi %add3A_331, %add3A_306 : i32
      %dma_start3A_333 = arith.constant 16 : i32
      %dma_start3A_334 = arith.constant 0 : i32
      %dma_start3A_335 = tpu.memref_slice %arg5[%dma_start3A_333, %dma_start3A_334] : memref<40x768xf32, #tpu.memory_space<vmem>> -> memref<8x768xf32, #tpu.memory_space<vmem>>
      %dma_start3A_336 = arith.constant 0 : i32
      %dma_start3A_337 = tpu.memref_slice %arg4[%add3A_332, %dma_start3A_336] : memref<32768x768xf32, #tpu.memory_space<hbm>> -> memref<8x768xf32, #tpu.memory_space<hbm>>
      %dma_start3A_338 = arith.constant 0 : i32
      %dma_start3A_339 = tpu.memref_slice %arg4[%add3A_332, %dma_start3A_338] : memref<32768x768xf32, #tpu.memory_space<hbm>> -> memref<8x768xf32, #tpu.memory_space<hbm>>
      %dma_start3A_340 = arith.constant 16 : i32
      %dma_start3A_341 = arith.constant 0 : i32
      %dma_start3A_342 = tpu.memref_slice %arg5[%dma_start3A_340, %dma_start3A_341] : memref<40x768xf32, #tpu.memory_space<vmem>> -> memref<8x768xf32, #tpu.memory_space<vmem>>
      tpu.enqueue_dma source(%dma_start3A_342 : memref<8x768xf32, #tpu.memory_space<vmem>>) target(%dma_start3A_339 : memref<8x768xf32, #tpu.memory_space<hbm>>) target_semaphore(%arg13 : memref<!tpu.dma_semaphore, #tpu.memory_space<semaphore_mem>>)
      %add3A_343 = arith.constant 24576 : i32
      %add3A_344 = arith.addi %add3A_343, %add3A_306 : i32
      %dma_start3A_345 = arith.constant 24 : i32
      %dma_start3A_346 = arith.constant 0 : i32
      %dma_start3A_347 = tpu.memref_slice %arg5[%dma_start3A_345, %dma_start3A_346] : memref<40x768xf32, #tpu.memory_space<vmem>> -> memref<8x768xf32, #tpu.memory_space<vmem>>
      %dma_start3A_348 = arith.constant 0 : i32
      %dma_start3A_349 = tpu.memref_slice %arg4[%add3A_344, %dma_start3A_348] : memref<32768x768xf32, #tpu.memory_space<hbm>> -> memref<8x768xf32, #tpu.memory_space<hbm>>
      %dma_start3A_350 = arith.constant 0 : i32
      %dma_start3A_351 = tpu.memref_slice %arg4[%add3A_344, %dma_start3A_350] : memref<32768x768xf32, #tpu.memory_space<hbm>> -> memref<8x768xf32, #tpu.memory_space<hbm>>
      %dma_start3A_352 = arith.constant 24 : i32
      %dma_start3A_353 = arith.constant 0 : i32
      %dma_start3A_354 = tpu.memref_slice %arg5[%dma_start3A_352, %dma_start3A_353] : memref<40x768xf32, #tpu.memory_space<vmem>> -> memref<8x768xf32, #tpu.memory_space<vmem>>
      tpu.enqueue_dma source(%dma_start3A_354 : memref<8x768xf32, #tpu.memory_space<vmem>>) target(%dma_start3A_351 : memref<8x768xf32, #tpu.memory_space<hbm>>) target_semaphore(%arg13 : memref<!tpu.dma_semaphore, #tpu.memory_space<semaphore_mem>>)
      %mul3A_355 = arith.constant 4 : i32
      %mul3A_356 = arith.muli %scan3A_223, %mul3A_355 : i32
      %add3A_357 = arith.constant 1 : i32
      %add3A_358 = arith.addi %mul3A_356, %add3A_357 : i32
      %dma_wait3A_359 = arith.constant 0 : i32
      %dma_wait3A_360 = arith.constant 0 : i32
      %dma_wait3A_361 = tpu.memref_slice %arg6[%dma_wait3A_359, %dma_wait3A_360] : memref<40x768xf32, #tpu.memory_space<vmem>> -> memref<8x768xf32, #tpu.memory_space<vmem>>
      %dma_wait3A_362 = arith.constant 0 : i32
      %dma_wait3A_363 = arith.constant 0 : i32
      %dma_wait3A_364 = tpu.memref_slice %arg3[%dma_wait3A_362, %dma_wait3A_363] : memref<8192x768xf32, #tpu.memory_space<hbm>> -> memref<8x768xf32, #tpu.memory_space<hbm>>
      %dma_wait3A_365 = arith.constant 0 : i32
      %dma_wait3A_366 = arith.constant 0 : i32
      %dma_wait3A_367 = tpu.memref_slice %arg6[%dma_wait3A_365, %dma_wait3A_366] : memref<40x768xf32, #tpu.memory_space<vmem>> -> memref<8x768xf32, #tpu.memory_space<vmem>>
      %dma_wait3A_368 = arith.constant 0 : i32
      %dma_wait3A_369 = arith.constant 0 : i32
      %dma_wait3A_370 = tpu.memref_slice %arg3[%dma_wait3A_368, %dma_wait3A_369] : memref<8192x768xf32, #tpu.memory_space<hbm>> -> memref<8x768xf32, #tpu.memory_space<hbm>>
      tpu.wait_dma2 semaphore(%arg10 : memref<!tpu.dma_semaphore, #tpu.memory_space<semaphore_mem>>) src(%dma_wait3A_370 : memref<8x768xf32, #tpu.memory_space<hbm>>) dst(%dma_wait3A_367 : memref<8x768xf32, #tpu.memory_space<vmem>>)
      %dma_wait3A_371 = arith.constant 8 : i32
      %dma_wait3A_372 = arith.constant 0 : i32
      %dma_wait3A_373 = tpu.memref_slice %arg6[%dma_wait3A_371, %dma_wait3A_372] : memref<40x768xf32, #tpu.memory_space<vmem>> -> memref<8x768xf32, #tpu.memory_space<vmem>>
      %dma_wait3A_374 = arith.constant 0 : i32
      %dma_wait3A_375 = arith.constant 0 : i32
      %dma_wait3A_376 = tpu.memref_slice %arg3[%dma_wait3A_374, %dma_wait3A_375] : memref<8192x768xf32, #tpu.memory_space<hbm>> -> memref<8x768xf32, #tpu.memory_space<hbm>>
      %dma_wait3A_377 = arith.constant 8 : i32
      %dma_wait3A_378 = arith.constant 0 : i32
      %dma_wait3A_379 = tpu.memref_slice %arg6[%dma_wait3A_377, %dma_wait3A_378] : memref<40x768xf32, #tpu.memory_space<vmem>> -> memref<8x768xf32, #tpu.memory_space<vmem>>
      %dma_wait3A_380 = arith.constant 0 : i32
      %dma_wait3A_381 = arith.constant 0 : i32
      %dma_wait3A_382 = tpu.memref_slice %arg3[%dma_wait3A_380, %dma_wait3A_381] : memref<8192x768xf32, #tpu.memory_space<hbm>> -> memref<8x768xf32, #tpu.memory_space<hbm>>
      tpu.wait_dma2 semaphore(%arg10 : memref<!tpu.dma_semaphore, #tpu.memory_space<semaphore_mem>>) src(%dma_wait3A_382 : memref<8x768xf32, #tpu.memory_space<hbm>>) dst(%dma_wait3A_379 : memref<8x768xf32, #tpu.memory_space<vmem>>)
      %dma_wait3A_383 = arith.constant 16 : i32
      %dma_wait3A_384 = arith.constant 0 : i32
      %dma_wait3A_385 = tpu.memref_slice %arg6[%dma_wait3A_383, %dma_wait3A_384] : memref<40x768xf32, #tpu.memory_space<vmem>> -> memref<8x768xf32, #tpu.memory_space<vmem>>
      %dma_wait3A_386 = arith.constant 0 : i32
      %dma_wait3A_387 = arith.constant 0 : i32
      %dma_wait3A_388 = tpu.memref_slice %arg3[%dma_wait3A_386, %dma_wait3A_387] : memref<8192x768xf32, #tpu.memory_space<hbm>> -> memref<8x768xf32, #tpu.memory_space<hbm>>
      %dma_wait3A_389 = arith.constant 16 : i32
      %dma_wait3A_390 = arith.constant 0 : i32
      %dma_wait3A_391 = tpu.memref_slice %arg6[%dma_wait3A_389, %dma_wait3A_390] : memref<40x768xf32, #tpu.memory_space<vmem>> -> memref<8x768xf32, #tpu.memory_space<vmem>>
      %dma_wait3A_392 = arith.constant 0 : i32
      %dma_wait3A_393 = arith.constant 0 : i32
      %dma_wait3A_394 = tpu.memref_slice %arg3[%dma_wait3A_392, %dma_wait3A_393] : memref<8192x768xf32, #tpu.memory_space<hbm>> -> memref<8x768xf32, #tpu.memory_space<hbm>>
      tpu.wait_dma2 semaphore(%arg10 : memref<!tpu.dma_semaphore, #tpu.memory_space<semaphore_mem>>) src(%dma_wait3A_394 : memref<8x768xf32, #tpu.memory_space<hbm>>) dst(%dma_wait3A_391 : memref<8x768xf32, #tpu.memory_space<vmem>>)
      %dma_wait3A_395 = arith.constant 24 : i32
      %dma_wait3A_396 = arith.constant 0 : i32
      %dma_wait3A_397 = tpu.memref_slice %arg6[%dma_wait3A_395, %dma_wait3A_396] : memref<40x768xf32, #tpu.memory_space<vmem>> -> memref<8x768xf32, #tpu.memory_space<vmem>>
      %dma_wait3A_398 = arith.constant 0 : i32
      %dma_wait3A_399 = arith.constant 0 : i32
      %dma_wait3A_400 = tpu.memref_slice %arg3[%dma_wait3A_398, %dma_wait3A_399] : memref<8192x768xf32, #tpu.memory_space<hbm>> -> memref<8x768xf32, #tpu.memory_space<hbm>>
      %dma_wait3A_401 = arith.constant 24 : i32
      %dma_wait3A_402 = arith.constant 0 : i32
      %dma_wait3A_403 = tpu.memref_slice %arg6[%dma_wait3A_401, %dma_wait3A_402] : memref<40x768xf32, #tpu.memory_space<vmem>> -> memref<8x768xf32, #tpu.memory_space<vmem>>
      %dma_wait3A_404 = arith.constant 0 : i32
      %dma_wait3A_405 = arith.constant 0 : i32
      %dma_wait3A_406 = tpu.memref_slice %arg3[%dma_wait3A_404, %dma_wait3A_405] : memref<8192x768xf32, #tpu.memory_space<hbm>> -> memref<8x768xf32, #tpu.memory_space<hbm>>
      tpu.wait_dma2 semaphore(%arg10 : memref<!tpu.dma_semaphore, #tpu.memory_space<semaphore_mem>>) src(%dma_wait3A_406 : memref<8x768xf32, #tpu.memory_space<hbm>>) dst(%dma_wait3A_403 : memref<8x768xf32, #tpu.memory_space<vmem>>)
      %dma_wait3A_407 = arith.constant 32 : i32
      %dma_wait3A_408 = arith.constant 0 : i32
      %dma_wait3A_409 = tpu.memref_slice %arg6[%dma_wait3A_407, %dma_wait3A_408] : memref<40x768xf32, #tpu.memory_space<vmem>> -> memref<8x768xf32, #tpu.memory_space<vmem>>
      %dma_wait3A_410 = arith.constant 0 : i32
      %dma_wait3A_411 = arith.constant 0 : i32
      %dma_wait3A_412 = tpu.memref_slice %arg3[%dma_wait3A_410, %dma_wait3A_411] : memref<8192x768xf32, #tpu.memory_space<hbm>> -> memref<8x768xf32, #tpu.memory_space<hbm>>
      %dma_wait3A_413 = arith.constant 32 : i32
      %dma_wait3A_414 = arith.constant 0 : i32
      %dma_wait3A_415 = tpu.memref_slice %arg6[%dma_wait3A_413, %dma_wait3A_414] : memref<40x768xf32, #tpu.memory_space<vmem>> -> memref<8x768xf32, #tpu.memory_space<vmem>>
      %dma_wait3A_416 = arith.constant 0 : i32
      %dma_wait3A_417 = arith.constant 0 : i32
      %dma_wait3A_418 = tpu.memref_slice %arg3[%dma_wait3A_416, %dma_wait3A_417] : memref<8192x768xf32, #tpu.memory_space<hbm>> -> memref<8x768xf32, #tpu.memory_space<hbm>>
      tpu.wait_dma2 semaphore(%arg10 : memref<!tpu.dma_semaphore, #tpu.memory_space<semaphore_mem>>) src(%dma_wait3A_418 : memref<8x768xf32, #tpu.memory_space<hbm>>) dst(%dma_wait3A_415 : memref<8x768xf32, #tpu.memory_space<vmem>>)
      %ge3A_419 = arith.constant 2 : i32
      %ge3A_420 = arith.cmpi sge, %add3A_358, %ge3A_419 : i32
      %convert_element_type3A_421 = arith.extui %ge3A_420 : i1 to i32
      %cond3A_422 = arith.constant 0 : i32
      %cond3A_423 = arith.cmpi ne, %convert_element_type3A_421, %cond3A_422 : i32
      scf.if %cond3A_423 {
        %dma_wait3A_758 = arith.constant 0 : i32
        %dma_wait3A_759 = arith.constant 0 : i32
        %dma_wait3A_760 = tpu.memref_slice %arg8[%dma_wait3A_758, %dma_wait3A_759] : memref<40x768xf32, #tpu.memory_space<vmem>> -> memref<8x768xf32, #tpu.memory_space<vmem>>
        %dma_wait3A_761 = arith.constant 0 : i32
        %dma_wait3A_762 = arith.constant 0 : i32
        %dma_wait3A_763 = tpu.memref_slice %arg4[%dma_wait3A_761, %dma_wait3A_762] : memref<32768x768xf32, #tpu.memory_space<hbm>> -> memref<8x768xf32, #tpu.memory_space<hbm>>
        %dma_wait3A_764 = arith.constant 0 : i32
        %dma_wait3A_765 = arith.constant 0 : i32
        %dma_wait3A_766 = tpu.memref_slice %arg4[%dma_wait3A_764, %dma_wait3A_765] : memref<32768x768xf32, #tpu.memory_space<hbm>> -> memref<8x768xf32, #tpu.memory_space<hbm>>
        %dma_wait3A_767 = arith.constant 0 : i32
        %dma_wait3A_768 = arith.constant 0 : i32
        %dma_wait3A_769 = tpu.memref_slice %arg8[%dma_wait3A_767, %dma_wait3A_768] : memref<40x768xf32, #tpu.memory_space<vmem>> -> memref<8x768xf32, #tpu.memory_space<vmem>>
        tpu.wait_dma2 semaphore(%arg16 : memref<!tpu.dma_semaphore, #tpu.memory_space<semaphore_mem>>) src(%dma_wait3A_769 : memref<8x768xf32, #tpu.memory_space<vmem>>) dst(%dma_wait3A_766 : memref<8x768xf32, #tpu.memory_space<hbm>>)
        %dma_wait3A_770 = arith.constant 8 : i32
        %dma_wait3A_771 = arith.constant 0 : i32
        %dma_wait3A_772 = tpu.memref_slice %arg8[%dma_wait3A_770, %dma_wait3A_771] : memref<40x768xf32, #tpu.memory_space<vmem>> -> memref<8x768xf32, #tpu.memory_space<vmem>>
        %dma_wait3A_773 = arith.constant 0 : i32
        %dma_wait3A_774 = arith.constant 0 : i32
        %dma_wait3A_775 = tpu.memref_slice %arg4[%dma_wait3A_773, %dma_wait3A_774] : memref<32768x768xf32, #tpu.memory_space<hbm>> -> memref<8x768xf32, #tpu.memory_space<hbm>>
        %dma_wait3A_776 = arith.constant 0 : i32
        %dma_wait3A_777 = arith.constant 0 : i32
        %dma_wait3A_778 = tpu.memref_slice %arg4[%dma_wait3A_776, %dma_wait3A_777] : memref<32768x768xf32, #tpu.memory_space<hbm>> -> memref<8x768xf32, #tpu.memory_space<hbm>>
        %dma_wait3A_779 = arith.constant 8 : i32
        %dma_wait3A_780 = arith.constant 0 : i32
        %dma_wait3A_781 = tpu.memref_slice %arg8[%dma_wait3A_779, %dma_wait3A_780] : memref<40x768xf32, #tpu.memory_space<vmem>> -> memref<8x768xf32, #tpu.memory_space<vmem>>
        tpu.wait_dma2 semaphore(%arg16 : memref<!tpu.dma_semaphore, #tpu.memory_space<semaphore_mem>>) src(%dma_wait3A_781 : memref<8x768xf32, #tpu.memory_space<vmem>>) dst(%dma_wait3A_778 : memref<8x768xf32, #tpu.memory_space<hbm>>)
        %dma_wait3A_782 = arith.constant 16 : i32
        %dma_wait3A_783 = arith.constant 0 : i32
        %dma_wait3A_784 = tpu.memref_slice %arg8[%dma_wait3A_782, %dma_wait3A_783] : memref<40x768xf32, #tpu.memory_space<vmem>> -> memref<8x768xf32, #tpu.memory_space<vmem>>
        %dma_wait3A_785 = arith.constant 0 : i32
        %dma_wait3A_786 = arith.constant 0 : i32
        %dma_wait3A_787 = tpu.memref_slice %arg4[%dma_wait3A_785, %dma_wait3A_786] : memref<32768x768xf32, #tpu.memory_space<hbm>> -> memref<8x768xf32, #tpu.memory_space<hbm>>
        %dma_wait3A_788 = arith.constant 0 : i32
        %dma_wait3A_789 = arith.constant 0 : i32
        %dma_wait3A_790 = tpu.memref_slice %arg4[%dma_wait3A_788, %dma_wait3A_789] : memref<32768x768xf32, #tpu.memory_space<hbm>> -> memref<8x768xf32, #tpu.memory_space<hbm>>
        %dma_wait3A_791 = arith.constant 16 : i32
        %dma_wait3A_792 = arith.constant 0 : i32
        %dma_wait3A_793 = tpu.memref_slice %arg8[%dma_wait3A_791, %dma_wait3A_792] : memref<40x768xf32, #tpu.memory_space<vmem>> -> memref<8x768xf32, #tpu.memory_space<vmem>>
        tpu.wait_dma2 semaphore(%arg16 : memref<!tpu.dma_semaphore, #tpu.memory_space<semaphore_mem>>) src(%dma_wait3A_793 : memref<8x768xf32, #tpu.memory_space<vmem>>) dst(%dma_wait3A_790 : memref<8x768xf32, #tpu.memory_space<hbm>>)
        %dma_wait3A_794 = arith.constant 24 : i32
        %dma_wait3A_795 = arith.constant 0 : i32
        %dma_wait3A_796 = tpu.memref_slice %arg8[%dma_wait3A_794, %dma_wait3A_795] : memref<40x768xf32, #tpu.memory_space<vmem>> -> memref<8x768xf32, #tpu.memory_space<vmem>>
        %dma_wait3A_797 = arith.constant 0 : i32
        %dma_wait3A_798 = arith.constant 0 : i32
        %dma_wait3A_799 = tpu.memref_slice %arg4[%dma_wait3A_797, %dma_wait3A_798] : memref<32768x768xf32, #tpu.memory_space<hbm>> -> memref<8x768xf32, #tpu.memory_space<hbm>>
        %dma_wait3A_800 = arith.constant 0 : i32
        %dma_wait3A_801 = arith.constant 0 : i32
        %dma_wait3A_802 = tpu.memref_slice %arg4[%dma_wait3A_800, %dma_wait3A_801] : memref<32768x768xf32, #tpu.memory_space<hbm>> -> memref<8x768xf32, #tpu.memory_space<hbm>>
        %dma_wait3A_803 = arith.constant 24 : i32
        %dma_wait3A_804 = arith.constant 0 : i32
        %dma_wait3A_805 = tpu.memref_slice %arg8[%dma_wait3A_803, %dma_wait3A_804] : memref<40x768xf32, #tpu.memory_space<vmem>> -> memref<8x768xf32, #tpu.memory_space<vmem>>
        tpu.wait_dma2 semaphore(%arg16 : memref<!tpu.dma_semaphore, #tpu.memory_space<semaphore_mem>>) src(%dma_wait3A_805 : memref<8x768xf32, #tpu.memory_space<vmem>>) dst(%dma_wait3A_802 : memref<8x768xf32, #tpu.memory_space<hbm>>)
      } else {
      }
      %add3A_424 = arith.constant 2 : i32
      %add3A_425 = arith.addi %add3A_358, %add3A_424 : i32
      %lt3A_426 = arith.constant 32 : i32
      %lt3A_427 = arith.cmpi slt, %add3A_425, %lt3A_426 : i32
      %convert_element_type3A_428 = arith.extui %lt3A_427 : i1 to i32
      %cond3A_429 = arith.constant 0 : i32
      %cond3A_430 = arith.cmpi ne, %convert_element_type3A_428, %cond3A_429 : i32
      scf.if %cond3A_430 {
        %add3A_758 = arith.constant 2 : i32
        %add3A_759 = arith.addi %add3A_358, %add3A_758 : i32
        %mul3A_760 = arith.constant 8 : i32
        %mul3A_761 = arith.muli %add3A_759, %mul3A_760 : i32
        %add3A_762 = arith.addi %mul3A_2, %mul3A_761 : i32
        %dma_start3A_763 = arith.constant 32 : i32
        %dma_start3A_764 = arith.constant 0 : i32
        %dma_start3A_765 = tpu.memref_slice %arg8[%dma_start3A_763, %dma_start3A_764] : memref<40x768xf32, #tpu.memory_space<vmem>> -> memref<8x768xf32, #tpu.memory_space<vmem>>
        %dma_start3A_766 = arith.constant 0 : i32
        %dma_start3A_767 = tpu.memref_slice %arg3[%add3A_762, %dma_start3A_766] : memref<8192x768xf32, #tpu.memory_space<hbm>> -> memref<8x768xf32, #tpu.memory_space<hbm>>
        %dma_start3A_768 = arith.constant 32 : i32
        %dma_start3A_769 = arith.constant 0 : i32
        %dma_start3A_770 = tpu.memref_slice %arg8[%dma_start3A_768, %dma_start3A_769] : memref<40x768xf32, #tpu.memory_space<vmem>> -> memref<8x768xf32, #tpu.memory_space<vmem>>
        %dma_start3A_771 = arith.constant 0 : i32
        %dma_start3A_772 = tpu.memref_slice %arg3[%add3A_762, %dma_start3A_771] : memref<8192x768xf32, #tpu.memory_space<hbm>> -> memref<8x768xf32, #tpu.memory_space<hbm>>
        tpu.enqueue_dma source(%dma_start3A_772 : memref<8x768xf32, #tpu.memory_space<hbm>>) target(%dma_start3A_770 : memref<8x768xf32, #tpu.memory_space<vmem>>) target_semaphore(%arg12 : memref<!tpu.dma_semaphore, #tpu.memory_space<semaphore_mem>>)
        %add3A_773 = arith.constant 0 : i32
        %add3A_774 = arith.addi %add3A_773, %add3A_762 : i32
        %dma_start3A_775 = arith.constant 0 : i32
        %dma_start3A_776 = arith.constant 0 : i32
        %dma_start3A_777 = tpu.memref_slice %arg8[%dma_start3A_775, %dma_start3A_776] : memref<40x768xf32, #tpu.memory_space<vmem>> -> memref<8x768xf32, #tpu.memory_space<vmem>>
        %dma_start3A_778 = arith.constant 0 : i32
        %dma_start3A_779 = tpu.memref_slice %arg2[%add3A_774, %dma_start3A_778] : memref<32768x768xf32, #tpu.memory_space<hbm>> -> memref<8x768xf32, #tpu.memory_space<hbm>>
        %dma_start3A_780 = arith.constant 0 : i32
        %dma_start3A_781 = arith.constant 0 : i32
        %dma_start3A_782 = tpu.memref_slice %arg8[%dma_start3A_780, %dma_start3A_781] : memref<40x768xf32, #tpu.memory_space<vmem>> -> memref<8x768xf32, #tpu.memory_space<vmem>>
        %dma_start3A_783 = arith.constant 0 : i32
        %dma_start3A_784 = tpu.memref_slice %arg2[%add3A_774, %dma_start3A_783] : memref<32768x768xf32, #tpu.memory_space<hbm>> -> memref<8x768xf32, #tpu.memory_space<hbm>>
        tpu.enqueue_dma source(%dma_start3A_784 : memref<8x768xf32, #tpu.memory_space<hbm>>) target(%dma_start3A_782 : memref<8x768xf32, #tpu.memory_space<vmem>>) target_semaphore(%arg12 : memref<!tpu.dma_semaphore, #tpu.memory_space<semaphore_mem>>)
        %add3A_785 = arith.constant 8192 : i32
        %add3A_786 = arith.addi %add3A_785, %add3A_762 : i32
        %dma_start3A_787 = arith.constant 8 : i32
        %dma_start3A_788 = arith.constant 0 : i32
        %dma_start3A_789 = tpu.memref_slice %arg8[%dma_start3A_787, %dma_start3A_788] : memref<40x768xf32, #tpu.memory_space<vmem>> -> memref<8x768xf32, #tpu.memory_space<vmem>>
        %dma_start3A_790 = arith.constant 0 : i32
        %dma_start3A_791 = tpu.memref_slice %arg2[%add3A_786, %dma_start3A_790] : memref<32768x768xf32, #tpu.memory_space<hbm>> -> memref<8x768xf32, #tpu.memory_space<hbm>>
        %dma_start3A_792 = arith.constant 8 : i32
        %dma_start3A_793 = arith.constant 0 : i32
        %dma_start3A_794 = tpu.memref_slice %arg8[%dma_start3A_792, %dma_start3A_793] : memref<40x768xf32, #tpu.memory_space<vmem>> -> memref<8x768xf32, #tpu.memory_space<vmem>>
        %dma_start3A_795 = arith.constant 0 : i32
        %dma_start3A_796 = tpu.memref_slice %arg2[%add3A_786, %dma_start3A_795] : memref<32768x768xf32, #tpu.memory_space<hbm>> -> memref<8x768xf32, #tpu.memory_space<hbm>>
        tpu.enqueue_dma source(%dma_start3A_796 : memref<8x768xf32, #tpu.memory_space<hbm>>) target(%dma_start3A_794 : memref<8x768xf32, #tpu.memory_space<vmem>>) target_semaphore(%arg12 : memref<!tpu.dma_semaphore, #tpu.memory_space<semaphore_mem>>)
        %add3A_797 = arith.constant 16384 : i32
        %add3A_798 = arith.addi %add3A_797, %add3A_762 : i32
        %dma_start3A_799 = arith.constant 16 : i32
        %dma_start3A_800 = arith.constant 0 : i32
        %dma_start3A_801 = tpu.memref_slice %arg8[%dma_start3A_799, %dma_start3A_800] : memref<40x768xf32, #tpu.memory_space<vmem>> -> memref<8x768xf32, #tpu.memory_space<vmem>>
        %dma_start3A_802 = arith.constant 0 : i32
        %dma_start3A_803 = tpu.memref_slice %arg2[%add3A_798, %dma_start3A_802] : memref<32768x768xf32, #tpu.memory_space<hbm>> -> memref<8x768xf32, #tpu.memory_space<hbm>>
        %dma_start3A_804 = arith.constant 16 : i32
        %dma_start3A_805 = arith.constant 0 : i32
        %dma_start3A_806 = tpu.memref_slice %arg8[%dma_start3A_804, %dma_start3A_805] : memref<40x768xf32, #tpu.memory_space<vmem>> -> memref<8x768xf32, #tpu.memory_space<vmem>>
        %dma_start3A_807 = arith.constant 0 : i32
        %dma_start3A_808 = tpu.memref_slice %arg2[%add3A_798, %dma_start3A_807] : memref<32768x768xf32, #tpu.memory_space<hbm>> -> memref<8x768xf32, #tpu.memory_space<hbm>>
        tpu.enqueue_dma source(%dma_start3A_808 : memref<8x768xf32, #tpu.memory_space<hbm>>) target(%dma_start3A_806 : memref<8x768xf32, #tpu.memory_space<vmem>>) target_semaphore(%arg12 : memref<!tpu.dma_semaphore, #tpu.memory_space<semaphore_mem>>)
        %add3A_809 = arith.constant 24576 : i32
        %add3A_810 = arith.addi %add3A_809, %add3A_762 : i32
        %dma_start3A_811 = arith.constant 24 : i32
        %dma_start3A_812 = arith.constant 0 : i32
        %dma_start3A_813 = tpu.memref_slice %arg8[%dma_start3A_811, %dma_start3A_812] : memref<40x768xf32, #tpu.memory_space<vmem>> -> memref<8x768xf32, #tpu.memory_space<vmem>>
        %dma_start3A_814 = arith.constant 0 : i32
        %dma_start3A_815 = tpu.memref_slice %arg2[%add3A_810, %dma_start3A_814] : memref<32768x768xf32, #tpu.memory_space<hbm>> -> memref<8x768xf32, #tpu.memory_space<hbm>>
        %dma_start3A_816 = arith.constant 24 : i32
        %dma_start3A_817 = arith.constant 0 : i32
        %dma_start3A_818 = tpu.memref_slice %arg8[%dma_start3A_816, %dma_start3A_817] : memref<40x768xf32, #tpu.memory_space<vmem>> -> memref<8x768xf32, #tpu.memory_space<vmem>>
        %dma_start3A_819 = arith.constant 0 : i32
        %dma_start3A_820 = tpu.memref_slice %arg2[%add3A_810, %dma_start3A_819] : memref<32768x768xf32, #tpu.memory_space<hbm>> -> memref<8x768xf32, #tpu.memory_space<hbm>>
        tpu.enqueue_dma source(%dma_start3A_820 : memref<8x768xf32, #tpu.memory_space<hbm>>) target(%dma_start3A_818 : memref<8x768xf32, #tpu.memory_space<vmem>>) target_semaphore(%arg12 : memref<!tpu.dma_semaphore, #tpu.memory_space<semaphore_mem>>)
      } else {
      }
      %scan3A_431 = arith.constant 0 : i32
      %scan3A_432 = arith.constant 0 : i32
      %scan3A_433 = arith.constant 48 : i32
      %scan3A_434 = arith.addi %scan3A_432, %scan3A_433 : i32
      %scan3A_435 = arith.constant 1 : i32
      %scan3A_436 = scf.for %scan3A_758 = %scan3A_432 to %scan3A_434 step %scan3A_435 iter_args(%scan3A_759 = %scan3A_431) -> (i32)  : i32 {
        %mul3A_760 = arith.constant 16 : i32
        %mul3A_761 = arith.muli %scan3A_758, %mul3A_760 : i32
        %get3A = arith.constant 32 : i32
        %get3A_762 = arith.index_cast %get3A : i32 to index
        %get3A_763 = arith.index_cast %mul3A_761 : i32 to index
        %get3A_764 = tpu.vector_load %arg6[%get3A_762, %get3A_763] {strides = array<i32>} : memref<40x768xf32, #tpu.memory_space<vmem>>, vector<1x16xf32>,
        %get3A_765 = vector.shape_cast %get3A_764 : vector<1x16xf32> to vector<16xf32>
        %get3A_766 = arith.constant 0 : i32
        %get3A_767 = arith.index_cast %get3A_766 : i32 to index
        %get3A_768 = arith.index_cast %mul3A_761 : i32 to index
        %get3A_769 = tpu.vector_load %arg6[%get3A_767, %get3A_768] {strides = array<i32>} : memref<40x768xf32, #tpu.memory_space<vmem>>, vector<1x16xf32>,
        %get3A_770 = vector.shape_cast %get3A_769 : vector<1x16xf32> to vector<16xf32>
        %add3A_771 = arith.addf %get3A_770, %get3A_765 : vector<16xf32>
        %swap3A = arith.constant 0 : i32
        %swap3A_772 = arith.index_cast %swap3A : i32 to index
        %swap3A_773 = arith.index_cast %mul3A_761 : i32 to index
        %swap3A_774 = tpu.vector_load %arg6[%swap3A_772, %swap3A_773] {strides = array<i32>} : memref<40x768xf32, #tpu.memory_space<vmem>>, vector<1x16xf32>,
        %swap3A_775 = vector.shape_cast %swap3A_774 : vector<1x16xf32> to vector<16xf32>
        %swap3A_776 = vector.shape_cast %add3A_771 : vector<16xf32> to vector<1x16xf32>
        tpu.vector_store %arg6[%swap3A_772, %swap3A_773], %swap3A_776 {strides = array<i32>} : memref<40x768xf32, #tpu.memory_space<vmem>>, vector<1x16xf32>,
        %get3A_777 = arith.constant 8 : i32
        %get3A_778 = arith.index_cast %get3A_777 : i32 to index
        %get3A_779 = arith.index_cast %mul3A_761 : i32 to index
        %get3A_780 = tpu.vector_load %arg6[%get3A_778, %get3A_779] {strides = array<i32>} : memref<40x768xf32, #tpu.memory_space<vmem>>, vector<1x16xf32>,
        %get3A_781 = vector.shape_cast %get3A_780 : vector<1x16xf32> to vector<16xf32>
        %add3A_782 = arith.addf %get3A_781, %get3A_765 : vector<16xf32>
        %swap3A_783 = arith.constant 8 : i32
        %swap3A_784 = arith.index_cast %swap3A_783 : i32 to index
        %swap3A_785 = arith.index_cast %mul3A_761 : i32 to index
        %swap3A_786 = tpu.vector_load %arg6[%swap3A_784, %swap3A_785] {strides = array<i32>} : memref<40x768xf32, #tpu.memory_space<vmem>>, vector<1x16xf32>,
        %swap3A_787 = vector.shape_cast %swap3A_786 : vector<1x16xf32> to vector<16xf32>
        %swap3A_788 = vector.shape_cast %add3A_782 : vector<16xf32> to vector<1x16xf32>
        tpu.vector_store %arg6[%swap3A_784, %swap3A_785], %swap3A_788 {strides = array<i32>} : memref<40x768xf32, #tpu.memory_space<vmem>>, vector<1x16xf32>,
        %get3A_789 = arith.constant 16 : i32
        %get3A_790 = arith.index_cast %get3A_789 : i32 to index
        %get3A_791 = arith.index_cast %mul3A_761 : i32 to index
        %get3A_792 = tpu.vector_load %arg6[%get3A_790, %get3A_791] {strides = array<i32>} : memref<40x768xf32, #tpu.memory_space<vmem>>, vector<1x16xf32>,
        %get3A_793 = vector.shape_cast %get3A_792 : vector<1x16xf32> to vector<16xf32>
        %add3A_794 = arith.addf %get3A_793, %get3A_765 : vector<16xf32>
        %swap3A_795 = arith.constant 16 : i32
        %swap3A_796 = arith.index_cast %swap3A_795 : i32 to index
        %swap3A_797 = arith.index_cast %mul3A_761 : i32 to index
        %swap3A_798 = tpu.vector_load %arg6[%swap3A_796, %swap3A_797] {strides = array<i32>} : memref<40x768xf32, #tpu.memory_space<vmem>>, vector<1x16xf32>,
        %swap3A_799 = vector.shape_cast %swap3A_798 : vector<1x16xf32> to vector<16xf32>
        %swap3A_800 = vector.shape_cast %add3A_794 : vector<16xf32> to vector<1x16xf32>
        tpu.vector_store %arg6[%swap3A_796, %swap3A_797], %swap3A_800 {strides = array<i32>} : memref<40x768xf32, #tpu.memory_space<vmem>>, vector<1x16xf32>,
        %get3A_801 = arith.constant 24 : i32
        %get3A_802 = arith.index_cast %get3A_801 : i32 to index
        %get3A_803 = arith.index_cast %mul3A_761 : i32 to index
        %get3A_804 = tpu.vector_load %arg6[%get3A_802, %get3A_803] {strides = array<i32>} : memref<40x768xf32, #tpu.memory_space<vmem>>, vector<1x16xf32>,
        %get3A_805 = vector.shape_cast %get3A_804 : vector<1x16xf32> to vector<16xf32>
        %add3A_806 = arith.addf %get3A_805, %get3A_765 : vector<16xf32>
        %swap3A_807 = arith.constant 24 : i32
        %swap3A_808 = arith.index_cast %swap3A_807 : i32 to index
        %swap3A_809 = arith.index_cast %mul3A_761 : i32 to index
        %swap3A_810 = tpu.vector_load %arg6[%swap3A_808, %swap3A_809] {strides = array<i32>} : memref<40x768xf32, #tpu.memory_space<vmem>>, vector<1x16xf32>,
        %swap3A_811 = vector.shape_cast %swap3A_810 : vector<1x16xf32> to vector<16xf32>
        %swap3A_812 = vector.shape_cast %add3A_806 : vector<16xf32> to vector<1x16xf32>
        tpu.vector_store %arg6[%swap3A_808, %swap3A_809], %swap3A_812 {strides = array<i32>} : memref<40x768xf32, #tpu.memory_space<vmem>>, vector<1x16xf32>,
        %get3A_813 = arith.constant 33 : i32
        %get3A_814 = arith.index_cast %get3A_813 : i32 to index
        %get3A_815 = arith.index_cast %mul3A_761 : i32 to index
        %get3A_816 = tpu.vector_load %arg6[%get3A_814, %get3A_815] {strides = array<i32>} : memref<40x768xf32, #tpu.memory_space<vmem>>, vector<1x16xf32>,
        %get3A_817 = vector.shape_cast %get3A_816 : vector<1x16xf32> to vector<16xf32>
        %get3A_818 = arith.constant 1 : i32
        %get3A_819 = arith.index_cast %get3A_818 : i32 to index
        %get3A_820 = arith.index_cast %mul3A_761 : i32 to index
        %get3A_821 = tpu.vector_load %arg6[%get3A_819, %get3A_820] {strides = array<i32>} : memref<40x768xf32, #tpu.memory_space<vmem>>, vector<1x16xf32>,
        %get3A_822 = vector.shape_cast %get3A_821 : vector<1x16xf32> to vector<16xf32>
        %add3A_823 = arith.addf %get3A_822, %get3A_817 : vector<16xf32>
        %swap3A_824 = arith.constant 1 : i32
        %swap3A_825 = arith.index_cast %swap3A_824 : i32 to index
        %swap3A_826 = arith.index_cast %mul3A_761 : i32 to index
        %swap3A_827 = tpu.vector_load %arg6[%swap3A_825, %swap3A_826] {strides = array<i32>} : memref<40x768xf32, #tpu.memory_space<vmem>>, vector<1x16xf32>,
        %swap3A_828 = vector.shape_cast %swap3A_827 : vector<1x16xf32> to vector<16xf32>
        %swap3A_829 = vector.shape_cast %add3A_823 : vector<16xf32> to vector<1x16xf32>
        tpu.vector_store %arg6[%swap3A_825, %swap3A_826], %swap3A_829 {strides = array<i32>} : memref<40x768xf32, #tpu.memory_space<vmem>>, vector<1x16xf32>,
        %get3A_830 = arith.constant 9 : i32
        %get3A_831 = arith.index_cast %get3A_830 : i32 to index
        %get3A_832 = arith.index_cast %mul3A_761 : i32 to index
        %get3A_833 = tpu.vector_load %arg6[%get3A_831, %get3A_832] {strides = array<i32>} : memref<40x768xf32, #tpu.memory_space<vmem>>, vector<1x16xf32>,
        %get3A_834 = vector.shape_cast %get3A_833 : vector<1x16xf32> to vector<16xf32>
        %add3A_835 = arith.addf %get3A_834, %get3A_817 : vector<16xf32>
        %swap3A_836 = arith.constant 9 : i32
        %swap3A_837 = arith.index_cast %swap3A_836 : i32 to index
        %swap3A_838 = arith.index_cast %mul3A_761 : i32 to index
        %swap3A_839 = tpu.vector_load %arg6[%swap3A_837, %swap3A_838] {strides = array<i32>} : memref<40x768xf32, #tpu.memory_space<vmem>>, vector<1x16xf32>,
        %swap3A_840 = vector.shape_cast %swap3A_839 : vector<1x16xf32> to vector<16xf32>
        %swap3A_841 = vector.shape_cast %add3A_835 : vector<16xf32> to vector<1x16xf32>
        tpu.vector_store %arg6[%swap3A_837, %swap3A_838], %swap3A_841 {strides = array<i32>} : memref<40x768xf32, #tpu.memory_space<vmem>>, vector<1x16xf32>,
        %get3A_842 = arith.constant 17 : i32
        %get3A_843 = arith.index_cast %get3A_842 : i32 to index
        %get3A_844 = arith.index_cast %mul3A_761 : i32 to index
        %get3A_845 = tpu.vector_load %arg6[%get3A_843, %get3A_844] {strides = array<i32>} : memref<40x768xf32, #tpu.memory_space<vmem>>, vector<1x16xf32>,
        %get3A_846 = vector.shape_cast %get3A_845 : vector<1x16xf32> to vector<16xf32>
        %add3A_847 = arith.addf %get3A_846, %get3A_817 : vector<16xf32>
        %swap3A_848 = arith.constant 17 : i32
        %swap3A_849 = arith.index_cast %swap3A_848 : i32 to index
        %swap3A_850 = arith.index_cast %mul3A_761 : i32 to index
        %swap3A_851 = tpu.vector_load %arg6[%swap3A_849, %swap3A_850] {strides = array<i32>} : memref<40x768xf32, #tpu.memory_space<vmem>>, vector<1x16xf32>,
        %swap3A_852 = vector.shape_cast %swap3A_851 : vector<1x16xf32> to vector<16xf32>
        %swap3A_853 = vector.shape_cast %add3A_847 : vector<16xf32> to vector<1x16xf32>
        tpu.vector_store %arg6[%swap3A_849, %swap3A_850], %swap3A_853 {strides = array<i32>} : memref<40x768xf32, #tpu.memory_space<vmem>>, vector<1x16xf32>,
        %get3A_854 = arith.constant 25 : i32
        %get3A_855 = arith.index_cast %get3A_854 : i32 to index
        %get3A_856 = arith.index_cast %mul3A_761 : i32 to index
        %get3A_857 = tpu.vector_load %arg6[%get3A_855, %get3A_856] {strides = array<i32>} : memref<40x768xf32, #tpu.memory_space<vmem>>, vector<1x16xf32>,
        %get3A_858 = vector.shape_cast %get3A_857 : vector<1x16xf32> to vector<16xf32>
        %add3A_859 = arith.addf %get3A_858, %get3A_817 : vector<16xf32>
        %swap3A_860 = arith.constant 25 : i32
        %swap3A_861 = arith.index_cast %swap3A_860 : i32 to index
        %swap3A_862 = arith.index_cast %mul3A_761 : i32 to index
        %swap3A_863 = tpu.vector_load %arg6[%swap3A_861, %swap3A_862] {strides = array<i32>} : memref<40x768xf32, #tpu.memory_space<vmem>>, vector<1x16xf32>,
        %swap3A_864 = vector.shape_cast %swap3A_863 : vector<1x16xf32> to vector<16xf32>
        %swap3A_865 = vector.shape_cast %add3A_859 : vector<16xf32> to vector<1x16xf32>
        tpu.vector_store %arg6[%swap3A_861, %swap3A_862], %swap3A_865 {strides = array<i32>} : memref<40x768xf32, #tpu.memory_space<vmem>>, vector<1x16xf32>,
        %get3A_866 = arith.constant 34 : i32
        %get3A_867 = arith.index_cast %get3A_866 : i32 to index
        %get3A_868 = arith.index_cast %mul3A_761 : i32 to index
        %get3A_869 = tpu.vector_load %arg6[%get3A_867, %get3A_868] {strides = array<i32>} : memref<40x768xf32, #tpu.memory_space<vmem>>, vector<1x16xf32>,
        %get3A_870 = vector.shape_cast %get3A_869 : vector<1x16xf32> to vector<16xf32>
        %get3A_871 = arith.constant 2 : i32
        %get3A_872 = arith.index_cast %get3A_871 : i32 to index
        %get3A_873 = arith.index_cast %mul3A_761 : i32 to index
        %get3A_874 = tpu.vector_load %arg6[%get3A_872, %get3A_873] {strides = array<i32>} : memref<40x768xf32, #tpu.memory_space<vmem>>, vector<1x16xf32>,
        %get3A_875 = vector.shape_cast %get3A_874 : vector<1x16xf32> to vector<16xf32>
        %add3A_876 = arith.addf %get3A_875, %get3A_870 : vector<16xf32>
        %swap3A_877 = arith.constant 2 : i32
        %swap3A_878 = arith.index_cast %swap3A_877 : i32 to index
        %swap3A_879 = arith.index_cast %mul3A_761 : i32 to index
        %swap3A_880 = tpu.vector_load %arg6[%swap3A_878, %swap3A_879] {strides = array<i32>} : memref<40x768xf32, #tpu.memory_space<vmem>>, vector<1x16xf32>,
        %swap3A_881 = vector.shape_cast %swap3A_880 : vector<1x16xf32> to vector<16xf32>
        %swap3A_882 = vector.shape_cast %add3A_876 : vector<16xf32> to vector<1x16xf32>
        tpu.vector_store %arg6[%swap3A_878, %swap3A_879], %swap3A_882 {strides = array<i32>} : memref<40x768xf32, #tpu.memory_space<vmem>>, vector<1x16xf32>,
        %get3A_883 = arith.constant 10 : i32
        %get3A_884 = arith.index_cast %get3A_883 : i32 to index
        %get3A_885 = arith.index_cast %mul3A_761 : i32 to index
        %get3A_886 = tpu.vector_load %arg6[%get3A_884, %get3A_885] {strides = array<i32>} : memref<40x768xf32, #tpu.memory_space<vmem>>, vector<1x16xf32>,
        %get3A_887 = vector.shape_cast %get3A_886 : vector<1x16xf32> to vector<16xf32>
        %add3A_888 = arith.addf %get3A_887, %get3A_870 : vector<16xf32>
        %swap3A_889 = arith.constant 10 : i32
        %swap3A_890 = arith.index_cast %swap3A_889 : i32 to index
        %swap3A_891 = arith.index_cast %mul3A_761 : i32 to index
        %swap3A_892 = tpu.vector_load %arg6[%swap3A_890, %swap3A_891] {strides = array<i32>} : memref<40x768xf32, #tpu.memory_space<vmem>>, vector<1x16xf32>,
        %swap3A_893 = vector.shape_cast %swap3A_892 : vector<1x16xf32> to vector<16xf32>
        %swap3A_894 = vector.shape_cast %add3A_888 : vector<16xf32> to vector<1x16xf32>
        tpu.vector_store %arg6[%swap3A_890, %swap3A_891], %swap3A_894 {strides = array<i32>} : memref<40x768xf32, #tpu.memory_space<vmem>>, vector<1x16xf32>,
        %get3A_895 = arith.constant 18 : i32
        %get3A_896 = arith.index_cast %get3A_895 : i32 to index
        %get3A_897 = arith.index_cast %mul3A_761 : i32 to index
        %get3A_898 = tpu.vector_load %arg6[%get3A_896, %get3A_897] {strides = array<i32>} : memref<40x768xf32, #tpu.memory_space<vmem>>, vector<1x16xf32>,
        %get3A_899 = vector.shape_cast %get3A_898 : vector<1x16xf32> to vector<16xf32>
        %add3A_900 = arith.addf %get3A_899, %get3A_870 : vector<16xf32>
        %swap3A_901 = arith.constant 18 : i32
        %swap3A_902 = arith.index_cast %swap3A_901 : i32 to index
        %swap3A_903 = arith.index_cast %mul3A_761 : i32 to index
        %swap3A_904 = tpu.vector_load %arg6[%swap3A_902, %swap3A_903] {strides = array<i32>} : memref<40x768xf32, #tpu.memory_space<vmem>>, vector<1x16xf32>,
        %swap3A_905 = vector.shape_cast %swap3A_904 : vector<1x16xf32> to vector<16xf32>
        %swap3A_906 = vector.shape_cast %add3A_900 : vector<16xf32> to vector<1x16xf32>
        tpu.vector_store %arg6[%swap3A_902, %swap3A_903], %swap3A_906 {strides = array<i32>} : memref<40x768xf32, #tpu.memory_space<vmem>>, vector<1x16xf32>,
        %get3A_907 = arith.constant 26 : i32
        %get3A_908 = arith.index_cast %get3A_907 : i32 to index
        %get3A_909 = arith.index_cast %mul3A_761 : i32 to index
        %get3A_910 = tpu.vector_load %arg6[%get3A_908, %get3A_909] {strides = array<i32>} : memref<40x768xf32, #tpu.memory_space<vmem>>, vector<1x16xf32>,
        %get3A_911 = vector.shape_cast %get3A_910 : vector<1x16xf32> to vector<16xf32>
        %add3A_912 = arith.addf %get3A_911, %get3A_870 : vector<16xf32>
        %swap3A_913 = arith.constant 26 : i32
        %swap3A_914 = arith.index_cast %swap3A_913 : i32 to index
        %swap3A_915 = arith.index_cast %mul3A_761 : i32 to index
        %swap3A_916 = tpu.vector_load %arg6[%swap3A_914, %swap3A_915] {strides = array<i32>} : memref<40x768xf32, #tpu.memory_space<vmem>>, vector<1x16xf32>,
        %swap3A_917 = vector.shape_cast %swap3A_916 : vector<1x16xf32> to vector<16xf32>
        %swap3A_918 = vector.shape_cast %add3A_912 : vector<16xf32> to vector<1x16xf32>
        tpu.vector_store %arg6[%swap3A_914, %swap3A_915], %swap3A_918 {strides = array<i32>} : memref<40x768xf32, #tpu.memory_space<vmem>>, vector<1x16xf32>,
        %get3A_919 = arith.constant 35 : i32
        %get3A_920 = arith.index_cast %get3A_919 : i32 to index
        %get3A_921 = arith.index_cast %mul3A_761 : i32 to index
        %get3A_922 = tpu.vector_load %arg6[%get3A_920, %get3A_921] {strides = array<i32>} : memref<40x768xf32, #tpu.memory_space<vmem>>, vector<1x16xf32>,
        %get3A_923 = vector.shape_cast %get3A_922 : vector<1x16xf32> to vector<16xf32>
        %get3A_924 = arith.constant 3 : i32
        %get3A_925 = arith.index_cast %get3A_924 : i32 to index
        %get3A_926 = arith.index_cast %mul3A_761 : i32 to index
        %get3A_927 = tpu.vector_load %arg6[%get3A_925, %get3A_926] {strides = array<i32>} : memref<40x768xf32, #tpu.memory_space<vmem>>, vector<1x16xf32>,
        %get3A_928 = vector.shape_cast %get3A_927 : vector<1x16xf32> to vector<16xf32>
        %add3A_929 = arith.addf %get3A_928, %get3A_923 : vector<16xf32>
        %swap3A_930 = arith.constant 3 : i32
        %swap3A_931 = arith.index_cast %swap3A_930 : i32 to index
        %swap3A_932 = arith.index_cast %mul3A_761 : i32 to index
        %swap3A_933 = tpu.vector_load %arg6[%swap3A_931, %swap3A_932] {strides = array<i32>} : memref<40x768xf32, #tpu.memory_space<vmem>>, vector<1x16xf32>,
        %swap3A_934 = vector.shape_cast %swap3A_933 : vector<1x16xf32> to vector<16xf32>
        %swap3A_935 = vector.shape_cast %add3A_929 : vector<16xf32> to vector<1x16xf32>
        tpu.vector_store %arg6[%swap3A_931, %swap3A_932], %swap3A_935 {strides = array<i32>} : memref<40x768xf32, #tpu.memory_space<vmem>>, vector<1x16xf32>,
        %get3A_936 = arith.constant 11 : i32
        %get3A_937 = arith.index_cast %get3A_936 : i32 to index
        %get3A_938 = arith.index_cast %mul3A_761 : i32 to index
        %get3A_939 = tpu.vector_load %arg6[%get3A_937, %get3A_938] {strides = array<i32>} : memref<40x768xf32, #tpu.memory_space<vmem>>, vector<1x16xf32>,
        %get3A_940 = vector.shape_cast %get3A_939 : vector<1x16xf32> to vector<16xf32>
        %add3A_941 = arith.addf %get3A_940, %get3A_923 : vector<16xf32>
        %swap3A_942 = arith.constant 11 : i32
        %swap3A_943 = arith.index_cast %swap3A_942 : i32 to index
        %swap3A_944 = arith.index_cast %mul3A_761 : i32 to index
        %swap3A_945 = tpu.vector_load %arg6[%swap3A_943, %swap3A_944] {strides = array<i32>} : memref<40x768xf32, #tpu.memory_space<vmem>>, vector<1x16xf32>,
        %swap3A_946 = vector.shape_cast %swap3A_945 : vector<1x16xf32> to vector<16xf32>
        %swap3A_947 = vector.shape_cast %add3A_941 : vector<16xf32> to vector<1x16xf32>
        tpu.vector_store %arg6[%swap3A_943, %swap3A_944], %swap3A_947 {strides = array<i32>} : memref<40x768xf32, #tpu.memory_space<vmem>>, vector<1x16xf32>,
        %get3A_948 = arith.constant 19 : i32
        %get3A_949 = arith.index_cast %get3A_948 : i32 to index
        %get3A_950 = arith.index_cast %mul3A_761 : i32 to index
        %get3A_951 = tpu.vector_load %arg6[%get3A_949, %get3A_950] {strides = array<i32>} : memref<40x768xf32, #tpu.memory_space<vmem>>, vector<1x16xf32>,
        %get3A_952 = vector.shape_cast %get3A_951 : vector<1x16xf32> to vector<16xf32>
        %add3A_953 = arith.addf %get3A_952, %get3A_923 : vector<16xf32>
        %swap3A_954 = arith.constant 19 : i32
        %swap3A_955 = arith.index_cast %swap3A_954 : i32 to index
        %swap3A_956 = arith.index_cast %mul3A_761 : i32 to index
        %swap3A_957 = tpu.vector_load %arg6[%swap3A_955, %swap3A_956] {strides = array<i32>} : memref<40x768xf32, #tpu.memory_space<vmem>>, vector<1x16xf32>,
        %swap3A_958 = vector.shape_cast %swap3A_957 : vector<1x16xf32> to vector<16xf32>
        %swap3A_959 = vector.shape_cast %add3A_953 : vector<16xf32> to vector<1x16xf32>
        tpu.vector_store %arg6[%swap3A_955, %swap3A_956], %swap3A_959 {strides = array<i32>} : memref<40x768xf32, #tpu.memory_space<vmem>>, vector<1x16xf32>,
        %get3A_960 = arith.constant 27 : i32
        %get3A_961 = arith.index_cast %get3A_960 : i32 to index
        %get3A_962 = arith.index_cast %mul3A_761 : i32 to index
        %get3A_963 = tpu.vector_load %arg6[%get3A_961, %get3A_962] {strides = array<i32>} : memref<40x768xf32, #tpu.memory_space<vmem>>, vector<1x16xf32>,
        %get3A_964 = vector.shape_cast %get3A_963 : vector<1x16xf32> to vector<16xf32>
        %add3A_965 = arith.addf %get3A_964, %get3A_923 : vector<16xf32>
        %swap3A_966 = arith.constant 27 : i32
        %swap3A_967 = arith.index_cast %swap3A_966 : i32 to index
        %swap3A_968 = arith.index_cast %mul3A_761 : i32 to index
        %swap3A_969 = tpu.vector_load %arg6[%swap3A_967, %swap3A_968] {strides = array<i32>} : memref<40x768xf32, #tpu.memory_space<vmem>>, vector<1x16xf32>,
        %swap3A_970 = vector.shape_cast %swap3A_969 : vector<1x16xf32> to vector<16xf32>
        %swap3A_971 = vector.shape_cast %add3A_965 : vector<16xf32> to vector<1x16xf32>
        tpu.vector_store %arg6[%swap3A_967, %swap3A_968], %swap3A_971 {strides = array<i32>} : memref<40x768xf32, #tpu.memory_space<vmem>>, vector<1x16xf32>,
        %get3A_972 = arith.constant 36 : i32
        %get3A_973 = arith.index_cast %get3A_972 : i32 to index
        %get3A_974 = arith.index_cast %mul3A_761 : i32 to index
        %get3A_975 = tpu.vector_load %arg6[%get3A_973, %get3A_974] {strides = array<i32>} : memref<40x768xf32, #tpu.memory_space<vmem>>, vector<1x16xf32>,
        %get3A_976 = vector.shape_cast %get3A_975 : vector<1x16xf32> to vector<16xf32>
        %get3A_977 = arith.constant 4 : i32
        %get3A_978 = arith.index_cast %get3A_977 : i32 to index
        %get3A_979 = arith.index_cast %mul3A_761 : i32 to index
        %get3A_980 = tpu.vector_load %arg6[%get3A_978, %get3A_979] {strides = array<i32>} : memref<40x768xf32, #tpu.memory_space<vmem>>, vector<1x16xf32>,
        %get3A_981 = vector.shape_cast %get3A_980 : vector<1x16xf32> to vector<16xf32>
        %add3A_982 = arith.addf %get3A_981, %get3A_976 : vector<16xf32>
        %swap3A_983 = arith.constant 4 : i32
        %swap3A_984 = arith.index_cast %swap3A_983 : i32 to index
        %swap3A_985 = arith.index_cast %mul3A_761 : i32 to index
        %swap3A_986 = tpu.vector_load %arg6[%swap3A_984, %swap3A_985] {strides = array<i32>} : memref<40x768xf32, #tpu.memory_space<vmem>>, vector<1x16xf32>,
        %swap3A_987 = vector.shape_cast %swap3A_986 : vector<1x16xf32> to vector<16xf32>
        %swap3A_988 = vector.shape_cast %add3A_982 : vector<16xf32> to vector<1x16xf32>
        tpu.vector_store %arg6[%swap3A_984, %swap3A_985], %swap3A_988 {strides = array<i32>} : memref<40x768xf32, #tpu.memory_space<vmem>>, vector<1x16xf32>,
        %get3A_989 = arith.constant 12 : i32
        %get3A_990 = arith.index_cast %get3A_989 : i32 to index
        %get3A_991 = arith.index_cast %mul3A_761 : i32 to index
        %get3A_992 = tpu.vector_load %arg6[%get3A_990, %get3A_991] {strides = array<i32>} : memref<40x768xf32, #tpu.memory_space<vmem>>, vector<1x16xf32>,
        %get3A_993 = vector.shape_cast %get3A_992 : vector<1x16xf32> to vector<16xf32>
        %add3A_994 = arith.addf %get3A_993, %get3A_976 : vector<16xf32>
        %swap3A_995 = arith.constant 12 : i32
        %swap3A_996 = arith.index_cast %swap3A_995 : i32 to index
        %swap3A_997 = arith.index_cast %mul3A_761 : i32 to index
        %swap3A_998 = tpu.vector_load %arg6[%swap3A_996, %swap3A_997] {strides = array<i32>} : memref<40x768xf32, #tpu.memory_space<vmem>>, vector<1x16xf32>,
        %swap3A_999 = vector.shape_cast %swap3A_998 : vector<1x16xf32> to vector<16xf32>
        %swap3A_1000 = vector.shape_cast %add3A_994 : vector<16xf32> to vector<1x16xf32>
        tpu.vector_store %arg6[%swap3A_996, %swap3A_997], %swap3A_1000 {strides = array<i32>} : memref<40x768xf32, #tpu.memory_space<vmem>>, vector<1x16xf32>,
        %get3A_1001 = arith.constant 20 : i32
        %get3A_1002 = arith.index_cast %get3A_1001 : i32 to index
        %get3A_1003 = arith.index_cast %mul3A_761 : i32 to index
        %get3A_1004 = tpu.vector_load %arg6[%get3A_1002, %get3A_1003] {strides = array<i32>} : memref<40x768xf32, #tpu.memory_space<vmem>>, vector<1x16xf32>,
        %get3A_1005 = vector.shape_cast %get3A_1004 : vector<1x16xf32> to vector<16xf32>
        %add3A_1006 = arith.addf %get3A_1005, %get3A_976 : vector<16xf32>
        %swap3A_1007 = arith.constant 20 : i32
        %swap3A_1008 = arith.index_cast %swap3A_1007 : i32 to index
        %swap3A_1009 = arith.index_cast %mul3A_761 : i32 to index
        %swap3A_1010 = tpu.vector_load %arg6[%swap3A_1008, %swap3A_1009] {strides = array<i32>} : memref<40x768xf32, #tpu.memory_space<vmem>>, vector<1x16xf32>,
        %swap3A_1011 = vector.shape_cast %swap3A_1010 : vector<1x16xf32> to vector<16xf32>
        %swap3A_1012 = vector.shape_cast %add3A_1006 : vector<16xf32> to vector<1x16xf32>
        tpu.vector_store %arg6[%swap3A_1008, %swap3A_1009], %swap3A_1012 {strides = array<i32>} : memref<40x768xf32, #tpu.memory_space<vmem>>, vector<1x16xf32>,
        %get3A_1013 = arith.constant 28 : i32
        %get3A_1014 = arith.index_cast %get3A_1013 : i32 to index
        %get3A_1015 = arith.index_cast %mul3A_761 : i32 to index
        %get3A_1016 = tpu.vector_load %arg6[%get3A_1014, %get3A_1015] {strides = array<i32>} : memref<40x768xf32, #tpu.memory_space<vmem>>, vector<1x16xf32>,
        %get3A_1017 = vector.shape_cast %get3A_1016 : vector<1x16xf32> to vector<16xf32>
        %add3A_1018 = arith.addf %get3A_1017, %get3A_976 : vector<16xf32>
        %swap3A_1019 = arith.constant 28 : i32
        %swap3A_1020 = arith.index_cast %swap3A_1019 : i32 to index
        %swap3A_1021 = arith.index_cast %mul3A_761 : i32 to index
        %swap3A_1022 = tpu.vector_load %arg6[%swap3A_1020, %swap3A_1021] {strides = array<i32>} : memref<40x768xf32, #tpu.memory_space<vmem>>, vector<1x16xf32>,
        %swap3A_1023 = vector.shape_cast %swap3A_1022 : vector<1x16xf32> to vector<16xf32>
        %swap3A_1024 = vector.shape_cast %add3A_1018 : vector<16xf32> to vector<1x16xf32>
        tpu.vector_store %arg6[%swap3A_1020, %swap3A_1021], %swap3A_1024 {strides = array<i32>} : memref<40x768xf32, #tpu.memory_space<vmem>>, vector<1x16xf32>,
        %get3A_1025 = arith.constant 37 : i32
        %get3A_1026 = arith.index_cast %get3A_1025 : i32 to index
        %get3A_1027 = arith.index_cast %mul3A_761 : i32 to index
        %get3A_1028 = tpu.vector_load %arg6[%get3A_1026, %get3A_1027] {strides = array<i32>} : memref<40x768xf32, #tpu.memory_space<vmem>>, vector<1x16xf32>,
        %get3A_1029 = vector.shape_cast %get3A_1028 : vector<1x16xf32> to vector<16xf32>
        %get3A_1030 = arith.constant 5 : i32
        %get3A_1031 = arith.index_cast %get3A_1030 : i32 to index
        %get3A_1032 = arith.index_cast %mul3A_761 : i32 to index
        %get3A_1033 = tpu.vector_load %arg6[%get3A_1031, %get3A_1032] {strides = array<i32>} : memref<40x768xf32, #tpu.memory_space<vmem>>, vector<1x16xf32>,
        %get3A_1034 = vector.shape_cast %get3A_1033 : vector<1x16xf32> to vector<16xf32>
        %add3A_1035 = arith.addf %get3A_1034, %get3A_1029 : vector<16xf32>
        %swap3A_1036 = arith.constant 5 : i32
        %swap3A_1037 = arith.index_cast %swap3A_1036 : i32 to index
        %swap3A_1038 = arith.index_cast %mul3A_761 : i32 to index
        %swap3A_1039 = tpu.vector_load %arg6[%swap3A_1037, %swap3A_1038] {strides = array<i32>} : memref<40x768xf32, #tpu.memory_space<vmem>>, vector<1x16xf32>,
        %swap3A_1040 = vector.shape_cast %swap3A_1039 : vector<1x16xf32> to vector<16xf32>
        %swap3A_1041 = vector.shape_cast %add3A_1035 : vector<16xf32> to vector<1x16xf32>
        tpu.vector_store %arg6[%swap3A_1037, %swap3A_1038], %swap3A_1041 {strides = array<i32>} : memref<40x768xf32, #tpu.memory_space<vmem>>, vector<1x16xf32>,
        %get3A_1042 = arith.constant 13 : i32
        %get3A_1043 = arith.index_cast %get3A_1042 : i32 to index
        %get3A_1044 = arith.index_cast %mul3A_761 : i32 to index
        %get3A_1045 = tpu.vector_load %arg6[%get3A_1043, %get3A_1044] {strides = array<i32>} : memref<40x768xf32, #tpu.memory_space<vmem>>, vector<1x16xf32>,
        %get3A_1046 = vector.shape_cast %get3A_1045 : vector<1x16xf32> to vector<16xf32>
        %add3A_1047 = arith.addf %get3A_1046, %get3A_1029 : vector<16xf32>
        %swap3A_1048 = arith.constant 13 : i32
        %swap3A_1049 = arith.index_cast %swap3A_1048 : i32 to index
        %swap3A_1050 = arith.index_cast %mul3A_761 : i32 to index
        %swap3A_1051 = tpu.vector_load %arg6[%swap3A_1049, %swap3A_1050] {strides = array<i32>} : memref<40x768xf32, #tpu.memory_space<vmem>>, vector<1x16xf32>,
        %swap3A_1052 = vector.shape_cast %swap3A_1051 : vector<1x16xf32> to vector<16xf32>
        %swap3A_1053 = vector.shape_cast %add3A_1047 : vector<16xf32> to vector<1x16xf32>
        tpu.vector_store %arg6[%swap3A_1049, %swap3A_1050], %swap3A_1053 {strides = array<i32>} : memref<40x768xf32, #tpu.memory_space<vmem>>, vector<1x16xf32>,
        %get3A_1054 = arith.constant 21 : i32
        %get3A_1055 = arith.index_cast %get3A_1054 : i32 to index
        %get3A_1056 = arith.index_cast %mul3A_761 : i32 to index
        %get3A_1057 = tpu.vector_load %arg6[%get3A_1055, %get3A_1056] {strides = array<i32>} : memref<40x768xf32, #tpu.memory_space<vmem>>, vector<1x16xf32>,
        %get3A_1058 = vector.shape_cast %get3A_1057 : vector<1x16xf32> to vector<16xf32>
        %add3A_1059 = arith.addf %get3A_1058, %get3A_1029 : vector<16xf32>
        %swap3A_1060 = arith.constant 21 : i32
        %swap3A_1061 = arith.index_cast %swap3A_1060 : i32 to index
        %swap3A_1062 = arith.index_cast %mul3A_761 : i32 to index
        %swap3A_1063 = tpu.vector_load %arg6[%swap3A_1061, %swap3A_1062] {strides = array<i32>} : memref<40x768xf32, #tpu.memory_space<vmem>>, vector<1x16xf32>,
        %swap3A_1064 = vector.shape_cast %swap3A_1063 : vector<1x16xf32> to vector<16xf32>
        %swap3A_1065 = vector.shape_cast %add3A_1059 : vector<16xf32> to vector<1x16xf32>
        tpu.vector_store %arg6[%swap3A_1061, %swap3A_1062], %swap3A_1065 {strides = array<i32>} : memref<40x768xf32, #tpu.memory_space<vmem>>, vector<1x16xf32>,
        %get3A_1066 = arith.constant 29 : i32
        %get3A_1067 = arith.index_cast %get3A_1066 : i32 to index
        %get3A_1068 = arith.index_cast %mul3A_761 : i32 to index
        %get3A_1069 = tpu.vector_load %arg6[%get3A_1067, %get3A_1068] {strides = array<i32>} : memref<40x768xf32, #tpu.memory_space<vmem>>, vector<1x16xf32>,
        %get3A_1070 = vector.shape_cast %get3A_1069 : vector<1x16xf32> to vector<16xf32>
        %add3A_1071 = arith.addf %get3A_1070, %get3A_1029 : vector<16xf32>
        %swap3A_1072 = arith.constant 29 : i32
        %swap3A_1073 = arith.index_cast %swap3A_1072 : i32 to index
        %swap3A_1074 = arith.index_cast %mul3A_761 : i32 to index
        %swap3A_1075 = tpu.vector_load %arg6[%swap3A_1073, %swap3A_1074] {strides = array<i32>} : memref<40x768xf32, #tpu.memory_space<vmem>>, vector<1x16xf32>,
        %swap3A_1076 = vector.shape_cast %swap3A_1075 : vector<1x16xf32> to vector<16xf32>
        %swap3A_1077 = vector.shape_cast %add3A_1071 : vector<16xf32> to vector<1x16xf32>
        tpu.vector_store %arg6[%swap3A_1073, %swap3A_1074], %swap3A_1077 {strides = array<i32>} : memref<40x768xf32, #tpu.memory_space<vmem>>, vector<1x16xf32>,
        %get3A_1078 = arith.constant 38 : i32
        %get3A_1079 = arith.index_cast %get3A_1078 : i32 to index
        %get3A_1080 = arith.index_cast %mul3A_761 : i32 to index
        %get3A_1081 = tpu.vector_load %arg6[%get3A_1079, %get3A_1080] {strides = array<i32>} : memref<40x768xf32, #tpu.memory_space<vmem>>, vector<1x16xf32>,
        %get3A_1082 = vector.shape_cast %get3A_1081 : vector<1x16xf32> to vector<16xf32>
        %get3A_1083 = arith.constant 6 : i32
        %get3A_1084 = arith.index_cast %get3A_1083 : i32 to index
        %get3A_1085 = arith.index_cast %mul3A_761 : i32 to index
        %get3A_1086 = tpu.vector_load %arg6[%get3A_1084, %get3A_1085] {strides = array<i32>} : memref<40x768xf32, #tpu.memory_space<vmem>>, vector<1x16xf32>,
        %get3A_1087 = vector.shape_cast %get3A_1086 : vector<1x16xf32> to vector<16xf32>
        %add3A_1088 = arith.addf %get3A_1087, %get3A_1082 : vector<16xf32>
        %swap3A_1089 = arith.constant 6 : i32
        %swap3A_1090 = arith.index_cast %swap3A_1089 : i32 to index
        %swap3A_1091 = arith.index_cast %mul3A_761 : i32 to index
        %swap3A_1092 = tpu.vector_load %arg6[%swap3A_1090, %swap3A_1091] {strides = array<i32>} : memref<40x768xf32, #tpu.memory_space<vmem>>, vector<1x16xf32>,
        %swap3A_1093 = vector.shape_cast %swap3A_1092 : vector<1x16xf32> to vector<16xf32>
        %swap3A_1094 = vector.shape_cast %add3A_1088 : vector<16xf32> to vector<1x16xf32>
        tpu.vector_store %arg6[%swap3A_1090, %swap3A_1091], %swap3A_1094 {strides = array<i32>} : memref<40x768xf32, #tpu.memory_space<vmem>>, vector<1x16xf32>,
        %get3A_1095 = arith.constant 14 : i32
        %get3A_1096 = arith.index_cast %get3A_1095 : i32 to index
        %get3A_1097 = arith.index_cast %mul3A_761 : i32 to index
        %get3A_1098 = tpu.vector_load %arg6[%get3A_1096, %get3A_1097] {strides = array<i32>} : memref<40x768xf32, #tpu.memory_space<vmem>>, vector<1x16xf32>,
        %get3A_1099 = vector.shape_cast %get3A_1098 : vector<1x16xf32> to vector<16xf32>
        %add3A_1100 = arith.addf %get3A_1099, %get3A_1082 : vector<16xf32>
        %swap3A_1101 = arith.constant 14 : i32
        %swap3A_1102 = arith.index_cast %swap3A_1101 : i32 to index
        %swap3A_1103 = arith.index_cast %mul3A_761 : i32 to index
        %swap3A_1104 = tpu.vector_load %arg6[%swap3A_1102, %swap3A_1103] {strides = array<i32>} : memref<40x768xf32, #tpu.memory_space<vmem>>, vector<1x16xf32>,
        %swap3A_1105 = vector.shape_cast %swap3A_1104 : vector<1x16xf32> to vector<16xf32>
        %swap3A_1106 = vector.shape_cast %add3A_1100 : vector<16xf32> to vector<1x16xf32>
        tpu.vector_store %arg6[%swap3A_1102, %swap3A_1103], %swap3A_1106 {strides = array<i32>} : memref<40x768xf32, #tpu.memory_space<vmem>>, vector<1x16xf32>,
        %get3A_1107 = arith.constant 22 : i32
        %get3A_1108 = arith.index_cast %get3A_1107 : i32 to index
        %get3A_1109 = arith.index_cast %mul3A_761 : i32 to index
        %get3A_1110 = tpu.vector_load %arg6[%get3A_1108, %get3A_1109] {strides = array<i32>} : memref<40x768xf32, #tpu.memory_space<vmem>>, vector<1x16xf32>,
        %get3A_1111 = vector.shape_cast %get3A_1110 : vector<1x16xf32> to vector<16xf32>
        %add3A_1112 = arith.addf %get3A_1111, %get3A_1082 : vector<16xf32>
        %swap3A_1113 = arith.constant 22 : i32
        %swap3A_1114 = arith.index_cast %swap3A_1113 : i32 to index
        %swap3A_1115 = arith.index_cast %mul3A_761 : i32 to index
        %swap3A_1116 = tpu.vector_load %arg6[%swap3A_1114, %swap3A_1115] {strides = array<i32>} : memref<40x768xf32, #tpu.memory_space<vmem>>, vector<1x16xf32>,
        %swap3A_1117 = vector.shape_cast %swap3A_1116 : vector<1x16xf32> to vector<16xf32>
        %swap3A_1118 = vector.shape_cast %add3A_1112 : vector<16xf32> to vector<1x16xf32>
        tpu.vector_store %arg6[%swap3A_1114, %swap3A_1115], %swap3A_1118 {strides = array<i32>} : memref<40x768xf32, #tpu.memory_space<vmem>>, vector<1x16xf32>,
        %get3A_1119 = arith.constant 30 : i32
        %get3A_1120 = arith.index_cast %get3A_1119 : i32 to index
        %get3A_1121 = arith.index_cast %mul3A_761 : i32 to index
        %get3A_1122 = tpu.vector_load %arg6[%get3A_1120, %get3A_1121] {strides = array<i32>} : memref<40x768xf32, #tpu.memory_space<vmem>>, vector<1x16xf32>,
        %get3A_1123 = vector.shape_cast %get3A_1122 : vector<1x16xf32> to vector<16xf32>
        %add3A_1124 = arith.addf %get3A_1123, %get3A_1082 : vector<16xf32>
        %swap3A_1125 = arith.constant 30 : i32
        %swap3A_1126 = arith.index_cast %swap3A_1125 : i32 to index
        %swap3A_1127 = arith.index_cast %mul3A_761 : i32 to index
        %swap3A_1128 = tpu.vector_load %arg6[%swap3A_1126, %swap3A_1127] {strides = array<i32>} : memref<40x768xf32, #tpu.memory_space<vmem>>, vector<1x16xf32>,
        %swap3A_1129 = vector.shape_cast %swap3A_1128 : vector<1x16xf32> to vector<16xf32>
        %swap3A_1130 = vector.shape_cast %add3A_1124 : vector<16xf32> to vector<1x16xf32>
        tpu.vector_store %arg6[%swap3A_1126, %swap3A_1127], %swap3A_1130 {strides = array<i32>} : memref<40x768xf32, #tpu.memory_space<vmem>>, vector<1x16xf32>,
        %get3A_1131 = arith.constant 39 : i32
        %get3A_1132 = arith.index_cast %get3A_1131 : i32 to index
        %get3A_1133 = arith.index_cast %mul3A_761 : i32 to index
        %get3A_1134 = tpu.vector_load %arg6[%get3A_1132, %get3A_1133] {strides = array<i32>} : memref<40x768xf32, #tpu.memory_space<vmem>>, vector<1x16xf32>,
        %get3A_1135 = vector.shape_cast %get3A_1134 : vector<1x16xf32> to vector<16xf32>
        %get3A_1136 = arith.constant 7 : i32
        %get3A_1137 = arith.index_cast %get3A_1136 : i32 to index
        %get3A_1138 = arith.index_cast %mul3A_761 : i32 to index
        %get3A_1139 = tpu.vector_load %arg6[%get3A_1137, %get3A_1138] {strides = array<i32>} : memref<40x768xf32, #tpu.memory_space<vmem>>, vector<1x16xf32>,
        %get3A_1140 = vector.shape_cast %get3A_1139 : vector<1x16xf32> to vector<16xf32>
        %add3A_1141 = arith.addf %get3A_1140, %get3A_1135 : vector<16xf32>
        %swap3A_1142 = arith.constant 7 : i32
        %swap3A_1143 = arith.index_cast %swap3A_1142 : i32 to index
        %swap3A_1144 = arith.index_cast %mul3A_761 : i32 to index
        %swap3A_1145 = tpu.vector_load %arg6[%swap3A_1143, %swap3A_1144] {strides = array<i32>} : memref<40x768xf32, #tpu.memory_space<vmem>>, vector<1x16xf32>,
        %swap3A_1146 = vector.shape_cast %swap3A_1145 : vector<1x16xf32> to vector<16xf32>
        %swap3A_1147 = vector.shape_cast %add3A_1141 : vector<16xf32> to vector<1x16xf32>
        tpu.vector_store %arg6[%swap3A_1143, %swap3A_1144], %swap3A_1147 {strides = array<i32>} : memref<40x768xf32, #tpu.memory_space<vmem>>, vector<1x16xf32>,
        %get3A_1148 = arith.constant 15 : i32
        %get3A_1149 = arith.index_cast %get3A_1148 : i32 to index
        %get3A_1150 = arith.index_cast %mul3A_761 : i32 to index
        %get3A_1151 = tpu.vector_load %arg6[%get3A_1149, %get3A_1150] {strides = array<i32>} : memref<40x768xf32, #tpu.memory_space<vmem>>, vector<1x16xf32>,
        %get3A_1152 = vector.shape_cast %get3A_1151 : vector<1x16xf32> to vector<16xf32>
        %add3A_1153 = arith.addf %get3A_1152, %get3A_1135 : vector<16xf32>
        %swap3A_1154 = arith.constant 15 : i32
        %swap3A_1155 = arith.index_cast %swap3A_1154 : i32 to index
        %swap3A_1156 = arith.index_cast %mul3A_761 : i32 to index
        %swap3A_1157 = tpu.vector_load %arg6[%swap3A_1155, %swap3A_1156] {strides = array<i32>} : memref<40x768xf32, #tpu.memory_space<vmem>>, vector<1x16xf32>,
        %swap3A_1158 = vector.shape_cast %swap3A_1157 : vector<1x16xf32> to vector<16xf32>
        %swap3A_1159 = vector.shape_cast %add3A_1153 : vector<16xf32> to vector<1x16xf32>
        tpu.vector_store %arg6[%swap3A_1155, %swap3A_1156], %swap3A_1159 {strides = array<i32>} : memref<40x768xf32, #tpu.memory_space<vmem>>, vector<1x16xf32>,
        %get3A_1160 = arith.constant 23 : i32
        %get3A_1161 = arith.index_cast %get3A_1160 : i32 to index
        %get3A_1162 = arith.index_cast %mul3A_761 : i32 to index
        %get3A_1163 = tpu.vector_load %arg6[%get3A_1161, %get3A_1162] {strides = array<i32>} : memref<40x768xf32, #tpu.memory_space<vmem>>, vector<1x16xf32>,
        %get3A_1164 = vector.shape_cast %get3A_1163 : vector<1x16xf32> to vector<16xf32>
        %add3A_1165 = arith.addf %get3A_1164, %get3A_1135 : vector<16xf32>
        %swap3A_1166 = arith.constant 23 : i32
        %swap3A_1167 = arith.index_cast %swap3A_1166 : i32 to index
        %swap3A_1168 = arith.index_cast %mul3A_761 : i32 to index
        %swap3A_1169 = tpu.vector_load %arg6[%swap3A_1167, %swap3A_1168] {strides = array<i32>} : memref<40x768xf32, #tpu.memory_space<vmem>>, vector<1x16xf32>,
        %swap3A_1170 = vector.shape_cast %swap3A_1169 : vector<1x16xf32> to vector<16xf32>
        %swap3A_1171 = vector.shape_cast %add3A_1165 : vector<16xf32> to vector<1x16xf32>
        tpu.vector_store %arg6[%swap3A_1167, %swap3A_1168], %swap3A_1171 {strides = array<i32>} : memref<40x768xf32, #tpu.memory_space<vmem>>, vector<1x16xf32>,
        %get3A_1172 = arith.constant 31 : i32
        %get3A_1173 = arith.index_cast %get3A_1172 : i32 to index
        %get3A_1174 = arith.index_cast %mul3A_761 : i32 to index
        %get3A_1175 = tpu.vector_load %arg6[%get3A_1173, %get3A_1174] {strides = array<i32>} : memref<40x768xf32, #tpu.memory_space<vmem>>, vector<1x16xf32>,
        %get3A_1176 = vector.shape_cast %get3A_1175 : vector<1x16xf32> to vector<16xf32>
        %add3A_1177 = arith.addf %get3A_1176, %get3A_1135 : vector<16xf32>
        %swap3A_1178 = arith.constant 31 : i32
        %swap3A_1179 = arith.index_cast %swap3A_1178 : i32 to index
        %swap3A_1180 = arith.index_cast %mul3A_761 : i32 to index
        %swap3A_1181 = tpu.vector_load %arg6[%swap3A_1179, %swap3A_1180] {strides = array<i32>} : memref<40x768xf32, #tpu.memory_space<vmem>>, vector<1x16xf32>,
        %swap3A_1182 = vector.shape_cast %swap3A_1181 : vector<1x16xf32> to vector<16xf32>
        %swap3A_1183 = vector.shape_cast %add3A_1177 : vector<16xf32> to vector<1x16xf32>
        tpu.vector_store %arg6[%swap3A_1179, %swap3A_1180], %swap3A_1183 {strides = array<i32>} : memref<40x768xf32, #tpu.memory_space<vmem>>, vector<1x16xf32>,
        %scan3A_1184 = arith.constant 0 : i32
        scf.yield %scan3A_1184 : i32
      }
      %scan3A_437 = arith.constant 48 : i32
      %mul3A_438 = arith.constant 8 : i32
      %mul3A_439 = arith.muli %add3A_358, %mul3A_438 : i32
      %add3A_440 = arith.addi %mul3A_2, %mul3A_439 : i32
      %add3A_441 = arith.constant 0 : i32
      %add3A_442 = arith.addi %add3A_441, %add3A_440 : i32
      %dma_start3A_443 = arith.constant 0 : i32
      %dma_start3A_444 = arith.constant 0 : i32
      %dma_start3A_445 = tpu.memref_slice %arg6[%dma_start3A_443, %dma_start3A_444] : memref<40x768xf32, #tpu.memory_space<vmem>> -> memref<8x768xf32, #tpu.memory_space<vmem>>
      %dma_start3A_446 = arith.constant 0 : i32
      %dma_start3A_447 = tpu.memref_slice %arg4[%add3A_442, %dma_start3A_446] : memref<32768x768xf32, #tpu.memory_space<hbm>> -> memref<8x768xf32, #tpu.memory_space<hbm>>
      %dma_start3A_448 = arith.constant 0 : i32
      %dma_start3A_449 = tpu.memref_slice %arg4[%add3A_442, %dma_start3A_448] : memref<32768x768xf32, #tpu.memory_space<hbm>> -> memref<8x768xf32, #tpu.memory_space<hbm>>
      %dma_start3A_450 = arith.constant 0 : i32
      %dma_start3A_451 = arith.constant 0 : i32
      %dma_start3A_452 = tpu.memref_slice %arg6[%dma_start3A_450, %dma_start3A_451] : memref<40x768xf32, #tpu.memory_space<vmem>> -> memref<8x768xf32, #tpu.memory_space<vmem>>
      tpu.enqueue_dma source(%dma_start3A_452 : memref<8x768xf32, #tpu.memory_space<vmem>>) target(%dma_start3A_449 : memref<8x768xf32, #tpu.memory_space<hbm>>) target_semaphore(%arg14 : memref<!tpu.dma_semaphore, #tpu.memory_space<semaphore_mem>>)
      %add3A_453 = arith.constant 8192 : i32
      %add3A_454 = arith.addi %add3A_453, %add3A_440 : i32
      %dma_start3A_455 = arith.constant 8 : i32
      %dma_start3A_456 = arith.constant 0 : i32
      %dma_start3A_457 = tpu.memref_slice %arg6[%dma_start3A_455, %dma_start3A_456] : memref<40x768xf32, #tpu.memory_space<vmem>> -> memref<8x768xf32, #tpu.memory_space<vmem>>
      %dma_start3A_458 = arith.constant 0 : i32
      %dma_start3A_459 = tpu.memref_slice %arg4[%add3A_454, %dma_start3A_458] : memref<32768x768xf32, #tpu.memory_space<hbm>> -> memref<8x768xf32, #tpu.memory_space<hbm>>
      %dma_start3A_460 = arith.constant 0 : i32
      %dma_start3A_461 = tpu.memref_slice %arg4[%add3A_454, %dma_start3A_460] : memref<32768x768xf32, #tpu.memory_space<hbm>> -> memref<8x768xf32, #tpu.memory_space<hbm>>
      %dma_start3A_462 = arith.constant 8 : i32
      %dma_start3A_463 = arith.constant 0 : i32
      %dma_start3A_464 = tpu.memref_slice %arg6[%dma_start3A_462, %dma_start3A_463] : memref<40x768xf32, #tpu.memory_space<vmem>> -> memref<8x768xf32, #tpu.memory_space<vmem>>
      tpu.enqueue_dma source(%dma_start3A_464 : memref<8x768xf32, #tpu.memory_space<vmem>>) target(%dma_start3A_461 : memref<8x768xf32, #tpu.memory_space<hbm>>) target_semaphore(%arg14 : memref<!tpu.dma_semaphore, #tpu.memory_space<semaphore_mem>>)
      %add3A_465 = arith.constant 16384 : i32
      %add3A_466 = arith.addi %add3A_465, %add3A_440 : i32
      %dma_start3A_467 = arith.constant 16 : i32
      %dma_start3A_468 = arith.constant 0 : i32
      %dma_start3A_469 = tpu.memref_slice %arg6[%dma_start3A_467, %dma_start3A_468] : memref<40x768xf32, #tpu.memory_space<vmem>> -> memref<8x768xf32, #tpu.memory_space<vmem>>
      %dma_start3A_470 = arith.constant 0 : i32
      %dma_start3A_471 = tpu.memref_slice %arg4[%add3A_466, %dma_start3A_470] : memref<32768x768xf32, #tpu.memory_space<hbm>> -> memref<8x768xf32, #tpu.memory_space<hbm>>
      %dma_start3A_472 = arith.constant 0 : i32
      %dma_start3A_473 = tpu.memref_slice %arg4[%add3A_466, %dma_start3A_472] : memref<32768x768xf32, #tpu.memory_space<hbm>> -> memref<8x768xf32, #tpu.memory_space<hbm>>
      %dma_start3A_474 = arith.constant 16 : i32
      %dma_start3A_475 = arith.constant 0 : i32
      %dma_start3A_476 = tpu.memref_slice %arg6[%dma_start3A_474, %dma_start3A_475] : memref<40x768xf32, #tpu.memory_space<vmem>> -> memref<8x768xf32, #tpu.memory_space<vmem>>
      tpu.enqueue_dma source(%dma_start3A_476 : memref<8x768xf32, #tpu.memory_space<vmem>>) target(%dma_start3A_473 : memref<8x768xf32, #tpu.memory_space<hbm>>) target_semaphore(%arg14 : memref<!tpu.dma_semaphore, #tpu.memory_space<semaphore_mem>>)
      %add3A_477 = arith.constant 24576 : i32
      %add3A_478 = arith.addi %add3A_477, %add3A_440 : i32
      %dma_start3A_479 = arith.constant 24 : i32
      %dma_start3A_480 = arith.constant 0 : i32
      %dma_start3A_481 = tpu.memref_slice %arg6[%dma_start3A_479, %dma_start3A_480] : memref<40x768xf32, #tpu.memory_space<vmem>> -> memref<8x768xf32, #tpu.memory_space<vmem>>
      %dma_start3A_482 = arith.constant 0 : i32
      %dma_start3A_483 = tpu.memref_slice %arg4[%add3A_478, %dma_start3A_482] : memref<32768x768xf32, #tpu.memory_space<hbm>> -> memref<8x768xf32, #tpu.memory_space<hbm>>
      %dma_start3A_484 = arith.constant 0 : i32
      %dma_start3A_485 = tpu.memref_slice %arg4[%add3A_478, %dma_start3A_484] : memref<32768x768xf32, #tpu.memory_space<hbm>> -> memref<8x768xf32, #tpu.memory_space<hbm>>
      %dma_start3A_486 = arith.constant 24 : i32
      %dma_start3A_487 = arith.constant 0 : i32
      %dma_start3A_488 = tpu.memref_slice %arg6[%dma_start3A_486, %dma_start3A_487] : memref<40x768xf32, #tpu.memory_space<vmem>> -> memref<8x768xf32, #tpu.memory_space<vmem>>
      tpu.enqueue_dma source(%dma_start3A_488 : memref<8x768xf32, #tpu.memory_space<vmem>>) target(%dma_start3A_485 : memref<8x768xf32, #tpu.memory_space<hbm>>) target_semaphore(%arg14 : memref<!tpu.dma_semaphore, #tpu.memory_space<semaphore_mem>>)
      %mul3A_489 = arith.constant 4 : i32
      %mul3A_490 = arith.muli %scan3A_223, %mul3A_489 : i32
      %add3A_491 = arith.constant 2 : i32
      %add3A_492 = arith.addi %mul3A_490, %add3A_491 : i32
      %dma_wait3A_493 = arith.constant 0 : i32
      %dma_wait3A_494 = arith.constant 0 : i32
      %dma_wait3A_495 = tpu.memref_slice %arg7[%dma_wait3A_493, %dma_wait3A_494] : memref<40x768xf32, #tpu.memory_space<vmem>> -> memref<8x768xf32, #tpu.memory_space<vmem>>
      %dma_wait3A_496 = arith.constant 0 : i32
      %dma_wait3A_497 = arith.constant 0 : i32
      %dma_wait3A_498 = tpu.memref_slice %arg3[%dma_wait3A_496, %dma_wait3A_497] : memref<8192x768xf32, #tpu.memory_space<hbm>> -> memref<8x768xf32, #tpu.memory_space<hbm>>
      %dma_wait3A_499 = arith.constant 0 : i32
      %dma_wait3A_500 = arith.constant 0 : i32
      %dma_wait3A_501 = tpu.memref_slice %arg7[%dma_wait3A_499, %dma_wait3A_500] : memref<40x768xf32, #tpu.memory_space<vmem>> -> memref<8x768xf32, #tpu.memory_space<vmem>>
      %dma_wait3A_502 = arith.constant 0 : i32
      %dma_wait3A_503 = arith.constant 0 : i32
      %dma_wait3A_504 = tpu.memref_slice %arg3[%dma_wait3A_502, %dma_wait3A_503] : memref<8192x768xf32, #tpu.memory_space<hbm>> -> memref<8x768xf32, #tpu.memory_space<hbm>>
      tpu.wait_dma2 semaphore(%arg11 : memref<!tpu.dma_semaphore, #tpu.memory_space<semaphore_mem>>) src(%dma_wait3A_504 : memref<8x768xf32, #tpu.memory_space<hbm>>) dst(%dma_wait3A_501 : memref<8x768xf32, #tpu.memory_space<vmem>>)
      %dma_wait3A_505 = arith.constant 8 : i32
      %dma_wait3A_506 = arith.constant 0 : i32
      %dma_wait3A_507 = tpu.memref_slice %arg7[%dma_wait3A_505, %dma_wait3A_506] : memref<40x768xf32, #tpu.memory_space<vmem>> -> memref<8x768xf32, #tpu.memory_space<vmem>>
      %dma_wait3A_508 = arith.constant 0 : i32
      %dma_wait3A_509 = arith.constant 0 : i32
      %dma_wait3A_510 = tpu.memref_slice %arg3[%dma_wait3A_508, %dma_wait3A_509] : memref<8192x768xf32, #tpu.memory_space<hbm>> -> memref<8x768xf32, #tpu.memory_space<hbm>>
      %dma_wait3A_511 = arith.constant 8 : i32
      %dma_wait3A_512 = arith.constant 0 : i32
      %dma_wait3A_513 = tpu.memref_slice %arg7[%dma_wait3A_511, %dma_wait3A_512] : memref<40x768xf32, #tpu.memory_space<vmem>> -> memref<8x768xf32, #tpu.memory_space<vmem>>
      %dma_wait3A_514 = arith.constant 0 : i32
      %dma_wait3A_515 = arith.constant 0 : i32
      %dma_wait3A_516 = tpu.memref_slice %arg3[%dma_wait3A_514, %dma_wait3A_515] : memref<8192x768xf32, #tpu.memory_space<hbm>> -> memref<8x768xf32, #tpu.memory_space<hbm>>
      tpu.wait_dma2 semaphore(%arg11 : memref<!tpu.dma_semaphore, #tpu.memory_space<semaphore_mem>>) src(%dma_wait3A_516 : memref<8x768xf32, #tpu.memory_space<hbm>>) dst(%dma_wait3A_513 : memref<8x768xf32, #tpu.memory_space<vmem>>)
      %dma_wait3A_517 = arith.constant 16 : i32
      %dma_wait3A_518 = arith.constant 0 : i32
      %dma_wait3A_519 = tpu.memref_slice %arg7[%dma_wait3A_517, %dma_wait3A_518] : memref<40x768xf32, #tpu.memory_space<vmem>> -> memref<8x768xf32, #tpu.memory_space<vmem>>
      %dma_wait3A_520 = arith.constant 0 : i32
      %dma_wait3A_521 = arith.constant 0 : i32
      %dma_wait3A_522 = tpu.memref_slice %arg3[%dma_wait3A_520, %dma_wait3A_521] : memref<8192x768xf32, #tpu.memory_space<hbm>> -> memref<8x768xf32, #tpu.memory_space<hbm>>
      %dma_wait3A_523 = arith.constant 16 : i32
      %dma_wait3A_524 = arith.constant 0 : i32
      %dma_wait3A_525 = tpu.memref_slice %arg7[%dma_wait3A_523, %dma_wait3A_524] : memref<40x768xf32, #tpu.memory_space<vmem>> -> memref<8x768xf32, #tpu.memory_space<vmem>>
      %dma_wait3A_526 = arith.constant 0 : i32
      %dma_wait3A_527 = arith.constant 0 : i32
      %dma_wait3A_528 = tpu.memref_slice %arg3[%dma_wait3A_526, %dma_wait3A_527] : memref<8192x768xf32, #tpu.memory_space<hbm>> -> memref<8x768xf32, #tpu.memory_space<hbm>>
      tpu.wait_dma2 semaphore(%arg11 : memref<!tpu.dma_semaphore, #tpu.memory_space<semaphore_mem>>) src(%dma_wait3A_528 : memref<8x768xf32, #tpu.memory_space<hbm>>) dst(%dma_wait3A_525 : memref<8x768xf32, #tpu.memory_space<vmem>>)
      %dma_wait3A_529 = arith.constant 24 : i32
      %dma_wait3A_530 = arith.constant 0 : i32
      %dma_wait3A_531 = tpu.memref_slice %arg7[%dma_wait3A_529, %dma_wait3A_530] : memref<40x768xf32, #tpu.memory_space<vmem>> -> memref<8x768xf32, #tpu.memory_space<vmem>>
      %dma_wait3A_532 = arith.constant 0 : i32
      %dma_wait3A_533 = arith.constant 0 : i32
      %dma_wait3A_534 = tpu.memref_slice %arg3[%dma_wait3A_532, %dma_wait3A_533] : memref<8192x768xf32, #tpu.memory_space<hbm>> -> memref<8x768xf32, #tpu.memory_space<hbm>>
      %dma_wait3A_535 = arith.constant 24 : i32
      %dma_wait3A_536 = arith.constant 0 : i32
      %dma_wait3A_537 = tpu.memref_slice %arg7[%dma_wait3A_535, %dma_wait3A_536] : memref<40x768xf32, #tpu.memory_space<vmem>> -> memref<8x768xf32, #tpu.memory_space<vmem>>
      %dma_wait3A_538 = arith.constant 0 : i32
      %dma_wait3A_539 = arith.constant 0 : i32
      %dma_wait3A_540 = tpu.memref_slice %arg3[%dma_wait3A_538, %dma_wait3A_539] : memref<8192x768xf32, #tpu.memory_space<hbm>> -> memref<8x768xf32, #tpu.memory_space<hbm>>
      tpu.wait_dma2 semaphore(%arg11 : memref<!tpu.dma_semaphore, #tpu.memory_space<semaphore_mem>>) src(%dma_wait3A_540 : memref<8x768xf32, #tpu.memory_space<hbm>>) dst(%dma_wait3A_537 : memref<8x768xf32, #tpu.memory_space<vmem>>)
      %dma_wait3A_541 = arith.constant 32 : i32
      %dma_wait3A_542 = arith.constant 0 : i32
      %dma_wait3A_543 = tpu.memref_slice %arg7[%dma_wait3A_541, %dma_wait3A_542] : memref<40x768xf32, #tpu.memory_space<vmem>> -> memref<8x768xf32, #tpu.memory_space<vmem>>
      %dma_wait3A_544 = arith.constant 0 : i32
      %dma_wait3A_545 = arith.constant 0 : i32
      %dma_wait3A_546 = tpu.memref_slice %arg3[%dma_wait3A_544, %dma_wait3A_545] : memref<8192x768xf32, #tpu.memory_space<hbm>> -> memref<8x768xf32, #tpu.memory_space<hbm>>
      %dma_wait3A_547 = arith.constant 32 : i32
      %dma_wait3A_548 = arith.constant 0 : i32
      %dma_wait3A_549 = tpu.memref_slice %arg7[%dma_wait3A_547, %dma_wait3A_548] : memref<40x768xf32, #tpu.memory_space<vmem>> -> memref<8x768xf32, #tpu.memory_space<vmem>>
      %dma_wait3A_550 = arith.constant 0 : i32
      %dma_wait3A_551 = arith.constant 0 : i32
      %dma_wait3A_552 = tpu.memref_slice %arg3[%dma_wait3A_550, %dma_wait3A_551] : memref<8192x768xf32, #tpu.memory_space<hbm>> -> memref<8x768xf32, #tpu.memory_space<hbm>>
      tpu.wait_dma2 semaphore(%arg11 : memref<!tpu.dma_semaphore, #tpu.memory_space<semaphore_mem>>) src(%dma_wait3A_552 : memref<8x768xf32, #tpu.memory_space<hbm>>) dst(%dma_wait3A_549 : memref<8x768xf32, #tpu.memory_space<vmem>>)
      %ge3A_553 = arith.constant 2 : i32
      %ge3A_554 = arith.cmpi sge, %add3A_492, %ge3A_553 : i32
      %convert_element_type3A_555 = arith.extui %ge3A_554 : i1 to i32
      %cond3A_556 = arith.constant 0 : i32
      %cond3A_557 = arith.cmpi ne, %convert_element_type3A_555, %cond3A_556 : i32
      scf.if %cond3A_557 {
        %dma_wait3A_758 = arith.constant 0 : i32
        %dma_wait3A_759 = arith.constant 0 : i32
        %dma_wait3A_760 = tpu.memref_slice %arg5[%dma_wait3A_758, %dma_wait3A_759] : memref<40x768xf32, #tpu.memory_space<vmem>> -> memref<8x768xf32, #tpu.memory_space<vmem>>
        %dma_wait3A_761 = arith.constant 0 : i32
        %dma_wait3A_762 = arith.constant 0 : i32
        %dma_wait3A_763 = tpu.memref_slice %arg4[%dma_wait3A_761, %dma_wait3A_762] : memref<32768x768xf32, #tpu.memory_space<hbm>> -> memref<8x768xf32, #tpu.memory_space<hbm>>
        %dma_wait3A_764 = arith.constant 0 : i32
        %dma_wait3A_765 = arith.constant 0 : i32
        %dma_wait3A_766 = tpu.memref_slice %arg4[%dma_wait3A_764, %dma_wait3A_765] : memref<32768x768xf32, #tpu.memory_space<hbm>> -> memref<8x768xf32, #tpu.memory_space<hbm>>
        %dma_wait3A_767 = arith.constant 0 : i32
        %dma_wait3A_768 = arith.constant 0 : i32
        %dma_wait3A_769 = tpu.memref_slice %arg5[%dma_wait3A_767, %dma_wait3A_768] : memref<40x768xf32, #tpu.memory_space<vmem>> -> memref<8x768xf32, #tpu.memory_space<vmem>>
        tpu.wait_dma2 semaphore(%arg13 : memref<!tpu.dma_semaphore, #tpu.memory_space<semaphore_mem>>) src(%dma_wait3A_769 : memref<8x768xf32, #tpu.memory_space<vmem>>) dst(%dma_wait3A_766 : memref<8x768xf32, #tpu.memory_space<hbm>>)
        %dma_wait3A_770 = arith.constant 8 : i32
        %dma_wait3A_771 = arith.constant 0 : i32
        %dma_wait3A_772 = tpu.memref_slice %arg5[%dma_wait3A_770, %dma_wait3A_771] : memref<40x768xf32, #tpu.memory_space<vmem>> -> memref<8x768xf32, #tpu.memory_space<vmem>>
        %dma_wait3A_773 = arith.constant 0 : i32
        %dma_wait3A_774 = arith.constant 0 : i32
        %dma_wait3A_775 = tpu.memref_slice %arg4[%dma_wait3A_773, %dma_wait3A_774] : memref<32768x768xf32, #tpu.memory_space<hbm>> -> memref<8x768xf32, #tpu.memory_space<hbm>>
        %dma_wait3A_776 = arith.constant 0 : i32
        %dma_wait3A_777 = arith.constant 0 : i32
        %dma_wait3A_778 = tpu.memref_slice %arg4[%dma_wait3A_776, %dma_wait3A_777] : memref<32768x768xf32, #tpu.memory_space<hbm>> -> memref<8x768xf32, #tpu.memory_space<hbm>>
        %dma_wait3A_779 = arith.constant 8 : i32
        %dma_wait3A_780 = arith.constant 0 : i32
        %dma_wait3A_781 = tpu.memref_slice %arg5[%dma_wait3A_779, %dma_wait3A_780] : memref<40x768xf32, #tpu.memory_space<vmem>> -> memref<8x768xf32, #tpu.memory_space<vmem>>
        tpu.wait_dma2 semaphore(%arg13 : memref<!tpu.dma_semaphore, #tpu.memory_space<semaphore_mem>>) src(%dma_wait3A_781 : memref<8x768xf32, #tpu.memory_space<vmem>>) dst(%dma_wait3A_778 : memref<8x768xf32, #tpu.memory_space<hbm>>)
        %dma_wait3A_782 = arith.constant 16 : i32
        %dma_wait3A_783 = arith.constant 0 : i32
        %dma_wait3A_784 = tpu.memref_slice %arg5[%dma_wait3A_782, %dma_wait3A_783] : memref<40x768xf32, #tpu.memory_space<vmem>> -> memref<8x768xf32, #tpu.memory_space<vmem>>
        %dma_wait3A_785 = arith.constant 0 : i32
        %dma_wait3A_786 = arith.constant 0 : i32
        %dma_wait3A_787 = tpu.memref_slice %arg4[%dma_wait3A_785, %dma_wait3A_786] : memref<32768x768xf32, #tpu.memory_space<hbm>> -> memref<8x768xf32, #tpu.memory_space<hbm>>
        %dma_wait3A_788 = arith.constant 0 : i32
        %dma_wait3A_789 = arith.constant 0 : i32
        %dma_wait3A_790 = tpu.memref_slice %arg4[%dma_wait3A_788, %dma_wait3A_789] : memref<32768x768xf32, #tpu.memory_space<hbm>> -> memref<8x768xf32, #tpu.memory_space<hbm>>
        %dma_wait3A_791 = arith.constant 16 : i32
        %dma_wait3A_792 = arith.constant 0 : i32
        %dma_wait3A_793 = tpu.memref_slice %arg5[%dma_wait3A_791, %dma_wait3A_792] : memref<40x768xf32, #tpu.memory_space<vmem>> -> memref<8x768xf32, #tpu.memory_space<vmem>>
        tpu.wait_dma2 semaphore(%arg13 : memref<!tpu.dma_semaphore, #tpu.memory_space<semaphore_mem>>) src(%dma_wait3A_793 : memref<8x768xf32, #tpu.memory_space<vmem>>) dst(%dma_wait3A_790 : memref<8x768xf32, #tpu.memory_space<hbm>>)
        %dma_wait3A_794 = arith.constant 24 : i32
        %dma_wait3A_795 = arith.constant 0 : i32
        %dma_wait3A_796 = tpu.memref_slice %arg5[%dma_wait3A_794, %dma_wait3A_795] : memref<40x768xf32, #tpu.memory_space<vmem>> -> memref<8x768xf32, #tpu.memory_space<vmem>>
        %dma_wait3A_797 = arith.constant 0 : i32
        %dma_wait3A_798 = arith.constant 0 : i32
        %dma_wait3A_799 = tpu.memref_slice %arg4[%dma_wait3A_797, %dma_wait3A_798] : memref<32768x768xf32, #tpu.memory_space<hbm>> -> memref<8x768xf32, #tpu.memory_space<hbm>>
        %dma_wait3A_800 = arith.constant 0 : i32
        %dma_wait3A_801 = arith.constant 0 : i32
        %dma_wait3A_802 = tpu.memref_slice %arg4[%dma_wait3A_800, %dma_wait3A_801] : memref<32768x768xf32, #tpu.memory_space<hbm>> -> memref<8x768xf32, #tpu.memory_space<hbm>>
        %dma_wait3A_803 = arith.constant 24 : i32
        %dma_wait3A_804 = arith.constant 0 : i32
        %dma_wait3A_805 = tpu.memref_slice %arg5[%dma_wait3A_803, %dma_wait3A_804] : memref<40x768xf32, #tpu.memory_space<vmem>> -> memref<8x768xf32, #tpu.memory_space<vmem>>
        tpu.wait_dma2 semaphore(%arg13 : memref<!tpu.dma_semaphore, #tpu.memory_space<semaphore_mem>>) src(%dma_wait3A_805 : memref<8x768xf32, #tpu.memory_space<vmem>>) dst(%dma_wait3A_802 : memref<8x768xf32, #tpu.memory_space<hbm>>)
      } else {
      }
      %add3A_558 = arith.constant 2 : i32
      %add3A_559 = arith.addi %add3A_492, %add3A_558 : i32
      %lt3A_560 = arith.constant 32 : i32
      %lt3A_561 = arith.cmpi slt, %add3A_559, %lt3A_560 : i32
      %convert_element_type3A_562 = arith.extui %lt3A_561 : i1 to i32
      %cond3A_563 = arith.constant 0 : i32
      %cond3A_564 = arith.cmpi ne, %convert_element_type3A_562, %cond3A_563 : i32
      scf.if %cond3A_564 {
        %add3A_758 = arith.constant 2 : i32
        %add3A_759 = arith.addi %add3A_492, %add3A_758 : i32
        %mul3A_760 = arith.constant 8 : i32
        %mul3A_761 = arith.muli %add3A_759, %mul3A_760 : i32
        %add3A_762 = arith.addi %mul3A_2, %mul3A_761 : i32
        %dma_start3A_763 = arith.constant 32 : i32
        %dma_start3A_764 = arith.constant 0 : i32
        %dma_start3A_765 = tpu.memref_slice %arg5[%dma_start3A_763, %dma_start3A_764] : memref<40x768xf32, #tpu.memory_space<vmem>> -> memref<8x768xf32, #tpu.memory_space<vmem>>
        %dma_start3A_766 = arith.constant 0 : i32
        %dma_start3A_767 = tpu.memref_slice %arg3[%add3A_762, %dma_start3A_766] : memref<8192x768xf32, #tpu.memory_space<hbm>> -> memref<8x768xf32, #tpu.memory_space<hbm>>
        %dma_start3A_768 = arith.constant 32 : i32
        %dma_start3A_769 = arith.constant 0 : i32
        %dma_start3A_770 = tpu.memref_slice %arg5[%dma_start3A_768, %dma_start3A_769] : memref<40x768xf32, #tpu.memory_space<vmem>> -> memref<8x768xf32, #tpu.memory_space<vmem>>
        %dma_start3A_771 = arith.constant 0 : i32
        %dma_start3A_772 = tpu.memref_slice %arg3[%add3A_762, %dma_start3A_771] : memref<8192x768xf32, #tpu.memory_space<hbm>> -> memref<8x768xf32, #tpu.memory_space<hbm>>
        tpu.enqueue_dma source(%dma_start3A_772 : memref<8x768xf32, #tpu.memory_space<hbm>>) target(%dma_start3A_770 : memref<8x768xf32, #tpu.memory_space<vmem>>) target_semaphore(%arg9 : memref<!tpu.dma_semaphore, #tpu.memory_space<semaphore_mem>>)
        %add3A_773 = arith.constant 0 : i32
        %add3A_774 = arith.addi %add3A_773, %add3A_762 : i32
        %dma_start3A_775 = arith.constant 0 : i32
        %dma_start3A_776 = arith.constant 0 : i32
        %dma_start3A_777 = tpu.memref_slice %arg5[%dma_start3A_775, %dma_start3A_776] : memref<40x768xf32, #tpu.memory_space<vmem>> -> memref<8x768xf32, #tpu.memory_space<vmem>>
        %dma_start3A_778 = arith.constant 0 : i32
        %dma_start3A_779 = tpu.memref_slice %arg2[%add3A_774, %dma_start3A_778] : memref<32768x768xf32, #tpu.memory_space<hbm>> -> memref<8x768xf32, #tpu.memory_space<hbm>>
        %dma_start3A_780 = arith.constant 0 : i32
        %dma_start3A_781 = arith.constant 0 : i32
        %dma_start3A_782 = tpu.memref_slice %arg5[%dma_start3A_780, %dma_start3A_781] : memref<40x768xf32, #tpu.memory_space<vmem>> -> memref<8x768xf32, #tpu.memory_space<vmem>>
        %dma_start3A_783 = arith.constant 0 : i32
        %dma_start3A_784 = tpu.memref_slice %arg2[%add3A_774, %dma_start3A_783] : memref<32768x768xf32, #tpu.memory_space<hbm>> -> memref<8x768xf32, #tpu.memory_space<hbm>>
        tpu.enqueue_dma source(%dma_start3A_784 : memref<8x768xf32, #tpu.memory_space<hbm>>) target(%dma_start3A_782 : memref<8x768xf32, #tpu.memory_space<vmem>>) target_semaphore(%arg9 : memref<!tpu.dma_semaphore, #tpu.memory_space<semaphore_mem>>)
        %add3A_785 = arith.constant 8192 : i32
        %add3A_786 = arith.addi %add3A_785, %add3A_762 : i32
        %dma_start3A_787 = arith.constant 8 : i32
        %dma_start3A_788 = arith.constant 0 : i32
        %dma_start3A_789 = tpu.memref_slice %arg5[%dma_start3A_787, %dma_start3A_788] : memref<40x768xf32, #tpu.memory_space<vmem>> -> memref<8x768xf32, #tpu.memory_space<vmem>>
        %dma_start3A_790 = arith.constant 0 : i32
        %dma_start3A_791 = tpu.memref_slice %arg2[%add3A_786, %dma_start3A_790] : memref<32768x768xf32, #tpu.memory_space<hbm>> -> memref<8x768xf32, #tpu.memory_space<hbm>>
        %dma_start3A_792 = arith.constant 8 : i32
        %dma_start3A_793 = arith.constant 0 : i32
        %dma_start3A_794 = tpu.memref_slice %arg5[%dma_start3A_792, %dma_start3A_793] : memref<40x768xf32, #tpu.memory_space<vmem>> -> memref<8x768xf32, #tpu.memory_space<vmem>>
        %dma_start3A_795 = arith.constant 0 : i32
        %dma_start3A_796 = tpu.memref_slice %arg2[%add3A_786, %dma_start3A_795] : memref<32768x768xf32, #tpu.memory_space<hbm>> -> memref<8x768xf32, #tpu.memory_space<hbm>>
        tpu.enqueue_dma source(%dma_start3A_796 : memref<8x768xf32, #tpu.memory_space<hbm>>) target(%dma_start3A_794 : memref<8x768xf32, #tpu.memory_space<vmem>>) target_semaphore(%arg9 : memref<!tpu.dma_semaphore, #tpu.memory_space<semaphore_mem>>)
        %add3A_797 = arith.constant 16384 : i32
        %add3A_798 = arith.addi %add3A_797, %add3A_762 : i32
        %dma_start3A_799 = arith.constant 16 : i32
        %dma_start3A_800 = arith.constant 0 : i32
        %dma_start3A_801 = tpu.memref_slice %arg5[%dma_start3A_799, %dma_start3A_800] : memref<40x768xf32, #tpu.memory_space<vmem>> -> memref<8x768xf32, #tpu.memory_space<vmem>>
        %dma_start3A_802 = arith.constant 0 : i32
        %dma_start3A_803 = tpu.memref_slice %arg2[%add3A_798, %dma_start3A_802] : memref<32768x768xf32, #tpu.memory_space<hbm>> -> memref<8x768xf32, #tpu.memory_space<hbm>>
        %dma_start3A_804 = arith.constant 16 : i32
        %dma_start3A_805 = arith.constant 0 : i32
        %dma_start3A_806 = tpu.memref_slice %arg5[%dma_start3A_804, %dma_start3A_805] : memref<40x768xf32, #tpu.memory_space<vmem>> -> memref<8x768xf32, #tpu.memory_space<vmem>>
        %dma_start3A_807 = arith.constant 0 : i32
        %dma_start3A_808 = tpu.memref_slice %arg2[%add3A_798, %dma_start3A_807] : memref<32768x768xf32, #tpu.memory_space<hbm>> -> memref<8x768xf32, #tpu.memory_space<hbm>>
        tpu.enqueue_dma source(%dma_start3A_808 : memref<8x768xf32, #tpu.memory_space<hbm>>) target(%dma_start3A_806 : memref<8x768xf32, #tpu.memory_space<vmem>>) target_semaphore(%arg9 : memref<!tpu.dma_semaphore, #tpu.memory_space<semaphore_mem>>)
        %add3A_809 = arith.constant 24576 : i32
        %add3A_810 = arith.addi %add3A_809, %add3A_762 : i32
        %dma_start3A_811 = arith.constant 24 : i32
        %dma_start3A_812 = arith.constant 0 : i32
        %dma_start3A_813 = tpu.memref_slice %arg5[%dma_start3A_811, %dma_start3A_812] : memref<40x768xf32, #tpu.memory_space<vmem>> -> memref<8x768xf32, #tpu.memory_space<vmem>>
        %dma_start3A_814 = arith.constant 0 : i32
        %dma_start3A_815 = tpu.memref_slice %arg2[%add3A_810, %dma_start3A_814] : memref<32768x768xf32, #tpu.memory_space<hbm>> -> memref<8x768xf32, #tpu.memory_space<hbm>>
        %dma_start3A_816 = arith.constant 24 : i32
        %dma_start3A_817 = arith.constant 0 : i32
        %dma_start3A_818 = tpu.memref_slice %arg5[%dma_start3A_816, %dma_start3A_817] : memref<40x768xf32, #tpu.memory_space<vmem>> -> memref<8x768xf32, #tpu.memory_space<vmem>>
        %dma_start3A_819 = arith.constant 0 : i32
        %dma_start3A_820 = tpu.memref_slice %arg2[%add3A_810, %dma_start3A_819] : memref<32768x768xf32, #tpu.memory_space<hbm>> -> memref<8x768xf32, #tpu.memory_space<hbm>>
        tpu.enqueue_dma source(%dma_start3A_820 : memref<8x768xf32, #tpu.memory_space<hbm>>) target(%dma_start3A_818 : memref<8x768xf32, #tpu.memory_space<vmem>>) target_semaphore(%arg9 : memref<!tpu.dma_semaphore, #tpu.memory_space<semaphore_mem>>)
      } else {
      }
      %scan3A_565 = arith.constant 0 : i32
      %scan3A_566 = arith.constant 0 : i32
      %scan3A_567 = arith.constant 48 : i32
      %scan3A_568 = arith.addi %scan3A_566, %scan3A_567 : i32
      %scan3A_569 = arith.constant 1 : i32
      %scan3A_570 = scf.for %scan3A_758 = %scan3A_566 to %scan3A_568 step %scan3A_569 iter_args(%scan3A_759 = %scan3A_565) -> (i32)  : i32 {
        %mul3A_760 = arith.constant 16 : i32
        %mul3A_761 = arith.muli %scan3A_758, %mul3A_760 : i32
        %get3A = arith.constant 32 : i32
        %get3A_762 = arith.index_cast %get3A : i32 to index
        %get3A_763 = arith.index_cast %mul3A_761 : i32 to index
        %get3A_764 = tpu.vector_load %arg7[%get3A_762, %get3A_763] {strides = array<i32>} : memref<40x768xf32, #tpu.memory_space<vmem>>, vector<1x16xf32>,
        %get3A_765 = vector.shape_cast %get3A_764 : vector<1x16xf32> to vector<16xf32>
        %get3A_766 = arith.constant 0 : i32
        %get3A_767 = arith.index_cast %get3A_766 : i32 to index
        %get3A_768 = arith.index_cast %mul3A_761 : i32 to index
        %get3A_769 = tpu.vector_load %arg7[%get3A_767, %get3A_768] {strides = array<i32>} : memref<40x768xf32, #tpu.memory_space<vmem>>, vector<1x16xf32>,
        %get3A_770 = vector.shape_cast %get3A_769 : vector<1x16xf32> to vector<16xf32>
        %add3A_771 = arith.addf %get3A_770, %get3A_765 : vector<16xf32>
        %swap3A = arith.constant 0 : i32
        %swap3A_772 = arith.index_cast %swap3A : i32 to index
        %swap3A_773 = arith.index_cast %mul3A_761 : i32 to index
        %swap3A_774 = tpu.vector_load %arg7[%swap3A_772, %swap3A_773] {strides = array<i32>} : memref<40x768xf32, #tpu.memory_space<vmem>>, vector<1x16xf32>,
        %swap3A_775 = vector.shape_cast %swap3A_774 : vector<1x16xf32> to vector<16xf32>
        %swap3A_776 = vector.shape_cast %add3A_771 : vector<16xf32> to vector<1x16xf32>
        tpu.vector_store %arg7[%swap3A_772, %swap3A_773], %swap3A_776 {strides = array<i32>} : memref<40x768xf32, #tpu.memory_space<vmem>>, vector<1x16xf32>,
        %get3A_777 = arith.constant 8 : i32
        %get3A_778 = arith.index_cast %get3A_777 : i32 to index
        %get3A_779 = arith.index_cast %mul3A_761 : i32 to index
        %get3A_780 = tpu.vector_load %arg7[%get3A_778, %get3A_779] {strides = array<i32>} : memref<40x768xf32, #tpu.memory_space<vmem>>, vector<1x16xf32>,
        %get3A_781 = vector.shape_cast %get3A_780 : vector<1x16xf32> to vector<16xf32>
        %add3A_782 = arith.addf %get3A_781, %get3A_765 : vector<16xf32>
        %swap3A_783 = arith.constant 8 : i32
        %swap3A_784 = arith.index_cast %swap3A_783 : i32 to index
        %swap3A_785 = arith.index_cast %mul3A_761 : i32 to index
        %swap3A_786 = tpu.vector_load %arg7[%swap3A_784, %swap3A_785] {strides = array<i32>} : memref<40x768xf32, #tpu.memory_space<vmem>>, vector<1x16xf32>,
        %swap3A_787 = vector.shape_cast %swap3A_786 : vector<1x16xf32> to vector<16xf32>
        %swap3A_788 = vector.shape_cast %add3A_782 : vector<16xf32> to vector<1x16xf32>
        tpu.vector_store %arg7[%swap3A_784, %swap3A_785], %swap3A_788 {strides = array<i32>} : memref<40x768xf32, #tpu.memory_space<vmem>>, vector<1x16xf32>,
        %get3A_789 = arith.constant 16 : i32
        %get3A_790 = arith.index_cast %get3A_789 : i32 to index
        %get3A_791 = arith.index_cast %mul3A_761 : i32 to index
        %get3A_792 = tpu.vector_load %arg7[%get3A_790, %get3A_791] {strides = array<i32>} : memref<40x768xf32, #tpu.memory_space<vmem>>, vector<1x16xf32>,
        %get3A_793 = vector.shape_cast %get3A_792 : vector<1x16xf32> to vector<16xf32>
        %add3A_794 = arith.addf %get3A_793, %get3A_765 : vector<16xf32>
        %swap3A_795 = arith.constant 16 : i32
        %swap3A_796 = arith.index_cast %swap3A_795 : i32 to index
        %swap3A_797 = arith.index_cast %mul3A_761 : i32 to index
        %swap3A_798 = tpu.vector_load %arg7[%swap3A_796, %swap3A_797] {strides = array<i32>} : memref<40x768xf32, #tpu.memory_space<vmem>>, vector<1x16xf32>,
        %swap3A_799 = vector.shape_cast %swap3A_798 : vector<1x16xf32> to vector<16xf32>
        %swap3A_800 = vector.shape_cast %add3A_794 : vector<16xf32> to vector<1x16xf32>
        tpu.vector_store %arg7[%swap3A_796, %swap3A_797], %swap3A_800 {strides = array<i32>} : memref<40x768xf32, #tpu.memory_space<vmem>>, vector<1x16xf32>,
        %get3A_801 = arith.constant 24 : i32
        %get3A_802 = arith.index_cast %get3A_801 : i32 to index
        %get3A_803 = arith.index_cast %mul3A_761 : i32 to index
        %get3A_804 = tpu.vector_load %arg7[%get3A_802, %get3A_803] {strides = array<i32>} : memref<40x768xf32, #tpu.memory_space<vmem>>, vector<1x16xf32>,
        %get3A_805 = vector.shape_cast %get3A_804 : vector<1x16xf32> to vector<16xf32>
        %add3A_806 = arith.addf %get3A_805, %get3A_765 : vector<16xf32>
        %swap3A_807 = arith.constant 24 : i32
        %swap3A_808 = arith.index_cast %swap3A_807 : i32 to index
        %swap3A_809 = arith.index_cast %mul3A_761 : i32 to index
        %swap3A_810 = tpu.vector_load %arg7[%swap3A_808, %swap3A_809] {strides = array<i32>} : memref<40x768xf32, #tpu.memory_space<vmem>>, vector<1x16xf32>,
        %swap3A_811 = vector.shape_cast %swap3A_810 : vector<1x16xf32> to vector<16xf32>
        %swap3A_812 = vector.shape_cast %add3A_806 : vector<16xf32> to vector<1x16xf32>
        tpu.vector_store %arg7[%swap3A_808, %swap3A_809], %swap3A_812 {strides = array<i32>} : memref<40x768xf32, #tpu.memory_space<vmem>>, vector<1x16xf32>,
        %get3A_813 = arith.constant 33 : i32
        %get3A_814 = arith.index_cast %get3A_813 : i32 to index
        %get3A_815 = arith.index_cast %mul3A_761 : i32 to index
        %get3A_816 = tpu.vector_load %arg7[%get3A_814, %get3A_815] {strides = array<i32>} : memref<40x768xf32, #tpu.memory_space<vmem>>, vector<1x16xf32>,
        %get3A_817 = vector.shape_cast %get3A_816 : vector<1x16xf32> to vector<16xf32>
        %get3A_818 = arith.constant 1 : i32
        %get3A_819 = arith.index_cast %get3A_818 : i32 to index
        %get3A_820 = arith.index_cast %mul3A_761 : i32 to index
        %get3A_821 = tpu.vector_load %arg7[%get3A_819, %get3A_820] {strides = array<i32>} : memref<40x768xf32, #tpu.memory_space<vmem>>, vector<1x16xf32>,
        %get3A_822 = vector.shape_cast %get3A_821 : vector<1x16xf32> to vector<16xf32>
        %add3A_823 = arith.addf %get3A_822, %get3A_817 : vector<16xf32>
        %swap3A_824 = arith.constant 1 : i32
        %swap3A_825 = arith.index_cast %swap3A_824 : i32 to index
        %swap3A_826 = arith.index_cast %mul3A_761 : i32 to index
        %swap3A_827 = tpu.vector_load %arg7[%swap3A_825, %swap3A_826] {strides = array<i32>} : memref<40x768xf32, #tpu.memory_space<vmem>>, vector<1x16xf32>,
        %swap3A_828 = vector.shape_cast %swap3A_827 : vector<1x16xf32> to vector<16xf32>
        %swap3A_829 = vector.shape_cast %add3A_823 : vector<16xf32> to vector<1x16xf32>
        tpu.vector_store %arg7[%swap3A_825, %swap3A_826], %swap3A_829 {strides = array<i32>} : memref<40x768xf32, #tpu.memory_space<vmem>>, vector<1x16xf32>,
        %get3A_830 = arith.constant 9 : i32
        %get3A_831 = arith.index_cast %get3A_830 : i32 to index
        %get3A_832 = arith.index_cast %mul3A_761 : i32 to index
        %get3A_833 = tpu.vector_load %arg7[%get3A_831, %get3A_832] {strides = array<i32>} : memref<40x768xf32, #tpu.memory_space<vmem>>, vector<1x16xf32>,
        %get3A_834 = vector.shape_cast %get3A_833 : vector<1x16xf32> to vector<16xf32>
        %add3A_835 = arith.addf %get3A_834, %get3A_817 : vector<16xf32>
        %swap3A_836 = arith.constant 9 : i32
        %swap3A_837 = arith.index_cast %swap3A_836 : i32 to index
        %swap3A_838 = arith.index_cast %mul3A_761 : i32 to index
        %swap3A_839 = tpu.vector_load %arg7[%swap3A_837, %swap3A_838] {strides = array<i32>} : memref<40x768xf32, #tpu.memory_space<vmem>>, vector<1x16xf32>,
        %swap3A_840 = vector.shape_cast %swap3A_839 : vector<1x16xf32> to vector<16xf32>
        %swap3A_841 = vector.shape_cast %add3A_835 : vector<16xf32> to vector<1x16xf32>
        tpu.vector_store %arg7[%swap3A_837, %swap3A_838], %swap3A_841 {strides = array<i32>} : memref<40x768xf32, #tpu.memory_space<vmem>>, vector<1x16xf32>,
        %get3A_842 = arith.constant 17 : i32
        %get3A_843 = arith.index_cast %get3A_842 : i32 to index
        %get3A_844 = arith.index_cast %mul3A_761 : i32 to index
        %get3A_845 = tpu.vector_load %arg7[%get3A_843, %get3A_844] {strides = array<i32>} : memref<40x768xf32, #tpu.memory_space<vmem>>, vector<1x16xf32>,
        %get3A_846 = vector.shape_cast %get3A_845 : vector<1x16xf32> to vector<16xf32>
        %add3A_847 = arith.addf %get3A_846, %get3A_817 : vector<16xf32>
        %swap3A_848 = arith.constant 17 : i32
        %swap3A_849 = arith.index_cast %swap3A_848 : i32 to index
        %swap3A_850 = arith.index_cast %mul3A_761 : i32 to index
        %swap3A_851 = tpu.vector_load %arg7[%swap3A_849, %swap3A_850] {strides = array<i32>} : memref<40x768xf32, #tpu.memory_space<vmem>>, vector<1x16xf32>,
        %swap3A_852 = vector.shape_cast %swap3A_851 : vector<1x16xf32> to vector<16xf32>
        %swap3A_853 = vector.shape_cast %add3A_847 : vector<16xf32> to vector<1x16xf32>
        tpu.vector_store %arg7[%swap3A_849, %swap3A_850], %swap3A_853 {strides = array<i32>} : memref<40x768xf32, #tpu.memory_space<vmem>>, vector<1x16xf32>,
        %get3A_854 = arith.constant 25 : i32
        %get3A_855 = arith.index_cast %get3A_854 : i32 to index
        %get3A_856 = arith.index_cast %mul3A_761 : i32 to index
        %get3A_857 = tpu.vector_load %arg7[%get3A_855, %get3A_856] {strides = array<i32>} : memref<40x768xf32, #tpu.memory_space<vmem>>, vector<1x16xf32>,
        %get3A_858 = vector.shape_cast %get3A_857 : vector<1x16xf32> to vector<16xf32>
        %add3A_859 = arith.addf %get3A_858, %get3A_817 : vector<16xf32>
        %swap3A_860 = arith.constant 25 : i32
        %swap3A_861 = arith.index_cast %swap3A_860 : i32 to index
        %swap3A_862 = arith.index_cast %mul3A_761 : i32 to index
        %swap3A_863 = tpu.vector_load %arg7[%swap3A_861, %swap3A_862] {strides = array<i32>} : memref<40x768xf32, #tpu.memory_space<vmem>>, vector<1x16xf32>,
        %swap3A_864 = vector.shape_cast %swap3A_863 : vector<1x16xf32> to vector<16xf32>
        %swap3A_865 = vector.shape_cast %add3A_859 : vector<16xf32> to vector<1x16xf32>
        tpu.vector_store %arg7[%swap3A_861, %swap3A_862], %swap3A_865 {strides = array<i32>} : memref<40x768xf32, #tpu.memory_space<vmem>>, vector<1x16xf32>,
        %get3A_866 = arith.constant 34 : i32
        %get3A_867 = arith.index_cast %get3A_866 : i32 to index
        %get3A_868 = arith.index_cast %mul3A_761 : i32 to index
        %get3A_869 = tpu.vector_load %arg7[%get3A_867, %get3A_868] {strides = array<i32>} : memref<40x768xf32, #tpu.memory_space<vmem>>, vector<1x16xf32>,
        %get3A_870 = vector.shape_cast %get3A_869 : vector<1x16xf32> to vector<16xf32>
        %get3A_871 = arith.constant 2 : i32
        %get3A_872 = arith.index_cast %get3A_871 : i32 to index
        %get3A_873 = arith.index_cast %mul3A_761 : i32 to index
        %get3A_874 = tpu.vector_load %arg7[%get3A_872, %get3A_873] {strides = array<i32>} : memref<40x768xf32, #tpu.memory_space<vmem>>, vector<1x16xf32>,
        %get3A_875 = vector.shape_cast %get3A_874 : vector<1x16xf32> to vector<16xf32>
        %add3A_876 = arith.addf %get3A_875, %get3A_870 : vector<16xf32>
        %swap3A_877 = arith.constant 2 : i32
        %swap3A_878 = arith.index_cast %swap3A_877 : i32 to index
        %swap3A_879 = arith.index_cast %mul3A_761 : i32 to index
        %swap3A_880 = tpu.vector_load %arg7[%swap3A_878, %swap3A_879] {strides = array<i32>} : memref<40x768xf32, #tpu.memory_space<vmem>>, vector<1x16xf32>,
        %swap3A_881 = vector.shape_cast %swap3A_880 : vector<1x16xf32> to vector<16xf32>
        %swap3A_882 = vector.shape_cast %add3A_876 : vector<16xf32> to vector<1x16xf32>
        tpu.vector_store %arg7[%swap3A_878, %swap3A_879], %swap3A_882 {strides = array<i32>} : memref<40x768xf32, #tpu.memory_space<vmem>>, vector<1x16xf32>,
        %get3A_883 = arith.constant 10 : i32
        %get3A_884 = arith.index_cast %get3A_883 : i32 to index
        %get3A_885 = arith.index_cast %mul3A_761 : i32 to index
        %get3A_886 = tpu.vector_load %arg7[%get3A_884, %get3A_885] {strides = array<i32>} : memref<40x768xf32, #tpu.memory_space<vmem>>, vector<1x16xf32>,
        %get3A_887 = vector.shape_cast %get3A_886 : vector<1x16xf32> to vector<16xf32>
        %add3A_888 = arith.addf %get3A_887, %get3A_870 : vector<16xf32>
        %swap3A_889 = arith.constant 10 : i32
        %swap3A_890 = arith.index_cast %swap3A_889 : i32 to index
        %swap3A_891 = arith.index_cast %mul3A_761 : i32 to index
        %swap3A_892 = tpu.vector_load %arg7[%swap3A_890, %swap3A_891] {strides = array<i32>} : memref<40x768xf32, #tpu.memory_space<vmem>>, vector<1x16xf32>,
        %swap3A_893 = vector.shape_cast %swap3A_892 : vector<1x16xf32> to vector<16xf32>
        %swap3A_894 = vector.shape_cast %add3A_888 : vector<16xf32> to vector<1x16xf32>
        tpu.vector_store %arg7[%swap3A_890, %swap3A_891], %swap3A_894 {strides = array<i32>} : memref<40x768xf32, #tpu.memory_space<vmem>>, vector<1x16xf32>,
        %get3A_895 = arith.constant 18 : i32
        %get3A_896 = arith.index_cast %get3A_895 : i32 to index
        %get3A_897 = arith.index_cast %mul3A_761 : i32 to index
        %get3A_898 = tpu.vector_load %arg7[%get3A_896, %get3A_897] {strides = array<i32>} : memref<40x768xf32, #tpu.memory_space<vmem>>, vector<1x16xf32>,
        %get3A_899 = vector.shape_cast %get3A_898 : vector<1x16xf32> to vector<16xf32>
        %add3A_900 = arith.addf %get3A_899, %get3A_870 : vector<16xf32>
        %swap3A_901 = arith.constant 18 : i32
        %swap3A_902 = arith.index_cast %swap3A_901 : i32 to index
        %swap3A_903 = arith.index_cast %mul3A_761 : i32 to index
        %swap3A_904 = tpu.vector_load %arg7[%swap3A_902, %swap3A_903] {strides = array<i32>} : memref<40x768xf32, #tpu.memory_space<vmem>>, vector<1x16xf32>,
        %swap3A_905 = vector.shape_cast %swap3A_904 : vector<1x16xf32> to vector<16xf32>
        %swap3A_906 = vector.shape_cast %add3A_900 : vector<16xf32> to vector<1x16xf32>
        tpu.vector_store %arg7[%swap3A_902, %swap3A_903], %swap3A_906 {strides = array<i32>} : memref<40x768xf32, #tpu.memory_space<vmem>>, vector<1x16xf32>,
        %get3A_907 = arith.constant 26 : i32
        %get3A_908 = arith.index_cast %get3A_907 : i32 to index
        %get3A_909 = arith.index_cast %mul3A_761 : i32 to index
        %get3A_910 = tpu.vector_load %arg7[%get3A_908, %get3A_909] {strides = array<i32>} : memref<40x768xf32, #tpu.memory_space<vmem>>, vector<1x16xf32>,
        %get3A_911 = vector.shape_cast %get3A_910 : vector<1x16xf32> to vector<16xf32>
        %add3A_912 = arith.addf %get3A_911, %get3A_870 : vector<16xf32>
        %swap3A_913 = arith.constant 26 : i32
        %swap3A_914 = arith.index_cast %swap3A_913 : i32 to index
        %swap3A_915 = arith.index_cast %mul3A_761 : i32 to index
        %swap3A_916 = tpu.vector_load %arg7[%swap3A_914, %swap3A_915] {strides = array<i32>} : memref<40x768xf32, #tpu.memory_space<vmem>>, vector<1x16xf32>,
        %swap3A_917 = vector.shape_cast %swap3A_916 : vector<1x16xf32> to vector<16xf32>
        %swap3A_918 = vector.shape_cast %add3A_912 : vector<16xf32> to vector<1x16xf32>
        tpu.vector_store %arg7[%swap3A_914, %swap3A_915], %swap3A_918 {strides = array<i32>} : memref<40x768xf32, #tpu.memory_space<vmem>>, vector<1x16xf32>,
        %get3A_919 = arith.constant 35 : i32
        %get3A_920 = arith.index_cast %get3A_919 : i32 to index
        %get3A_921 = arith.index_cast %mul3A_761 : i32 to index
        %get3A_922 = tpu.vector_load %arg7[%get3A_920, %get3A_921] {strides = array<i32>} : memref<40x768xf32, #tpu.memory_space<vmem>>, vector<1x16xf32>,
        %get3A_923 = vector.shape_cast %get3A_922 : vector<1x16xf32> to vector<16xf32>
        %get3A_924 = arith.constant 3 : i32
        %get3A_925 = arith.index_cast %get3A_924 : i32 to index
        %get3A_926 = arith.index_cast %mul3A_761 : i32 to index
        %get3A_927 = tpu.vector_load %arg7[%get3A_925, %get3A_926] {strides = array<i32>} : memref<40x768xf32, #tpu.memory_space<vmem>>, vector<1x16xf32>,
        %get3A_928 = vector.shape_cast %get3A_927 : vector<1x16xf32> to vector<16xf32>
        %add3A_929 = arith.addf %get3A_928, %get3A_923 : vector<16xf32>
        %swap3A_930 = arith.constant 3 : i32
        %swap3A_931 = arith.index_cast %swap3A_930 : i32 to index
        %swap3A_932 = arith.index_cast %mul3A_761 : i32 to index
        %swap3A_933 = tpu.vector_load %arg7[%swap3A_931, %swap3A_932] {strides = array<i32>} : memref<40x768xf32, #tpu.memory_space<vmem>>, vector<1x16xf32>,
        %swap3A_934 = vector.shape_cast %swap3A_933 : vector<1x16xf32> to vector<16xf32>
        %swap3A_935 = vector.shape_cast %add3A_929 : vector<16xf32> to vector<1x16xf32>
        tpu.vector_store %arg7[%swap3A_931, %swap3A_932], %swap3A_935 {strides = array<i32>} : memref<40x768xf32, #tpu.memory_space<vmem>>, vector<1x16xf32>,
        %get3A_936 = arith.constant 11 : i32
        %get3A_937 = arith.index_cast %get3A_936 : i32 to index
        %get3A_938 = arith.index_cast %mul3A_761 : i32 to index
        %get3A_939 = tpu.vector_load %arg7[%get3A_937, %get3A_938] {strides = array<i32>} : memref<40x768xf32, #tpu.memory_space<vmem>>, vector<1x16xf32>,
        %get3A_940 = vector.shape_cast %get3A_939 : vector<1x16xf32> to vector<16xf32>
        %add3A_941 = arith.addf %get3A_940, %get3A_923 : vector<16xf32>
        %swap3A_942 = arith.constant 11 : i32
        %swap3A_943 = arith.index_cast %swap3A_942 : i32 to index
        %swap3A_944 = arith.index_cast %mul3A_761 : i32 to index
        %swap3A_945 = tpu.vector_load %arg7[%swap3A_943, %swap3A_944] {strides = array<i32>} : memref<40x768xf32, #tpu.memory_space<vmem>>, vector<1x16xf32>,
        %swap3A_946 = vector.shape_cast %swap3A_945 : vector<1x16xf32> to vector<16xf32>
        %swap3A_947 = vector.shape_cast %add3A_941 : vector<16xf32> to vector<1x16xf32>
        tpu.vector_store %arg7[%swap3A_943, %swap3A_944], %swap3A_947 {strides = array<i32>} : memref<40x768xf32, #tpu.memory_space<vmem>>, vector<1x16xf32>,
        %get3A_948 = arith.constant 19 : i32
        %get3A_949 = arith.index_cast %get3A_948 : i32 to index
        %get3A_950 = arith.index_cast %mul3A_761 : i32 to index
        %get3A_951 = tpu.vector_load %arg7[%get3A_949, %get3A_950] {strides = array<i32>} : memref<40x768xf32, #tpu.memory_space<vmem>>, vector<1x16xf32>,
        %get3A_952 = vector.shape_cast %get3A_951 : vector<1x16xf32> to vector<16xf32>
        %add3A_953 = arith.addf %get3A_952, %get3A_923 : vector<16xf32>
        %swap3A_954 = arith.constant 19 : i32
        %swap3A_955 = arith.index_cast %swap3A_954 : i32 to index
        %swap3A_956 = arith.index_cast %mul3A_761 : i32 to index
        %swap3A_957 = tpu.vector_load %arg7[%swap3A_955, %swap3A_956] {strides = array<i32>} : memref<40x768xf32, #tpu.memory_space<vmem>>, vector<1x16xf32>,
        %swap3A_958 = vector.shape_cast %swap3A_957 : vector<1x16xf32> to vector<16xf32>
        %swap3A_959 = vector.shape_cast %add3A_953 : vector<16xf32> to vector<1x16xf32>
        tpu.vector_store %arg7[%swap3A_955, %swap3A_956], %swap3A_959 {strides = array<i32>} : memref<40x768xf32, #tpu.memory_space<vmem>>, vector<1x16xf32>,
        %get3A_960 = arith.constant 27 : i32
        %get3A_961 = arith.index_cast %get3A_960 : i32 to index
        %get3A_962 = arith.index_cast %mul3A_761 : i32 to index
        %get3A_963 = tpu.vector_load %arg7[%get3A_961, %get3A_962] {strides = array<i32>} : memref<40x768xf32, #tpu.memory_space<vmem>>, vector<1x16xf32>,
        %get3A_964 = vector.shape_cast %get3A_963 : vector<1x16xf32> to vector<16xf32>
        %add3A_965 = arith.addf %get3A_964, %get3A_923 : vector<16xf32>
        %swap3A_966 = arith.constant 27 : i32
        %swap3A_967 = arith.index_cast %swap3A_966 : i32 to index
        %swap3A_968 = arith.index_cast %mul3A_761 : i32 to index
        %swap3A_969 = tpu.vector_load %arg7[%swap3A_967, %swap3A_968] {strides = array<i32>} : memref<40x768xf32, #tpu.memory_space<vmem>>, vector<1x16xf32>,
        %swap3A_970 = vector.shape_cast %swap3A_969 : vector<1x16xf32> to vector<16xf32>
        %swap3A_971 = vector.shape_cast %add3A_965 : vector<16xf32> to vector<1x16xf32>
        tpu.vector_store %arg7[%swap3A_967, %swap3A_968], %swap3A_971 {strides = array<i32>} : memref<40x768xf32, #tpu.memory_space<vmem>>, vector<1x16xf32>,
        %get3A_972 = arith.constant 36 : i32
        %get3A_973 = arith.index_cast %get3A_972 : i32 to index
        %get3A_974 = arith.index_cast %mul3A_761 : i32 to index
        %get3A_975 = tpu.vector_load %arg7[%get3A_973, %get3A_974] {strides = array<i32>} : memref<40x768xf32, #tpu.memory_space<vmem>>, vector<1x16xf32>,
        %get3A_976 = vector.shape_cast %get3A_975 : vector<1x16xf32> to vector<16xf32>
        %get3A_977 = arith.constant 4 : i32
        %get3A_978 = arith.index_cast %get3A_977 : i32 to index
        %get3A_979 = arith.index_cast %mul3A_761 : i32 to index
        %get3A_980 = tpu.vector_load %arg7[%get3A_978, %get3A_979] {strides = array<i32>} : memref<40x768xf32, #tpu.memory_space<vmem>>, vector<1x16xf32>,
        %get3A_981 = vector.shape_cast %get3A_980 : vector<1x16xf32> to vector<16xf32>
        %add3A_982 = arith.addf %get3A_981, %get3A_976 : vector<16xf32>
        %swap3A_983 = arith.constant 4 : i32
        %swap3A_984 = arith.index_cast %swap3A_983 : i32 to index
        %swap3A_985 = arith.index_cast %mul3A_761 : i32 to index
        %swap3A_986 = tpu.vector_load %arg7[%swap3A_984, %swap3A_985] {strides = array<i32>} : memref<40x768xf32, #tpu.memory_space<vmem>>, vector<1x16xf32>,
        %swap3A_987 = vector.shape_cast %swap3A_986 : vector<1x16xf32> to vector<16xf32>
        %swap3A_988 = vector.shape_cast %add3A_982 : vector<16xf32> to vector<1x16xf32>
        tpu.vector_store %arg7[%swap3A_984, %swap3A_985], %swap3A_988 {strides = array<i32>} : memref<40x768xf32, #tpu.memory_space<vmem>>, vector<1x16xf32>,
        %get3A_989 = arith.constant 12 : i32
        %get3A_990 = arith.index_cast %get3A_989 : i32 to index
        %get3A_991 = arith.index_cast %mul3A_761 : i32 to index
        %get3A_992 = tpu.vector_load %arg7[%get3A_990, %get3A_991] {strides = array<i32>} : memref<40x768xf32, #tpu.memory_space<vmem>>, vector<1x16xf32>,
        %get3A_993 = vector.shape_cast %get3A_992 : vector<1x16xf32> to vector<16xf32>
        %add3A_994 = arith.addf %get3A_993, %get3A_976 : vector<16xf32>
        %swap3A_995 = arith.constant 12 : i32
        %swap3A_996 = arith.index_cast %swap3A_995 : i32 to index
        %swap3A_997 = arith.index_cast %mul3A_761 : i32 to index
        %swap3A_998 = tpu.vector_load %arg7[%swap3A_996, %swap3A_997] {strides = array<i32>} : memref<40x768xf32, #tpu.memory_space<vmem>>, vector<1x16xf32>,
        %swap3A_999 = vector.shape_cast %swap3A_998 : vector<1x16xf32> to vector<16xf32>
        %swap3A_1000 = vector.shape_cast %add3A_994 : vector<16xf32> to vector<1x16xf32>
        tpu.vector_store %arg7[%swap3A_996, %swap3A_997], %swap3A_1000 {strides = array<i32>} : memref<40x768xf32, #tpu.memory_space<vmem>>, vector<1x16xf32>,
        %get3A_1001 = arith.constant 20 : i32
        %get3A_1002 = arith.index_cast %get3A_1001 : i32 to index
        %get3A_1003 = arith.index_cast %mul3A_761 : i32 to index
        %get3A_1004 = tpu.vector_load %arg7[%get3A_1002, %get3A_1003] {strides = array<i32>} : memref<40x768xf32, #tpu.memory_space<vmem>>, vector<1x16xf32>,
        %get3A_1005 = vector.shape_cast %get3A_1004 : vector<1x16xf32> to vector<16xf32>
        %add3A_1006 = arith.addf %get3A_1005, %get3A_976 : vector<16xf32>
        %swap3A_1007 = arith.constant 20 : i32
        %swap3A_1008 = arith.index_cast %swap3A_1007 : i32 to index
        %swap3A_1009 = arith.index_cast %mul3A_761 : i32 to index
        %swap3A_1010 = tpu.vector_load %arg7[%swap3A_1008, %swap3A_1009] {strides = array<i32>} : memref<40x768xf32, #tpu.memory_space<vmem>>, vector<1x16xf32>,
        %swap3A_1011 = vector.shape_cast %swap3A_1010 : vector<1x16xf32> to vector<16xf32>
        %swap3A_1012 = vector.shape_cast %add3A_1006 : vector<16xf32> to vector<1x16xf32>
        tpu.vector_store %arg7[%swap3A_1008, %swap3A_1009], %swap3A_1012 {strides = array<i32>} : memref<40x768xf32, #tpu.memory_space<vmem>>, vector<1x16xf32>,
        %get3A_1013 = arith.constant 28 : i32
        %get3A_1014 = arith.index_cast %get3A_1013 : i32 to index
        %get3A_1015 = arith.index_cast %mul3A_761 : i32 to index
        %get3A_1016 = tpu.vector_load %arg7[%get3A_1014, %get3A_1015] {strides = array<i32>} : memref<40x768xf32, #tpu.memory_space<vmem>>, vector<1x16xf32>,
        %get3A_1017 = vector.shape_cast %get3A_1016 : vector<1x16xf32> to vector<16xf32>
        %add3A_1018 = arith.addf %get3A_1017, %get3A_976 : vector<16xf32>
        %swap3A_1019 = arith.constant 28 : i32
        %swap3A_1020 = arith.index_cast %swap3A_1019 : i32 to index
        %swap3A_1021 = arith.index_cast %mul3A_761 : i32 to index
        %swap3A_1022 = tpu.vector_load %arg7[%swap3A_1020, %swap3A_1021] {strides = array<i32>} : memref<40x768xf32, #tpu.memory_space<vmem>>, vector<1x16xf32>,
        %swap3A_1023 = vector.shape_cast %swap3A_1022 : vector<1x16xf32> to vector<16xf32>
        %swap3A_1024 = vector.shape_cast %add3A_1018 : vector<16xf32> to vector<1x16xf32>
        tpu.vector_store %arg7[%swap3A_1020, %swap3A_1021], %swap3A_1024 {strides = array<i32>} : memref<40x768xf32, #tpu.memory_space<vmem>>, vector<1x16xf32>,
        %get3A_1025 = arith.constant 37 : i32
        %get3A_1026 = arith.index_cast %get3A_1025 : i32 to index
        %get3A_1027 = arith.index_cast %mul3A_761 : i32 to index
        %get3A_1028 = tpu.vector_load %arg7[%get3A_1026, %get3A_1027] {strides = array<i32>} : memref<40x768xf32, #tpu.memory_space<vmem>>, vector<1x16xf32>,
        %get3A_1029 = vector.shape_cast %get3A_1028 : vector<1x16xf32> to vector<16xf32>
        %get3A_1030 = arith.constant 5 : i32
        %get3A_1031 = arith.index_cast %get3A_1030 : i32 to index
        %get3A_1032 = arith.index_cast %mul3A_761 : i32 to index
        %get3A_1033 = tpu.vector_load %arg7[%get3A_1031, %get3A_1032] {strides = array<i32>} : memref<40x768xf32, #tpu.memory_space<vmem>>, vector<1x16xf32>,
        %get3A_1034 = vector.shape_cast %get3A_1033 : vector<1x16xf32> to vector<16xf32>
        %add3A_1035 = arith.addf %get3A_1034, %get3A_1029 : vector<16xf32>
        %swap3A_1036 = arith.constant 5 : i32
        %swap3A_1037 = arith.index_cast %swap3A_1036 : i32 to index
        %swap3A_1038 = arith.index_cast %mul3A_761 : i32 to index
        %swap3A_1039 = tpu.vector_load %arg7[%swap3A_1037, %swap3A_1038] {strides = array<i32>} : memref<40x768xf32, #tpu.memory_space<vmem>>, vector<1x16xf32>,
        %swap3A_1040 = vector.shape_cast %swap3A_1039 : vector<1x16xf32> to vector<16xf32>
        %swap3A_1041 = vector.shape_cast %add3A_1035 : vector<16xf32> to vector<1x16xf32>
        tpu.vector_store %arg7[%swap3A_1037, %swap3A_1038], %swap3A_1041 {strides = array<i32>} : memref<40x768xf32, #tpu.memory_space<vmem>>, vector<1x16xf32>,
        %get3A_1042 = arith.constant 13 : i32
        %get3A_1043 = arith.index_cast %get3A_1042 : i32 to index
        %get3A_1044 = arith.index_cast %mul3A_761 : i32 to index
        %get3A_1045 = tpu.vector_load %arg7[%get3A_1043, %get3A_1044] {strides = array<i32>} : memref<40x768xf32, #tpu.memory_space<vmem>>, vector<1x16xf32>,
        %get3A_1046 = vector.shape_cast %get3A_1045 : vector<1x16xf32> to vector<16xf32>
        %add3A_1047 = arith.addf %get3A_1046, %get3A_1029 : vector<16xf32>
        %swap3A_1048 = arith.constant 13 : i32
        %swap3A_1049 = arith.index_cast %swap3A_1048 : i32 to index
        %swap3A_1050 = arith.index_cast %mul3A_761 : i32 to index
        %swap3A_1051 = tpu.vector_load %arg7[%swap3A_1049, %swap3A_1050] {strides = array<i32>} : memref<40x768xf32, #tpu.memory_space<vmem>>, vector<1x16xf32>,
        %swap3A_1052 = vector.shape_cast %swap3A_1051 : vector<1x16xf32> to vector<16xf32>
        %swap3A_1053 = vector.shape_cast %add3A_1047 : vector<16xf32> to vector<1x16xf32>
        tpu.vector_store %arg7[%swap3A_1049, %swap3A_1050], %swap3A_1053 {strides = array<i32>} : memref<40x768xf32, #tpu.memory_space<vmem>>, vector<1x16xf32>,
        %get3A_1054 = arith.constant 21 : i32
        %get3A_1055 = arith.index_cast %get3A_1054 : i32 to index
        %get3A_1056 = arith.index_cast %mul3A_761 : i32 to index
        %get3A_1057 = tpu.vector_load %arg7[%get3A_1055, %get3A_1056] {strides = array<i32>} : memref<40x768xf32, #tpu.memory_space<vmem>>, vector<1x16xf32>,
        %get3A_1058 = vector.shape_cast %get3A_1057 : vector<1x16xf32> to vector<16xf32>
        %add3A_1059 = arith.addf %get3A_1058, %get3A_1029 : vector<16xf32>
        %swap3A_1060 = arith.constant 21 : i32
        %swap3A_1061 = arith.index_cast %swap3A_1060 : i32 to index
        %swap3A_1062 = arith.index_cast %mul3A_761 : i32 to index
        %swap3A_1063 = tpu.vector_load %arg7[%swap3A_1061, %swap3A_1062] {strides = array<i32>} : memref<40x768xf32, #tpu.memory_space<vmem>>, vector<1x16xf32>,
        %swap3A_1064 = vector.shape_cast %swap3A_1063 : vector<1x16xf32> to vector<16xf32>
        %swap3A_1065 = vector.shape_cast %add3A_1059 : vector<16xf32> to vector<1x16xf32>
        tpu.vector_store %arg7[%swap3A_1061, %swap3A_1062], %swap3A_1065 {strides = array<i32>} : memref<40x768xf32, #tpu.memory_space<vmem>>, vector<1x16xf32>,
        %get3A_1066 = arith.constant 29 : i32
        %get3A_1067 = arith.index_cast %get3A_1066 : i32 to index
        %get3A_1068 = arith.index_cast %mul3A_761 : i32 to index
        %get3A_1069 = tpu.vector_load %arg7[%get3A_1067, %get3A_1068] {strides = array<i32>} : memref<40x768xf32, #tpu.memory_space<vmem>>, vector<1x16xf32>,
        %get3A_1070 = vector.shape_cast %get3A_1069 : vector<1x16xf32> to vector<16xf32>
        %add3A_1071 = arith.addf %get3A_1070, %get3A_1029 : vector<16xf32>
        %swap3A_1072 = arith.constant 29 : i32
        %swap3A_1073 = arith.index_cast %swap3A_1072 : i32 to index
        %swap3A_1074 = arith.index_cast %mul3A_761 : i32 to index
        %swap3A_1075 = tpu.vector_load %arg7[%swap3A_1073, %swap3A_1074] {strides = array<i32>} : memref<40x768xf32, #tpu.memory_space<vmem>>, vector<1x16xf32>,
        %swap3A_1076 = vector.shape_cast %swap3A_1075 : vector<1x16xf32> to vector<16xf32>
        %swap3A_1077 = vector.shape_cast %add3A_1071 : vector<16xf32> to vector<1x16xf32>
        tpu.vector_store %arg7[%swap3A_1073, %swap3A_1074], %swap3A_1077 {strides = array<i32>} : memref<40x768xf32, #tpu.memory_space<vmem>>, vector<1x16xf32>,
        %get3A_1078 = arith.constant 38 : i32
        %get3A_1079 = arith.index_cast %get3A_1078 : i32 to index
        %get3A_1080 = arith.index_cast %mul3A_761 : i32 to index
        %get3A_1081 = tpu.vector_load %arg7[%get3A_1079, %get3A_1080] {strides = array<i32>} : memref<40x768xf32, #tpu.memory_space<vmem>>, vector<1x16xf32>,
        %get3A_1082 = vector.shape_cast %get3A_1081 : vector<1x16xf32> to vector<16xf32>
        %get3A_1083 = arith.constant 6 : i32
        %get3A_1084 = arith.index_cast %get3A_1083 : i32 to index
        %get3A_1085 = arith.index_cast %mul3A_761 : i32 to index
        %get3A_1086 = tpu.vector_load %arg7[%get3A_1084, %get3A_1085] {strides = array<i32>} : memref<40x768xf32, #tpu.memory_space<vmem>>, vector<1x16xf32>,
        %get3A_1087 = vector.shape_cast %get3A_1086 : vector<1x16xf32> to vector<16xf32>
        %add3A_1088 = arith.addf %get3A_1087, %get3A_1082 : vector<16xf32>
        %swap3A_1089 = arith.constant 6 : i32
        %swap3A_1090 = arith.index_cast %swap3A_1089 : i32 to index
        %swap3A_1091 = arith.index_cast %mul3A_761 : i32 to index
        %swap3A_1092 = tpu.vector_load %arg7[%swap3A_1090, %swap3A_1091] {strides = array<i32>} : memref<40x768xf32, #tpu.memory_space<vmem>>, vector<1x16xf32>,
        %swap3A_1093 = vector.shape_cast %swap3A_1092 : vector<1x16xf32> to vector<16xf32>
        %swap3A_1094 = vector.shape_cast %add3A_1088 : vector<16xf32> to vector<1x16xf32>
        tpu.vector_store %arg7[%swap3A_1090, %swap3A_1091], %swap3A_1094 {strides = array<i32>} : memref<40x768xf32, #tpu.memory_space<vmem>>, vector<1x16xf32>,
        %get3A_1095 = arith.constant 14 : i32
        %get3A_1096 = arith.index_cast %get3A_1095 : i32 to index
        %get3A_1097 = arith.index_cast %mul3A_761 : i32 to index
        %get3A_1098 = tpu.vector_load %arg7[%get3A_1096, %get3A_1097] {strides = array<i32>} : memref<40x768xf32, #tpu.memory_space<vmem>>, vector<1x16xf32>,
        %get3A_1099 = vector.shape_cast %get3A_1098 : vector<1x16xf32> to vector<16xf32>
        %add3A_1100 = arith.addf %get3A_1099, %get3A_1082 : vector<16xf32>
        %swap3A_1101 = arith.constant 14 : i32
        %swap3A_1102 = arith.index_cast %swap3A_1101 : i32 to index
        %swap3A_1103 = arith.index_cast %mul3A_761 : i32 to index
        %swap3A_1104 = tpu.vector_load %arg7[%swap3A_1102, %swap3A_1103] {strides = array<i32>} : memref<40x768xf32, #tpu.memory_space<vmem>>, vector<1x16xf32>,
        %swap3A_1105 = vector.shape_cast %swap3A_1104 : vector<1x16xf32> to vector<16xf32>
        %swap3A_1106 = vector.shape_cast %add3A_1100 : vector<16xf32> to vector<1x16xf32>
        tpu.vector_store %arg7[%swap3A_1102, %swap3A_1103], %swap3A_1106 {strides = array<i32>} : memref<40x768xf32, #tpu.memory_space<vmem>>, vector<1x16xf32>,
        %get3A_1107 = arith.constant 22 : i32
        %get3A_1108 = arith.index_cast %get3A_1107 : i32 to index
        %get3A_1109 = arith.index_cast %mul3A_761 : i32 to index
        %get3A_1110 = tpu.vector_load %arg7[%get3A_1108, %get3A_1109] {strides = array<i32>} : memref<40x768xf32, #tpu.memory_space<vmem>>, vector<1x16xf32>,
        %get3A_1111 = vector.shape_cast %get3A_1110 : vector<1x16xf32> to vector<16xf32>
        %add3A_1112 = arith.addf %get3A_1111, %get3A_1082 : vector<16xf32>
        %swap3A_1113 = arith.constant 22 : i32
        %swap3A_1114 = arith.index_cast %swap3A_1113 : i32 to index
        %swap3A_1115 = arith.index_cast %mul3A_761 : i32 to index
        %swap3A_1116 = tpu.vector_load %arg7[%swap3A_1114, %swap3A_1115] {strides = array<i32>} : memref<40x768xf32, #tpu.memory_space<vmem>>, vector<1x16xf32>,
        %swap3A_1117 = vector.shape_cast %swap3A_1116 : vector<1x16xf32> to vector<16xf32>
        %swap3A_1118 = vector.shape_cast %add3A_1112 : vector<16xf32> to vector<1x16xf32>
        tpu.vector_store %arg7[%swap3A_1114, %swap3A_1115], %swap3A_1118 {strides = array<i32>} : memref<40x768xf32, #tpu.memory_space<vmem>>, vector<1x16xf32>,
        %get3A_1119 = arith.constant 30 : i32
        %get3A_1120 = arith.index_cast %get3A_1119 : i32 to index
        %get3A_1121 = arith.index_cast %mul3A_761 : i32 to index
        %get3A_1122 = tpu.vector_load %arg7[%get3A_1120, %get3A_1121] {strides = array<i32>} : memref<40x768xf32, #tpu.memory_space<vmem>>, vector<1x16xf32>,
        %get3A_1123 = vector.shape_cast %get3A_1122 : vector<1x16xf32> to vector<16xf32>
        %add3A_1124 = arith.addf %get3A_1123, %get3A_1082 : vector<16xf32>
        %swap3A_1125 = arith.constant 30 : i32
        %swap3A_1126 = arith.index_cast %swap3A_1125 : i32 to index
        %swap3A_1127 = arith.index_cast %mul3A_761 : i32 to index
        %swap3A_1128 = tpu.vector_load %arg7[%swap3A_1126, %swap3A_1127] {strides = array<i32>} : memref<40x768xf32, #tpu.memory_space<vmem>>, vector<1x16xf32>,
        %swap3A_1129 = vector.shape_cast %swap3A_1128 : vector<1x16xf32> to vector<16xf32>
        %swap3A_1130 = vector.shape_cast %add3A_1124 : vector<16xf32> to vector<1x16xf32>
        tpu.vector_store %arg7[%swap3A_1126, %swap3A_1127], %swap3A_1130 {strides = array<i32>} : memref<40x768xf32, #tpu.memory_space<vmem>>, vector<1x16xf32>,
        %get3A_1131 = arith.constant 39 : i32
        %get3A_1132 = arith.index_cast %get3A_1131 : i32 to index
        %get3A_1133 = arith.index_cast %mul3A_761 : i32 to index
        %get3A_1134 = tpu.vector_load %arg7[%get3A_1132, %get3A_1133] {strides = array<i32>} : memref<40x768xf32, #tpu.memory_space<vmem>>, vector<1x16xf32>,
        %get3A_1135 = vector.shape_cast %get3A_1134 : vector<1x16xf32> to vector<16xf32>
        %get3A_1136 = arith.constant 7 : i32
        %get3A_1137 = arith.index_cast %get3A_1136 : i32 to index
        %get3A_1138 = arith.index_cast %mul3A_761 : i32 to index
        %get3A_1139 = tpu.vector_load %arg7[%get3A_1137, %get3A_1138] {strides = array<i32>} : memref<40x768xf32, #tpu.memory_space<vmem>>, vector<1x16xf32>,
        %get3A_1140 = vector.shape_cast %get3A_1139 : vector<1x16xf32> to vector<16xf32>
        %add3A_1141 = arith.addf %get3A_1140, %get3A_1135 : vector<16xf32>
        %swap3A_1142 = arith.constant 7 : i32
        %swap3A_1143 = arith.index_cast %swap3A_1142 : i32 to index
        %swap3A_1144 = arith.index_cast %mul3A_761 : i32 to index
        %swap3A_1145 = tpu.vector_load %arg7[%swap3A_1143, %swap3A_1144] {strides = array<i32>} : memref<40x768xf32, #tpu.memory_space<vmem>>, vector<1x16xf32>,
        %swap3A_1146 = vector.shape_cast %swap3A_1145 : vector<1x16xf32> to vector<16xf32>
        %swap3A_1147 = vector.shape_cast %add3A_1141 : vector<16xf32> to vector<1x16xf32>
        tpu.vector_store %arg7[%swap3A_1143, %swap3A_1144], %swap3A_1147 {strides = array<i32>} : memref<40x768xf32, #tpu.memory_space<vmem>>, vector<1x16xf32>,
        %get3A_1148 = arith.constant 15 : i32
        %get3A_1149 = arith.index_cast %get3A_1148 : i32 to index
        %get3A_1150 = arith.index_cast %mul3A_761 : i32 to index
        %get3A_1151 = tpu.vector_load %arg7[%get3A_1149, %get3A_1150] {strides = array<i32>} : memref<40x768xf32, #tpu.memory_space<vmem>>, vector<1x16xf32>,
        %get3A_1152 = vector.shape_cast %get3A_1151 : vector<1x16xf32> to vector<16xf32>
        %add3A_1153 = arith.addf %get3A_1152, %get3A_1135 : vector<16xf32>
        %swap3A_1154 = arith.constant 15 : i32
        %swap3A_1155 = arith.index_cast %swap3A_1154 : i32 to index
        %swap3A_1156 = arith.index_cast %mul3A_761 : i32 to index
        %swap3A_1157 = tpu.vector_load %arg7[%swap3A_1155, %swap3A_1156] {strides = array<i32>} : memref<40x768xf32, #tpu.memory_space<vmem>>, vector<1x16xf32>,
        %swap3A_1158 = vector.shape_cast %swap3A_1157 : vector<1x16xf32> to vector<16xf32>
        %swap3A_1159 = vector.shape_cast %add3A_1153 : vector<16xf32> to vector<1x16xf32>
        tpu.vector_store %arg7[%swap3A_1155, %swap3A_1156], %swap3A_1159 {strides = array<i32>} : memref<40x768xf32, #tpu.memory_space<vmem>>, vector<1x16xf32>,
        %get3A_1160 = arith.constant 23 : i32
        %get3A_1161 = arith.index_cast %get3A_1160 : i32 to index
        %get3A_1162 = arith.index_cast %mul3A_761 : i32 to index
        %get3A_1163 = tpu.vector_load %arg7[%get3A_1161, %get3A_1162] {strides = array<i32>} : memref<40x768xf32, #tpu.memory_space<vmem>>, vector<1x16xf32>,
        %get3A_1164 = vector.shape_cast %get3A_1163 : vector<1x16xf32> to vector<16xf32>
        %add3A_1165 = arith.addf %get3A_1164, %get3A_1135 : vector<16xf32>
        %swap3A_1166 = arith.constant 23 : i32
        %swap3A_1167 = arith.index_cast %swap3A_1166 : i32 to index
        %swap3A_1168 = arith.index_cast %mul3A_761 : i32 to index
        %swap3A_1169 = tpu.vector_load %arg7[%swap3A_1167, %swap3A_1168] {strides = array<i32>} : memref<40x768xf32, #tpu.memory_space<vmem>>, vector<1x16xf32>,
        %swap3A_1170 = vector.shape_cast %swap3A_1169 : vector<1x16xf32> to vector<16xf32>
        %swap3A_1171 = vector.shape_cast %add3A_1165 : vector<16xf32> to vector<1x16xf32>
        tpu.vector_store %arg7[%swap3A_1167, %swap3A_1168], %swap3A_1171 {strides = array<i32>} : memref<40x768xf32, #tpu.memory_space<vmem>>, vector<1x16xf32>,
        %get3A_1172 = arith.constant 31 : i32
        %get3A_1173 = arith.index_cast %get3A_1172 : i32 to index
        %get3A_1174 = arith.index_cast %mul3A_761 : i32 to index
        %get3A_1175 = tpu.vector_load %arg7[%get3A_1173, %get3A_1174] {strides = array<i32>} : memref<40x768xf32, #tpu.memory_space<vmem>>, vector<1x16xf32>,
        %get3A_1176 = vector.shape_cast %get3A_1175 : vector<1x16xf32> to vector<16xf32>
        %add3A_1177 = arith.addf %get3A_1176, %get3A_1135 : vector<16xf32>
        %swap3A_1178 = arith.constant 31 : i32
        %swap3A_1179 = arith.index_cast %swap3A_1178 : i32 to index
        %swap3A_1180 = arith.index_cast %mul3A_761 : i32 to index
        %swap3A_1181 = tpu.vector_load %arg7[%swap3A_1179, %swap3A_1180] {strides = array<i32>} : memref<40x768xf32, #tpu.memory_space<vmem>>, vector<1x16xf32>,
        %swap3A_1182 = vector.shape_cast %swap3A_1181 : vector<1x16xf32> to vector<16xf32>
        %swap3A_1183 = vector.shape_cast %add3A_1177 : vector<16xf32> to vector<1x16xf32>
        tpu.vector_store %arg7[%swap3A_1179, %swap3A_1180], %swap3A_1183 {strides = array<i32>} : memref<40x768xf32, #tpu.memory_space<vmem>>, vector<1x16xf32>,
        %scan3A_1184 = arith.constant 0 : i32
        scf.yield %scan3A_1184 : i32
      }
      %scan3A_571 = arith.constant 48 : i32
      %mul3A_572 = arith.constant 8 : i32
      %mul3A_573 = arith.muli %add3A_492, %mul3A_572 : i32
      %add3A_574 = arith.addi %mul3A_2, %mul3A_573 : i32
      %add3A_575 = arith.constant 0 : i32
      %add3A_576 = arith.addi %add3A_575, %add3A_574 : i32
      %dma_start3A_577 = arith.constant 0 : i32
      %dma_start3A_578 = arith.constant 0 : i32
      %dma_start3A_579 = tpu.memref_slice %arg7[%dma_start3A_577, %dma_start3A_578] : memref<40x768xf32, #tpu.memory_space<vmem>> -> memref<8x768xf32, #tpu.memory_space<vmem>>
      %dma_start3A_580 = arith.constant 0 : i32
      %dma_start3A_581 = tpu.memref_slice %arg4[%add3A_576, %dma_start3A_580] : memref<32768x768xf32, #tpu.memory_space<hbm>> -> memref<8x768xf32, #tpu.memory_space<hbm>>
      %dma_start3A_582 = arith.constant 0 : i32
      %dma_start3A_583 = tpu.memref_slice %arg4[%add3A_576, %dma_start3A_582] : memref<32768x768xf32, #tpu.memory_space<hbm>> -> memref<8x768xf32, #tpu.memory_space<hbm>>
      %dma_start3A_584 = arith.constant 0 : i32
      %dma_start3A_585 = arith.constant 0 : i32
      %dma_start3A_586 = tpu.memref_slice %arg7[%dma_start3A_584, %dma_start3A_585] : memref<40x768xf32, #tpu.memory_space<vmem>> -> memref<8x768xf32, #tpu.memory_space<vmem>>
      tpu.enqueue_dma source(%dma_start3A_586 : memref<8x768xf32, #tpu.memory_space<vmem>>) target(%dma_start3A_583 : memref<8x768xf32, #tpu.memory_space<hbm>>) target_semaphore(%arg15 : memref<!tpu.dma_semaphore, #tpu.memory_space<semaphore_mem>>)
      %add3A_587 = arith.constant 8192 : i32
      %add3A_588 = arith.addi %add3A_587, %add3A_574 : i32
      %dma_start3A_589 = arith.constant 8 : i32
      %dma_start3A_590 = arith.constant 0 : i32
      %dma_start3A_591 = tpu.memref_slice %arg7[%dma_start3A_589, %dma_start3A_590] : memref<40x768xf32, #tpu.memory_space<vmem>> -> memref<8x768xf32, #tpu.memory_space<vmem>>
      %dma_start3A_592 = arith.constant 0 : i32
      %dma_start3A_593 = tpu.memref_slice %arg4[%add3A_588, %dma_start3A_592] : memref<32768x768xf32, #tpu.memory_space<hbm>> -> memref<8x768xf32, #tpu.memory_space<hbm>>
      %dma_start3A_594 = arith.constant 0 : i32
      %dma_start3A_595 = tpu.memref_slice %arg4[%add3A_588, %dma_start3A_594] : memref<32768x768xf32, #tpu.memory_space<hbm>> -> memref<8x768xf32, #tpu.memory_space<hbm>>
      %dma_start3A_596 = arith.constant 8 : i32
      %dma_start3A_597 = arith.constant 0 : i32
      %dma_start3A_598 = tpu.memref_slice %arg7[%dma_start3A_596, %dma_start3A_597] : memref<40x768xf32, #tpu.memory_space<vmem>> -> memref<8x768xf32, #tpu.memory_space<vmem>>
      tpu.enqueue_dma source(%dma_start3A_598 : memref<8x768xf32, #tpu.memory_space<vmem>>) target(%dma_start3A_595 : memref<8x768xf32, #tpu.memory_space<hbm>>) target_semaphore(%arg15 : memref<!tpu.dma_semaphore, #tpu.memory_space<semaphore_mem>>)
      %add3A_599 = arith.constant 16384 : i32
      %add3A_600 = arith.addi %add3A_599, %add3A_574 : i32
      %dma_start3A_601 = arith.constant 16 : i32
      %dma_start3A_602 = arith.constant 0 : i32
      %dma_start3A_603 = tpu.memref_slice %arg7[%dma_start3A_601, %dma_start3A_602] : memref<40x768xf32, #tpu.memory_space<vmem>> -> memref<8x768xf32, #tpu.memory_space<vmem>>
      %dma_start3A_604 = arith.constant 0 : i32
      %dma_start3A_605 = tpu.memref_slice %arg4[%add3A_600, %dma_start3A_604] : memref<32768x768xf32, #tpu.memory_space<hbm>> -> memref<8x768xf32, #tpu.memory_space<hbm>>
      %dma_start3A_606 = arith.constant 0 : i32
      %dma_start3A_607 = tpu.memref_slice %arg4[%add3A_600, %dma_start3A_606] : memref<32768x768xf32, #tpu.memory_space<hbm>> -> memref<8x768xf32, #tpu.memory_space<hbm>>
      %dma_start3A_608 = arith.constant 16 : i32
      %dma_start3A_609 = arith.constant 0 : i32
      %dma_start3A_610 = tpu.memref_slice %arg7[%dma_start3A_608, %dma_start3A_609] : memref<40x768xf32, #tpu.memory_space<vmem>> -> memref<8x768xf32, #tpu.memory_space<vmem>>
      tpu.enqueue_dma source(%dma_start3A_610 : memref<8x768xf32, #tpu.memory_space<vmem>>) target(%dma_start3A_607 : memref<8x768xf32, #tpu.memory_space<hbm>>) target_semaphore(%arg15 : memref<!tpu.dma_semaphore, #tpu.memory_space<semaphore_mem>>)
      %add3A_611 = arith.constant 24576 : i32
      %add3A_612 = arith.addi %add3A_611, %add3A_574 : i32
      %dma_start3A_613 = arith.constant 24 : i32
      %dma_start3A_614 = arith.constant 0 : i32
      %dma_start3A_615 = tpu.memref_slice %arg7[%dma_start3A_613, %dma_start3A_614] : memref<40x768xf32, #tpu.memory_space<vmem>> -> memref<8x768xf32, #tpu.memory_space<vmem>>
      %dma_start3A_616 = arith.constant 0 : i32
      %dma_start3A_617 = tpu.memref_slice %arg4[%add3A_612, %dma_start3A_616] : memref<32768x768xf32, #tpu.memory_space<hbm>> -> memref<8x768xf32, #tpu.memory_space<hbm>>
      %dma_start3A_618 = arith.constant 0 : i32
      %dma_start3A_619 = tpu.memref_slice %arg4[%add3A_612, %dma_start3A_618] : memref<32768x768xf32, #tpu.memory_space<hbm>> -> memref<8x768xf32, #tpu.memory_space<hbm>>
      %dma_start3A_620 = arith.constant 24 : i32
      %dma_start3A_621 = arith.constant 0 : i32
      %dma_start3A_622 = tpu.memref_slice %arg7[%dma_start3A_620, %dma_start3A_621] : memref<40x768xf32, #tpu.memory_space<vmem>> -> memref<8x768xf32, #tpu.memory_space<vmem>>
      tpu.enqueue_dma source(%dma_start3A_622 : memref<8x768xf32, #tpu.memory_space<vmem>>) target(%dma_start3A_619 : memref<8x768xf32, #tpu.memory_space<hbm>>) target_semaphore(%arg15 : memref<!tpu.dma_semaphore, #tpu.memory_space<semaphore_mem>>)
      %mul3A_623 = arith.constant 4 : i32
      %mul3A_624 = arith.muli %scan3A_223, %mul3A_623 : i32
      %add3A_625 = arith.constant 3 : i32
      %add3A_626 = arith.addi %mul3A_624, %add3A_625 : i32
      %dma_wait3A_627 = arith.constant 0 : i32
      %dma_wait3A_628 = arith.constant 0 : i32
      %dma_wait3A_629 = tpu.memref_slice %arg8[%dma_wait3A_627, %dma_wait3A_628] : memref<40x768xf32, #tpu.memory_space<vmem>> -> memref<8x768xf32, #tpu.memory_space<vmem>>
      %dma_wait3A_630 = arith.constant 0 : i32
      %dma_wait3A_631 = arith.constant 0 : i32
      %dma_wait3A_632 = tpu.memref_slice %arg3[%dma_wait3A_630, %dma_wait3A_631] : memref<8192x768xf32, #tpu.memory_space<hbm>> -> memref<8x768xf32, #tpu.memory_space<hbm>>
      %dma_wait3A_633 = arith.constant 0 : i32
      %dma_wait3A_634 = arith.constant 0 : i32
      %dma_wait3A_635 = tpu.memref_slice %arg8[%dma_wait3A_633, %dma_wait3A_634] : memref<40x768xf32, #tpu.memory_space<vmem>> -> memref<8x768xf32, #tpu.memory_space<vmem>>
      %dma_wait3A_636 = arith.constant 0 : i32
      %dma_wait3A_637 = arith.constant 0 : i32
      %dma_wait3A_638 = tpu.memref_slice %arg3[%dma_wait3A_636, %dma_wait3A_637] : memref<8192x768xf32, #tpu.memory_space<hbm>> -> memref<8x768xf32, #tpu.memory_space<hbm>>
      tpu.wait_dma2 semaphore(%arg12 : memref<!tpu.dma_semaphore, #tpu.memory_space<semaphore_mem>>) src(%dma_wait3A_638 : memref<8x768xf32, #tpu.memory_space<hbm>>) dst(%dma_wait3A_635 : memref<8x768xf32, #tpu.memory_space<vmem>>)
      %dma_wait3A_639 = arith.constant 8 : i32
      %dma_wait3A_640 = arith.constant 0 : i32
      %dma_wait3A_641 = tpu.memref_slice %arg8[%dma_wait3A_639, %dma_wait3A_640] : memref<40x768xf32, #tpu.memory_space<vmem>> -> memref<8x768xf32, #tpu.memory_space<vmem>>
      %dma_wait3A_642 = arith.constant 0 : i32
      %dma_wait3A_643 = arith.constant 0 : i32
      %dma_wait3A_644 = tpu.memref_slice %arg3[%dma_wait3A_642, %dma_wait3A_643] : memref<8192x768xf32, #tpu.memory_space<hbm>> -> memref<8x768xf32, #tpu.memory_space<hbm>>
      %dma_wait3A_645 = arith.constant 8 : i32
      %dma_wait3A_646 = arith.constant 0 : i32
      %dma_wait3A_647 = tpu.memref_slice %arg8[%dma_wait3A_645, %dma_wait3A_646] : memref<40x768xf32, #tpu.memory_space<vmem>> -> memref<8x768xf32, #tpu.memory_space<vmem>>
      %dma_wait3A_648 = arith.constant 0 : i32
      %dma_wait3A_649 = arith.constant 0 : i32
      %dma_wait3A_650 = tpu.memref_slice %arg3[%dma_wait3A_648, %dma_wait3A_649] : memref<8192x768xf32, #tpu.memory_space<hbm>> -> memref<8x768xf32, #tpu.memory_space<hbm>>
      tpu.wait_dma2 semaphore(%arg12 : memref<!tpu.dma_semaphore, #tpu.memory_space<semaphore_mem>>) src(%dma_wait3A_650 : memref<8x768xf32, #tpu.memory_space<hbm>>) dst(%dma_wait3A_647 : memref<8x768xf32, #tpu.memory_space<vmem>>)
      %dma_wait3A_651 = arith.constant 16 : i32
      %dma_wait3A_652 = arith.constant 0 : i32
      %dma_wait3A_653 = tpu.memref_slice %arg8[%dma_wait3A_651, %dma_wait3A_652] : memref<40x768xf32, #tpu.memory_space<vmem>> -> memref<8x768xf32, #tpu.memory_space<vmem>>
      %dma_wait3A_654 = arith.constant 0 : i32
      %dma_wait3A_655 = arith.constant 0 : i32
      %dma_wait3A_656 = tpu.memref_slice %arg3[%dma_wait3A_654, %dma_wait3A_655] : memref<8192x768xf32, #tpu.memory_space<hbm>> -> memref<8x768xf32, #tpu.memory_space<hbm>>
      %dma_wait3A_657 = arith.constant 16 : i32
      %dma_wait3A_658 = arith.constant 0 : i32
      %dma_wait3A_659 = tpu.memref_slice %arg8[%dma_wait3A_657, %dma_wait3A_658] : memref<40x768xf32, #tpu.memory_space<vmem>> -> memref<8x768xf32, #tpu.memory_space<vmem>>
      %dma_wait3A_660 = arith.constant 0 : i32
      %dma_wait3A_661 = arith.constant 0 : i32
      %dma_wait3A_662 = tpu.memref_slice %arg3[%dma_wait3A_660, %dma_wait3A_661] : memref<8192x768xf32, #tpu.memory_space<hbm>> -> memref<8x768xf32, #tpu.memory_space<hbm>>
      tpu.wait_dma2 semaphore(%arg12 : memref<!tpu.dma_semaphore, #tpu.memory_space<semaphore_mem>>) src(%dma_wait3A_662 : memref<8x768xf32, #tpu.memory_space<hbm>>) dst(%dma_wait3A_659 : memref<8x768xf32, #tpu.memory_space<vmem>>)
      %dma_wait3A_663 = arith.constant 24 : i32
      %dma_wait3A_664 = arith.constant 0 : i32
      %dma_wait3A_665 = tpu.memref_slice %arg8[%dma_wait3A_663, %dma_wait3A_664] : memref<40x768xf32, #tpu.memory_space<vmem>> -> memref<8x768xf32, #tpu.memory_space<vmem>>
      %dma_wait3A_666 = arith.constant 0 : i32
      %dma_wait3A_667 = arith.constant 0 : i32
      %dma_wait3A_668 = tpu.memref_slice %arg3[%dma_wait3A_666, %dma_wait3A_667] : memref<8192x768xf32, #tpu.memory_space<hbm>> -> memref<8x768xf32, #tpu.memory_space<hbm>>
      %dma_wait3A_669 = arith.constant 24 : i32
      %dma_wait3A_670 = arith.constant 0 : i32
      %dma_wait3A_671 = tpu.memref_slice %arg8[%dma_wait3A_669, %dma_wait3A_670] : memref<40x768xf32, #tpu.memory_space<vmem>> -> memref<8x768xf32, #tpu.memory_space<vmem>>
      %dma_wait3A_672 = arith.constant 0 : i32
      %dma_wait3A_673 = arith.constant 0 : i32
      %dma_wait3A_674 = tpu.memref_slice %arg3[%dma_wait3A_672, %dma_wait3A_673] : memref<8192x768xf32, #tpu.memory_space<hbm>> -> memref<8x768xf32, #tpu.memory_space<hbm>>
      tpu.wait_dma2 semaphore(%arg12 : memref<!tpu.dma_semaphore, #tpu.memory_space<semaphore_mem>>) src(%dma_wait3A_674 : memref<8x768xf32, #tpu.memory_space<hbm>>) dst(%dma_wait3A_671 : memref<8x768xf32, #tpu.memory_space<vmem>>)
      %dma_wait3A_675 = arith.constant 32 : i32
      %dma_wait3A_676 = arith.constant 0 : i32
      %dma_wait3A_677 = tpu.memref_slice %arg8[%dma_wait3A_675, %dma_wait3A_676] : memref<40x768xf32, #tpu.memory_space<vmem>> -> memref<8x768xf32, #tpu.memory_space<vmem>>
      %dma_wait3A_678 = arith.constant 0 : i32
      %dma_wait3A_679 = arith.constant 0 : i32
      %dma_wait3A_680 = tpu.memref_slice %arg3[%dma_wait3A_678, %dma_wait3A_679] : memref<8192x768xf32, #tpu.memory_space<hbm>> -> memref<8x768xf32, #tpu.memory_space<hbm>>
      %dma_wait3A_681 = arith.constant 32 : i32
      %dma_wait3A_682 = arith.constant 0 : i32
      %dma_wait3A_683 = tpu.memref_slice %arg8[%dma_wait3A_681, %dma_wait3A_682] : memref<40x768xf32, #tpu.memory_space<vmem>> -> memref<8x768xf32, #tpu.memory_space<vmem>>
      %dma_wait3A_684 = arith.constant 0 : i32
      %dma_wait3A_685 = arith.constant 0 : i32
      %dma_wait3A_686 = tpu.memref_slice %arg3[%dma_wait3A_684, %dma_wait3A_685] : memref<8192x768xf32, #tpu.memory_space<hbm>> -> memref<8x768xf32, #tpu.memory_space<hbm>>
      tpu.wait_dma2 semaphore(%arg12 : memref<!tpu.dma_semaphore, #tpu.memory_space<semaphore_mem>>) src(%dma_wait3A_686 : memref<8x768xf32, #tpu.memory_space<hbm>>) dst(%dma_wait3A_683 : memref<8x768xf32, #tpu.memory_space<vmem>>)
      %ge3A_687 = arith.constant 2 : i32
      %ge3A_688 = arith.cmpi sge, %add3A_626, %ge3A_687 : i32
      %convert_element_type3A_689 = arith.extui %ge3A_688 : i1 to i32
      %cond3A_690 = arith.constant 0 : i32
      %cond3A_691 = arith.cmpi ne, %convert_element_type3A_689, %cond3A_690 : i32
      scf.if %cond3A_691 {
        %dma_wait3A_758 = arith.constant 0 : i32
        %dma_wait3A_759 = arith.constant 0 : i32
        %dma_wait3A_760 = tpu.memref_slice %arg6[%dma_wait3A_758, %dma_wait3A_759] : memref<40x768xf32, #tpu.memory_space<vmem>> -> memref<8x768xf32, #tpu.memory_space<vmem>>
        %dma_wait3A_761 = arith.constant 0 : i32
        %dma_wait3A_762 = arith.constant 0 : i32
        %dma_wait3A_763 = tpu.memref_slice %arg4[%dma_wait3A_761, %dma_wait3A_762] : memref<32768x768xf32, #tpu.memory_space<hbm>> -> memref<8x768xf32, #tpu.memory_space<hbm>>
        %dma_wait3A_764 = arith.constant 0 : i32
        %dma_wait3A_765 = arith.constant 0 : i32
        %dma_wait3A_766 = tpu.memref_slice %arg4[%dma_wait3A_764, %dma_wait3A_765] : memref<32768x768xf32, #tpu.memory_space<hbm>> -> memref<8x768xf32, #tpu.memory_space<hbm>>
        %dma_wait3A_767 = arith.constant 0 : i32
        %dma_wait3A_768 = arith.constant 0 : i32
        %dma_wait3A_769 = tpu.memref_slice %arg6[%dma_wait3A_767, %dma_wait3A_768] : memref<40x768xf32, #tpu.memory_space<vmem>> -> memref<8x768xf32, #tpu.memory_space<vmem>>
        tpu.wait_dma2 semaphore(%arg14 : memref<!tpu.dma_semaphore, #tpu.memory_space<semaphore_mem>>) src(%dma_wait3A_769 : memref<8x768xf32, #tpu.memory_space<vmem>>) dst(%dma_wait3A_766 : memref<8x768xf32, #tpu.memory_space<hbm>>)
        %dma_wait3A_770 = arith.constant 8 : i32
        %dma_wait3A_771 = arith.constant 0 : i32
        %dma_wait3A_772 = tpu.memref_slice %arg6[%dma_wait3A_770, %dma_wait3A_771] : memref<40x768xf32, #tpu.memory_space<vmem>> -> memref<8x768xf32, #tpu.memory_space<vmem>>
        %dma_wait3A_773 = arith.constant 0 : i32
        %dma_wait3A_774 = arith.constant 0 : i32
        %dma_wait3A_775 = tpu.memref_slice %arg4[%dma_wait3A_773, %dma_wait3A_774] : memref<32768x768xf32, #tpu.memory_space<hbm>> -> memref<8x768xf32, #tpu.memory_space<hbm>>
        %dma_wait3A_776 = arith.constant 0 : i32
        %dma_wait3A_777 = arith.constant 0 : i32
        %dma_wait3A_778 = tpu.memref_slice %arg4[%dma_wait3A_776, %dma_wait3A_777] : memref<32768x768xf32, #tpu.memory_space<hbm>> -> memref<8x768xf32, #tpu.memory_space<hbm>>
        %dma_wait3A_779 = arith.constant 8 : i32
        %dma_wait3A_780 = arith.constant 0 : i32
        %dma_wait3A_781 = tpu.memref_slice %arg6[%dma_wait3A_779, %dma_wait3A_780] : memref<40x768xf32, #tpu.memory_space<vmem>> -> memref<8x768xf32, #tpu.memory_space<vmem>>
        tpu.wait_dma2 semaphore(%arg14 : memref<!tpu.dma_semaphore, #tpu.memory_space<semaphore_mem>>) src(%dma_wait3A_781 : memref<8x768xf32, #tpu.memory_space<vmem>>) dst(%dma_wait3A_778 : memref<8x768xf32, #tpu.memory_space<hbm>>)
        %dma_wait3A_782 = arith.constant 16 : i32
        %dma_wait3A_783 = arith.constant 0 : i32
        %dma_wait3A_784 = tpu.memref_slice %arg6[%dma_wait3A_782, %dma_wait3A_783] : memref<40x768xf32, #tpu.memory_space<vmem>> -> memref<8x768xf32, #tpu.memory_space<vmem>>
        %dma_wait3A_785 = arith.constant 0 : i32
        %dma_wait3A_786 = arith.constant 0 : i32
        %dma_wait3A_787 = tpu.memref_slice %arg4[%dma_wait3A_785, %dma_wait3A_786] : memref<32768x768xf32, #tpu.memory_space<hbm>> -> memref<8x768xf32, #tpu.memory_space<hbm>>
        %dma_wait3A_788 = arith.constant 0 : i32
        %dma_wait3A_789 = arith.constant 0 : i32
        %dma_wait3A_790 = tpu.memref_slice %arg4[%dma_wait3A_788, %dma_wait3A_789] : memref<32768x768xf32, #tpu.memory_space<hbm>> -> memref<8x768xf32, #tpu.memory_space<hbm>>
        %dma_wait3A_791 = arith.constant 16 : i32
        %dma_wait3A_792 = arith.constant 0 : i32
        %dma_wait3A_793 = tpu.memref_slice %arg6[%dma_wait3A_791, %dma_wait3A_792] : memref<40x768xf32, #tpu.memory_space<vmem>> -> memref<8x768xf32, #tpu.memory_space<vmem>>
        tpu.wait_dma2 semaphore(%arg14 : memref<!tpu.dma_semaphore, #tpu.memory_space<semaphore_mem>>) src(%dma_wait3A_793 : memref<8x768xf32, #tpu.memory_space<vmem>>) dst(%dma_wait3A_790 : memref<8x768xf32, #tpu.memory_space<hbm>>)
        %dma_wait3A_794 = arith.constant 24 : i32
        %dma_wait3A_795 = arith.constant 0 : i32
        %dma_wait3A_796 = tpu.memref_slice %arg6[%dma_wait3A_794, %dma_wait3A_795] : memref<40x768xf32, #tpu.memory_space<vmem>> -> memref<8x768xf32, #tpu.memory_space<vmem>>
        %dma_wait3A_797 = arith.constant 0 : i32
        %dma_wait3A_798 = arith.constant 0 : i32
        %dma_wait3A_799 = tpu.memref_slice %arg4[%dma_wait3A_797, %dma_wait3A_798] : memref<32768x768xf32, #tpu.memory_space<hbm>> -> memref<8x768xf32, #tpu.memory_space<hbm>>
        %dma_wait3A_800 = arith.constant 0 : i32
        %dma_wait3A_801 = arith.constant 0 : i32
        %dma_wait3A_802 = tpu.memref_slice %arg4[%dma_wait3A_800, %dma_wait3A_801] : memref<32768x768xf32, #tpu.memory_space<hbm>> -> memref<8x768xf32, #tpu.memory_space<hbm>>
        %dma_wait3A_803 = arith.constant 24 : i32
        %dma_wait3A_804 = arith.constant 0 : i32
        %dma_wait3A_805 = tpu.memref_slice %arg6[%dma_wait3A_803, %dma_wait3A_804] : memref<40x768xf32, #tpu.memory_space<vmem>> -> memref<8x768xf32, #tpu.memory_space<vmem>>
        tpu.wait_dma2 semaphore(%arg14 : memref<!tpu.dma_semaphore, #tpu.memory_space<semaphore_mem>>) src(%dma_wait3A_805 : memref<8x768xf32, #tpu.memory_space<vmem>>) dst(%dma_wait3A_802 : memref<8x768xf32, #tpu.memory_space<hbm>>)
      } else {
      }
      %add3A_692 = arith.constant 2 : i32
      %add3A_693 = arith.addi %add3A_626, %add3A_692 : i32
      %lt3A_694 = arith.constant 32 : i32
      %lt3A_695 = arith.cmpi slt, %add3A_693, %lt3A_694 : i32
      %convert_element_type3A_696 = arith.extui %lt3A_695 : i1 to i32
      %cond3A_697 = arith.constant 0 : i32
      %cond3A_698 = arith.cmpi ne, %convert_element_type3A_696, %cond3A_697 : i32
      scf.if %cond3A_698 {
        %add3A_758 = arith.constant 2 : i32
        %add3A_759 = arith.addi %add3A_626, %add3A_758 : i32
        %mul3A_760 = arith.constant 8 : i32
        %mul3A_761 = arith.muli %add3A_759, %mul3A_760 : i32
        %add3A_762 = arith.addi %mul3A_2, %mul3A_761 : i32
        %dma_start3A_763 = arith.constant 32 : i32
        %dma_start3A_764 = arith.constant 0 : i32
        %dma_start3A_765 = tpu.memref_slice %arg6[%dma_start3A_763, %dma_start3A_764] : memref<40x768xf32, #tpu.memory_space<vmem>> -> memref<8x768xf32, #tpu.memory_space<vmem>>
        %dma_start3A_766 = arith.constant 0 : i32
        %dma_start3A_767 = tpu.memref_slice %arg3[%add3A_762, %dma_start3A_766] : memref<8192x768xf32, #tpu.memory_space<hbm>> -> memref<8x768xf32, #tpu.memory_space<hbm>>
        %dma_start3A_768 = arith.constant 32 : i32
        %dma_start3A_769 = arith.constant 0 : i32
        %dma_start3A_770 = tpu.memref_slice %arg6[%dma_start3A_768, %dma_start3A_769] : memref<40x768xf32, #tpu.memory_space<vmem>> -> memref<8x768xf32, #tpu.memory_space<vmem>>
        %dma_start3A_771 = arith.constant 0 : i32
        %dma_start3A_772 = tpu.memref_slice %arg3[%add3A_762, %dma_start3A_771] : memref<8192x768xf32, #tpu.memory_space<hbm>> -> memref<8x768xf32, #tpu.memory_space<hbm>>
        tpu.enqueue_dma source(%dma_start3A_772 : memref<8x768xf32, #tpu.memory_space<hbm>>) target(%dma_start3A_770 : memref<8x768xf32, #tpu.memory_space<vmem>>) target_semaphore(%arg10 : memref<!tpu.dma_semaphore, #tpu.memory_space<semaphore_mem>>)
        %add3A_773 = arith.constant 0 : i32
        %add3A_774 = arith.addi %add3A_773, %add3A_762 : i32
        %dma_start3A_775 = arith.constant 0 : i32
        %dma_start3A_776 = arith.constant 0 : i32
        %dma_start3A_777 = tpu.memref_slice %arg6[%dma_start3A_775, %dma_start3A_776] : memref<40x768xf32, #tpu.memory_space<vmem>> -> memref<8x768xf32, #tpu.memory_space<vmem>>
        %dma_start3A_778 = arith.constant 0 : i32
        %dma_start3A_779 = tpu.memref_slice %arg2[%add3A_774, %dma_start3A_778] : memref<32768x768xf32, #tpu.memory_space<hbm>> -> memref<8x768xf32, #tpu.memory_space<hbm>>
        %dma_start3A_780 = arith.constant 0 : i32
        %dma_start3A_781 = arith.constant 0 : i32
        %dma_start3A_782 = tpu.memref_slice %arg6[%dma_start3A_780, %dma_start3A_781] : memref<40x768xf32, #tpu.memory_space<vmem>> -> memref<8x768xf32, #tpu.memory_space<vmem>>
        %dma_start3A_783 = arith.constant 0 : i32
        %dma_start3A_784 = tpu.memref_slice %arg2[%add3A_774, %dma_start3A_783] : memref<32768x768xf32, #tpu.memory_space<hbm>> -> memref<8x768xf32, #tpu.memory_space<hbm>>
        tpu.enqueue_dma source(%dma_start3A_784 : memref<8x768xf32, #tpu.memory_space<hbm>>) target(%dma_start3A_782 : memref<8x768xf32, #tpu.memory_space<vmem>>) target_semaphore(%arg10 : memref<!tpu.dma_semaphore, #tpu.memory_space<semaphore_mem>>)
        %add3A_785 = arith.constant 8192 : i32
        %add3A_786 = arith.addi %add3A_785, %add3A_762 : i32
        %dma_start3A_787 = arith.constant 8 : i32
        %dma_start3A_788 = arith.constant 0 : i32
        %dma_start3A_789 = tpu.memref_slice %arg6[%dma_start3A_787, %dma_start3A_788] : memref<40x768xf32, #tpu.memory_space<vmem>> -> memref<8x768xf32, #tpu.memory_space<vmem>>
        %dma_start3A_790 = arith.constant 0 : i32
        %dma_start3A_791 = tpu.memref_slice %arg2[%add3A_786, %dma_start3A_790] : memref<32768x768xf32, #tpu.memory_space<hbm>> -> memref<8x768xf32, #tpu.memory_space<hbm>>
        %dma_start3A_792 = arith.constant 8 : i32
        %dma_start3A_793 = arith.constant 0 : i32
        %dma_start3A_794 = tpu.memref_slice %arg6[%dma_start3A_792, %dma_start3A_793] : memref<40x768xf32, #tpu.memory_space<vmem>> -> memref<8x768xf32, #tpu.memory_space<vmem>>
        %dma_start3A_795 = arith.constant 0 : i32
        %dma_start3A_796 = tpu.memref_slice %arg2[%add3A_786, %dma_start3A_795] : memref<32768x768xf32, #tpu.memory_space<hbm>> -> memref<8x768xf32, #tpu.memory_space<hbm>>
        tpu.enqueue_dma source(%dma_start3A_796 : memref<8x768xf32, #tpu.memory_space<hbm>>) target(%dma_start3A_794 : memref<8x768xf32, #tpu.memory_space<vmem>>) target_semaphore(%arg10 : memref<!tpu.dma_semaphore, #tpu.memory_space<semaphore_mem>>)
        %add3A_797 = arith.constant 16384 : i32
        %add3A_798 = arith.addi %add3A_797, %add3A_762 : i32
        %dma_start3A_799 = arith.constant 16 : i32
        %dma_start3A_800 = arith.constant 0 : i32
        %dma_start3A_801 = tpu.memref_slice %arg6[%dma_start3A_799, %dma_start3A_800] : memref<40x768xf32, #tpu.memory_space<vmem>> -> memref<8x768xf32, #tpu.memory_space<vmem>>
        %dma_start3A_802 = arith.constant 0 : i32
        %dma_start3A_803 = tpu.memref_slice %arg2[%add3A_798, %dma_start3A_802] : memref<32768x768xf32, #tpu.memory_space<hbm>> -> memref<8x768xf32, #tpu.memory_space<hbm>>
        %dma_start3A_804 = arith.constant 16 : i32
        %dma_start3A_805 = arith.constant 0 : i32
        %dma_start3A_806 = tpu.memref_slice %arg6[%dma_start3A_804, %dma_start3A_805] : memref<40x768xf32, #tpu.memory_space<vmem>> -> memref<8x768xf32, #tpu.memory_space<vmem>>
        %dma_start3A_807 = arith.constant 0 : i32
        %dma_start3A_808 = tpu.memref_slice %arg2[%add3A_798, %dma_start3A_807] : memref<32768x768xf32, #tpu.memory_space<hbm>> -> memref<8x768xf32, #tpu.memory_space<hbm>>
        tpu.enqueue_dma source(%dma_start3A_808 : memref<8x768xf32, #tpu.memory_space<hbm>>) target(%dma_start3A_806 : memref<8x768xf32, #tpu.memory_space<vmem>>) target_semaphore(%arg10 : memref<!tpu.dma_semaphore, #tpu.memory_space<semaphore_mem>>)
        %add3A_809 = arith.constant 24576 : i32
        %add3A_810 = arith.addi %add3A_809, %add3A_762 : i32
        %dma_start3A_811 = arith.constant 24 : i32
        %dma_start3A_812 = arith.constant 0 : i32
        %dma_start3A_813 = tpu.memref_slice %arg6[%dma_start3A_811, %dma_start3A_812] : memref<40x768xf32, #tpu.memory_space<vmem>> -> memref<8x768xf32, #tpu.memory_space<vmem>>
        %dma_start3A_814 = arith.constant 0 : i32
        %dma_start3A_815 = tpu.memref_slice %arg2[%add3A_810, %dma_start3A_814] : memref<32768x768xf32, #tpu.memory_space<hbm>> -> memref<8x768xf32, #tpu.memory_space<hbm>>
        %dma_start3A_816 = arith.constant 24 : i32
        %dma_start3A_817 = arith.constant 0 : i32
        %dma_start3A_818 = tpu.memref_slice %arg6[%dma_start3A_816, %dma_start3A_817] : memref<40x768xf32, #tpu.memory_space<vmem>> -> memref<8x768xf32, #tpu.memory_space<vmem>>
        %dma_start3A_819 = arith.constant 0 : i32
        %dma_start3A_820 = tpu.memref_slice %arg2[%add3A_810, %dma_start3A_819] : memref<32768x768xf32, #tpu.memory_space<hbm>> -> memref<8x768xf32, #tpu.memory_space<hbm>>
        tpu.enqueue_dma source(%dma_start3A_820 : memref<8x768xf32, #tpu.memory_space<hbm>>) target(%dma_start3A_818 : memref<8x768xf32, #tpu.memory_space<vmem>>) target_semaphore(%arg10 : memref<!tpu.dma_semaphore, #tpu.memory_space<semaphore_mem>>)
      } else {
      }
      %scan3A_699 = arith.constant 0 : i32
      %scan3A_700 = arith.constant 0 : i32
      %scan3A_701 = arith.constant 48 : i32
      %scan3A_702 = arith.addi %scan3A_700, %scan3A_701 : i32
      %scan3A_703 = arith.constant 1 : i32
      %scan3A_704 = scf.for %scan3A_758 = %scan3A_700 to %scan3A_702 step %scan3A_703 iter_args(%scan3A_759 = %scan3A_699) -> (i32)  : i32 {
        %mul3A_760 = arith.constant 16 : i32
        %mul3A_761 = arith.muli %scan3A_758, %mul3A_760 : i32
        %get3A = arith.constant 32 : i32
        %get3A_762 = arith.index_cast %get3A : i32 to index
        %get3A_763 = arith.index_cast %mul3A_761 : i32 to index
        %get3A_764 = tpu.vector_load %arg8[%get3A_762, %get3A_763] {strides = array<i32>} : memref<40x768xf32, #tpu.memory_space<vmem>>, vector<1x16xf32>,
        %get3A_765 = vector.shape_cast %get3A_764 : vector<1x16xf32> to vector<16xf32>
        %get3A_766 = arith.constant 0 : i32
        %get3A_767 = arith.index_cast %get3A_766 : i32 to index
        %get3A_768 = arith.index_cast %mul3A_761 : i32 to index
        %get3A_769 = tpu.vector_load %arg8[%get3A_767, %get3A_768] {strides = array<i32>} : memref<40x768xf32, #tpu.memory_space<vmem>>, vector<1x16xf32>,
        %get3A_770 = vector.shape_cast %get3A_769 : vector<1x16xf32> to vector<16xf32>
        %add3A_771 = arith.addf %get3A_770, %get3A_765 : vector<16xf32>
        %swap3A = arith.constant 0 : i32
        %swap3A_772 = arith.index_cast %swap3A : i32 to index
        %swap3A_773 = arith.index_cast %mul3A_761 : i32 to index
        %swap3A_774 = tpu.vector_load %arg8[%swap3A_772, %swap3A_773] {strides = array<i32>} : memref<40x768xf32, #tpu.memory_space<vmem>>, vector<1x16xf32>,
        %swap3A_775 = vector.shape_cast %swap3A_774 : vector<1x16xf32> to vector<16xf32>
        %swap3A_776 = vector.shape_cast %add3A_771 : vector<16xf32> to vector<1x16xf32>
        tpu.vector_store %arg8[%swap3A_772, %swap3A_773], %swap3A_776 {strides = array<i32>} : memref<40x768xf32, #tpu.memory_space<vmem>>, vector<1x16xf32>,
        %get3A_777 = arith.constant 8 : i32
        %get3A_778 = arith.index_cast %get3A_777 : i32 to index
        %get3A_779 = arith.index_cast %mul3A_761 : i32 to index
        %get3A_780 = tpu.vector_load %arg8[%get3A_778, %get3A_779] {strides = array<i32>} : memref<40x768xf32, #tpu.memory_space<vmem>>, vector<1x16xf32>,
        %get3A_781 = vector.shape_cast %get3A_780 : vector<1x16xf32> to vector<16xf32>
        %add3A_782 = arith.addf %get3A_781, %get3A_765 : vector<16xf32>
        %swap3A_783 = arith.constant 8 : i32
        %swap3A_784 = arith.index_cast %swap3A_783 : i32 to index
        %swap3A_785 = arith.index_cast %mul3A_761 : i32 to index
        %swap3A_786 = tpu.vector_load %arg8[%swap3A_784, %swap3A_785] {strides = array<i32>} : memref<40x768xf32, #tpu.memory_space<vmem>>, vector<1x16xf32>,
        %swap3A_787 = vector.shape_cast %swap3A_786 : vector<1x16xf32> to vector<16xf32>
        %swap3A_788 = vector.shape_cast %add3A_782 : vector<16xf32> to vector<1x16xf32>
        tpu.vector_store %arg8[%swap3A_784, %swap3A_785], %swap3A_788 {strides = array<i32>} : memref<40x768xf32, #tpu.memory_space<vmem>>, vector<1x16xf32>,
        %get3A_789 = arith.constant 16 : i32
        %get3A_790 = arith.index_cast %get3A_789 : i32 to index
        %get3A_791 = arith.index_cast %mul3A_761 : i32 to index
        %get3A_792 = tpu.vector_load %arg8[%get3A_790, %get3A_791] {strides = array<i32>} : memref<40x768xf32, #tpu.memory_space<vmem>>, vector<1x16xf32>,
        %get3A_793 = vector.shape_cast %get3A_792 : vector<1x16xf32> to vector<16xf32>
        %add3A_794 = arith.addf %get3A_793, %get3A_765 : vector<16xf32>
        %swap3A_795 = arith.constant 16 : i32
        %swap3A_796 = arith.index_cast %swap3A_795 : i32 to index
        %swap3A_797 = arith.index_cast %mul3A_761 : i32 to index
        %swap3A_798 = tpu.vector_load %arg8[%swap3A_796, %swap3A_797] {strides = array<i32>} : memref<40x768xf32, #tpu.memory_space<vmem>>, vector<1x16xf32>,
        %swap3A_799 = vector.shape_cast %swap3A_798 : vector<1x16xf32> to vector<16xf32>
        %swap3A_800 = vector.shape_cast %add3A_794 : vector<16xf32> to vector<1x16xf32>
        tpu.vector_store %arg8[%swap3A_796, %swap3A_797], %swap3A_800 {strides = array<i32>} : memref<40x768xf32, #tpu.memory_space<vmem>>, vector<1x16xf32>,
        %get3A_801 = arith.constant 24 : i32
        %get3A_802 = arith.index_cast %get3A_801 : i32 to index
        %get3A_803 = arith.index_cast %mul3A_761 : i32 to index
        %get3A_804 = tpu.vector_load %arg8[%get3A_802, %get3A_803] {strides = array<i32>} : memref<40x768xf32, #tpu.memory_space<vmem>>, vector<1x16xf32>,
        %get3A_805 = vector.shape_cast %get3A_804 : vector<1x16xf32> to vector<16xf32>
        %add3A_806 = arith.addf %get3A_805, %get3A_765 : vector<16xf32>
        %swap3A_807 = arith.constant 24 : i32
        %swap3A_808 = arith.index_cast %swap3A_807 : i32 to index
        %swap3A_809 = arith.index_cast %mul3A_761 : i32 to index
        %swap3A_810 = tpu.vector_load %arg8[%swap3A_808, %swap3A_809] {strides = array<i32>} : memref<40x768xf32, #tpu.memory_space<vmem>>, vector<1x16xf32>,
        %swap3A_811 = vector.shape_cast %swap3A_810 : vector<1x16xf32> to vector<16xf32>
        %swap3A_812 = vector.shape_cast %add3A_806 : vector<16xf32> to vector<1x16xf32>
        tpu.vector_store %arg8[%swap3A_808, %swap3A_809], %swap3A_812 {strides = array<i32>} : memref<40x768xf32, #tpu.memory_space<vmem>>, vector<1x16xf32>,
        %get3A_813 = arith.constant 33 : i32
        %get3A_814 = arith.index_cast %get3A_813 : i32 to index
        %get3A_815 = arith.index_cast %mul3A_761 : i32 to index
        %get3A_816 = tpu.vector_load %arg8[%get3A_814, %get3A_815] {strides = array<i32>} : memref<40x768xf32, #tpu.memory_space<vmem>>, vector<1x16xf32>,
        %get3A_817 = vector.shape_cast %get3A_816 : vector<1x16xf32> to vector<16xf32>
        %get3A_818 = arith.constant 1 : i32
        %get3A_819 = arith.index_cast %get3A_818 : i32 to index
        %get3A_820 = arith.index_cast %mul3A_761 : i32 to index
        %get3A_821 = tpu.vector_load %arg8[%get3A_819, %get3A_820] {strides = array<i32>} : memref<40x768xf32, #tpu.memory_space<vmem>>, vector<1x16xf32>,
        %get3A_822 = vector.shape_cast %get3A_821 : vector<1x16xf32> to vector<16xf32>
        %add3A_823 = arith.addf %get3A_822, %get3A_817 : vector<16xf32>
        %swap3A_824 = arith.constant 1 : i32
        %swap3A_825 = arith.index_cast %swap3A_824 : i32 to index
        %swap3A_826 = arith.index_cast %mul3A_761 : i32 to index
        %swap3A_827 = tpu.vector_load %arg8[%swap3A_825, %swap3A_826] {strides = array<i32>} : memref<40x768xf32, #tpu.memory_space<vmem>>, vector<1x16xf32>,
        %swap3A_828 = vector.shape_cast %swap3A_827 : vector<1x16xf32> to vector<16xf32>
        %swap3A_829 = vector.shape_cast %add3A_823 : vector<16xf32> to vector<1x16xf32>
        tpu.vector_store %arg8[%swap3A_825, %swap3A_826], %swap3A_829 {strides = array<i32>} : memref<40x768xf32, #tpu.memory_space<vmem>>, vector<1x16xf32>,
        %get3A_830 = arith.constant 9 : i32
        %get3A_831 = arith.index_cast %get3A_830 : i32 to index
        %get3A_832 = arith.index_cast %mul3A_761 : i32 to index
        %get3A_833 = tpu.vector_load %arg8[%get3A_831, %get3A_832] {strides = array<i32>} : memref<40x768xf32, #tpu.memory_space<vmem>>, vector<1x16xf32>,
        %get3A_834 = vector.shape_cast %get3A_833 : vector<1x16xf32> to vector<16xf32>
        %add3A_835 = arith.addf %get3A_834, %get3A_817 : vector<16xf32>
        %swap3A_836 = arith.constant 9 : i32
        %swap3A_837 = arith.index_cast %swap3A_836 : i32 to index
        %swap3A_838 = arith.index_cast %mul3A_761 : i32 to index
        %swap3A_839 = tpu.vector_load %arg8[%swap3A_837, %swap3A_838] {strides = array<i32>} : memref<40x768xf32, #tpu.memory_space<vmem>>, vector<1x16xf32>,
        %swap3A_840 = vector.shape_cast %swap3A_839 : vector<1x16xf32> to vector<16xf32>
        %swap3A_841 = vector.shape_cast %add3A_835 : vector<16xf32> to vector<1x16xf32>
        tpu.vector_store %arg8[%swap3A_837, %swap3A_838], %swap3A_841 {strides = array<i32>} : memref<40x768xf32, #tpu.memory_space<vmem>>, vector<1x16xf32>,
        %get3A_842 = arith.constant 17 : i32
        %get3A_843 = arith.index_cast %get3A_842 : i32 to index
        %get3A_844 = arith.index_cast %mul3A_761 : i32 to index
        %get3A_845 = tpu.vector_load %arg8[%get3A_843, %get3A_844] {strides = array<i32>} : memref<40x768xf32, #tpu.memory_space<vmem>>, vector<1x16xf32>,
        %get3A_846 = vector.shape_cast %get3A_845 : vector<1x16xf32> to vector<16xf32>
        %add3A_847 = arith.addf %get3A_846, %get3A_817 : vector<16xf32>
        %swap3A_848 = arith.constant 17 : i32
        %swap3A_849 = arith.index_cast %swap3A_848 : i32 to index
        %swap3A_850 = arith.index_cast %mul3A_761 : i32 to index
        %swap3A_851 = tpu.vector_load %arg8[%swap3A_849, %swap3A_850] {strides = array<i32>} : memref<40x768xf32, #tpu.memory_space<vmem>>, vector<1x16xf32>,
        %swap3A_852 = vector.shape_cast %swap3A_851 : vector<1x16xf32> to vector<16xf32>
        %swap3A_853 = vector.shape_cast %add3A_847 : vector<16xf32> to vector<1x16xf32>
        tpu.vector_store %arg8[%swap3A_849, %swap3A_850], %swap3A_853 {strides = array<i32>} : memref<40x768xf32, #tpu.memory_space<vmem>>, vector<1x16xf32>,
        %get3A_854 = arith.constant 25 : i32
        %get3A_855 = arith.index_cast %get3A_854 : i32 to index
        %get3A_856 = arith.index_cast %mul3A_761 : i32 to index
        %get3A_857 = tpu.vector_load %arg8[%get3A_855, %get3A_856] {strides = array<i32>} : memref<40x768xf32, #tpu.memory_space<vmem>>, vector<1x16xf32>,
        %get3A_858 = vector.shape_cast %get3A_857 : vector<1x16xf32> to vector<16xf32>
        %add3A_859 = arith.addf %get3A_858, %get3A_817 : vector<16xf32>
        %swap3A_860 = arith.constant 25 : i32
        %swap3A_861 = arith.index_cast %swap3A_860 : i32 to index
        %swap3A_862 = arith.index_cast %mul3A_761 : i32 to index
        %swap3A_863 = tpu.vector_load %arg8[%swap3A_861, %swap3A_862] {strides = array<i32>} : memref<40x768xf32, #tpu.memory_space<vmem>>, vector<1x16xf32>,
        %swap3A_864 = vector.shape_cast %swap3A_863 : vector<1x16xf32> to vector<16xf32>
        %swap3A_865 = vector.shape_cast %add3A_859 : vector<16xf32> to vector<1x16xf32>
        tpu.vector_store %arg8[%swap3A_861, %swap3A_862], %swap3A_865 {strides = array<i32>} : memref<40x768xf32, #tpu.memory_space<vmem>>, vector<1x16xf32>,
        %get3A_866 = arith.constant 34 : i32
        %get3A_867 = arith.index_cast %get3A_866 : i32 to index
        %get3A_868 = arith.index_cast %mul3A_761 : i32 to index
        %get3A_869 = tpu.vector_load %arg8[%get3A_867, %get3A_868] {strides = array<i32>} : memref<40x768xf32, #tpu.memory_space<vmem>>, vector<1x16xf32>,
        %get3A_870 = vector.shape_cast %get3A_869 : vector<1x16xf32> to vector<16xf32>
        %get3A_871 = arith.constant 2 : i32
        %get3A_872 = arith.index_cast %get3A_871 : i32 to index
        %get3A_873 = arith.index_cast %mul3A_761 : i32 to index
        %get3A_874 = tpu.vector_load %arg8[%get3A_872, %get3A_873] {strides = array<i32>} : memref<40x768xf32, #tpu.memory_space<vmem>>, vector<1x16xf32>,
        %get3A_875 = vector.shape_cast %get3A_874 : vector<1x16xf32> to vector<16xf32>
        %add3A_876 = arith.addf %get3A_875, %get3A_870 : vector<16xf32>
        %swap3A_877 = arith.constant 2 : i32
        %swap3A_878 = arith.index_cast %swap3A_877 : i32 to index
        %swap3A_879 = arith.index_cast %mul3A_761 : i32 to index
        %swap3A_880 = tpu.vector_load %arg8[%swap3A_878, %swap3A_879] {strides = array<i32>} : memref<40x768xf32, #tpu.memory_space<vmem>>, vector<1x16xf32>,
        %swap3A_881 = vector.shape_cast %swap3A_880 : vector<1x16xf32> to vector<16xf32>
        %swap3A_882 = vector.shape_cast %add3A_876 : vector<16xf32> to vector<1x16xf32>
        tpu.vector_store %arg8[%swap3A_878, %swap3A_879], %swap3A_882 {strides = array<i32>} : memref<40x768xf32, #tpu.memory_space<vmem>>, vector<1x16xf32>,
        %get3A_883 = arith.constant 10 : i32
        %get3A_884 = arith.index_cast %get3A_883 : i32 to index
        %get3A_885 = arith.index_cast %mul3A_761 : i32 to index
        %get3A_886 = tpu.vector_load %arg8[%get3A_884, %get3A_885] {strides = array<i32>} : memref<40x768xf32, #tpu.memory_space<vmem>>, vector<1x16xf32>,
        %get3A_887 = vector.shape_cast %get3A_886 : vector<1x16xf32> to vector<16xf32>
        %add3A_888 = arith.addf %get3A_887, %get3A_870 : vector<16xf32>
        %swap3A_889 = arith.constant 10 : i32
        %swap3A_890 = arith.index_cast %swap3A_889 : i32 to index
        %swap3A_891 = arith.index_cast %mul3A_761 : i32 to index
        %swap3A_892 = tpu.vector_load %arg8[%swap3A_890, %swap3A_891] {strides = array<i32>} : memref<40x768xf32, #tpu.memory_space<vmem>>, vector<1x16xf32>,
        %swap3A_893 = vector.shape_cast %swap3A_892 : vector<1x16xf32> to vector<16xf32>
        %swap3A_894 = vector.shape_cast %add3A_888 : vector<16xf32> to vector<1x16xf32>
        tpu.vector_store %arg8[%swap3A_890, %swap3A_891], %swap3A_894 {strides = array<i32>} : memref<40x768xf32, #tpu.memory_space<vmem>>, vector<1x16xf32>,
        %get3A_895 = arith.constant 18 : i32
        %get3A_896 = arith.index_cast %get3A_895 : i32 to index
        %get3A_897 = arith.index_cast %mul3A_761 : i32 to index
        %get3A_898 = tpu.vector_load %arg8[%get3A_896, %get3A_897] {strides = array<i32>} : memref<40x768xf32, #tpu.memory_space<vmem>>, vector<1x16xf32>,
        %get3A_899 = vector.shape_cast %get3A_898 : vector<1x16xf32> to vector<16xf32>
        %add3A_900 = arith.addf %get3A_899, %get3A_870 : vector<16xf32>
        %swap3A_901 = arith.constant 18 : i32
        %swap3A_902 = arith.index_cast %swap3A_901 : i32 to index
        %swap3A_903 = arith.index_cast %mul3A_761 : i32 to index
        %swap3A_904 = tpu.vector_load %arg8[%swap3A_902, %swap3A_903] {strides = array<i32>} : memref<40x768xf32, #tpu.memory_space<vmem>>, vector<1x16xf32>,
        %swap3A_905 = vector.shape_cast %swap3A_904 : vector<1x16xf32> to vector<16xf32>
        %swap3A_906 = vector.shape_cast %add3A_900 : vector<16xf32> to vector<1x16xf32>
        tpu.vector_store %arg8[%swap3A_902, %swap3A_903], %swap3A_906 {strides = array<i32>} : memref<40x768xf32, #tpu.memory_space<vmem>>, vector<1x16xf32>,
        %get3A_907 = arith.constant 26 : i32
        %get3A_908 = arith.index_cast %get3A_907 : i32 to index
        %get3A_909 = arith.index_cast %mul3A_761 : i32 to index
        %get3A_910 = tpu.vector_load %arg8[%get3A_908, %get3A_909] {strides = array<i32>} : memref<40x768xf32, #tpu.memory_space<vmem>>, vector<1x16xf32>,
        %get3A_911 = vector.shape_cast %get3A_910 : vector<1x16xf32> to vector<16xf32>
        %add3A_912 = arith.addf %get3A_911, %get3A_870 : vector<16xf32>
        %swap3A_913 = arith.constant 26 : i32
        %swap3A_914 = arith.index_cast %swap3A_913 : i32 to index
        %swap3A_915 = arith.index_cast %mul3A_761 : i32 to index
        %swap3A_916 = tpu.vector_load %arg8[%swap3A_914, %swap3A_915] {strides = array<i32>} : memref<40x768xf32, #tpu.memory_space<vmem>>, vector<1x16xf32>,
        %swap3A_917 = vector.shape_cast %swap3A_916 : vector<1x16xf32> to vector<16xf32>
        %swap3A_918 = vector.shape_cast %add3A_912 : vector<16xf32> to vector<1x16xf32>
        tpu.vector_store %arg8[%swap3A_914, %swap3A_915], %swap3A_918 {strides = array<i32>} : memref<40x768xf32, #tpu.memory_space<vmem>>, vector<1x16xf32>,
        %get3A_919 = arith.constant 35 : i32
        %get3A_920 = arith.index_cast %get3A_919 : i32 to index
        %get3A_921 = arith.index_cast %mul3A_761 : i32 to index
        %get3A_922 = tpu.vector_load %arg8[%get3A_920, %get3A_921] {strides = array<i32>} : memref<40x768xf32, #tpu.memory_space<vmem>>, vector<1x16xf32>,
        %get3A_923 = vector.shape_cast %get3A_922 : vector<1x16xf32> to vector<16xf32>
        %get3A_924 = arith.constant 3 : i32
        %get3A_925 = arith.index_cast %get3A_924 : i32 to index
        %get3A_926 = arith.index_cast %mul3A_761 : i32 to index
        %get3A_927 = tpu.vector_load %arg8[%get3A_925, %get3A_926] {strides = array<i32>} : memref<40x768xf32, #tpu.memory_space<vmem>>, vector<1x16xf32>,
        %get3A_928 = vector.shape_cast %get3A_927 : vector<1x16xf32> to vector<16xf32>
        %add3A_929 = arith.addf %get3A_928, %get3A_923 : vector<16xf32>
        %swap3A_930 = arith.constant 3 : i32
        %swap3A_931 = arith.index_cast %swap3A_930 : i32 to index
        %swap3A_932 = arith.index_cast %mul3A_761 : i32 to index
        %swap3A_933 = tpu.vector_load %arg8[%swap3A_931, %swap3A_932] {strides = array<i32>} : memref<40x768xf32, #tpu.memory_space<vmem>>, vector<1x16xf32>,
        %swap3A_934 = vector.shape_cast %swap3A_933 : vector<1x16xf32> to vector<16xf32>
        %swap3A_935 = vector.shape_cast %add3A_929 : vector<16xf32> to vector<1x16xf32>
        tpu.vector_store %arg8[%swap3A_931, %swap3A_932], %swap3A_935 {strides = array<i32>} : memref<40x768xf32, #tpu.memory_space<vmem>>, vector<1x16xf32>,
        %get3A_936 = arith.constant 11 : i32
        %get3A_937 = arith.index_cast %get3A_936 : i32 to index
        %get3A_938 = arith.index_cast %mul3A_761 : i32 to index
        %get3A_939 = tpu.vector_load %arg8[%get3A_937, %get3A_938] {strides = array<i32>} : memref<40x768xf32, #tpu.memory_space<vmem>>, vector<1x16xf32>,
        %get3A_940 = vector.shape_cast %get3A_939 : vector<1x16xf32> to vector<16xf32>
        %add3A_941 = arith.addf %get3A_940, %get3A_923 : vector<16xf32>
        %swap3A_942 = arith.constant 11 : i32
        %swap3A_943 = arith.index_cast %swap3A_942 : i32 to index
        %swap3A_944 = arith.index_cast %mul3A_761 : i32 to index
        %swap3A_945 = tpu.vector_load %arg8[%swap3A_943, %swap3A_944] {strides = array<i32>} : memref<40x768xf32, #tpu.memory_space<vmem>>, vector<1x16xf32>,
        %swap3A_946 = vector.shape_cast %swap3A_945 : vector<1x16xf32> to vector<16xf32>
        %swap3A_947 = vector.shape_cast %add3A_941 : vector<16xf32> to vector<1x16xf32>
        tpu.vector_store %arg8[%swap3A_943, %swap3A_944], %swap3A_947 {strides = array<i32>} : memref<40x768xf32, #tpu.memory_space<vmem>>, vector<1x16xf32>,
        %get3A_948 = arith.constant 19 : i32
        %get3A_949 = arith.index_cast %get3A_948 : i32 to index
        %get3A_950 = arith.index_cast %mul3A_761 : i32 to index
        %get3A_951 = tpu.vector_load %arg8[%get3A_949, %get3A_950] {strides = array<i32>} : memref<40x768xf32, #tpu.memory_space<vmem>>, vector<1x16xf32>,
        %get3A_952 = vector.shape_cast %get3A_951 : vector<1x16xf32> to vector<16xf32>
        %add3A_953 = arith.addf %get3A_952, %get3A_923 : vector<16xf32>
        %swap3A_954 = arith.constant 19 : i32
        %swap3A_955 = arith.index_cast %swap3A_954 : i32 to index
        %swap3A_956 = arith.index_cast %mul3A_761 : i32 to index
        %swap3A_957 = tpu.vector_load %arg8[%swap3A_955, %swap3A_956] {strides = array<i32>} : memref<40x768xf32, #tpu.memory_space<vmem>>, vector<1x16xf32>,
        %swap3A_958 = vector.shape_cast %swap3A_957 : vector<1x16xf32> to vector<16xf32>
        %swap3A_959 = vector.shape_cast %add3A_953 : vector<16xf32> to vector<1x16xf32>
        tpu.vector_store %arg8[%swap3A_955, %swap3A_956], %swap3A_959 {strides = array<i32>} : memref<40x768xf32, #tpu.memory_space<vmem>>, vector<1x16xf32>,
        %get3A_960 = arith.constant 27 : i32
        %get3A_961 = arith.index_cast %get3A_960 : i32 to index
        %get3A_962 = arith.index_cast %mul3A_761 : i32 to index
        %get3A_963 = tpu.vector_load %arg8[%get3A_961, %get3A_962] {strides = array<i32>} : memref<40x768xf32, #tpu.memory_space<vmem>>, vector<1x16xf32>,
        %get3A_964 = vector.shape_cast %get3A_963 : vector<1x16xf32> to vector<16xf32>
        %add3A_965 = arith.addf %get3A_964, %get3A_923 : vector<16xf32>
        %swap3A_966 = arith.constant 27 : i32
        %swap3A_967 = arith.index_cast %swap3A_966 : i32 to index
        %swap3A_968 = arith.index_cast %mul3A_761 : i32 to index
        %swap3A_969 = tpu.vector_load %arg8[%swap3A_967, %swap3A_968] {strides = array<i32>} : memref<40x768xf32, #tpu.memory_space<vmem>>, vector<1x16xf32>,
        %swap3A_970 = vector.shape_cast %swap3A_969 : vector<1x16xf32> to vector<16xf32>
        %swap3A_971 = vector.shape_cast %add3A_965 : vector<16xf32> to vector<1x16xf32>
        tpu.vector_store %arg8[%swap3A_967, %swap3A_968], %swap3A_971 {strides = array<i32>} : memref<40x768xf32, #tpu.memory_space<vmem>>, vector<1x16xf32>,
        %get3A_972 = arith.constant 36 : i32
        %get3A_973 = arith.index_cast %get3A_972 : i32 to index
        %get3A_974 = arith.index_cast %mul3A_761 : i32 to index
        %get3A_975 = tpu.vector_load %arg8[%get3A_973, %get3A_974] {strides = array<i32>} : memref<40x768xf32, #tpu.memory_space<vmem>>, vector<1x16xf32>,
        %get3A_976 = vector.shape_cast %get3A_975 : vector<1x16xf32> to vector<16xf32>
        %get3A_977 = arith.constant 4 : i32
        %get3A_978 = arith.index_cast %get3A_977 : i32 to index
        %get3A_979 = arith.index_cast %mul3A_761 : i32 to index
        %get3A_980 = tpu.vector_load %arg8[%get3A_978, %get3A_979] {strides = array<i32>} : memref<40x768xf32, #tpu.memory_space<vmem>>, vector<1x16xf32>,
        %get3A_981 = vector.shape_cast %get3A_980 : vector<1x16xf32> to vector<16xf32>
        %add3A_982 = arith.addf %get3A_981, %get3A_976 : vector<16xf32>
        %swap3A_983 = arith.constant 4 : i32
        %swap3A_984 = arith.index_cast %swap3A_983 : i32 to index
        %swap3A_985 = arith.index_cast %mul3A_761 : i32 to index
        %swap3A_986 = tpu.vector_load %arg8[%swap3A_984, %swap3A_985] {strides = array<i32>} : memref<40x768xf32, #tpu.memory_space<vmem>>, vector<1x16xf32>,
        %swap3A_987 = vector.shape_cast %swap3A_986 : vector<1x16xf32> to vector<16xf32>
        %swap3A_988 = vector.shape_cast %add3A_982 : vector<16xf32> to vector<1x16xf32>
        tpu.vector_store %arg8[%swap3A_984, %swap3A_985], %swap3A_988 {strides = array<i32>} : memref<40x768xf32, #tpu.memory_space<vmem>>, vector<1x16xf32>,
        %get3A_989 = arith.constant 12 : i32
        %get3A_990 = arith.index_cast %get3A_989 : i32 to index
        %get3A_991 = arith.index_cast %mul3A_761 : i32 to index
        %get3A_992 = tpu.vector_load %arg8[%get3A_990, %get3A_991] {strides = array<i32>} : memref<40x768xf32, #tpu.memory_space<vmem>>, vector<1x16xf32>,
        %get3A_993 = vector.shape_cast %get3A_992 : vector<1x16xf32> to vector<16xf32>
        %add3A_994 = arith.addf %get3A_993, %get3A_976 : vector<16xf32>
        %swap3A_995 = arith.constant 12 : i32
        %swap3A_996 = arith.index_cast %swap3A_995 : i32 to index
        %swap3A_997 = arith.index_cast %mul3A_761 : i32 to index
        %swap3A_998 = tpu.vector_load %arg8[%swap3A_996, %swap3A_997] {strides = array<i32>} : memref<40x768xf32, #tpu.memory_space<vmem>>, vector<1x16xf32>,
        %swap3A_999 = vector.shape_cast %swap3A_998 : vector<1x16xf32> to vector<16xf32>
        %swap3A_1000 = vector.shape_cast %add3A_994 : vector<16xf32> to vector<1x16xf32>
        tpu.vector_store %arg8[%swap3A_996, %swap3A_997], %swap3A_1000 {strides = array<i32>} : memref<40x768xf32, #tpu.memory_space<vmem>>, vector<1x16xf32>,
        %get3A_1001 = arith.constant 20 : i32
        %get3A_1002 = arith.index_cast %get3A_1001 : i32 to index
        %get3A_1003 = arith.index_cast %mul3A_761 : i32 to index
        %get3A_1004 = tpu.vector_load %arg8[%get3A_1002, %get3A_1003] {strides = array<i32>} : memref<40x768xf32, #tpu.memory_space<vmem>>, vector<1x16xf32>,
        %get3A_1005 = vector.shape_cast %get3A_1004 : vector<1x16xf32> to vector<16xf32>
        %add3A_1006 = arith.addf %get3A_1005, %get3A_976 : vector<16xf32>
        %swap3A_1007 = arith.constant 20 : i32
        %swap3A_1008 = arith.index_cast %swap3A_1007 : i32 to index
        %swap3A_1009 = arith.index_cast %mul3A_761 : i32 to index
        %swap3A_1010 = tpu.vector_load %arg8[%swap3A_1008, %swap3A_1009] {strides = array<i32>} : memref<40x768xf32, #tpu.memory_space<vmem>>, vector<1x16xf32>,
        %swap3A_1011 = vector.shape_cast %swap3A_1010 : vector<1x16xf32> to vector<16xf32>
        %swap3A_1012 = vector.shape_cast %add3A_1006 : vector<16xf32> to vector<1x16xf32>
        tpu.vector_store %arg8[%swap3A_1008, %swap3A_1009], %swap3A_1012 {strides = array<i32>} : memref<40x768xf32, #tpu.memory_space<vmem>>, vector<1x16xf32>,
        %get3A_1013 = arith.constant 28 : i32
        %get3A_1014 = arith.index_cast %get3A_1013 : i32 to index
        %get3A_1015 = arith.index_cast %mul3A_761 : i32 to index
        %get3A_1016 = tpu.vector_load %arg8[%get3A_1014, %get3A_1015] {strides = array<i32>} : memref<40x768xf32, #tpu.memory_space<vmem>>, vector<1x16xf32>,
        %get3A_1017 = vector.shape_cast %get3A_1016 : vector<1x16xf32> to vector<16xf32>
        %add3A_1018 = arith.addf %get3A_1017, %get3A_976 : vector<16xf32>
        %swap3A_1019 = arith.constant 28 : i32
        %swap3A_1020 = arith.index_cast %swap3A_1019 : i32 to index
        %swap3A_1021 = arith.index_cast %mul3A_761 : i32 to index
        %swap3A_1022 = tpu.vector_load %arg8[%swap3A_1020, %swap3A_1021] {strides = array<i32>} : memref<40x768xf32, #tpu.memory_space<vmem>>, vector<1x16xf32>,
        %swap3A_1023 = vector.shape_cast %swap3A_1022 : vector<1x16xf32> to vector<16xf32>
        %swap3A_1024 = vector.shape_cast %add3A_1018 : vector<16xf32> to vector<1x16xf32>
        tpu.vector_store %arg8[%swap3A_1020, %swap3A_1021], %swap3A_1024 {strides = array<i32>} : memref<40x768xf32, #tpu.memory_space<vmem>>, vector<1x16xf32>,
        %get3A_1025 = arith.constant 37 : i32
        %get3A_1026 = arith.index_cast %get3A_1025 : i32 to index
        %get3A_1027 = arith.index_cast %mul3A_761 : i32 to index
        %get3A_1028 = tpu.vector_load %arg8[%get3A_1026, %get3A_1027] {strides = array<i32>} : memref<40x768xf32, #tpu.memory_space<vmem>>, vector<1x16xf32>,
        %get3A_1029 = vector.shape_cast %get3A_1028 : vector<1x16xf32> to vector<16xf32>
        %get3A_1030 = arith.constant 5 : i32
        %get3A_1031 = arith.index_cast %get3A_1030 : i32 to index
        %get3A_1032 = arith.index_cast %mul3A_761 : i32 to index
        %get3A_1033 = tpu.vector_load %arg8[%get3A_1031, %get3A_1032] {strides = array<i32>} : memref<40x768xf32, #tpu.memory_space<vmem>>, vector<1x16xf32>,
        %get3A_1034 = vector.shape_cast %get3A_1033 : vector<1x16xf32> to vector<16xf32>
        %add3A_1035 = arith.addf %get3A_1034, %get3A_1029 : vector<16xf32>
        %swap3A_1036 = arith.constant 5 : i32
        %swap3A_1037 = arith.index_cast %swap3A_1036 : i32 to index
        %swap3A_1038 = arith.index_cast %mul3A_761 : i32 to index
        %swap3A_1039 = tpu.vector_load %arg8[%swap3A_1037, %swap3A_1038] {strides = array<i32>} : memref<40x768xf32, #tpu.memory_space<vmem>>, vector<1x16xf32>,
        %swap3A_1040 = vector.shape_cast %swap3A_1039 : vector<1x16xf32> to vector<16xf32>
        %swap3A_1041 = vector.shape_cast %add3A_1035 : vector<16xf32> to vector<1x16xf32>
        tpu.vector_store %arg8[%swap3A_1037, %swap3A_1038], %swap3A_1041 {strides = array<i32>} : memref<40x768xf32, #tpu.memory_space<vmem>>, vector<1x16xf32>,
        %get3A_1042 = arith.constant 13 : i32
        %get3A_1043 = arith.index_cast %get3A_1042 : i32 to index
        %get3A_1044 = arith.index_cast %mul3A_761 : i32 to index
        %get3A_1045 = tpu.vector_load %arg8[%get3A_1043, %get3A_1044] {strides = array<i32>} : memref<40x768xf32, #tpu.memory_space<vmem>>, vector<1x16xf32>,
        %get3A_1046 = vector.shape_cast %get3A_1045 : vector<1x16xf32> to vector<16xf32>
        %add3A_1047 = arith.addf %get3A_1046, %get3A_1029 : vector<16xf32>
        %swap3A_1048 = arith.constant 13 : i32
        %swap3A_1049 = arith.index_cast %swap3A_1048 : i32 to index
        %swap3A_1050 = arith.index_cast %mul3A_761 : i32 to index
        %swap3A_1051 = tpu.vector_load %arg8[%swap3A_1049, %swap3A_1050] {strides = array<i32>} : memref<40x768xf32, #tpu.memory_space<vmem>>, vector<1x16xf32>,
        %swap3A_1052 = vector.shape_cast %swap3A_1051 : vector<1x16xf32> to vector<16xf32>
        %swap3A_1053 = vector.shape_cast %add3A_1047 : vector<16xf32> to vector<1x16xf32>
        tpu.vector_store %arg8[%swap3A_1049, %swap3A_1050], %swap3A_1053 {strides = array<i32>} : memref<40x768xf32, #tpu.memory_space<vmem>>, vector<1x16xf32>,
        %get3A_1054 = arith.constant 21 : i32
        %get3A_1055 = arith.index_cast %get3A_1054 : i32 to index
        %get3A_1056 = arith.index_cast %mul3A_761 : i32 to index
        %get3A_1057 = tpu.vector_load %arg8[%get3A_1055, %get3A_1056] {strides = array<i32>} : memref<40x768xf32, #tpu.memory_space<vmem>>, vector<1x16xf32>,
        %get3A_1058 = vector.shape_cast %get3A_1057 : vector<1x16xf32> to vector<16xf32>
        %add3A_1059 = arith.addf %get3A_1058, %get3A_1029 : vector<16xf32>
        %swap3A_1060 = arith.constant 21 : i32
        %swap3A_1061 = arith.index_cast %swap3A_1060 : i32 to index
        %swap3A_1062 = arith.index_cast %mul3A_761 : i32 to index
        %swap3A_1063 = tpu.vector_load %arg8[%swap3A_1061, %swap3A_1062] {strides = array<i32>} : memref<40x768xf32, #tpu.memory_space<vmem>>, vector<1x16xf32>,
        %swap3A_1064 = vector.shape_cast %swap3A_1063 : vector<1x16xf32> to vector<16xf32>
        %swap3A_1065 = vector.shape_cast %add3A_1059 : vector<16xf32> to vector<1x16xf32>
        tpu.vector_store %arg8[%swap3A_1061, %swap3A_1062], %swap3A_1065 {strides = array<i32>} : memref<40x768xf32, #tpu.memory_space<vmem>>, vector<1x16xf32>,
        %get3A_1066 = arith.constant 29 : i32
        %get3A_1067 = arith.index_cast %get3A_1066 : i32 to index
        %get3A_1068 = arith.index_cast %mul3A_761 : i32 to index
        %get3A_1069 = tpu.vector_load %arg8[%get3A_1067, %get3A_1068] {strides = array<i32>} : memref<40x768xf32, #tpu.memory_space<vmem>>, vector<1x16xf32>,
        %get3A_1070 = vector.shape_cast %get3A_1069 : vector<1x16xf32> to vector<16xf32>
        %add3A_1071 = arith.addf %get3A_1070, %get3A_1029 : vector<16xf32>
        %swap3A_1072 = arith.constant 29 : i32
        %swap3A_1073 = arith.index_cast %swap3A_1072 : i32 to index
        %swap3A_1074 = arith.index_cast %mul3A_761 : i32 to index
        %swap3A_1075 = tpu.vector_load %arg8[%swap3A_1073, %swap3A_1074] {strides = array<i32>} : memref<40x768xf32, #tpu.memory_space<vmem>>, vector<1x16xf32>,
        %swap3A_1076 = vector.shape_cast %swap3A_1075 : vector<1x16xf32> to vector<16xf32>
        %swap3A_1077 = vector.shape_cast %add3A_1071 : vector<16xf32> to vector<1x16xf32>
        tpu.vector_store %arg8[%swap3A_1073, %swap3A_1074], %swap3A_1077 {strides = array<i32>} : memref<40x768xf32, #tpu.memory_space<vmem>>, vector<1x16xf32>,
        %get3A_1078 = arith.constant 38 : i32
        %get3A_1079 = arith.index_cast %get3A_1078 : i32 to index
        %get3A_1080 = arith.index_cast %mul3A_761 : i32 to index
        %get3A_1081 = tpu.vector_load %arg8[%get3A_1079, %get3A_1080] {strides = array<i32>} : memref<40x768xf32, #tpu.memory_space<vmem>>, vector<1x16xf32>,
        %get3A_1082 = vector.shape_cast %get3A_1081 : vector<1x16xf32> to vector<16xf32>
        %get3A_1083 = arith.constant 6 : i32
        %get3A_1084 = arith.index_cast %get3A_1083 : i32 to index
        %get3A_1085 = arith.index_cast %mul3A_761 : i32 to index
        %get3A_1086 = tpu.vector_load %arg8[%get3A_1084, %get3A_1085] {strides = array<i32>} : memref<40x768xf32, #tpu.memory_space<vmem>>, vector<1x16xf32>,
        %get3A_1087 = vector.shape_cast %get3A_1086 : vector<1x16xf32> to vector<16xf32>
        %add3A_1088 = arith.addf %get3A_1087, %get3A_1082 : vector<16xf32>
        %swap3A_1089 = arith.constant 6 : i32
        %swap3A_1090 = arith.index_cast %swap3A_1089 : i32 to index
        %swap3A_1091 = arith.index_cast %mul3A_761 : i32 to index
        %swap3A_1092 = tpu.vector_load %arg8[%swap3A_1090, %swap3A_1091] {strides = array<i32>} : memref<40x768xf32, #tpu.memory_space<vmem>>, vector<1x16xf32>,
        %swap3A_1093 = vector.shape_cast %swap3A_1092 : vector<1x16xf32> to vector<16xf32>
        %swap3A_1094 = vector.shape_cast %add3A_1088 : vector<16xf32> to vector<1x16xf32>
        tpu.vector_store %arg8[%swap3A_1090, %swap3A_1091], %swap3A_1094 {strides = array<i32>} : memref<40x768xf32, #tpu.memory_space<vmem>>, vector<1x16xf32>,
        %get3A_1095 = arith.constant 14 : i32
        %get3A_1096 = arith.index_cast %get3A_1095 : i32 to index
        %get3A_1097 = arith.index_cast %mul3A_761 : i32 to index
        %get3A_1098 = tpu.vector_load %arg8[%get3A_1096, %get3A_1097] {strides = array<i32>} : memref<40x768xf32, #tpu.memory_space<vmem>>, vector<1x16xf32>,
        %get3A_1099 = vector.shape_cast %get3A_1098 : vector<1x16xf32> to vector<16xf32>
        %add3A_1100 = arith.addf %get3A_1099, %get3A_1082 : vector<16xf32>
        %swap3A_1101 = arith.constant 14 : i32
        %swap3A_1102 = arith.index_cast %swap3A_1101 : i32 to index
        %swap3A_1103 = arith.index_cast %mul3A_761 : i32 to index
        %swap3A_1104 = tpu.vector_load %arg8[%swap3A_1102, %swap3A_1103] {strides = array<i32>} : memref<40x768xf32, #tpu.memory_space<vmem>>, vector<1x16xf32>,
        %swap3A_1105 = vector.shape_cast %swap3A_1104 : vector<1x16xf32> to vector<16xf32>
        %swap3A_1106 = vector.shape_cast %add3A_1100 : vector<16xf32> to vector<1x16xf32>
        tpu.vector_store %arg8[%swap3A_1102, %swap3A_1103], %swap3A_1106 {strides = array<i32>} : memref<40x768xf32, #tpu.memory_space<vmem>>, vector<1x16xf32>,
        %get3A_1107 = arith.constant 22 : i32
        %get3A_1108 = arith.index_cast %get3A_1107 : i32 to index
        %get3A_1109 = arith.index_cast %mul3A_761 : i32 to index
        %get3A_1110 = tpu.vector_load %arg8[%get3A_1108, %get3A_1109] {strides = array<i32>} : memref<40x768xf32, #tpu.memory_space<vmem>>, vector<1x16xf32>,
        %get3A_1111 = vector.shape_cast %get3A_1110 : vector<1x16xf32> to vector<16xf32>
        %add3A_1112 = arith.addf %get3A_1111, %get3A_1082 : vector<16xf32>
        %swap3A_1113 = arith.constant 22 : i32
        %swap3A_1114 = arith.index_cast %swap3A_1113 : i32 to index
        %swap3A_1115 = arith.index_cast %mul3A_761 : i32 to index
        %swap3A_1116 = tpu.vector_load %arg8[%swap3A_1114, %swap3A_1115] {strides = array<i32>} : memref<40x768xf32, #tpu.memory_space<vmem>>, vector<1x16xf32>,
        %swap3A_1117 = vector.shape_cast %swap3A_1116 : vector<1x16xf32> to vector<16xf32>
        %swap3A_1118 = vector.shape_cast %add3A_1112 : vector<16xf32> to vector<1x16xf32>
        tpu.vector_store %arg8[%swap3A_1114, %swap3A_1115], %swap3A_1118 {strides = array<i32>} : memref<40x768xf32, #tpu.memory_space<vmem>>, vector<1x16xf32>,
        %get3A_1119 = arith.constant 30 : i32
        %get3A_1120 = arith.index_cast %get3A_1119 : i32 to index
        %get3A_1121 = arith.index_cast %mul3A_761 : i32 to index
        %get3A_1122 = tpu.vector_load %arg8[%get3A_1120, %get3A_1121] {strides = array<i32>} : memref<40x768xf32, #tpu.memory_space<vmem>>, vector<1x16xf32>,
        %get3A_1123 = vector.shape_cast %get3A_1122 : vector<1x16xf32> to vector<16xf32>
        %add3A_1124 = arith.addf %get3A_1123, %get3A_1082 : vector<16xf32>
        %swap3A_1125 = arith.constant 30 : i32
        %swap3A_1126 = arith.index_cast %swap3A_1125 : i32 to index
        %swap3A_1127 = arith.index_cast %mul3A_761 : i32 to index
        %swap3A_1128 = tpu.vector_load %arg8[%swap3A_1126, %swap3A_1127] {strides = array<i32>} : memref<40x768xf32, #tpu.memory_space<vmem>>, vector<1x16xf32>,
        %swap3A_1129 = vector.shape_cast %swap3A_1128 : vector<1x16xf32> to vector<16xf32>
        %swap3A_1130 = vector.shape_cast %add3A_1124 : vector<16xf32> to vector<1x16xf32>
        tpu.vector_store %arg8[%swap3A_1126, %swap3A_1127], %swap3A_1130 {strides = array<i32>} : memref<40x768xf32, #tpu.memory_space<vmem>>, vector<1x16xf32>,
        %get3A_1131 = arith.constant 39 : i32
        %get3A_1132 = arith.index_cast %get3A_1131 : i32 to index
        %get3A_1133 = arith.index_cast %mul3A_761 : i32 to index
        %get3A_1134 = tpu.vector_load %arg8[%get3A_1132, %get3A_1133] {strides = array<i32>} : memref<40x768xf32, #tpu.memory_space<vmem>>, vector<1x16xf32>,
        %get3A_1135 = vector.shape_cast %get3A_1134 : vector<1x16xf32> to vector<16xf32>
        %get3A_1136 = arith.constant 7 : i32
        %get3A_1137 = arith.index_cast %get3A_1136 : i32 to index
        %get3A_1138 = arith.index_cast %mul3A_761 : i32 to index
        %get3A_1139 = tpu.vector_load %arg8[%get3A_1137, %get3A_1138] {strides = array<i32>} : memref<40x768xf32, #tpu.memory_space<vmem>>, vector<1x16xf32>,
        %get3A_1140 = vector.shape_cast %get3A_1139 : vector<1x16xf32> to vector<16xf32>
        %add3A_1141 = arith.addf %get3A_1140, %get3A_1135 : vector<16xf32>
        %swap3A_1142 = arith.constant 7 : i32
        %swap3A_1143 = arith.index_cast %swap3A_1142 : i32 to index
        %swap3A_1144 = arith.index_cast %mul3A_761 : i32 to index
        %swap3A_1145 = tpu.vector_load %arg8[%swap3A_1143, %swap3A_1144] {strides = array<i32>} : memref<40x768xf32, #tpu.memory_space<vmem>>, vector<1x16xf32>,
        %swap3A_1146 = vector.shape_cast %swap3A_1145 : vector<1x16xf32> to vector<16xf32>
        %swap3A_1147 = vector.shape_cast %add3A_1141 : vector<16xf32> to vector<1x16xf32>
        tpu.vector_store %arg8[%swap3A_1143, %swap3A_1144], %swap3A_1147 {strides = array<i32>} : memref<40x768xf32, #tpu.memory_space<vmem>>, vector<1x16xf32>,
        %get3A_1148 = arith.constant 15 : i32
        %get3A_1149 = arith.index_cast %get3A_1148 : i32 to index
        %get3A_1150 = arith.index_cast %mul3A_761 : i32 to index
        %get3A_1151 = tpu.vector_load %arg8[%get3A_1149, %get3A_1150] {strides = array<i32>} : memref<40x768xf32, #tpu.memory_space<vmem>>, vector<1x16xf32>,
        %get3A_1152 = vector.shape_cast %get3A_1151 : vector<1x16xf32> to vector<16xf32>
        %add3A_1153 = arith.addf %get3A_1152, %get3A_1135 : vector<16xf32>
        %swap3A_1154 = arith.constant 15 : i32
        %swap3A_1155 = arith.index_cast %swap3A_1154 : i32 to index
        %swap3A_1156 = arith.index_cast %mul3A_761 : i32 to index
        %swap3A_1157 = tpu.vector_load %arg8[%swap3A_1155, %swap3A_1156] {strides = array<i32>} : memref<40x768xf32, #tpu.memory_space<vmem>>, vector<1x16xf32>,
        %swap3A_1158 = vector.shape_cast %swap3A_1157 : vector<1x16xf32> to vector<16xf32>
        %swap3A_1159 = vector.shape_cast %add3A_1153 : vector<16xf32> to vector<1x16xf32>
        tpu.vector_store %arg8[%swap3A_1155, %swap3A_1156], %swap3A_1159 {strides = array<i32>} : memref<40x768xf32, #tpu.memory_space<vmem>>, vector<1x16xf32>,
        %get3A_1160 = arith.constant 23 : i32
        %get3A_1161 = arith.index_cast %get3A_1160 : i32 to index
        %get3A_1162 = arith.index_cast %mul3A_761 : i32 to index
        %get3A_1163 = tpu.vector_load %arg8[%get3A_1161, %get3A_1162] {strides = array<i32>} : memref<40x768xf32, #tpu.memory_space<vmem>>, vector<1x16xf32>,
        %get3A_1164 = vector.shape_cast %get3A_1163 : vector<1x16xf32> to vector<16xf32>
        %add3A_1165 = arith.addf %get3A_1164, %get3A_1135 : vector<16xf32>
        %swap3A_1166 = arith.constant 23 : i32
        %swap3A_1167 = arith.index_cast %swap3A_1166 : i32 to index
        %swap3A_1168 = arith.index_cast %mul3A_761 : i32 to index
        %swap3A_1169 = tpu.vector_load %arg8[%swap3A_1167, %swap3A_1168] {strides = array<i32>} : memref<40x768xf32, #tpu.memory_space<vmem>>, vector<1x16xf32>,
        %swap3A_1170 = vector.shape_cast %swap3A_1169 : vector<1x16xf32> to vector<16xf32>
        %swap3A_1171 = vector.shape_cast %add3A_1165 : vector<16xf32> to vector<1x16xf32>
        tpu.vector_store %arg8[%swap3A_1167, %swap3A_1168], %swap3A_1171 {strides = array<i32>} : memref<40x768xf32, #tpu.memory_space<vmem>>, vector<1x16xf32>,
        %get3A_1172 = arith.constant 31 : i32
        %get3A_1173 = arith.index_cast %get3A_1172 : i32 to index
        %get3A_1174 = arith.index_cast %mul3A_761 : i32 to index
        %get3A_1175 = tpu.vector_load %arg8[%get3A_1173, %get3A_1174] {strides = array<i32>} : memref<40x768xf32, #tpu.memory_space<vmem>>, vector<1x16xf32>,
        %get3A_1176 = vector.shape_cast %get3A_1175 : vector<1x16xf32> to vector<16xf32>
        %add3A_1177 = arith.addf %get3A_1176, %get3A_1135 : vector<16xf32>
        %swap3A_1178 = arith.constant 31 : i32
        %swap3A_1179 = arith.index_cast %swap3A_1178 : i32 to index
        %swap3A_1180 = arith.index_cast %mul3A_761 : i32 to index
        %swap3A_1181 = tpu.vector_load %arg8[%swap3A_1179, %swap3A_1180] {strides = array<i32>} : memref<40x768xf32, #tpu.memory_space<vmem>>, vector<1x16xf32>,
        %swap3A_1182 = vector.shape_cast %swap3A_1181 : vector<1x16xf32> to vector<16xf32>
        %swap3A_1183 = vector.shape_cast %add3A_1177 : vector<16xf32> to vector<1x16xf32>
        tpu.vector_store %arg8[%swap3A_1179, %swap3A_1180], %swap3A_1183 {strides = array<i32>} : memref<40x768xf32, #tpu.memory_space<vmem>>, vector<1x16xf32>,
        %scan3A_1184 = arith.constant 0 : i32
        scf.yield %scan3A_1184 : i32
      }
      %scan3A_705 = arith.constant 48 : i32
      %mul3A_706 = arith.constant 8 : i32
      %mul3A_707 = arith.muli %add3A_626, %mul3A_706 : i32
      %add3A_708 = arith.addi %mul3A_2, %mul3A_707 : i32
      %add3A_709 = arith.constant 0 : i32
      %add3A_710 = arith.addi %add3A_709, %add3A_708 : i32
      %dma_start3A_711 = arith.constant 0 : i32
      %dma_start3A_712 = arith.constant 0 : i32
      %dma_start3A_713 = tpu.memref_slice %arg8[%dma_start3A_711, %dma_start3A_712] : memref<40x768xf32, #tpu.memory_space<vmem>> -> memref<8x768xf32, #tpu.memory_space<vmem>>
      %dma_start3A_714 = arith.constant 0 : i32
      %dma_start3A_715 = tpu.memref_slice %arg4[%add3A_710, %dma_start3A_714] : memref<32768x768xf32, #tpu.memory_space<hbm>> -> memref<8x768xf32, #tpu.memory_space<hbm>>
      %dma_start3A_716 = arith.constant 0 : i32
      %dma_start3A_717 = tpu.memref_slice %arg4[%add3A_710, %dma_start3A_716] : memref<32768x768xf32, #tpu.memory_space<hbm>> -> memref<8x768xf32, #tpu.memory_space<hbm>>
      %dma_start3A_718 = arith.constant 0 : i32
      %dma_start3A_719 = arith.constant 0 : i32
      %dma_start3A_720 = tpu.memref_slice %arg8[%dma_start3A_718, %dma_start3A_719] : memref<40x768xf32, #tpu.memory_space<vmem>> -> memref<8x768xf32, #tpu.memory_space<vmem>>
      tpu.enqueue_dma source(%dma_start3A_720 : memref<8x768xf32, #tpu.memory_space<vmem>>) target(%dma_start3A_717 : memref<8x768xf32, #tpu.memory_space<hbm>>) target_semaphore(%arg16 : memref<!tpu.dma_semaphore, #tpu.memory_space<semaphore_mem>>)
      %add3A_721 = arith.constant 8192 : i32
      %add3A_722 = arith.addi %add3A_721, %add3A_708 : i32
      %dma_start3A_723 = arith.constant 8 : i32
      %dma_start3A_724 = arith.constant 0 : i32
      %dma_start3A_725 = tpu.memref_slice %arg8[%dma_start3A_723, %dma_start3A_724] : memref<40x768xf32, #tpu.memory_space<vmem>> -> memref<8x768xf32, #tpu.memory_space<vmem>>
      %dma_start3A_726 = arith.constant 0 : i32
      %dma_start3A_727 = tpu.memref_slice %arg4[%add3A_722, %dma_start3A_726] : memref<32768x768xf32, #tpu.memory_space<hbm>> -> memref<8x768xf32, #tpu.memory_space<hbm>>
      %dma_start3A_728 = arith.constant 0 : i32
      %dma_start3A_729 = tpu.memref_slice %arg4[%add3A_722, %dma_start3A_728] : memref<32768x768xf32, #tpu.memory_space<hbm>> -> memref<8x768xf32, #tpu.memory_space<hbm>>
      %dma_start3A_730 = arith.constant 8 : i32
      %dma_start3A_731 = arith.constant 0 : i32
      %dma_start3A_732 = tpu.memref_slice %arg8[%dma_start3A_730, %dma_start3A_731] : memref<40x768xf32, #tpu.memory_space<vmem>> -> memref<8x768xf32, #tpu.memory_space<vmem>>
      tpu.enqueue_dma source(%dma_start3A_732 : memref<8x768xf32, #tpu.memory_space<vmem>>) target(%dma_start3A_729 : memref<8x768xf32, #tpu.memory_space<hbm>>) target_semaphore(%arg16 : memref<!tpu.dma_semaphore, #tpu.memory_space<semaphore_mem>>)
      %add3A_733 = arith.constant 16384 : i32
      %add3A_734 = arith.addi %add3A_733, %add3A_708 : i32
      %dma_start3A_735 = arith.constant 16 : i32
      %dma_start3A_736 = arith.constant 0 : i32
      %dma_start3A_737 = tpu.memref_slice %arg8[%dma_start3A_735, %dma_start3A_736] : memref<40x768xf32, #tpu.memory_space<vmem>> -> memref<8x768xf32, #tpu.memory_space<vmem>>
      %dma_start3A_738 = arith.constant 0 : i32
      %dma_start3A_739 = tpu.memref_slice %arg4[%add3A_734, %dma_start3A_738] : memref<32768x768xf32, #tpu.memory_space<hbm>> -> memref<8x768xf32, #tpu.memory_space<hbm>>
      %dma_start3A_740 = arith.constant 0 : i32
      %dma_start3A_741 = tpu.memref_slice %arg4[%add3A_734, %dma_start3A_740] : memref<32768x768xf32, #tpu.memory_space<hbm>> -> memref<8x768xf32, #tpu.memory_space<hbm>>
      %dma_start3A_742 = arith.constant 16 : i32
      %dma_start3A_743 = arith.constant 0 : i32
      %dma_start3A_744 = tpu.memref_slice %arg8[%dma_start3A_742, %dma_start3A_743] : memref<40x768xf32, #tpu.memory_space<vmem>> -> memref<8x768xf32, #tpu.memory_space<vmem>>
      tpu.enqueue_dma source(%dma_start3A_744 : memref<8x768xf32, #tpu.memory_space<vmem>>) target(%dma_start3A_741 : memref<8x768xf32, #tpu.memory_space<hbm>>) target_semaphore(%arg16 : memref<!tpu.dma_semaphore, #tpu.memory_space<semaphore_mem>>)
      %add3A_745 = arith.constant 24576 : i32
      %add3A_746 = arith.addi %add3A_745, %add3A_708 : i32
      %dma_start3A_747 = arith.constant 24 : i32
      %dma_start3A_748 = arith.constant 0 : i32
      %dma_start3A_749 = tpu.memref_slice %arg8[%dma_start3A_747, %dma_start3A_748] : memref<40x768xf32, #tpu.memory_space<vmem>> -> memref<8x768xf32, #tpu.memory_space<vmem>>
      %dma_start3A_750 = arith.constant 0 : i32
      %dma_start3A_751 = tpu.memref_slice %arg4[%add3A_746, %dma_start3A_750] : memref<32768x768xf32, #tpu.memory_space<hbm>> -> memref<8x768xf32, #tpu.memory_space<hbm>>
      %dma_start3A_752 = arith.constant 0 : i32
      %dma_start3A_753 = tpu.memref_slice %arg4[%add3A_746, %dma_start3A_752] : memref<32768x768xf32, #tpu.memory_space<hbm>> -> memref<8x768xf32, #tpu.memory_space<hbm>>
      %dma_start3A_754 = arith.constant 24 : i32
      %dma_start3A_755 = arith.constant 0 : i32
      %dma_start3A_756 = tpu.memref_slice %arg8[%dma_start3A_754, %dma_start3A_755] : memref<40x768xf32, #tpu.memory_space<vmem>> -> memref<8x768xf32, #tpu.memory_space<vmem>>
      tpu.enqueue_dma source(%dma_start3A_756 : memref<8x768xf32, #tpu.memory_space<vmem>>) target(%dma_start3A_753 : memref<8x768xf32, #tpu.memory_space<hbm>>) target_semaphore(%arg16 : memref<!tpu.dma_semaphore, #tpu.memory_space<semaphore_mem>>)
      %scan3A_757 = arith.constant 0 : i32
      scf.yield %scan3A_757 : i32
    }
    %scan3A_127 = arith.constant 8 : i32
    %dma_wait3A = arith.constant 0 : i32
    %dma_wait3A_128 = arith.constant 0 : i32
    %dma_wait3A_129 = tpu.memref_slice %arg7[%dma_wait3A, %dma_wait3A_128] : memref<40x768xf32, #tpu.memory_space<vmem>> -> memref<8x768xf32, #tpu.memory_space<vmem>>
    %dma_wait3A_130 = arith.constant 0 : i32
    %dma_wait3A_131 = arith.constant 0 : i32
    %dma_wait3A_132 = tpu.memref_slice %arg4[%dma_wait3A_130, %dma_wait3A_131] : memref<32768x768xf32, #tpu.memory_space<hbm>> -> memref<8x768xf32, #tpu.memory_space<hbm>>
    %dma_wait3A_133 = arith.constant 0 : i32
    %dma_wait3A_134 = arith.constant 0 : i32
    %dma_wait3A_135 = tpu.memref_slice %arg4[%dma_wait3A_133, %dma_wait3A_134] : memref<32768x768xf32, #tpu.memory_space<hbm>> -> memref<8x768xf32, #tpu.memory_space<hbm>>
    %dma_wait3A_136 = arith.constant 0 : i32
    %dma_wait3A_137 = arith.constant 0 : i32
    %dma_wait3A_138 = tpu.memref_slice %arg7[%dma_wait3A_136, %dma_wait3A_137] : memref<40x768xf32, #tpu.memory_space<vmem>> -> memref<8x768xf32, #tpu.memory_space<vmem>>
    tpu.wait_dma2 semaphore(%arg15 : memref<!tpu.dma_semaphore, #tpu.memory_space<semaphore_mem>>) src(%dma_wait3A_138 : memref<8x768xf32, #tpu.memory_space<vmem>>) dst(%dma_wait3A_135 : memref<8x768xf32, #tpu.memory_space<hbm>>)
    %dma_wait3A_139 = arith.constant 8 : i32
    %dma_wait3A_140 = arith.constant 0 : i32
    %dma_wait3A_141 = tpu.memref_slice %arg7[%dma_wait3A_139, %dma_wait3A_140] : memref<40x768xf32, #tpu.memory_space<vmem>> -> memref<8x768xf32, #tpu.memory_space<vmem>>
    %dma_wait3A_142 = arith.constant 0 : i32
    %dma_wait3A_143 = arith.constant 0 : i32
    %dma_wait3A_144 = tpu.memref_slice %arg4[%dma_wait3A_142, %dma_wait3A_143] : memref<32768x768xf32, #tpu.memory_space<hbm>> -> memref<8x768xf32, #tpu.memory_space<hbm>>
    %dma_wait3A_145 = arith.constant 0 : i32
    %dma_wait3A_146 = arith.constant 0 : i32
    %dma_wait3A_147 = tpu.memref_slice %arg4[%dma_wait3A_145, %dma_wait3A_146] : memref<32768x768xf32, #tpu.memory_space<hbm>> -> memref<8x768xf32, #tpu.memory_space<hbm>>
    %dma_wait3A_148 = arith.constant 8 : i32
    %dma_wait3A_149 = arith.constant 0 : i32
    %dma_wait3A_150 = tpu.memref_slice %arg7[%dma_wait3A_148, %dma_wait3A_149] : memref<40x768xf32, #tpu.memory_space<vmem>> -> memref<8x768xf32, #tpu.memory_space<vmem>>
    tpu.wait_dma2 semaphore(%arg15 : memref<!tpu.dma_semaphore, #tpu.memory_space<semaphore_mem>>) src(%dma_wait3A_150 : memref<8x768xf32, #tpu.memory_space<vmem>>) dst(%dma_wait3A_147 : memref<8x768xf32, #tpu.memory_space<hbm>>)
    %dma_wait3A_151 = arith.constant 16 : i32
    %dma_wait3A_152 = arith.constant 0 : i32
    %dma_wait3A_153 = tpu.memref_slice %arg7[%dma_wait3A_151, %dma_wait3A_152] : memref<40x768xf32, #tpu.memory_space<vmem>> -> memref<8x768xf32, #tpu.memory_space<vmem>>
    %dma_wait3A_154 = arith.constant 0 : i32
    %dma_wait3A_155 = arith.constant 0 : i32
    %dma_wait3A_156 = tpu.memref_slice %arg4[%dma_wait3A_154, %dma_wait3A_155] : memref<32768x768xf32, #tpu.memory_space<hbm>> -> memref<8x768xf32, #tpu.memory_space<hbm>>
    %dma_wait3A_157 = arith.constant 0 : i32
    %dma_wait3A_158 = arith.constant 0 : i32
    %dma_wait3A_159 = tpu.memref_slice %arg4[%dma_wait3A_157, %dma_wait3A_158] : memref<32768x768xf32, #tpu.memory_space<hbm>> -> memref<8x768xf32, #tpu.memory_space<hbm>>
    %dma_wait3A_160 = arith.constant 16 : i32
    %dma_wait3A_161 = arith.constant 0 : i32
    %dma_wait3A_162 = tpu.memref_slice %arg7[%dma_wait3A_160, %dma_wait3A_161] : memref<40x768xf32, #tpu.memory_space<vmem>> -> memref<8x768xf32, #tpu.memory_space<vmem>>
    tpu.wait_dma2 semaphore(%arg15 : memref<!tpu.dma_semaphore, #tpu.memory_space<semaphore_mem>>) src(%dma_wait3A_162 : memref<8x768xf32, #tpu.memory_space<vmem>>) dst(%dma_wait3A_159 : memref<8x768xf32, #tpu.memory_space<hbm>>)
    %dma_wait3A_163 = arith.constant 24 : i32
    %dma_wait3A_164 = arith.constant 0 : i32
    %dma_wait3A_165 = tpu.memref_slice %arg7[%dma_wait3A_163, %dma_wait3A_164] : memref<40x768xf32, #tpu.memory_space<vmem>> -> memref<8x768xf32, #tpu.memory_space<vmem>>
    %dma_wait3A_166 = arith.constant 0 : i32
    %dma_wait3A_167 = arith.constant 0 : i32
    %dma_wait3A_168 = tpu.memref_slice %arg4[%dma_wait3A_166, %dma_wait3A_167] : memref<32768x768xf32, #tpu.memory_space<hbm>> -> memref<8x768xf32, #tpu.memory_space<hbm>>
    %dma_wait3A_169 = arith.constant 0 : i32
    %dma_wait3A_170 = arith.constant 0 : i32
    %dma_wait3A_171 = tpu.memref_slice %arg4[%dma_wait3A_169, %dma_wait3A_170] : memref<32768x768xf32, #tpu.memory_space<hbm>> -> memref<8x768xf32, #tpu.memory_space<hbm>>
    %dma_wait3A_172 = arith.constant 24 : i32
    %dma_wait3A_173 = arith.constant 0 : i32
    %dma_wait3A_174 = tpu.memref_slice %arg7[%dma_wait3A_172, %dma_wait3A_173] : memref<40x768xf32, #tpu.memory_space<vmem>> -> memref<8x768xf32, #tpu.memory_space<vmem>>
    tpu.wait_dma2 semaphore(%arg15 : memref<!tpu.dma_semaphore, #tpu.memory_space<semaphore_mem>>) src(%dma_wait3A_174 : memref<8x768xf32, #tpu.memory_space<vmem>>) dst(%dma_wait3A_171 : memref<8x768xf32, #tpu.memory_space<hbm>>)
    %dma_wait3A_175 = arith.constant 0 : i32
    %dma_wait3A_176 = arith.constant 0 : i32
    %dma_wait3A_177 = tpu.memref_slice %arg8[%dma_wait3A_175, %dma_wait3A_176] : memref<40x768xf32, #tpu.memory_space<vmem>> -> memref<8x768xf32, #tpu.memory_space<vmem>>
    %dma_wait3A_178 = arith.constant 0 : i32
    %dma_wait3A_179 = arith.constant 0 : i32
    %dma_wait3A_180 = tpu.memref_slice %arg4[%dma_wait3A_178, %dma_wait3A_179] : memref<32768x768xf32, #tpu.memory_space<hbm>> -> memref<8x768xf32, #tpu.memory_space<hbm>>
    %dma_wait3A_181 = arith.constant 0 : i32
    %dma_wait3A_182 = arith.constant 0 : i32
    %dma_wait3A_183 = tpu.memref_slice %arg4[%dma_wait3A_181, %dma_wait3A_182] : memref<32768x768xf32, #tpu.memory_space<hbm>> -> memref<8x768xf32, #tpu.memory_space<hbm>>
    %dma_wait3A_184 = arith.constant 0 : i32
    %dma_wait3A_185 = arith.constant 0 : i32
    %dma_wait3A_186 = tpu.memref_slice %arg8[%dma_wait3A_184, %dma_wait3A_185] : memref<40x768xf32, #tpu.memory_space<vmem>> -> memref<8x768xf32, #tpu.memory_space<vmem>>
    tpu.wait_dma2 semaphore(%arg16 : memref<!tpu.dma_semaphore, #tpu.memory_space<semaphore_mem>>) src(%dma_wait3A_186 : memref<8x768xf32, #tpu.memory_space<vmem>>) dst(%dma_wait3A_183 : memref<8x768xf32, #tpu.memory_space<hbm>>)
    %dma_wait3A_187 = arith.constant 8 : i32
    %dma_wait3A_188 = arith.constant 0 : i32
    %dma_wait3A_189 = tpu.memref_slice %arg8[%dma_wait3A_187, %dma_wait3A_188] : memref<40x768xf32, #tpu.memory_space<vmem>> -> memref<8x768xf32, #tpu.memory_space<vmem>>
    %dma_wait3A_190 = arith.constant 0 : i32
    %dma_wait3A_191 = arith.constant 0 : i32
    %dma_wait3A_192 = tpu.memref_slice %arg4[%dma_wait3A_190, %dma_wait3A_191] : memref<32768x768xf32, #tpu.memory_space<hbm>> -> memref<8x768xf32, #tpu.memory_space<hbm>>
    %dma_wait3A_193 = arith.constant 0 : i32
    %dma_wait3A_194 = arith.constant 0 : i32
    %dma_wait3A_195 = tpu.memref_slice %arg4[%dma_wait3A_193, %dma_wait3A_194] : memref<32768x768xf32, #tpu.memory_space<hbm>> -> memref<8x768xf32, #tpu.memory_space<hbm>>
    %dma_wait3A_196 = arith.constant 8 : i32
    %dma_wait3A_197 = arith.constant 0 : i32
    %dma_wait3A_198 = tpu.memref_slice %arg8[%dma_wait3A_196, %dma_wait3A_197] : memref<40x768xf32, #tpu.memory_space<vmem>> -> memref<8x768xf32, #tpu.memory_space<vmem>>
    tpu.wait_dma2 semaphore(%arg16 : memref<!tpu.dma_semaphore, #tpu.memory_space<semaphore_mem>>) src(%dma_wait3A_198 : memref<8x768xf32, #tpu.memory_space<vmem>>) dst(%dma_wait3A_195 : memref<8x768xf32, #tpu.memory_space<hbm>>)
    %dma_wait3A_199 = arith.constant 16 : i32
    %dma_wait3A_200 = arith.constant 0 : i32
    %dma_wait3A_201 = tpu.memref_slice %arg8[%dma_wait3A_199, %dma_wait3A_200] : memref<40x768xf32, #tpu.memory_space<vmem>> -> memref<8x768xf32, #tpu.memory_space<vmem>>
    %dma_wait3A_202 = arith.constant 0 : i32
    %dma_wait3A_203 = arith.constant 0 : i32
    %dma_wait3A_204 = tpu.memref_slice %arg4[%dma_wait3A_202, %dma_wait3A_203] : memref<32768x768xf32, #tpu.memory_space<hbm>> -> memref<8x768xf32, #tpu.memory_space<hbm>>
    %dma_wait3A_205 = arith.constant 0 : i32
    %dma_wait3A_206 = arith.constant 0 : i32
    %dma_wait3A_207 = tpu.memref_slice %arg4[%dma_wait3A_205, %dma_wait3A_206] : memref<32768x768xf32, #tpu.memory_space<hbm>> -> memref<8x768xf32, #tpu.memory_space<hbm>>
    %dma_wait3A_208 = arith.constant 16 : i32
    %dma_wait3A_209 = arith.constant 0 : i32
    %dma_wait3A_210 = tpu.memref_slice %arg8[%dma_wait3A_208, %dma_wait3A_209] : memref<40x768xf32, #tpu.memory_space<vmem>> -> memref<8x768xf32, #tpu.memory_space<vmem>>
    tpu.wait_dma2 semaphore(%arg16 : memref<!tpu.dma_semaphore, #tpu.memory_space<semaphore_mem>>) src(%dma_wait3A_210 : memref<8x768xf32, #tpu.memory_space<vmem>>) dst(%dma_wait3A_207 : memref<8x768xf32, #tpu.memory_space<hbm>>)
    %dma_wait3A_211 = arith.constant 24 : i32
    %dma_wait3A_212 = arith.constant 0 : i32
    %dma_wait3A_213 = tpu.memref_slice %arg8[%dma_wait3A_211, %dma_wait3A_212] : memref<40x768xf32, #tpu.memory_space<vmem>> -> memref<8x768xf32, #tpu.memory_space<vmem>>
    %dma_wait3A_214 = arith.constant 0 : i32
    %dma_wait3A_215 = arith.constant 0 : i32
    %dma_wait3A_216 = tpu.memref_slice %arg4[%dma_wait3A_214, %dma_wait3A_215] : memref<32768x768xf32, #tpu.memory_space<hbm>> -> memref<8x768xf32, #tpu.memory_space<hbm>>
    %dma_wait3A_217 = arith.constant 0 : i32
    %dma_wait3A_218 = arith.constant 0 : i32
    %dma_wait3A_219 = tpu.memref_slice %arg4[%dma_wait3A_217, %dma_wait3A_218] : memref<32768x768xf32, #tpu.memory_space<hbm>> -> memref<8x768xf32, #tpu.memory_space<hbm>>
    %dma_wait3A_220 = arith.constant 24 : i32
    %dma_wait3A_221 = arith.constant 0 : i32
    %dma_wait3A_222 = tpu.memref_slice %arg8[%dma_wait3A_220, %dma_wait3A_221] : memref<40x768xf32, #tpu.memory_space<vmem>> -> memref<8x768xf32, #tpu.memory_space<vmem>>
    tpu.wait_dma2 semaphore(%arg16 : memref<!tpu.dma_semaphore, #tpu.memory_space<semaphore_mem>>) src(%dma_wait3A_222 : memref<8x768xf32, #tpu.memory_space<vmem>>) dst(%dma_wait3A_219 : memref<8x768xf32, #tpu.memory_space<hbm>>)
    return
  }
}

</mosaic_0001>

<sc_bundles>
// kernel: _run.3.cloned.1.call-start
scs
__scs_entry_jumppad:
0x0: {  	(pc) =	sbr.rel $0x88, $3  }
0x1: {  	(tag) =	ssettag $0x0;
	lr =	simm.s32 $0x1  }
0x2: {  	[smem:$0x3F9F] =	sst lr;
	_ =	strace $0xD0000000  }
0x3: {  	_ = 	snop  }
0x4: {  	_ = 	snop  }
0x5: {  	_ = 	snop  }
0x6: {  	_ = 	snop  }
0x7: {  	_ = 	snop  }
__scs_overlays_trampoline_lowered:
0x8: {  	[smem:$0x3FAE] =	sst s0  }
0x9: {  	[smem:$0x3FAF] =	sst s1  }
0xa: {  	[smem:$0x3FB0] =	sst s2  }
0xb: {  	[smem:$0x3FB1] =	sst s3  }
0xc: {  	[smem:$0x3FB2] =	sst s4  }
0xd: {  	[smem:$0x3FB3] =	sst s5  }
0xe: {  	[smem:$0x3FB4] =	sst s6  }
0xf: {  	[smem:$0x3FB5] =	sst s7  }
0x10: {  	[smem:$0x3FB6] =	sst s8  }
0x11: {  	[smem:$0x3FB7] =	sst s9;
	s0 =	simm.s32 @!p0 $0x0  }
0x12: {  	s1 =	sld [smem:$0x3F9D];
	s0 =	simm.s32 @p0 $0x1  }
0x13: {  	[smem:$0x3FB8] =	sst s0;
	s0 =	simm.s32 @!p1 $0x0  }
0x14: {  	s2 =	sld [smem:$0x3F9C];
	s0 =	simm.s32 @p1 $0x1  }
0x15: {  	[smem:$0x3FB9] =	sst s0;
	s0 =	simm.s32 @!p2 $0x0  }
0x16: {  	s3 =	sld [smem:$0x3FDB];
	s0 =	simm.s32 @p2 $0x1  }
0x17: {  	s4 =	simm.s32 $0x1BF5;
	[smem:$0x3FBB] =	sst s0  }
0x18: {  	s0 =	sld [smem:$0x3F9E];
	_ =	swait.ge [sflag:s4], $0x0  }
0x19: {  	s7 =	sld [smem:$0x3F9F]  }
0x1a: {  	s8 =	sadd.s32 $0xFFFFE003, lr  }
0x1b: {  	s9 =	sadd.s32 $0xFFFFFEF7, lr;
	s5 =	simm.s32 $0xFFFFFFFF;
	p2 =	slt.u32 s8, $0xFFFFF086  }
0x1c: {  	p1 =	slt.u32 s9, $0xF7A;
	s5 =	simm.s32 @!p2 $0x0  }
0x1d: {  	s5 =	simm.s32 @p1 $0x1;
	p0 =	seq.s32 s7, s2  }
0x1e: {  	s7 =	smul.u32 @!p0 $0xF7A, s2;
	p2 =	seq.s32 @!p0 s5, $0x0  }
0x1f: {  	s9 =	smul.u32 $0xF7A, s1;
	s8 =	simm.s32 @!p0 $0x1BF5;
	p2 =	por !p2, p0  }
0x20: {  	[sflag:s8] =	ssyncset.s32 @!p0 $0xFFFFF086;
	s6 =	sadd.s32 @!p0 s3, s7;
	s7 =	simm.s32 @!p0 $0x108  }
0x21: {  	s3 =	sadd.s32 s3, s9;
	s6 =	sadd.s32 @!p0 $0x88, s6;
	s7 =	simm.s32 @p2 $0x1082  }
0x22: {  	[simem:s7], [sflag:s8] =	dma.local @!p0 [hbm:s6], $0xF7A  }
0x23: {  	s9 =	sor.u32 $0xD0000000, s2;
	s6 =	simm.s32 $0x108;
	_ =	swait.ge @!p0 [sflag:s8], $0x0  }
0x24: {  	s3 =	sadd.s32 $0x88, s3;
	s6 =	simm.s32 @!p1 $0x1082;
	[sflag:s4] =	ssyncset.s32 $0xFFFFF086  }
0x25: {  	[simem:s6], [sflag:s4] =	dma.local [hbm:s3], $0xF7A  }
0x26: {  	[smem:$0x3F9F] =	sst s1;
	(tag) =	ssettag s2;
	_ =	strace s9  }
0x27: {  	s1 =	sld [smem:$0x3FAF]  }
0x28: {  	s2 =	sld [smem:$0x3FB0]  }
0x29: {  	s4 =	sld [smem:$0x3FB2]  }
0x2a: {  	p0 =	seq.s32 s5, $0x0;
	s5 =	sld [smem:$0x3FB3]  }
0x2b: {  	s6 =	sld [smem:$0x3FB4]  }
0x2c: {  	s7 =	sld [smem:$0x3FB5]  }
0x2d: {  	s3 =	simm.s32 $0x108;
	s8 =	sld [smem:$0x3FB6]  }
0x2e: {  	s3 =	simm.s32 @!p0 $0x1082;
	s9 =	sld [smem:$0x3FB7]  }
0x2f: {  	lr =	sadd.s32 s0, s3;
	s0 =	sld [smem:$0x3FAE]  }
0x30: {  	s3 =	sld [smem:$0x3FB1]  }
0x31: {  	[smem:$0x3FBA] =	sst s10  }
0x32: {  	s10 =	sld [smem:$0x3FB8];
	_ =	sdelay $0x3  }
0x33: {  	p0 =	seq.s32 s10, $0x1;
	s10 =	sld [smem:$0x3FBA];
	_ =	sdelay $0x3  }
0x34: {  	[smem:$0x3FBA] =	sst s10  }
0x35: {  	s10 =	sld [smem:$0x3FB9];
	_ =	sdelay $0x3  }
0x36: {  	p1 =	seq.s32 s10, $0x1;
	s10 =	sld [smem:$0x3FBA];
	_ =	sdelay $0x3  }
0x37: {  	[smem:$0x3FBA] =	sst s10  }
0x38: {  	s10 =	sld [smem:$0x3FBB]  }
0x39: {  	_ = 	snop;
	(pc) =	sbr.ind lr, $3  }
0x3a: {  	_ = 	snop  }
0x3b: {  	_ = 	snop  }
0x3c: {  	p2 =	seq.s32 s10, $0x1;
	s10 =	sld [smem:$0x3FBA]  }
0x3d: {  	_ =	shalt  }
0x3e: {  	_ =	shalt  }
0x3f: {  	_ =	shalt  }
0x40: {  	_ =	shalt  }
0x41: {  	_ =	shalt  }
0x42: {  	_ =	shalt  }
0x43: {  	_ =	shalt  }
0x44: {  	_ =	shalt  }
0x45: {  	_ =	shalt  }
0x46: {  	_ =	shalt  }
0x47: {  	_ =	shalt  }
0x48: {  	_ =	shalt  }
0x49: {  	_ =	shalt  }
0x4a: {  	_ =	shalt  }
0x4b: {  	_ =	shalt  }
0x4c: {  	_ =	shalt  }
0x4d: {  	_ =	shalt  }
0x4e: {  	_ =	shalt  }
0x4f: {  	_ =	shalt  }
0x50: {  	_ =	shalt  }
0x51: {  	_ =	shalt  }
0x52: {  	_ =	shalt  }
0x53: {  	_ =	shalt  }
0x54: {  	_ =	shalt  }
0x55: {  	_ =	shalt  }
0x56: {  	_ =	shalt  }
0x57: {  	_ =	shalt  }
0x58: {  	_ =	shalt  }
0x59: {  	_ =	shalt  }
0x5a: {  	_ =	shalt  }
0x5b: {  	_ =	shalt  }
0x5c: {  	_ =	shalt  }
0x5d: {  	_ =	shalt  }
0x5e: {  	_ =	shalt  }
0x5f: {  	_ =	shalt  }
0x60: {  	_ =	shalt  }
0x61: {  	_ =	shalt  }
0x62: {  	_ =	shalt  }
0x63: {  	_ =	shalt  }
0x64: {  	_ =	shalt  }
0x65: {  	_ =	shalt  }
0x66: {  	_ =	shalt  }
0x67: {  	_ =	shalt  }
0x68: {  	_ =	shalt  }
0x69: {  	_ =	shalt  }
0x6a: {  	_ =	shalt  }
0x6b: {  	_ =	shalt  }
0x6c: {  	_ =	shalt  }
0x6d: {  	_ =	shalt  }
0x6e: {  	_ =	shalt  }
0x6f: {  	_ =	shalt  }
0x70: {  	_ =	shalt  }
0x71: {  	_ =	shalt  }
0x72: {  	_ =	shalt  }
0x73: {  	_ =	shalt  }
0x74: {  	_ =	shalt  }
0x75: {  	_ =	shalt  }
0x76: {  	_ =	shalt  }
0x77: {  	_ =	shalt  }
0x78: {  	_ =	shalt  }
0x79: {  	_ =	shalt  }
0x7a: {  	_ =	shalt  }
0x7b: {  	_ =	shalt  }
0x7c: {  	_ =	shalt  }
0x7d: {  	_ =	shalt  }
0x7e: {  	_ =	shalt  }
0x7f: {  	_ =	shalt  }
0x80: {  	_ =	shalt  }
0x81: {  	_ =	shalt  }
0x82: {  	_ =	shalt  }
0x83: {  	_ =	shalt  }
0x84: {  	_ =	shalt  }
0x85: {  	_ =	shalt  }
0x86: {  	_ =	shalt  }
0x87: {  	_ =	shalt  }
.Lfunc_end0:
.L_simem_size_0:
called_computation_lowered:
.L_overlay_start_0:
0x88: {  	s2 =	sld [smem:$0x3FD9]  }
0x89: {  	s3 =	sld [smem:$0x3FFE];
	_ =	sdelay $0x1  }
0x8a: {  	s1 =	srdreg.scid  }
0x8b: {  	s0 =	sand.u32 $0x1, s1  }
0x8c: {  	s18 =	sshll.u32 s0, $0xA;
	s2 =	sadd.s32 s3, s2  }
0x8d: {  	s2 =	sadd.s32 s2, s18  }
0x8e: {  	[smem:$0x3FC6] =	sst s2  }
0x8f: {  	_ = 	snop  }
0x90: {  	s2 =	sld [smem:$0x3FC9]  }
0x91: {  	s19 =	sld [smem:$0x3FC8]  }
0x92: {  	s4 =	sld [smem:$0x3FD0];
	(tm) =	ssettm $0x1  }
0x93: {  	s5 =	sld [smem:$0x3FFB];
	_ =	sdelay $0x3  }
0x94: {  	_ =	strace s5  }
0x95: {  	s5 =	sld [smem:$0x3FFC];
	_ =	sdelay $0x3  }
0x96: {  	_ =	strace s5  }
0x97: {  	s5 =	sld [smem:$0x3FFD];
	_ =	sdelay $0x3  }
0x98: {  	_ =	strace s5  }
0x99: {  	_ =	strace $0x8FFFFFFF  }
0x9a: {  	s20 =	sld [smem:$0x3FDB];
	_ =	sdelay $0x1  }
0x9b: {  	s6 =	simm.s32 $_scs_section_size  }
0x9c: {  	s7 =	simm.s32 $_size__tile_overlayer_lowered;
	s8 =	simm.s32 $_tile_overlayer_lowered  }
0x9d: {  	s23 =	simm.s32 $0x1BFF;
	s22 =	sshll.u32 s8, $0x1;
	s5 =	sadd.s32 s6, s20  }
0x9e: {  	s9 =	simm.s32 $0x0;
	s21 =	sshll.u32 s7, $0x1;
	s7 =	sadd.s32 s22, s5  }
0x9f: {  	[timem:s9], [sflag:s23] =	dma.local [hbm:s7], s21  }
0xa0: {  	_ =	swait.ge [sflag:s23], s21  }
0xa1: {  	s6 =	ssub.s32 $0x0, s21;
	[sflag:s23] =	ssyncset.done $0x0  }
0xa2: {  	[sflag:s23] =	ssyncadd.s32 s6;
	_ =	sdelay $0x1  }
0xa3: {  	s24 =	simm.s32 $0x1B8B  }
0xa4: {  	_ =	swait.ge [sflag:s24], $0x1  }
0xa5: {  	[sflag:s24] =	ssyncset.done $0x0  }
0xa6: {  	s25 =	simm.s32 $0x1B8E;
	[sflag:s24] =	ssyncadd.s32 $0xFFFFFFFF  }
0xa7: {  	s26 =	simm.s32 $execute0_lowered;
	[smem:$0x3FD2] =	sst s25  }
0xa8: {  	s6 =	sshll.u32 s26, $0x1;
	_ =	strace $0x80000046;
	[dreg:$0x1] =	wrdreg $0xFFFFFFFF  }
0xa9: {  	s28 =	simm.s32 $_size_execute0_lowered;
	s5 =	sadd.s32 s5, s6;
	[dreg:$0x0] =	wrdreg $0x0  }
0xaa: {  	s6 =	sshll.u32 s28, $0x1;
	[dreg:$0x2] =	wrdreg s5  }
0xab: {  	[dreg:$0x3] =	wrdreg s6  }
0xac: {  	[dreg:$0x4] =	wrdreg $0xC0  }
0xad: {  	_ =	task [dreg:s9], $0x5FFFF  }
0xae: {  	[dreg:$0x1] =	wrdreg $0xFFFFFFFF  }
0xaf: {  	[dreg:$0x0] =	wrdreg $0x60  }
0xb0: {  	[dreg:$0x2] =	wrdreg s2  }
0xb1: {  	[dreg:$0x3] =	wrdreg s19  }
0xb2: {  	[dreg:$0x4] =	wrdreg s4  }
0xb3: {  	[dreg:$0x5] =	wrdreg $0x9  }
0xb4: {  	_ =	task.clear_ibuf [dreg:s9], $0x6FFFF;
	_ =	strace $0x90000046  }
0xb5: {  	s29 =	simm.s32 $0x9;
	_ =	strace $0x80000048  }
0xb6: {  	_ =	swait.ge [sflag:s29], $0x1  }
0xb7: {  	[sflag:s29] =	ssyncadd.s32 $0xFFFFFFFF  }
0xb8: {  	_ =	strace $0x90000048  }
0xb9: {  	_ =	sfence  }
0xba: {  	s30 =	sld [smem:$0x0];
	_ =	sdelay $0x2  }
0xbb: {  	s31 =	sshll.u32 s1, $0xD;
	s1 =	sshrl.u32 s1, $0x2  }
0xbc: {  	s3 =	sand.u32 $0x4000, s31;
	s1 =	sadd.s32 s1, s30  }
0xbd: {  	s0 =	sor.u32 s3, s0;
	s1 =	sshll.u32 s1, $0x11  }
0xbe: {  	s0 =	sor.u32 s1, s0  }
0xbf: {  	s0 =	sadd.s32 $0x8F2B, s0  }
0xc0: {  	[sflag:s0] =	ssyncadd.remote.s32 $0x1  }
0xc1: {  	_ =	sfence.sel $0xFFFF  }
0xc2: {  	[dreg:$0x0] =	wrdreg $0xFFFFFFFF;
	(pc) =	sbr.abs _section_cstart, $3  }
0xc3: {  	[dreg:$0x1] =	wrdreg $0xFFFFFFFF  }
0xc4: {  	_ =	task.clear_ibuf [dreg:s9], $0x2FFFF;
	_ =	strace $0x9FFFFFFF  }
0xc5: {  	(tm) =	ssettm $0x7FFFFFFF  }
tec
execute0_lowered:
.L_overlay_start_1:
0x0: {  	(tag) =	ssettag $0x1  }
0x1: {  	s1 =	rddreg [dreg:$0x0]  }
0x2: {  	s0 =	srdreg.scid;
	s25 =	rddreg [dreg:$0x1]  }
0x3: {  	s2 =	stileid.u32;
	s4 =	rddreg [dreg:$0x2];
	s6 =	simm.s32 $0x0  }
0x4: {  	s0 =	sand.u32 $0x1, s0;
	s2 =	sshll.u32 s2, $0x9;
	[smem:$0x7FF] =	sst s6  }
0x5: {  	s24 =	sadd.s32 $0xC0000, s4;
	s5 =	sshll.u32 s0, $0x8;
	s0 =	ssub.s32 $0x2, s0  }
0x6: {  	_ =	strace $0x80000047;
	[dreg:$0x11] =	wrdreg s24;
	s3 =	sor.u32 s5, s2  }
0x7: {  	s12 =	sshrl.u32 s0, $0x1;
	s22 =	sor.u32 $0x10, s3;
	[dreg:$0x4] =	wrdreg s3  }
0x8: {  	s2 =	sshrl.u32 s3, $0x3;
	s23 =	sor.u32 $0x18, s3;
	[dreg:$0xf] =	wrdreg s22  }
0x9: {  	s0 =	ssub.s32 s0, s12;
	s26 =	sor.u32 $0x20, s3;
	[dreg:$0x10] =	wrdreg s23  }
0xa: {  	s31 =	sor.u32 $0x28, s3;
	s2 =	smul.u32 $0x300, s2;
	[dreg:$0x12] =	wrdreg s26  }
0xb: {  	[dreg:$0x13] =	wrdreg s31;
	s0 =	smax.u32 s0, $0x1  }
0xc: {  	s20 =	sadd.s32 $0x180000, s1;
	[dreg:$0x14] =	wrdreg s0;
	s13 =	sadd.s32 s25, s2  }
0xd: {  	s15 =	sadd.s32 s2, s20;
	[dreg:$0x5] =	wrdreg s13  }
0xe: {  	s14 =	sadd.s32 s1, s2;
	[dreg:$0x8] =	wrdreg s15  }
0xf: {  	s28 =	simm.s32 $0x5;
	s7 =	sadd.s32 $0xC0000, s14;
	[dreg:$0x6] =	wrdreg s14  }
0x10: {  	s2 =	sor.u32 $0x300, s2;
	s16 =	sadd.s32 $0x240000, s14;
	[dreg:$0x7] =	wrdreg s7  }
0x11: {  	s29 =	simm.s32 $0x4;
	s17 =	sadd.s32 s25, s2;
	[dreg:$0x9] =	wrdreg s16  }
0x12: {  	s30 =	simm.s32 $0x6;
	s18 =	sadd.s32 $0xC0300, s14;
	[dreg:$0xa] =	wrdreg s17  }
0x13: {  	s3 =	simm.s32 $0x0;
	s2 =	sadd.s32 s1, s2;
	[dreg:$0xb] =	wrdreg s18  }
0x14: {  	s22 =	sadd.s32 $0x240000, s4;
	s19 =	sadd.s32 $0x180300, s14;
	[dreg:$0xc] =	wrdreg s2  }
0x15: {  	s21 =	sadd.s32 $0x240300, s14;
	s14 =	simm.s32 $0xF000;
	[dreg:$0xd] =	wrdreg s19  }
0x16: {  	s15 =	simm.s32 $0x2;
	[dreg:$0xe] =	wrdreg s21;
	s21 =	sadd.s32 $0x180000, s4  }
0x17: {  	s7 =	simm.s32 $0x1;
	s17 =	simm.s32 $0x10800;
	s16 =	simm.s32 $0x3  }
.LBB2_1:
0x18: {  	[dreg:$0x15] =	wrdreg s3  }
0x19: {  	s0 =	rddreg [dreg:$0x5];
	s2 =	simm.s32 $0x6000  }
0x1a: {  	[tilespmem:s2], [sflag:$0x1] =	stream.linear.gather [hbm4b:s0+s6], $0x1800, $0x38;
	[tilespmem:$0x1E000] =	vst v63  }
0x1b: {  	s24 =	rddreg [dreg:$0x6]  }
0x1c: {  	[tilespmem:s6], [sflag:$0x1] =	stream.linear.gather [hbm4b:s24+s6], $0x1800, $0x38;
	[tilespmem:$0x1E000] =	vst v63  }
0x1d: {  	s26 =	rddreg [dreg:$0x7];
	s31 =	simm.s32 $0x1800  }
0x1e: {  	[tilespmem:s31], [sflag:$0x1] =	stream.linear.gather [hbm4b:s26+s6], $0x1800, $0x38;
	[tilespmem:$0x1E000] =	vst v63  }
0x1f: {  	s3 =	rddreg [dreg:$0x8];
	s5 =	simm.s32 $0x3000  }
0x20: {  	[tilespmem:s5], [sflag:$0x1] =	stream.linear.gather [hbm4b:s3+s6], $0x1800, $0x38;
	[tilespmem:$0x1E000] =	vst v63  }
0x21: {  	s8 =	rddreg [dreg:$0x9];
	s9 =	simm.s32 $0x4800  }
0x22: {  	[tilespmem:s9], [sflag:$0x1] =	stream.linear.gather [hbm4b:s8+s6], $0x1800, $0x38;
	[tilespmem:$0x1E000] =	vst v63  }
0x23: {  	s10 =	rddreg [dreg:$0xa];
	s11 =	simm.s32 $0xD800  }
0x24: {  	[tilespmem:s11], [sflag:$0x2] =	stream.linear.gather [hbm4b:s10+s6], $0x1800, $0x38;
	[tilespmem:$0x1E000] =	vst v63  }
0x25: {  	s12 =	rddreg [dreg:$0xc];
	s13 =	simm.s32 $0x7800  }
0x26: {  	[tilespmem:s13], [sflag:$0x2] =	stream.linear.gather [hbm4b:s12+s6], $0x1800, $0x38;
	[tilespmem:$0x1E000] =	vst v63  }
0x27: {  	s18 =	rddreg [dreg:$0xb];
	s19 =	simm.s32 $0x9000  }
0x28: {  	[tilespmem:s19], [sflag:$0x2] =	stream.linear.gather [hbm4b:s18+s6], $0x1800, $0x38;
	[tilespmem:$0x1E000] =	vst v63  }
0x29: {  	s23 =	rddreg [dreg:$0xd];
	s24 =	simm.s32 $0xA800  }
0x2a: {  	[tilespmem:s24], [sflag:$0x2] =	stream.linear.gather [hbm4b:s23+s6], $0x1800, $0x38;
	[tilespmem:$0x1E000] =	vst v63  }
0x2b: {  	s2 =	simm.s32 $0x0;
	s26 =	rddreg [dreg:$0xe];
	s31 =	simm.s32 $0xC000  }
0x2c: {  	[tilespmem:s31], [sflag:$0x2] =	stream.linear.gather [hbm4b:s26+s6], $0x1800, $0x38;
	[tilespmem:$0x1E000] =	vst v63  }
.LBB2_2:
0x2d: {  	_ =	swait.ge [sflag:s7], $0x1800  }
0x2e: {  	[sflag:s7] =	ssyncset.done $0x0  }
0x2f: {  	[sflag:s7] =	ssyncadd.s32 $0xFFFFE800  }
0x30: {  	_ =	swait.ge [sflag:s7], $0x1800  }
0x31: {  	[sflag:s7] =	ssyncset.done $0x0  }
0x32: {  	[sflag:s7] =	ssyncadd.s32 $0xFFFFE800  }
0x33: {  	_ =	swait.ge [sflag:s7], $0x1800  }
0x34: {  	[sflag:s7] =	ssyncset.done $0x0  }
0x35: {  	[sflag:s7] =	ssyncadd.s32 $0xFFFFE800  }
0x36: {  	_ =	swait.ge [sflag:s7], $0x1800  }
0x37: {  	[sflag:s7] =	ssyncset.done $0x0  }
0x38: {  	[sflag:s7] =	ssyncadd.s32 $0xFFFFE800  }
0x39: {  	_ =	swait.ge [sflag:s7], $0x1800  }
0x3a: {  	p0 =	seq.s32 s2, $0x0;
	[sflag:s7] =	ssyncset.done $0x0  }
0x3b: {  	s0 =	simm.s32 @!p0 $0x7;
	[sflag:s7] =	ssyncadd.s32 $0xFFFFE800  }
0x3c: {  	_ =	swait.ge @!p0 [sflag:s0], $0x1800  }
0x3d: {  	[sflag:s0] =	ssyncset.done @!p0 $0x0  }
0x3e: {  	[sflag:s0] =	ssyncadd.s32 @!p0 $0xFFFFE800  }
0x3f: {  	_ =	swait.ge @!p0 [sflag:s0], $0x1800  }
0x40: {  	[sflag:s0] =	ssyncset.done @!p0 $0x0  }
0x41: {  	[sflag:s0] =	ssyncadd.s32 @!p0 $0xFFFFE800  }
0x42: {  	_ =	swait.ge @!p0 [sflag:s0], $0x1800  }
0x43: {  	s18 =	sshll.u32 s2, $0x5;
	s3 =	rddreg [dreg:$0xf]  }
0x44: {  	[sflag:s0] =	ssyncset.done @!p0 $0x0;
	s5 =	sadd.s32 s3, s18  }
0x45: {  	[sflag:s0] =	ssyncadd.s32 @!p0 $0xFFFFE800;
	s5 =	sshrl.u32 s5, $0x3  }
0x46: {  	_ =	swait.ge @!p0 [sflag:s0], $0x1800;
	s19 =	smul.u32 $0x300, s5  }
0x47: {  	s12 =	simm.s32 $0x0;
	[sflag:s0] =	ssyncset.done @!p0 $0x0  }
0x48: {  	s8 =	simm.s32 $0x15000;
	[sflag:s0] =	ssyncadd.s32 @!p0 $0xFFFFE800;
	s5 =	sadd.s32 s25, s19  }
0x49: {  	[tilespmem:s8], [sflag:$0x3] =	stream.linear.gather [hbm4b:s5+s12], $0x1800, $0x38;
	[tilespmem:$0x1E000] =	vst v63  }
0x4a: {  	s9 =	sadd.s32 s1, s19;
	s23 =	sadd.s32 $0xC0000, s19  }
0x4b: {  	[tilespmem:s14], [sflag:$0x3] =	stream.linear.gather [hbm4b:s9+s12], $0x1800, $0x38;
	[tilespmem:$0x1E000] =	vst v63  }
0x4c: {  	s24 =	sadd.s32 $0x180000, s19;
	s10 =	sadd.s32 s1, s23  }
0x4d: {  	[tilespmem:s17], [sflag:$0x3] =	stream.linear.gather [hbm4b:s10+s12], $0x1800, $0x38;
	[tilespmem:$0x1E000] =	vst v63  }
0x4e: {  	s13 =	simm.s32 $0x12000;
	s11 =	sadd.s32 s1, s24  }
0x4f: {  	[tilespmem:s13], [sflag:$0x3] =	stream.linear.gather [hbm4b:s11+s12], $0x1800, $0x38;
	[tilespmem:$0x1E000] =	vst v63  }
0x50: {  	s26 =	sand.u32 $0x70, s12;
	s31 =	sand.u32 $0x1C00, s12;
	s11 =	sadd.s32 $0x240000, s19  }
0x51: {  	s0 =	sor.u32 s26, s31;
	s17 =	simm.s32 $0x13800;
	s14 =	sadd.s32 s1, s11  }
0x52: {  	[tilespmem:s17], [sflag:$0x3] =	stream.linear.gather [hbm4b:s14+s12], $0x1800, $0x38;
	[tilespmem:$0x1E000] =	vst v63  }
0x53: {  	v1 =	vld [tilespmem:s0+$0x4B00]  }
0x54: {  	v2 =	vld [tilespmem:s0+$0x1980]  }
0x55: {  	v3 =	vld [tilespmem:s0+$0x4980]  }
0x56: {  	v9 =	vld [tilespmem:s0+$0x200]  }
0x57: {  	v16 =	vld [tilespmem:s0+$0x4880]  }
0x58: {  	v5 =	vld [tilespmem:s0+$0x6200]  }
0x59: {  	v6 =	vld [tilespmem:s0+$0x4A00]  }
0x5a: {  	v8 =	vld [tilespmem:s0+$0x3100]  }
0x5b: {  	v11 =	vld [tilespmem:s0+$0x3200]  }
0x5c: {  	v7 =	vld [tilespmem:s0+$0x6100]  }
0x5d: {  	v19 =	vld [tilespmem:s0+$0x100]  }
0x5e: {  	v20 =	vld [tilespmem:s0+$0x1900]  }
0x5f: {  	v15 =	vld [tilespmem:s0+$0x1A00]  }
0x60: {  	v10 =	vld [tilespmem:s0+$0x80]  }
0x61: {  	v0 =	vld [tilespmem:s0+$0x6080]  }
0x62: {  	v12 =	vld [tilespmem:s0+$0x4900]  }
0x63: {  	v14 =	vld [tilespmem:s0+$0x1880]  }
0x64: {  	v13 =	vld [tilespmem:s0+$0x3000]  }
0x65: {  	v4 =	vld [tilespmem:s0+$0x1B00]  }
0x66: {  	v17 =	vld [tilespmem:s0+$0x1800];
	v21 =	vadd.f32 v10, v0  }
0x67: {  	v10 =	vld [tilespmem:s0+$0x6000];
	v18 =	vadd.f32 v16, v0  }
0x68: {  	s5 =	sor.u32 s12, s12;
	s13 =	simm.s32 $0x10;
	v16 =	vld [tilespmem:s0+$0x0];
	v19 =	vadd.f32 v19, v7;
	v20 =	vadd.f32 v20, v7;
	[tilespmem:s0+$0x80] =	vst v21  }
.LBB2_3:
0x69: {  	p1 =	sne.s32 s13, $0x2F0  }
0x6a: {  	v8 =	vadd.f32 v8, v7;
	v7 =	vadd.f32 v12, v7;
	v12 =	vld [tilespmem:s0+$0x300];
	s12 =	sadd.s32 $0x80, s12;
	s14 =	smov.u32 s13;
	s13 =	sadd.s32 $0x10, s13  }
0x6b: {  	v14 =	vadd.f32 v14, v0;
	s8 =	sor.u32 s12, s14;
	[tilespmem:s0+$0x1900] =	vst v20;
	v20 =	vld [tilespmem:s0+$0x6300]  }
0x6c: {  	v9 =	vadd.f32 v9, v5;
	v15 =	vadd.f32 v15, v5;
	[tilespmem:s0+$0x4880] =	vst v18;
	v18 =	vld [tilespmem:s0+$0x180]  }
0x6d: {  	v11 =	vadd.f32 v11, v5;
	[tilespmem:s0+$0x100] =	vst v19;
	v19 =	vld [tilespmem:s0+$0x6180]  }
0x6e: {  	v5 =	vadd.f32 v6, v5;
	v21 =	vld [tilespmem:s0+$0x3180];
	[tilespmem:s0+$0x200] =	vst v9  }
0x6f: {  	v6 =	vld [tilespmem:s0+$0x4800];
	[tilespmem:s0+$0x3200] =	vst v11  }
0x70: {  	v9 =	vadd.f32 v16, v10;
	v11 =	vadd.f32 v17, v10;
	[tilespmem:s0+$0x1A00] =	vst v15;
	v15 =	vld [tilespmem:s0+$0x3300]  }
0x71: {  	v13 =	vadd.f32 v13, v10;
	[tilespmem:s0+$0x4A00] =	vst v5;
	v5 =	vadd.f32 v12, v20  }
0x72: {  	[tilespmem:s0+$0x1800] =	vst v11;
	v11 =	vadd.f32 v18, v19;
	v2 =	vadd.f32 v2, v19  }
0x73: {  	v3 =	vadd.f32 v3, v19;
	[tilespmem:s0+$0x0] =	vst v9;
	v9 =	vadd.f32 v21, v19  }
0x74: {  	v4 =	vadd.f32 v4, v20;
	[tilespmem:s0+$0x3000] =	vst v13;
	v6 =	vadd.f32 v6, v10  }
0x75: {  	v1 =	vadd.f32 v1, v20;
	[tilespmem:s0+$0x4980] =	vst v3;
	v3 =	vadd.f32 v15, v20  }
0x76: {  	[tilespmem:s0+$0x300] =	vst v5  }
0x77: {  	v5 =	vld [tilespmem:s0+$0x3280];
	[tilespmem:s0+$0x3300] =	vst v3  }
0x78: {  	[tilespmem:s0+$0x4800] =	vst v6;
	v3 =	vld [tilespmem:s0+$0x1A80]  }
0x79: {  	v6 =	vld [tilespmem:s0+$0x280];
	[tilespmem:s0+$0x1B00] =	vst v4  }
0x7a: {  	v4 =	vld [tilespmem:s0+$0x6280];
	[tilespmem:s0+$0x4B00] =	vst v1  }
0x7b: {  	[tilespmem:s0+$0x1880] =	vst v14;
	v1 =	vld [tilespmem:s0+$0x4A80]  }
0x7c: {  	[tilespmem:s0+$0x3100] =	vst v8  }
0x7d: {  	[tilespmem:s0+$0x1980] =	vst v2  }
0x7e: {  	v2 =	vld [tilespmem:s0+$0x3080];
	[tilespmem:s0+$0x4900] =	vst v7  }
0x7f: {  	[tilespmem:s0+$0x180] =	vst v11;
	v5 =	vadd.f32 v5, v4  }
0x80: {  	v3 =	vadd.f32 v3, v4;
	[tilespmem:s0+$0x3180] =	vst v9;
	v1 =	vadd.f32 v1, v4  }
0x81: {  	v4 =	vadd.f32 v6, v4;
	[tilespmem:s0+$0x3280] =	vst v5  }
0x82: {  	[tilespmem:s0+$0x4A80] =	vst v1  }
0x83: {  	v0 =	vadd.f32 v2, v0;
	[tilespmem:s0+$0x1A80] =	vst v3  }
0x84: {  	[tilespmem:s0+$0x280] =	vst v4  }
0x85: {  	s10 =	sor.u32 $0x380, s5;
	s5 =	smov.u32 s8;
	[tilespmem:s0+$0x3080] =	vst v0;
	v0 =	vld [tilespmem:s0+$0x6380]  }
0x86: {  	v1 =	vld [tilespmem:s10+$0x0];
	_ =	sdelay $0x4  }
0x87: {  	v1 =	vadd.f32 v1, v0;
	_ =	sdelay $0x1  }
0x88: {  	[tilespmem:s10+$0x0] =	vst v1  }
0x89: {  	s8 =	sand.u32 $0x70, s14;
	s10 =	sand.u32 $0x1C00, s12;
	v4 =	vld [tilespmem:s0+$0x1B80]  }
0x8a: {  	s8 =	sor.u32 s8, s10;
	v5 =	vld [tilespmem:s0+$0x3380]  }
0x8b: {  	v6 =	vld [tilespmem:s0+$0x4B80]  }
0x8c: {  	v1 =	vld [tilespmem:s8+$0x4B00]  }
0x8d: {  	v2 =	vld [tilespmem:s8+$0x1980]  }
0x8e: {  	v3 =	vld [tilespmem:s8+$0x4980];
	v4 =	vadd.f32 v4, v0  }
0x8f: {  	v9 =	vld [tilespmem:s8+$0x200];
	v7 =	vadd.f32 v5, v0  }
0x90: {  	v17 =	vld [tilespmem:s8+$0x4880];
	[tilespmem:s0+$0x1B80] =	vst v4;
	v0 =	vadd.f32 v6, v0  }
0x91: {  	v5 =	vld [tilespmem:s8+$0x6200];
	[tilespmem:s0+$0x3380] =	vst v7  }
0x92: {  	v6 =	vld [tilespmem:s8+$0x4A00];
	[tilespmem:s0+$0x4B80] =	vst v0;
	s0 =	smov.u32 s8  }
0x93: {  	v8 =	vld [tilespmem:s0+$0x3100]  }
0x94: {  	v11 =	vld [tilespmem:s0+$0x3200]  }
0x95: {  	v7 =	vld [tilespmem:s0+$0x6100]  }
0x96: {  	v19 =	vld [tilespmem:s0+$0x100]  }
0x97: {  	v20 =	vld [tilespmem:s0+$0x1900]  }
0x98: {  	v15 =	vld [tilespmem:s0+$0x1A00]  }
0x99: {  	v10 =	vld [tilespmem:s0+$0x80]  }
0x9a: {  	v0 =	vld [tilespmem:s0+$0x6080]  }
0x9b: {  	v12 =	vld [tilespmem:s0+$0x4900]  }
0x9c: {  	v14 =	vld [tilespmem:s0+$0x1880]  }
.Ltmp0:
0x9d: {  	v13 =	vld [tilespmem:s0+$0x3000];
	(pc) =	sbr.rel @p1 .LBB2_3-.Ltmp0, $4  }
0x9e: {  	v4 =	vld [tilespmem:s0+$0x1B00]  }
0x9f: {  	v16 =	vld [tilespmem:s0+$0x0];
	v21 =	vadd.f32 v10, v0  }
0xa0: {  	v18 =	vadd.f32 v17, v0;
	v10 =	vld [tilespmem:s0+$0x6000]  }
0xa1: {  	v19 =	vadd.f32 v19, v7;
	v20 =	vadd.f32 v20, v7;
	v17 =	vld [tilespmem:s0+$0x1800];
	[tilespmem:s0+$0x80] =	vst v21  }
0xa2: {  	[tilespmem:s0+$0x4880] =	vst v18  }
0xa3: {  	v9 =	vadd.f32 v9, v5;
	[tilespmem:s0+$0x1900] =	vst v20  }
0xa4: {  	v11 =	vadd.f32 v11, v5;
	[tilespmem:s0+$0x100] =	vst v19  }
0xa5: {  	v18 =	vld [tilespmem:s0+$0x6180];
	[tilespmem:s0+$0x200] =	vst v9;
	v9 =	vadd.f32 v15, v5  }
0xa6: {  	v21 =	vld [tilespmem:s0+$0x300];
	[tilespmem:s0+$0x3200] =	vst v11;
	v5 =	vadd.f32 v6, v5  }
0xa7: {  	v20 =	vld [tilespmem:s0+$0x6300];
	v11 =	vadd.f32 v16, v10;
	[tilespmem:s0+$0x1A00] =	vst v9  }
0xa8: {  	v6 =	vadd.f32 v17, v10;
	[tilespmem:s0+$0x4A00] =	vst v5  }
0xa9: {  	v9 =	vld [tilespmem:s0+$0x3300];
	v5 =	vadd.f32 v13, v10;
	[tilespmem:s0+$0x0] =	vst v11  }
0xaa: {  	v3 =	vadd.f32 v3, v18;
	[tilespmem:s0+$0x1800] =	vst v6  }
0xab: {  	v2 =	vadd.f32 v2, v18;
	[tilespmem:s0+$0x3000] =	vst v5  }
0xac: {  	v15 =	vld [tilespmem:s0+$0x4800];
	v6 =	vadd.f32 v21, v20;
	[tilespmem:s0+$0x4980] =	vst v3  }
0xad: {  	v1 =	vadd.f32 v1, v20;
	[tilespmem:s0+$0x1980] =	vst v2  }
0xae: {  	v22 =	vld [tilespmem:s0+$0x180];
	[tilespmem:s0+$0x300] =	vst v6;
	v3 =	vadd.f32 v9, v20  }
0xaf: {  	v19 =	vld [tilespmem:s0+$0x3180];
	[tilespmem:s0+$0x4B00] =	vst v1;
	v1 =	vadd.f32 v8, v7  }
0xb0: {  	v6 =	vld [tilespmem:s0+$0x3280];
	[tilespmem:s0+$0x3300] =	vst v3;
	v3 =	vadd.f32 v4, v20  }
0xb1: {  	v5 =	vadd.f32 v15, v10;
	v9 =	vld [tilespmem:s0+$0x6280];
	[tilespmem:s0+$0x3100] =	vst v1  }
0xb2: {  	v1 =	vadd.f32 v12, v7;
	v7 =	vld [tilespmem:s0+$0x3080];
	[tilespmem:s0+$0x1B00] =	vst v3;
	v3 =	vadd.f32 v14, v0  }
0xb3: {  	v2 =	vadd.f32 v22, v18;
	[tilespmem:s0+$0x4800] =	vst v5;
	v5 =	vld [tilespmem:s0+$0x280]  }
0xb4: {  	[tilespmem:s0+$0x1880] =	vst v3;
	v3 =	vld [tilespmem:s0+$0x4A80]  }
0xb5: {  	v8 =	vadd.f32 v19, v18;
	[tilespmem:s0+$0x180] =	vst v2;
	v4 =	vld [tilespmem:s0+$0x1A80]  }
0xb6: {  	[tilespmem:s0+$0x4900] =	vst v1;
	v1 =	vadd.f32 v6, v9  }
0xb7: {  	[tilespmem:s0+$0x3180] =	vst v8;
	v0 =	vadd.f32 v7, v0  }
0xb8: {  	[tilespmem:s0+$0x3280] =	vst v1;
	v1 =	vadd.f32 v5, v9  }
0xb9: {  	[tilespmem:s0+$0x3080] =	vst v0;
	v2 =	vadd.f32 v3, v9  }
0xba: {  	[tilespmem:s0+$0x280] =	vst v1;
	v3 =	vadd.f32 v4, v9  }
0xbb: {  	[tilespmem:s0+$0x4A80] =	vst v2  }
0xbc: {  	s5 =	sor.u32 $0x380, s5;
	v0 =	vld [tilespmem:s0+$0x6380];
	[tilespmem:s0+$0x1A80] =	vst v3  }
0xbd: {  	v1 =	vld [tilespmem:s5+$0x0];
	_ =	sdelay $0x4  }
0xbe: {  	v1 =	vadd.f32 v1, v0;
	_ =	sdelay $0x1  }
0xbf: {  	[tilespmem:s5+$0x0] =	vst v1  }
0xc0: {  	v1 =	vld [tilespmem:s0+$0x1B80]  }
0xc1: {  	v2 =	vld [tilespmem:s0+$0x3380]  }
0xc2: {  	v3 =	vld [tilespmem:s0+$0x4B80];
	_ =	sdelay $0x1  }
0xc3: {  	s3 =	rddreg [dreg:$0x4]  }
0xc4: {  	s13 =	sor.u32 s3, s18;
	v1 =	vadd.f32 v1, v0  }
0xc5: {  	s5 =	sshrl.u32 s13, $0x3;
	v2 =	vadd.f32 v2, v0  }
0xc6: {  	s12 =	smul.u32 $0x300, s5;
	v0 =	vadd.f32 v3, v0;
	[tilespmem:s0+$0x1B80] =	vst v1  }
0xc7: {  	[tilespmem:s0+$0x3380] =	vst v2  }
0xc8: {  	s17 =	rddreg [dreg:$0x11];
	s14 =	sadd.s32 s4, s12;
	[tilespmem:s0+$0x4B80] =	vst v0  }
0xc9: {  	[hbm4b:s14+s6] =	stream.linear.scatter [tilespmem:s6], [sflag:$0x5], $0x1800, $0x38;
	[tilespmem:$0x1E000] =	vst v63  }
0xca: {  	s26 =	simm.s32 $0x1800;
	s0 =	sadd.s32 s12, s17  }
0xcb: {  	[hbm4b:s0+s6] =	stream.linear.scatter [tilespmem:s26], [sflag:$0x5], $0x1800, $0x38;
	[tilespmem:$0x1E000] =	vst v63  }
0xcc: {  	s5 =	simm.s32 $0x3000;
	s3 =	sadd.s32 s12, s21  }
0xcd: {  	[hbm4b:s3+s6] =	stream.linear.scatter [tilespmem:s5], [sflag:$0x5], $0x1800, $0x38;
	[tilespmem:$0x1E000] =	vst v63  }
0xce: {  	s9 =	simm.s32 $0x4800;
	s8 =	sadd.s32 s12, s22  }
0xcf: {  	[hbm4b:s8+s6] =	stream.linear.scatter [tilespmem:s9], [sflag:$0x5], $0x1800, $0x38;
	[tilespmem:$0x1E000] =	vst v63  }
0xd0: {  	_ =	swait.ge [sflag:s15], $0x1800  }
0xd1: {  	[sflag:s15] =	ssyncset.done $0x0  }
0xd2: {  	[sflag:s15] =	ssyncadd.s32 $0xFFFFE800  }
0xd3: {  	_ =	swait.ge [sflag:s15], $0x1800  }
0xd4: {  	[sflag:s15] =	ssyncset.done $0x0  }
0xd5: {  	[sflag:s15] =	ssyncadd.s32 $0xFFFFE800  }
0xd6: {  	_ =	swait.ge [sflag:s15], $0x1800  }
0xd7: {  	[sflag:s15] =	ssyncset.done $0x0  }
0xd8: {  	[sflag:s15] =	ssyncadd.s32 $0xFFFFE800  }
0xd9: {  	_ =	swait.ge [sflag:s15], $0x1800  }
0xda: {  	[sflag:s15] =	ssyncset.done $0x0  }
0xdb: {  	[sflag:s15] =	ssyncadd.s32 $0xFFFFE800  }
0xdc: {  	_ =	swait.ge [sflag:s15], $0x1800  }
0xdd: {  	[sflag:s15] =	ssyncset.done $0x0  }
0xde: {  	s5 =	simm.s32 @!p0 $0x8;
	[sflag:s15] =	ssyncadd.s32 $0xFFFFE800  }
0xdf: {  	_ =	swait.ge @!p0 [sflag:s5], $0x1800  }
0xe0: {  	[sflag:s5] =	ssyncset.done @!p0 $0x0  }
0xe1: {  	[sflag:s5] =	ssyncadd.s32 @!p0 $0xFFFFE800  }
0xe2: {  	_ =	swait.ge @!p0 [sflag:s5], $0x1800  }
0xe3: {  	[sflag:s5] =	ssyncset.done @!p0 $0x0  }
0xe4: {  	[sflag:s5] =	ssyncadd.s32 @!p0 $0xFFFFE800  }
0xe5: {  	_ =	swait.ge @!p0 [sflag:s5], $0x1800  }
0xe6: {  	s10 =	rddreg [dreg:$0x10]  }
0xe7: {  	[sflag:s5] =	ssyncset.done @!p0 $0x0;
	s0 =	sadd.s32 s10, s18  }
0xe8: {  	[sflag:s5] =	ssyncadd.s32 @!p0 $0xFFFFE800;
	s0 =	sshrl.u32 s0, $0x3  }
0xe9: {  	_ =	swait.ge @!p0 [sflag:s5], $0x1800;
	s0 =	smul.u32 $0x300, s0  }
0xea: {  	s17 =	simm.s32 $0x0;
	[sflag:s5] =	ssyncset.done @!p0 $0x0  }
0xeb: {  	s14 =	simm.s32 $0x1C800;
	[sflag:s5] =	ssyncadd.s32 @!p0 $0xFFFFE800;
	s13 =	sadd.s32 s25, s0  }
0xec: {  	[tilespmem:s14], [sflag:$0x4] =	stream.linear.gather [hbm4b:s13+s17], $0x1800, $0x38;
	[tilespmem:$0x1E000] =	vst v63  }
0xed: {  	s26 =	simm.s32 $0x16800;
	s9 =	smov.u32 s25;
	s25 =	sadd.s32 s1, s0  }
0xee: {  	[tilespmem:s26], [sflag:$0x4] =	stream.linear.gather [hbm4b:s25+s17], $0x1800, $0x38;
	[tilespmem:$0x1E000] =	vst v63  }
0xef: {  	s26 =	sadd.s32 $0xC0000, s0  }
0xf0: {  	s8 =	simm.s32 $0x18000;
	s31 =	sadd.s32 $0x180000, s0;
	s3 =	sadd.s32 s1, s26  }
0xf1: {  	[tilespmem:s8], [sflag:$0x4] =	stream.linear.gather [hbm4b:s3+s17], $0x1800, $0x38;
	[tilespmem:$0x1E000] =	vst v63  }
0xf2: {  	s10 =	sadd.s32 s1, s31;
	s13 =	simm.s32 $0x19800  }
0xf3: {  	[tilespmem:s13], [sflag:$0x4] =	stream.linear.gather [hbm4b:s10+s17], $0x1800, $0x38;
	[tilespmem:$0x1E000] =	vst v63  }
0xf4: {  	s5 =	sadd.s32 $0x240000, s0;
	s25 =	sand.u32 $0x70, s17;
	s10 =	sand.u32 $0x1C00, s17  }
0xf5: {  	s14 =	simm.s32 $0x1B000;
	s8 =	sadd.s32 s1, s5;
	s13 =	sor.u32 s25, s10  }
0xf6: {  	[tilespmem:s14], [sflag:$0x4] =	stream.linear.gather [hbm4b:s8+s17], $0x1800, $0x38;
	[tilespmem:$0x1E000] =	vst v63  }
0xf7: {  	v1 =	vld [tilespmem:s13+$0xC300]  }
0xf8: {  	v2 =	vld [tilespmem:s13+$0x9180]  }
0xf9: {  	v3 =	vld [tilespmem:s13+$0xC180]  }
0xfa: {  	v9 =	vld [tilespmem:s13+$0x7A00]  }
0xfb: {  	v16 =	vld [tilespmem:s13+$0xC080]  }
0xfc: {  	v5 =	vld [tilespmem:s13+$0xDA00]  }
0xfd: {  	v6 =	vld [tilespmem:s13+$0xC200]  }
0xfe: {  	v8 =	vld [tilespmem:s13+$0xA900]  }
0xff: {  	v11 =	vld [tilespmem:s13+$0xAA00]  }
0x100: {  	v7 =	vld [tilespmem:s13+$0xD900]  }
0x101: {  	v19 =	vld [tilespmem:s13+$0x7900]  }
0x102: {  	v20 =	vld [tilespmem:s13+$0x9100]  }
0x103: {  	v15 =	vld [tilespmem:s13+$0x9200]  }
0x104: {  	v10 =	vld [tilespmem:s13+$0x7880]  }
0x105: {  	v0 =	vld [tilespmem:s13+$0xD880]  }
0x106: {  	v12 =	vld [tilespmem:s13+$0xC100]  }
0x107: {  	v14 =	vld [tilespmem:s13+$0x9080]  }
0x108: {  	v13 =	vld [tilespmem:s13+$0xA800]  }
0x109: {  	v4 =	vld [tilespmem:s13+$0x9300]  }
0x10a: {  	v17 =	vld [tilespmem:s13+$0x9000];
	v21 =	vadd.f32 v10, v0  }
0x10b: {  	v10 =	vld [tilespmem:s13+$0xD800];
	v18 =	vadd.f32 v16, v0  }
0x10c: {  	s25 =	simm.s32 $0x10;
	s14 =	sor.u32 s17, s17;
	v16 =	vld [tilespmem:s13+$0x7800];
	v19 =	vadd.f32 v19, v7;
	v20 =	vadd.f32 v20, v7;
	[tilespmem:s13+$0x7880] =	vst v21  }
.LBB2_5:
0x10d: {  	p0 =	sne.s32 s25, $0x2F0  }
0x10e: {  	v8 =	vadd.f32 v8, v7;
	v7 =	vadd.f32 v12, v7;
	v12 =	vld [tilespmem:s13+$0x7B00];
	s17 =	sadd.s32 $0x80, s17;
	s8 =	smov.u32 s25;
	s25 =	sadd.s32 $0x10, s25  }
0x10f: {  	v14 =	vadd.f32 v14, v0;
	s10 =	sor.u32 s17, s8;
	[tilespmem:s13+$0x9100] =	vst v20;
	v20 =	vld [tilespmem:s13+$0xDB00]  }
0x110: {  	v9 =	vadd.f32 v9, v5;
	v15 =	vadd.f32 v15, v5;
	[tilespmem:s13+$0xC080] =	vst v18;
	v18 =	vld [tilespmem:s13+$0x7980]  }
0x111: {  	v11 =	vadd.f32 v11, v5;
	[tilespmem:s13+$0x7900] =	vst v19;
	v19 =	vld [tilespmem:s13+$0xD980]  }
0x112: {  	v5 =	vadd.f32 v6, v5;
	v21 =	vld [tilespmem:s13+$0xA980];
	[tilespmem:s13+$0x7A00] =	vst v9  }
0x113: {  	v6 =	vld [tilespmem:s13+$0xC000];
	[tilespmem:s13+$0xAA00] =	vst v11  }
0x114: {  	v9 =	vadd.f32 v16, v10;
	v11 =	vadd.f32 v17, v10;
	[tilespmem:s13+$0x9200] =	vst v15;
	v15 =	vld [tilespmem:s13+$0xAB00]  }
0x115: {  	v13 =	vadd.f32 v13, v10;
	[tilespmem:s13+$0xC200] =	vst v5;
	v5 =	vadd.f32 v12, v20  }
0x116: {  	[tilespmem:s13+$0x9000] =	vst v11;
	v11 =	vadd.f32 v18, v19;
	v2 =	vadd.f32 v2, v19  }
0x117: {  	v3 =	vadd.f32 v3, v19;
	[tilespmem:s13+$0x7800] =	vst v9;
	v9 =	vadd.f32 v21, v19  }
0x118: {  	v4 =	vadd.f32 v4, v20;
	[tilespmem:s13+$0xA800] =	vst v13;
	v6 =	vadd.f32 v6, v10  }
0x119: {  	v1 =	vadd.f32 v1, v20;
	[tilespmem:s13+$0xC180] =	vst v3;
	v3 =	vadd.f32 v15, v20  }
0x11a: {  	[tilespmem:s13+$0x7B00] =	vst v5  }
0x11b: {  	v5 =	vld [tilespmem:s13+$0xAA80];
	[tilespmem:s13+$0xAB00] =	vst v3  }
0x11c: {  	[tilespmem:s13+$0xC000] =	vst v6;
	v3 =	vld [tilespmem:s13+$0x9280]  }
0x11d: {  	v6 =	vld [tilespmem:s13+$0x7A80];
	[tilespmem:s13+$0x9300] =	vst v4  }
0x11e: {  	v4 =	vld [tilespmem:s13+$0xDA80];
	[tilespmem:s13+$0xC300] =	vst v1  }
0x11f: {  	[tilespmem:s13+$0x9080] =	vst v14;
	v1 =	vld [tilespmem:s13+$0xC280]  }
0x120: {  	[tilespmem:s13+$0xA900] =	vst v8  }
0x121: {  	[tilespmem:s13+$0x9180] =	vst v2  }
0x122: {  	v2 =	vld [tilespmem:s13+$0xA880];
	[tilespmem:s13+$0xC100] =	vst v7  }
0x123: {  	[tilespmem:s13+$0x7980] =	vst v11;
	v5 =	vadd.f32 v5, v4  }
0x124: {  	v3 =	vadd.f32 v3, v4;
	[tilespmem:s13+$0xA980] =	vst v9;
	v1 =	vadd.f32 v1, v4  }
0x125: {  	v4 =	vadd.f32 v6, v4;
	[tilespmem:s13+$0xAA80] =	vst v5  }
0x126: {  	[tilespmem:s13+$0xC280] =	vst v1  }
0x127: {  	v0 =	vadd.f32 v2, v0;
	[tilespmem:s13+$0x9280] =	vst v3  }
0x128: {  	[tilespmem:s13+$0x7A80] =	vst v4  }
0x129: {  	s3 =	sor.u32 $0x380, s14;
	s14 =	smov.u32 s10;
	[tilespmem:s13+$0xA880] =	vst v0;
	v0 =	vld [tilespmem:s13+$0xDB80]  }
0x12a: {  	v1 =	vld [tilespmem:s3+$0x7800];
	_ =	sdelay $0x4  }
0x12b: {  	v1 =	vadd.f32 v1, v0;
	_ =	sdelay $0x1  }
0x12c: {  	[tilespmem:s3+$0x7800] =	vst v1  }
0x12d: {  	s3 =	sand.u32 $0x70, s8;
	s8 =	sand.u32 $0x1C00, s17;
	v4 =	vld [tilespmem:s13+$0x9380]  }
0x12e: {  	s3 =	sor.u32 s3, s8;
	v5 =	vld [tilespmem:s13+$0xAB80]  }
0x12f: {  	v6 =	vld [tilespmem:s13+$0xC380]  }
0x130: {  	v1 =	vld [tilespmem:s3+$0xC300]  }
0x131: {  	v2 =	vld [tilespmem:s3+$0x9180]  }
0x132: {  	v3 =	vld [tilespmem:s3+$0xC180];
	v4 =	vadd.f32 v4, v0  }
0x133: {  	v9 =	vld [tilespmem:s3+$0x7A00];
	v7 =	vadd.f32 v5, v0  }
0x134: {  	v17 =	vld [tilespmem:s3+$0xC080];
	[tilespmem:s13+$0x9380] =	vst v4;
	v0 =	vadd.f32 v6, v0  }
0x135: {  	v5 =	vld [tilespmem:s3+$0xDA00];
	[tilespmem:s13+$0xAB80] =	vst v7  }
0x136: {  	v6 =	vld [tilespmem:s3+$0xC200];
	[tilespmem:s13+$0xC380] =	vst v0;
	s13 =	smov.u32 s3  }
0x137: {  	v8 =	vld [tilespmem:s13+$0xA900]  }
0x138: {  	v11 =	vld [tilespmem:s13+$0xAA00]  }
0x139: {  	v7 =	vld [tilespmem:s13+$0xD900]  }
0x13a: {  	v19 =	vld [tilespmem:s13+$0x7900]  }
0x13b: {  	v20 =	vld [tilespmem:s13+$0x9100]  }
0x13c: {  	v15 =	vld [tilespmem:s13+$0x9200]  }
0x13d: {  	v10 =	vld [tilespmem:s13+$0x7880]  }
0x13e: {  	v0 =	vld [tilespmem:s13+$0xD880]  }
0x13f: {  	v12 =	vld [tilespmem:s13+$0xC100]  }
0x140: {  	v14 =	vld [tilespmem:s13+$0x9080]  }
.Ltmp1:
0x141: {  	v13 =	vld [tilespmem:s13+$0xA800];
	(pc) =	sbr.rel @p0 .LBB2_5-.Ltmp1, $4  }
0x142: {  	v4 =	vld [tilespmem:s13+$0x9300]  }
0x143: {  	v16 =	vld [tilespmem:s13+$0x7800];
	v21 =	vadd.f32 v10, v0  }
0x144: {  	v18 =	vadd.f32 v17, v0;
	v10 =	vld [tilespmem:s13+$0xD800]  }
0x145: {  	v19 =	vadd.f32 v19, v7;
	v20 =	vadd.f32 v20, v7;
	v17 =	vld [tilespmem:s13+$0x9000];
	[tilespmem:s13+$0x7880] =	vst v21  }
0x146: {  	[tilespmem:s13+$0xC080] =	vst v18  }
0x147: {  	v9 =	vadd.f32 v9, v5;
	[tilespmem:s13+$0x9100] =	vst v20  }
0x148: {  	v11 =	vadd.f32 v11, v5;
	[tilespmem:s13+$0x7900] =	vst v19  }
0x149: {  	v18 =	vld [tilespmem:s13+$0xD980];
	[tilespmem:s13+$0x7A00] =	vst v9;
	v9 =	vadd.f32 v15, v5  }
0x14a: {  	v21 =	vld [tilespmem:s13+$0x7B00];
	[tilespmem:s13+$0xAA00] =	vst v11;
	v5 =	vadd.f32 v6, v5  }
0x14b: {  	v20 =	vld [tilespmem:s13+$0xDB00];
	v11 =	vadd.f32 v16, v10;
	[tilespmem:s13+$0x9200] =	vst v9  }
0x14c: {  	v6 =	vadd.f32 v17, v10;
	[tilespmem:s13+$0xC200] =	vst v5  }
0x14d: {  	v9 =	vld [tilespmem:s13+$0xAB00];
	v5 =	vadd.f32 v13, v10;
	[tilespmem:s13+$0x7800] =	vst v11  }
0x14e: {  	v3 =	vadd.f32 v3, v18;
	[tilespmem:s13+$0x9000] =	vst v6  }
0x14f: {  	v2 =	vadd.f32 v2, v18;
	[tilespmem:s13+$0xA800] =	vst v5  }
0x150: {  	v15 =	vld [tilespmem:s13+$0xC000];
	v6 =	vadd.f32 v21, v20;
	[tilespmem:s13+$0xC180] =	vst v3  }
0x151: {  	v1 =	vadd.f32 v1, v20;
	[tilespmem:s13+$0x9180] =	vst v2  }
0x152: {  	v22 =	vld [tilespmem:s13+$0x7980];
	[tilespmem:s13+$0x7B00] =	vst v6;
	v3 =	vadd.f32 v9, v20  }
0x153: {  	v19 =	vld [tilespmem:s13+$0xA980];
	[tilespmem:s13+$0xC300] =	vst v1;
	v1 =	vadd.f32 v8, v7  }
0x154: {  	v6 =	vld [tilespmem:s13+$0xAA80];
	[tilespmem:s13+$0xAB00] =	vst v3;
	v3 =	vadd.f32 v4, v20  }
0x155: {  	v5 =	vadd.f32 v15, v10;
	v9 =	vld [tilespmem:s13+$0xDA80];
	[tilespmem:s13+$0xA900] =	vst v1  }
0x156: {  	v1 =	vadd.f32 v12, v7;
	v7 =	vld [tilespmem:s13+$0xA880];
	[tilespmem:s13+$0x9300] =	vst v3;
	v3 =	vadd.f32 v14, v0  }
0x157: {  	v2 =	vadd.f32 v22, v18;
	[tilespmem:s13+$0xC000] =	vst v5;
	v5 =	vld [tilespmem:s13+$0x7A80]  }
0x158: {  	[tilespmem:s13+$0x9080] =	vst v3;
	v3 =	vld [tilespmem:s13+$0xC280]  }
0x159: {  	v8 =	vadd.f32 v19, v18;
	[tilespmem:s13+$0x7980] =	vst v2;
	v4 =	vld [tilespmem:s13+$0x9280]  }
0x15a: {  	[tilespmem:s13+$0xC100] =	vst v1;
	v1 =	vadd.f32 v6, v9  }
0x15b: {  	[tilespmem:s13+$0xA980] =	vst v8;
	v0 =	vadd.f32 v7, v0  }
0x15c: {  	[tilespmem:s13+$0xAA80] =	vst v1;
	v1 =	vadd.f32 v5, v9  }
0x15d: {  	[tilespmem:s13+$0xA880] =	vst v0;
	v2 =	vadd.f32 v3, v9  }
0x15e: {  	[tilespmem:s13+$0x7A80] =	vst v1;
	v3 =	vadd.f32 v4, v9  }
0x15f: {  	[tilespmem:s13+$0xC280] =	vst v2  }
0x160: {  	s3 =	sor.u32 $0x380, s14;
	v0 =	vld [tilespmem:s13+$0xDB80];
	[tilespmem:s13+$0x9280] =	vst v3  }
0x161: {  	v1 =	vld [tilespmem:s3+$0x7800];
	_ =	sdelay $0x4  }
0x162: {  	v1 =	vadd.f32 v1, v0;
	_ =	sdelay $0x1  }
0x163: {  	[tilespmem:s3+$0x7800] =	vst v1  }
0x164: {  	v1 =	vld [tilespmem:s13+$0x9380]  }
0x165: {  	v2 =	vld [tilespmem:s13+$0xAB80]  }
0x166: {  	v3 =	vld [tilespmem:s13+$0xC380];
	_ =	sdelay $0x2  }
0x167: {  	v1 =	vadd.f32 v1, v0  }
0x168: {  	v2 =	vadd.f32 v2, v0  }
0x169: {  	v0 =	vadd.f32 v3, v0;
	[tilespmem:s13+$0x9380] =	vst v1  }
0x16a: {  	s12 =	sor.u32 $0x300, s12;
	[tilespmem:s13+$0xAB80] =	vst v2  }
0x16b: {  	s10 =	simm.s32 $0x7800;
	s8 =	sadd.s32 s4, s12;
	[tilespmem:s13+$0xC380] =	vst v0;
	s13 =	rddreg [dreg:$0x11]  }
0x16c: {  	[hbm4b:s8+s6] =	stream.linear.scatter [tilespmem:s10], [sflag:$0x6], $0x1800, $0x38;
	[tilespmem:$0x1E000] =	vst v63  }
0x16d: {  	s14 =	simm.s32 $0x9000;
	s8 =	sadd.s32 s12, s13  }
0x16e: {  	[hbm4b:s8+s6] =	stream.linear.scatter [tilespmem:s14], [sflag:$0x6], $0x1800, $0x38;
	[tilespmem:$0x1E000] =	vst v63  }
0x16f: {  	s25 =	simm.s32 $0xA800;
	s17 =	sadd.s32 s12, s21  }
0x170: {  	[hbm4b:s17+s6] =	stream.linear.scatter [tilespmem:s25], [sflag:$0x6], $0x1800, $0x38;
	[tilespmem:$0x1E000] =	vst v63  }
0x171: {  	s3 =	sadd.s32 s12, s22;
	s12 =	simm.s32 $0xC000  }
0x172: {  	[hbm4b:s3+s6] =	stream.linear.scatter [tilespmem:s12], [sflag:$0x6], $0x1800, $0x38;
	[tilespmem:$0x1E000] =	vst v63  }
0x173: {  	_ =	swait.ge [sflag:s16], $0x1800  }
0x174: {  	[sflag:s16] =	ssyncset.done $0x0  }
0x175: {  	[sflag:s16] =	ssyncadd.s32 $0xFFFFE800  }
0x176: {  	_ =	swait.ge [sflag:s16], $0x1800  }
0x177: {  	[sflag:s16] =	ssyncset.done $0x0  }
0x178: {  	[sflag:s16] =	ssyncadd.s32 $0xFFFFE800  }
0x179: {  	_ =	swait.ge [sflag:s16], $0x1800  }
0x17a: {  	[sflag:s16] =	ssyncset.done $0x0  }
0x17b: {  	[sflag:s16] =	ssyncadd.s32 $0xFFFFE800  }
0x17c: {  	_ =	swait.ge [sflag:s16], $0x1800  }
0x17d: {  	[sflag:s16] =	ssyncset.done $0x0  }
0x17e: {  	[sflag:s16] =	ssyncadd.s32 $0xFFFFE800  }
0x17f: {  	_ =	swait.ge [sflag:s16], $0x1800  }
0x180: {  	[sflag:s16] =	ssyncset.done $0x0  }
0x181: {  	[sflag:s16] =	ssyncadd.s32 $0xFFFFE800  }
0x182: {  	_ =	swait.ge [sflag:s28], $0x1800  }
0x183: {  	[sflag:s28] =	ssyncset.done $0x0  }
0x184: {  	[sflag:s28] =	ssyncadd.s32 $0xFFFFE800  }
0x185: {  	_ =	swait.ge [sflag:s28], $0x1800  }
0x186: {  	[sflag:s28] =	ssyncset.done $0x0  }
0x187: {  	[sflag:s28] =	ssyncadd.s32 $0xFFFFE800  }
0x188: {  	_ =	swait.ge [sflag:s28], $0x1800  }
0x189: {  	p0 =	seq.s32 s2, $0x7;
	s3 =	rddreg [dreg:$0x12]  }
0x18a: {  	[sflag:s28] =	ssyncset.done $0x0;
	s3 =	sadd.s32 @!p0 s18, s3  }
0x18b: {  	[sflag:s28] =	ssyncadd.s32 $0xFFFFE800;
	s3 =	sshrl.u32 @!p0 s3, $0x3  }
0x18c: {  	_ =	swait.ge [sflag:s28], $0x1800;
	s3 =	smul.u32 @!p0 $0x300, s3  }
0x18d: {  	s10 =	simm.s32 @!p0 $0x0;
	[sflag:s28] =	ssyncset.done $0x0  }
0x18e: {  	s12 =	simm.s32 @!p0 $0x6000;
	[sflag:s28] =	ssyncadd.s32 $0xFFFFE800;
	s8 =	sadd.s32 @!p0 s9, s3  }
0x18f: {  	[tilespmem:s12], [sflag:$0x1] =	stream.linear.gather @!p0 [hbm4b:s8+s10], $0x1800, $0x38;
	[tilespmem:$0x1E000] =	vst v63  }
0x190: {  	s14 =	simm.s32 $0x0;
	s8 =	sadd.s32 @!p0 s1, s3  }
0x191: {  	[tilespmem:s10], [sflag:$0x1] =	stream.linear.gather @!p0 [hbm4b:s8+s10], $0x1800, $0x38;
	[tilespmem:$0x1E000] =	vst v63  }
0x192: {  	s13 =	simm.s32 @!p0 $0x1800;
	s17 =	sand.u32 $0x1C00, s14;
	s12 =	sadd.s32 @!p0 $0xC0000, s8  }
0x193: {  	[tilespmem:s13], [sflag:$0x1] =	stream.linear.gather @!p0 [hbm4b:s12+s10], $0x1800, $0x38;
	[tilespmem:$0x1E000] =	vst v63  }
0x194: {  	s3 =	sadd.s32 @!p0 s3, s20;
	s12 =	simm.s32 @!p0 $0x3000;
	s13 =	sand.u32 $0x70, s14  }
0x195: {  	[tilespmem:s12], [sflag:$0x1] =	stream.linear.gather @!p0 [hbm4b:s3+s10], $0x1800, $0x38;
	[tilespmem:$0x1E000] =	vst v63  }
0x196: {  	s3 =	sadd.s32 @!p0 $0x240000, s8;
	s8 =	simm.s32 @!p0 $0x4800;
	s12 =	sor.u32 s13, s17  }
0x197: {  	[tilespmem:s8], [sflag:$0x1] =	stream.linear.gather @!p0 [hbm4b:s3+s10], $0x1800, $0x38;
	[tilespmem:$0x1E000] =	vst v63  }
0x198: {  	v1 =	vld [tilespmem:s12+$0x13B00]  }
0x199: {  	v2 =	vld [tilespmem:s12+$0x10980]  }
0x19a: {  	v3 =	vld [tilespmem:s12+$0x13980]  }
0x19b: {  	v9 =	vld [tilespmem:s12+$0xF200]  }
0x19c: {  	v16 =	vld [tilespmem:s12+$0x13880]  }
0x19d: {  	v5 =	vld [tilespmem:s12+$0x15200]  }
0x19e: {  	v6 =	vld [tilespmem:s12+$0x13A00]  }
0x19f: {  	v8 =	vld [tilespmem:s12+$0x12100]  }
0x1a0: {  	v11 =	vld [tilespmem:s12+$0x12200]  }
0x1a1: {  	v7 =	vld [tilespmem:s12+$0x15100]  }
0x1a2: {  	v19 =	vld [tilespmem:s12+$0xF100]  }
0x1a3: {  	v20 =	vld [tilespmem:s12+$0x10900]  }
0x1a4: {  	v15 =	vld [tilespmem:s12+$0x10A00]  }
0x1a5: {  	v10 =	vld [tilespmem:s12+$0xF080]  }
0x1a6: {  	v0 =	vld [tilespmem:s12+$0x15080]  }
0x1a7: {  	v12 =	vld [tilespmem:s12+$0x13900]  }
0x1a8: {  	v14 =	vld [tilespmem:s12+$0x10880]  }
0x1a9: {  	v13 =	vld [tilespmem:s12+$0x12000]  }
0x1aa: {  	v4 =	vld [tilespmem:s12+$0x10B00]  }
0x1ab: {  	v17 =	vld [tilespmem:s12+$0x10800];
	v21 =	vadd.f32 v10, v0  }
0x1ac: {  	v10 =	vld [tilespmem:s12+$0x15000];
	v18 =	vadd.f32 v16, v0  }
0x1ad: {  	s25 =	smov.u32 s9;
	s17 =	simm.s32 $0x10;
	s13 =	sor.u32 s14, s14;
	v16 =	vld [tilespmem:s12+$0xF000];
	v19 =	vadd.f32 v19, v7;
	v20 =	vadd.f32 v20, v7;
	[tilespmem:s12+$0xF080] =	vst v21  }
.LBB2_7:
0x1ae: {  	p1 =	sne.s32 s17, $0x2F0  }
0x1af: {  	v8 =	vadd.f32 v8, v7;
	v7 =	vadd.f32 v12, v7;
	v12 =	vld [tilespmem:s12+$0xF300];
	s14 =	sadd.s32 $0x80, s14;
	s8 =	smov.u32 s17;
	s17 =	sadd.s32 $0x10, s17  }
0x1b0: {  	v14 =	vadd.f32 v14, v0;
	s10 =	sor.u32 s14, s8;
	[tilespmem:s12+$0x10900] =	vst v20;
	v20 =	vld [tilespmem:s12+$0x15300]  }
0x1b1: {  	v9 =	vadd.f32 v9, v5;
	v15 =	vadd.f32 v15, v5;
	[tilespmem:s12+$0x13880] =	vst v18;
	v18 =	vld [tilespmem:s12+$0xF180]  }
0x1b2: {  	v11 =	vadd.f32 v11, v5;
	[tilespmem:s12+$0xF100] =	vst v19;
	v19 =	vld [tilespmem:s12+$0x15180]  }
0x1b3: {  	v5 =	vadd.f32 v6, v5;
	v21 =	vld [tilespmem:s12+$0x12180];
	[tilespmem:s12+$0xF200] =	vst v9  }
0x1b4: {  	v6 =	vld [tilespmem:s12+$0x13800];
	[tilespmem:s12+$0x12200] =	vst v11  }
0x1b5: {  	v9 =	vadd.f32 v16, v10;
	v11 =	vadd.f32 v17, v10;
	[tilespmem:s12+$0x10A00] =	vst v15;
	v15 =	vld [tilespmem:s12+$0x12300]  }
0x1b6: {  	v13 =	vadd.f32 v13, v10;
	[tilespmem:s12+$0x13A00] =	vst v5;
	v5 =	vadd.f32 v12, v20  }
0x1b7: {  	[tilespmem:s12+$0x10800] =	vst v11;
	v11 =	vadd.f32 v18, v19;
	v2 =	vadd.f32 v2, v19  }
0x1b8: {  	v3 =	vadd.f32 v3, v19;
	[tilespmem:s12+$0xF000] =	vst v9;
	v9 =	vadd.f32 v21, v19  }
0x1b9: {  	v4 =	vadd.f32 v4, v20;
	[tilespmem:s12+$0x12000] =	vst v13;
	v6 =	vadd.f32 v6, v10  }
0x1ba: {  	v1 =	vadd.f32 v1, v20;
	[tilespmem:s12+$0x13980] =	vst v3;
	v3 =	vadd.f32 v15, v20  }
0x1bb: {  	[tilespmem:s12+$0xF300] =	vst v5  }
0x1bc: {  	v5 =	vld [tilespmem:s12+$0x12280];
	[tilespmem:s12+$0x12300] =	vst v3  }
0x1bd: {  	[tilespmem:s12+$0x13800] =	vst v6;
	v3 =	vld [tilespmem:s12+$0x10A80]  }
0x1be: {  	v6 =	vld [tilespmem:s12+$0xF280];
	[tilespmem:s12+$0x10B00] =	vst v4  }
0x1bf: {  	v4 =	vld [tilespmem:s12+$0x15280];
	[tilespmem:s12+$0x13B00] =	vst v1  }
0x1c0: {  	[tilespmem:s12+$0x10880] =	vst v14;
	v1 =	vld [tilespmem:s12+$0x13A80]  }
0x1c1: {  	[tilespmem:s12+$0x12100] =	vst v8  }
0x1c2: {  	[tilespmem:s12+$0x10980] =	vst v2  }
0x1c3: {  	v2 =	vld [tilespmem:s12+$0x12080];
	[tilespmem:s12+$0x13900] =	vst v7  }
0x1c4: {  	[tilespmem:s12+$0xF180] =	vst v11;
	v5 =	vadd.f32 v5, v4  }
0x1c5: {  	v3 =	vadd.f32 v3, v4;
	[tilespmem:s12+$0x12180] =	vst v9;
	v1 =	vadd.f32 v1, v4  }
0x1c6: {  	v4 =	vadd.f32 v6, v4;
	[tilespmem:s12+$0x12280] =	vst v5  }
0x1c7: {  	[tilespmem:s12+$0x13A80] =	vst v1  }
0x1c8: {  	v0 =	vadd.f32 v2, v0;
	[tilespmem:s12+$0x10A80] =	vst v3  }
0x1c9: {  	[tilespmem:s12+$0xF280] =	vst v4  }
0x1ca: {  	s3 =	sor.u32 $0x380, s13;
	s13 =	smov.u32 s10;
	[tilespmem:s12+$0x12080] =	vst v0;
	v0 =	vld [tilespmem:s12+$0x15380]  }
0x1cb: {  	v1 =	vld [tilespmem:s3+$0xF000];
	_ =	sdelay $0x4  }
0x1cc: {  	v1 =	vadd.f32 v1, v0;
	_ =	sdelay $0x1  }
0x1cd: {  	[tilespmem:s3+$0xF000] =	vst v1  }
0x1ce: {  	s3 =	sand.u32 $0x70, s8;
	s8 =	sand.u32 $0x1C00, s14;
	v4 =	vld [tilespmem:s12+$0x10B80]  }
0x1cf: {  	s3 =	sor.u32 s3, s8;
	v5 =	vld [tilespmem:s12+$0x12380]  }
0x1d0: {  	v6 =	vld [tilespmem:s12+$0x13B80]  }
0x1d1: {  	v1 =	vld [tilespmem:s3+$0x13B00]  }
0x1d2: {  	v2 =	vld [tilespmem:s3+$0x10980]  }
0x1d3: {  	v3 =	vld [tilespmem:s3+$0x13980];
	v4 =	vadd.f32 v4, v0  }
0x1d4: {  	v9 =	vld [tilespmem:s3+$0xF200];
	v7 =	vadd.f32 v5, v0  }
0x1d5: {  	v17 =	vld [tilespmem:s3+$0x13880];
	[tilespmem:s12+$0x10B80] =	vst v4;
	v0 =	vadd.f32 v6, v0  }
0x1d6: {  	v5 =	vld [tilespmem:s3+$0x15200];
	[tilespmem:s12+$0x12380] =	vst v7  }
0x1d7: {  	v6 =	vld [tilespmem:s3+$0x13A00];
	[tilespmem:s12+$0x13B80] =	vst v0;
	s12 =	smov.u32 s3  }
0x1d8: {  	v8 =	vld [tilespmem:s12+$0x12100]  }
0x1d9: {  	v11 =	vld [tilespmem:s12+$0x12200]  }
0x1da: {  	v7 =	vld [tilespmem:s12+$0x15100]  }
0x1db: {  	v19 =	vld [tilespmem:s12+$0xF100]  }
0x1dc: {  	v20 =	vld [tilespmem:s12+$0x10900]  }
0x1dd: {  	v15 =	vld [tilespmem:s12+$0x10A00]  }
0x1de: {  	v10 =	vld [tilespmem:s12+$0xF080]  }
0x1df: {  	v0 =	vld [tilespmem:s12+$0x15080]  }
0x1e0: {  	v12 =	vld [tilespmem:s12+$0x13900]  }
0x1e1: {  	v14 =	vld [tilespmem:s12+$0x10880]  }
.Ltmp2:
0x1e2: {  	v13 =	vld [tilespmem:s12+$0x12000];
	(pc) =	sbr.rel @p1 .LBB2_7-.Ltmp2, $4  }
0x1e3: {  	v4 =	vld [tilespmem:s12+$0x10B00]  }
0x1e4: {  	v16 =	vld [tilespmem:s12+$0xF000];
	v21 =	vadd.f32 v10, v0  }
0x1e5: {  	v18 =	vadd.f32 v17, v0;
	v10 =	vld [tilespmem:s12+$0x15000]  }
0x1e6: {  	v19 =	vadd.f32 v19, v7;
	v20 =	vadd.f32 v20, v7;
	v17 =	vld [tilespmem:s12+$0x10800];
	[tilespmem:s12+$0xF080] =	vst v21  }
0x1e7: {  	[tilespmem:s12+$0x13880] =	vst v18  }
0x1e8: {  	v9 =	vadd.f32 v9, v5;
	[tilespmem:s12+$0x10900] =	vst v20  }
0x1e9: {  	v21 =	vld [tilespmem:s12+$0xF300];
	v11 =	vadd.f32 v11, v5;
	[tilespmem:s12+$0xF100] =	vst v19  }
0x1ea: {  	v45 =	vld [tilespmem:s12+$0x15180];
	v47 =	vadd.f32 v15, v5;
	[tilespmem:s12+$0xF200] =	vst v9  }
0x1eb: {  	v44 =	vld [tilespmem:s12+$0x15300];
	v49 =	vadd.f32 v6, v5;
	[tilespmem:s12+$0x12200] =	vst v11  }
0x1ec: {  	v48 =	vld [tilespmem:s12+$0x13800];
	[tilespmem:s12+$0x10A00] =	vst v47;
	v52 =	vadd.f32 v16, v10  }
0x1ed: {  	[tilespmem:s12+$0x13A00] =	vst v49;
	v53 =	vadd.f32 v13, v10  }
0x1ee: {  	v51 =	vld [tilespmem:s12+$0x12300];
	v50 =	vadd.f32 v17, v10;
	[tilespmem:s12+$0xF000] =	vst v52  }
0x1ef: {  	v3 =	vadd.f32 v3, v45;
	[tilespmem:s12+$0x12000] =	vst v53  }
0x1f0: {  	v54 =	vadd.f32 v21, v44;
	[tilespmem:s12+$0x10800] =	vst v50  }
0x1f1: {  	v55 =	vadd.f32 v48, v10;
	[tilespmem:s12+$0x13980] =	vst v3  }
0x1f2: {  	v1 =	vadd.f32 v1, v44;
	[tilespmem:s12+$0xF300] =	vst v54  }
0x1f3: {  	v46 =	vld [tilespmem:s12+$0x12180];
	v3 =	vadd.f32 v51, v44;
	[tilespmem:s12+$0x13800] =	vst v55  }
0x1f4: {  	v22 =	vld [tilespmem:s12+$0xF180];
	v2 =	vadd.f32 v2, v45;
	[tilespmem:s12+$0x13B00] =	vst v1  }
0x1f5: {  	v56 =	vld [tilespmem:s12+$0x12280];
	[tilespmem:s12+$0x12300] =	vst v3;
	v3 =	vadd.f32 v4, v44  }
0x1f6: {  	v59 =	vld [tilespmem:s12+$0x15280];
	v1 =	vadd.f32 v8, v7;
	[tilespmem:s12+$0x10980] =	vst v2  }
0x1f7: {  	v60 =	vld [tilespmem:s12+$0x12080];
	[tilespmem:s12+$0x10B00] =	vst v3;
	v3 =	vadd.f32 v14, v0  }
0x1f8: {  	v58 =	vld [tilespmem:s12+$0xF280];
	v61 =	vadd.f32 v46, v45;
	[tilespmem:s12+$0x12100] =	vst v1  }
0x1f9: {  	v1 =	vadd.f32 v12, v7;
	[tilespmem:s12+$0x10880] =	vst v3;
	v3 =	vld [tilespmem:s12+$0x13A80]  }
0x1fa: {  	v57 =	vld [tilespmem:s12+$0x10A80];
	v2 =	vadd.f32 v22, v45;
	[tilespmem:s12+$0x12180] =	vst v61  }
0x1fb: {  	[tilespmem:s12+$0x13900] =	vst v1;
	v1 =	vadd.f32 v56, v59  }
0x1fc: {  	[tilespmem:s12+$0xF180] =	vst v2;
	v0 =	vadd.f32 v60, v0  }
0x1fd: {  	[tilespmem:s12+$0x12280] =	vst v1;
	v1 =	vadd.f32 v58, v59  }
0x1fe: {  	[tilespmem:s12+$0x12080] =	vst v0;
	v2 =	vadd.f32 v3, v59  }
0x1ff: {  	[tilespmem:s12+$0xF280] =	vst v1;
	v3 =	vadd.f32 v57, v59  }
0x200: {  	[tilespmem:s12+$0x13A80] =	vst v2  }
0x201: {  	s3 =	sor.u32 $0x380, s13;
	v0 =	vld [tilespmem:s12+$0x15380];
	[tilespmem:s12+$0x10A80] =	vst v3  }
0x202: {  	v1 =	vld [tilespmem:s3+$0xF000];
	_ =	sdelay $0x4  }
0x203: {  	v1 =	vadd.f32 v1, v0;
	_ =	sdelay $0x1  }
0x204: {  	[tilespmem:s3+$0xF000] =	vst v1  }
0x205: {  	v1 =	vld [tilespmem:s12+$0x10B80]  }
0x206: {  	v2 =	vld [tilespmem:s12+$0x12380]  }
0x207: {  	v3 =	vld [tilespmem:s12+$0x13B80];
	_ =	sdelay $0x2  }
0x208: {  	v1 =	vadd.f32 v1, v0  }
0x209: {  	v2 =	vadd.f32 v2, v0  }
0x20a: {  	v0 =	vadd.f32 v3, v0;
	[tilespmem:s12+$0x10B80] =	vst v1  }
0x20b: {  	[tilespmem:s12+$0x12380] =	vst v2  }
0x20c: {  	s9 =	sadd.s32 s4, s19;
	s14 =	simm.s32 $0xF000;
	[tilespmem:s12+$0x13B80] =	vst v0  }
0x20d: {  	[hbm4b:s9+s6] =	stream.linear.scatter [tilespmem:s14], [sflag:$0x7], $0x1800, $0x38;
	[tilespmem:$0x1E000] =	vst v63  }
0x20e: {  	s10 =	sadd.s32 s4, s23;
	s17 =	simm.s32 $0x10800  }
0x20f: {  	[hbm4b:s10+s6] =	stream.linear.scatter [tilespmem:s17], [sflag:$0x7], $0x1800, $0x38;
	[tilespmem:$0x1E000] =	vst v63  }
0x210: {  	s8 =	simm.s32 $0x12000;
	s12 =	sadd.s32 s4, s24  }
0x211: {  	[hbm4b:s12+s6] =	stream.linear.scatter [tilespmem:s8], [sflag:$0x7], $0x1800, $0x38;
	[tilespmem:$0x1E000] =	vst v63  }
0x212: {  	s13 =	sadd.s32 s4, s11;
	s19 =	simm.s32 $0x13800  }
0x213: {  	[hbm4b:s13+s6] =	stream.linear.scatter [tilespmem:s19], [sflag:$0x7], $0x1800, $0x38;
	[tilespmem:$0x1E000] =	vst v63  }
0x214: {  	_ =	swait.ge [sflag:s29], $0x1800  }
0x215: {  	[sflag:s29] =	ssyncset.done $0x0  }
0x216: {  	[sflag:s29] =	ssyncadd.s32 $0xFFFFE800  }
0x217: {  	_ =	swait.ge [sflag:s29], $0x1800  }
0x218: {  	[sflag:s29] =	ssyncset.done $0x0  }
0x219: {  	[sflag:s29] =	ssyncadd.s32 $0xFFFFE800  }
0x21a: {  	_ =	swait.ge [sflag:s29], $0x1800  }
0x21b: {  	[sflag:s29] =	ssyncset.done $0x0  }
0x21c: {  	[sflag:s29] =	ssyncadd.s32 $0xFFFFE800  }
0x21d: {  	_ =	swait.ge [sflag:s29], $0x1800  }
0x21e: {  	[sflag:s29] =	ssyncset.done $0x0  }
0x21f: {  	[sflag:s29] =	ssyncadd.s32 $0xFFFFE800  }
0x220: {  	_ =	swait.ge [sflag:s29], $0x1800  }
0x221: {  	[sflag:s29] =	ssyncset.done $0x0  }
0x222: {  	[sflag:s29] =	ssyncadd.s32 $0xFFFFE800  }
0x223: {  	_ =	swait.ge [sflag:s30], $0x1800  }
0x224: {  	[sflag:s30] =	ssyncset.done $0x0  }
0x225: {  	[sflag:s30] =	ssyncadd.s32 $0xFFFFE800  }
0x226: {  	_ =	swait.ge [sflag:s30], $0x1800  }
0x227: {  	[sflag:s30] =	ssyncset.done $0x0  }
0x228: {  	[sflag:s30] =	ssyncadd.s32 $0xFFFFE800  }
0x229: {  	_ =	swait.ge [sflag:s30], $0x1800  }
0x22a: {  	s3 =	rddreg [dreg:$0x13]  }
0x22b: {  	[sflag:s30] =	ssyncset.done $0x0;
	s3 =	sadd.s32 @!p0 s18, s3  }
0x22c: {  	[sflag:s30] =	ssyncadd.s32 $0xFFFFE800;
	s3 =	sshrl.u32 @!p0 s3, $0x3  }
0x22d: {  	_ =	swait.ge [sflag:s30], $0x1800;
	s3 =	smul.u32 @!p0 $0x300, s3  }
0x22e: {  	s11 =	simm.s32 @!p0 $0xD800;
	[sflag:s30] =	ssyncset.done $0x0  }
0x22f: {  	s10 =	simm.s32 @!p0 $0x0;
	[sflag:s30] =	ssyncadd.s32 $0xFFFFE800;
	s8 =	sadd.s32 @!p0 s25, s3  }
0x230: {  	[tilespmem:s11], [sflag:$0x2] =	stream.linear.gather @!p0 [hbm4b:s8+s10], $0x1800, $0x38;
	[tilespmem:$0x1E000] =	vst v63  }
0x231: {  	s8 =	sadd.s32 @!p0 s1, s3;
	s11 =	simm.s32 @!p0 $0x7800  }
0x232: {  	[tilespmem:s11], [sflag:$0x2] =	stream.linear.gather @!p0 [hbm4b:s8+s10], $0x1800, $0x38;
	[tilespmem:$0x1E000] =	vst v63  }
0x233: {  	s12 =	simm.s32 @!p0 $0x9000;
	s11 =	sadd.s32 @!p0 $0xC0000, s8  }
0x234: {  	[tilespmem:s12], [sflag:$0x2] =	stream.linear.gather @!p0 [hbm4b:s11+s10], $0x1800, $0x38;
	[tilespmem:$0x1E000] =	vst v63  }
0x235: {  	s3 =	sadd.s32 @!p0 s3, s20;
	s12 =	simm.s32 $0x0  }
0x236: {  	s11 =	simm.s32 @!p0 $0xA800;
	s23 =	sand.u32 $0x70, s12;
	s24 =	sand.u32 $0x1C00, s12  }
0x237: {  	[tilespmem:s11], [sflag:$0x2] =	stream.linear.gather @!p0 [hbm4b:s3+s10], $0x1800, $0x38;
	[tilespmem:$0x1E000] =	vst v63  }
0x238: {  	s3 =	sadd.s32 @!p0 $0x240000, s8;
	s8 =	simm.s32 @!p0 $0xC000;
	s11 =	sor.u32 s23, s24  }
0x239: {  	[tilespmem:s8], [sflag:$0x2] =	stream.linear.gather @!p0 [hbm4b:s3+s10], $0x1800, $0x38;
	[tilespmem:$0x1E000] =	vst v63  }
0x23a: {  	v0 =	vld [tilespmem:s11+$0x18000]  }
0x23b: {  	v1 =	vld [tilespmem:s11+$0x1C800]  }
0x23c: {  	v2 =	vld [tilespmem:s11+$0x1B000]  }
0x23d: {  	v3 =	vld [tilespmem:s11+$0x19800];
	_ =	sdelay $0x2  }
0x23e: {  	v0 =	vadd.f32 v0, v1  }
0x23f: {  	v2 =	vadd.f32 v2, v1  }
0x240: {  	v3 =	vadd.f32 v3, v1;
	[tilespmem:s11+$0x18000] =	vst v0  }
0x241: {  	[tilespmem:s11+$0x1B000] =	vst v2  }
0x242: {  	s13 =	sadd.s32 $0x16800, s11;
	v63 =	vld [tilespmem:s11+$0x1C880];
	[tilespmem:s11+$0x19800] =	vst v3  }
0x243: {  	v0 =	vld [tilespmem:s13+$0x80];
	_ =	sdelay $0x1  }
0x244: {  	v62 =	vld [tilespmem:s11+$0x16800];
	_ =	sdelay $0x2  }
0x245: {  	v0 =	vadd.f32 v0, v63;
	_ =	sdelay $0x1  }
0x246: {  	v1 =	vadd.f32 v62, v1;
	[tilespmem:s13+$0x80] =	vst v0  }
0x247: {  	v0 =	vld [tilespmem:s11+$0x18080]  }
0x248: {  	[tilespmem:s11+$0x16800] =	vst v1;
	v1 =	vld [tilespmem:s11+$0x19880]  }
0x249: {  	v2 =	vld [tilespmem:s11+$0x1B080];
	_ =	sdelay $0x2  }
0x24a: {  	v0 =	vadd.f32 v0, v63  }
0x24b: {  	v1 =	vadd.f32 v1, v63  }
0x24c: {  	[tilespmem:s11+$0x18080] =	vst v0;
	v0 =	vadd.f32 v2, v63  }
0x24d: {  	[tilespmem:s11+$0x19880] =	vst v1  }
0x24e: {  	[tilespmem:s11+$0x1B080] =	vst v0;
	v0 =	vld [tilespmem:s11+$0x1C900]  }
0x24f: {  	v1 =	vld [tilespmem:s13+$0x100];
	_ =	sdelay $0x4  }
0x250: {  	v1 =	vadd.f32 v1, v0;
	_ =	sdelay $0x1  }
0x251: {  	[tilespmem:s13+$0x100] =	vst v1  }
0x252: {  	v1 =	vld [tilespmem:s11+$0x1B100]  }
0x253: {  	v2 =	vld [tilespmem:s11+$0x18100]  }
0x254: {  	v3 =	vld [tilespmem:s11+$0x19900];
	_ =	sdelay $0x2  }
0x255: {  	v1 =	vadd.f32 v1, v0  }
0x256: {  	v2 =	vadd.f32 v2, v0  }
0x257: {  	v0 =	vadd.f32 v3, v0;
	[tilespmem:s11+$0x1B100] =	vst v1  }
0x258: {  	[tilespmem:s11+$0x18100] =	vst v2  }
0x259: {  	[tilespmem:s11+$0x19900] =	vst v0;
	v0 =	vld [tilespmem:s11+$0x1C980]  }
0x25a: {  	v1 =	vld [tilespmem:s13+$0x180];
	_ =	sdelay $0x4  }
0x25b: {  	v1 =	vadd.f32 v1, v0;
	_ =	sdelay $0x1  }
0x25c: {  	[tilespmem:s13+$0x180] =	vst v1  }
0x25d: {  	v1 =	vld [tilespmem:s11+$0x18180]  }
0x25e: {  	v2 =	vld [tilespmem:s11+$0x19980]  }
0x25f: {  	v3 =	vld [tilespmem:s11+$0x1B180];
	_ =	sdelay $0x2  }
0x260: {  	v1 =	vadd.f32 v1, v0  }
0x261: {  	v2 =	vadd.f32 v2, v0  }
0x262: {  	v0 =	vadd.f32 v3, v0;
	[tilespmem:s11+$0x18180] =	vst v1  }
0x263: {  	[tilespmem:s11+$0x19980] =	vst v2  }
0x264: {  	[tilespmem:s11+$0x1B180] =	vst v0;
	v0 =	vld [tilespmem:s11+$0x1CA00]  }
0x265: {  	v1 =	vld [tilespmem:s13+$0x200];
	_ =	sdelay $0x4  }
0x266: {  	v1 =	vadd.f32 v1, v0;
	_ =	sdelay $0x1  }
0x267: {  	[tilespmem:s13+$0x200] =	vst v1  }
0x268: {  	v1 =	vld [tilespmem:s11+$0x18200]  }
0x269: {  	v2 =	vld [tilespmem:s11+$0x19A00]  }
0x26a: {  	v3 =	vld [tilespmem:s11+$0x1B200];
	_ =	sdelay $0x2  }
0x26b: {  	v1 =	vadd.f32 v1, v0  }
0x26c: {  	v2 =	vadd.f32 v2, v0  }
0x26d: {  	v0 =	vadd.f32 v3, v0;
	[tilespmem:s11+$0x18200] =	vst v1  }
0x26e: {  	[tilespmem:s11+$0x19A00] =	vst v2  }
0x26f: {  	[tilespmem:s11+$0x1B200] =	vst v0;
	v0 =	vld [tilespmem:s11+$0x1CA80]  }
0x270: {  	v1 =	vld [tilespmem:s13+$0x280];
	_ =	sdelay $0x4  }
0x271: {  	v1 =	vadd.f32 v1, v0;
	_ =	sdelay $0x1  }
0x272: {  	[tilespmem:s13+$0x280] =	vst v1  }
0x273: {  	v1 =	vld [tilespmem:s11+$0x18280]  }
0x274: {  	v2 =	vld [tilespmem:s11+$0x19A80]  }
0x275: {  	v3 =	vld [tilespmem:s11+$0x1B280];
	_ =	sdelay $0x2  }
0x276: {  	v1 =	vadd.f32 v1, v0  }
0x277: {  	v2 =	vadd.f32 v2, v0  }
0x278: {  	v0 =	vadd.f32 v3, v0;
	[tilespmem:s11+$0x18280] =	vst v1  }
0x279: {  	[tilespmem:s11+$0x19A80] =	vst v2  }
0x27a: {  	[tilespmem:s11+$0x1B280] =	vst v0;
	v0 =	vld [tilespmem:s11+$0x1CB00]  }
0x27b: {  	s19 =	simm.s32 $0x10;
	s18 =	sor.u32 s12, s12;
	v1 =	vld [tilespmem:s13+$0x300]  }
.LBB2_9:
0x27c: {  	p0 =	sne.s32 s19, $0x2F0  }
0x27d: {  	s12 =	sadd.s32 $0x80, s12;
	s3 =	smov.u32 s19;
	s19 =	sadd.s32 $0x10, s19  }
0x27e: {  	s8 =	sor.u32 s12, s3;
	_ =	sdelay $0x2  }
0x27f: {  	v1 =	vadd.f32 v1, v0;
	_ =	sdelay $0x1  }
0x280: {  	[tilespmem:s13+$0x300] =	vst v1  }
0x281: {  	v1 =	vld [tilespmem:s11+$0x18300]  }
0x282: {  	v2 =	vld [tilespmem:s11+$0x19B00]  }
0x283: {  	v3 =	vld [tilespmem:s11+$0x1B300]  }
0x284: {  	v4 =	vld [tilespmem:s11+$0x1CB80]  }
0x285: {  	s3 =	sand.u32 $0x70, s3;
	s10 =	sand.u32 $0x1C00, s12  }
0x286: {  	s3 =	sor.u32 s3, s10;
	v1 =	vadd.f32 v1, v0  }
0x287: {  	v2 =	vadd.f32 v2, v0  }
0x288: {  	[tilespmem:s11+$0x18300] =	vst v1;
	v0 =	vadd.f32 v3, v0  }
0x289: {  	[tilespmem:s11+$0x19B00] =	vst v2  }
0x28a: {  	s10 =	sor.u32 $0x380, s18;
	s18 =	smov.u32 s8;
	[tilespmem:s11+$0x1B300] =	vst v0  }
0x28b: {  	v0 =	vld [tilespmem:s10+$0x16800];
	_ =	sdelay $0x4  }
0x28c: {  	v0 =	vadd.f32 v0, v4;
	_ =	sdelay $0x1  }
0x28d: {  	[tilespmem:s10+$0x16800] =	vst v0  }
0x28e: {  	s13 =	sadd.s32 $0x16800, s3;
	v0 =	vld [tilespmem:s3+$0x16800]  }
0x28f: {  	v1 =	vld [tilespmem:s11+$0x18380]  }
0x290: {  	v2 =	vld [tilespmem:s11+$0x19B80]  }
0x291: {  	v3 =	vld [tilespmem:s11+$0x1B380]  }
0x292: {  	v5 =	vld [tilespmem:s3+$0x19800]  }
0x293: {  	v6 =	vld [tilespmem:s3+$0x18000]  }
0x294: {  	v7 =	vld [tilespmem:s3+$0x1C800];
	v1 =	vadd.f32 v1, v4  }
0x295: {  	v8 =	vld [tilespmem:s3+$0x1B000];
	v2 =	vadd.f32 v2, v4  }
0x296: {  	[tilespmem:s11+$0x18380] =	vst v1;
	v1 =	vadd.f32 v3, v4  }
0x297: {  	[tilespmem:s11+$0x19B80] =	vst v2  }
0x298: {  	[tilespmem:s11+$0x1B380] =	vst v1;
	s11 =	smov.u32 s3  }
0x299: {  	v1 =	vadd.f32 v6, v7;
	v2 =	vadd.f32 v5, v7;
	v3 =	vld [tilespmem:s11+$0x1C880]  }
0x29a: {  	v0 =	vadd.f32 v0, v7;
	v4 =	vadd.f32 v8, v7  }
0x29b: {  	[tilespmem:s11+$0x18000] =	vst v1  }
0x29c: {  	[tilespmem:s11+$0x1B000] =	vst v4  }
0x29d: {  	[tilespmem:s11+$0x19800] =	vst v2  }
0x29e: {  	[tilespmem:s11+$0x16800] =	vst v0;
	v0 =	vld [tilespmem:s13+$0x80];
	_ =	sdelay $0x4  }
0x29f: {  	v0 =	vadd.f32 v0, v3;
	_ =	sdelay $0x1  }
0x2a0: {  	[tilespmem:s13+$0x80] =	vst v0  }
0x2a1: {  	v0 =	vld [tilespmem:s11+$0x18080]  }
0x2a2: {  	v1 =	vld [tilespmem:s11+$0x19880]  }
0x2a3: {  	v2 =	vld [tilespmem:s11+$0x1B080];
	_ =	sdelay $0x2  }
0x2a4: {  	v0 =	vadd.f32 v0, v3  }
0x2a5: {  	v1 =	vadd.f32 v1, v3  }
0x2a6: {  	[tilespmem:s11+$0x18080] =	vst v0;
	v0 =	vadd.f32 v2, v3  }
0x2a7: {  	[tilespmem:s11+$0x19880] =	vst v1  }
0x2a8: {  	[tilespmem:s11+$0x1B080] =	vst v0;
	v0 =	vld [tilespmem:s11+$0x1C900]  }
0x2a9: {  	v1 =	vld [tilespmem:s13+$0x100];
	_ =	sdelay $0x4  }
0x2aa: {  	v1 =	vadd.f32 v1, v0;
	_ =	sdelay $0x1  }
0x2ab: {  	[tilespmem:s13+$0x100] =	vst v1  }
0x2ac: {  	v1 =	vld [tilespmem:s11+$0x1B100]  }
0x2ad: {  	v2 =	vld [tilespmem:s11+$0x18100]  }
0x2ae: {  	v3 =	vld [tilespmem:s11+$0x19900];
	_ =	sdelay $0x2  }
0x2af: {  	v1 =	vadd.f32 v1, v0  }
0x2b0: {  	v2 =	vadd.f32 v2, v0  }
0x2b1: {  	v0 =	vadd.f32 v3, v0;
	[tilespmem:s11+$0x1B100] =	vst v1  }
0x2b2: {  	[tilespmem:s11+$0x18100] =	vst v2  }
0x2b3: {  	[tilespmem:s11+$0x19900] =	vst v0;
	v0 =	vld [tilespmem:s11+$0x1C980]  }
0x2b4: {  	v1 =	vld [tilespmem:s13+$0x180];
	_ =	sdelay $0x4  }
0x2b5: {  	v1 =	vadd.f32 v1, v0;
	_ =	sdelay $0x1  }
0x2b6: {  	[tilespmem:s13+$0x180] =	vst v1  }
0x2b7: {  	v1 =	vld [tilespmem:s11+$0x18180]  }
0x2b8: {  	v2 =	vld [tilespmem:s11+$0x19980]  }
0x2b9: {  	v3 =	vld [tilespmem:s11+$0x1B180];
	_ =	sdelay $0x2  }
0x2ba: {  	v1 =	vadd.f32 v1, v0  }
0x2bb: {  	v2 =	vadd.f32 v2, v0  }
0x2bc: {  	[tilespmem:s11+$0x18180] =	vst v1;
	v0 =	vadd.f32 v3, v0  }
0x2bd: {  	[tilespmem:s11+$0x19980] =	vst v2  }
0x2be: {  	[tilespmem:s11+$0x1B180] =	vst v0;
	v0 =	vld [tilespmem:s11+$0x1CA00]  }
0x2bf: {  	v1 =	vld [tilespmem:s13+$0x200];
	_ =	sdelay $0x4  }
0x2c0: {  	v1 =	vadd.f32 v1, v0;
	_ =	sdelay $0x1  }
0x2c1: {  	[tilespmem:s13+$0x200] =	vst v1  }
0x2c2: {  	v1 =	vld [tilespmem:s11+$0x18200]  }
0x2c3: {  	v2 =	vld [tilespmem:s11+$0x19A00]  }
0x2c4: {  	v3 =	vld [tilespmem:s11+$0x1B200];
	_ =	sdelay $0x2  }
0x2c5: {  	v1 =	vadd.f32 v1, v0  }
0x2c6: {  	v2 =	vadd.f32 v2, v0  }
0x2c7: {  	[tilespmem:s11+$0x18200] =	vst v1;
	v0 =	vadd.f32 v3, v0  }
0x2c8: {  	[tilespmem:s11+$0x19A00] =	vst v2  }
0x2c9: {  	[tilespmem:s11+$0x1B200] =	vst v0;
	v0 =	vld [tilespmem:s11+$0x1CA80]  }
0x2ca: {  	v1 =	vld [tilespmem:s13+$0x280];
	_ =	sdelay $0x4  }
0x2cb: {  	v1 =	vadd.f32 v1, v0;
	_ =	sdelay $0x1  }
0x2cc: {  	[tilespmem:s13+$0x280] =	vst v1  }
0x2cd: {  	v1 =	vld [tilespmem:s11+$0x18280]  }
0x2ce: {  	v2 =	vld [tilespmem:s11+$0x19A80]  }
0x2cf: {  	v3 =	vld [tilespmem:s11+$0x1B280];
	_ =	sdelay $0x2  }
0x2d0: {  	v1 =	vadd.f32 v1, v0  }
.Ltmp3:
0x2d1: {  	v2 =	vadd.f32 v2, v0;
	(pc) =	sbr.rel @p0 .LBB2_9-.Ltmp3, $4  }
0x2d2: {  	[tilespmem:s11+$0x18280] =	vst v1;
	v0 =	vadd.f32 v3, v0  }
0x2d3: {  	[tilespmem:s11+$0x19A80] =	vst v2  }
0x2d4: {  	[tilespmem:s11+$0x1B280] =	vst v0;
	v0 =	vld [tilespmem:s11+$0x1CB00]  }
0x2d5: {  	v1 =	vld [tilespmem:s13+$0x300]  }
0x2d6: {  	_ =	sdelay $0x3  }
0x2d7: {  	v1 =	vadd.f32 v1, v0;
	_ =	sdelay $0x1  }
0x2d8: {  	[tilespmem:s13+$0x300] =	vst v1  }
0x2d9: {  	v1 =	vld [tilespmem:s11+$0x18300]  }
0x2da: {  	v2 =	vld [tilespmem:s11+$0x19B00]  }
0x2db: {  	v3 =	vld [tilespmem:s11+$0x1B300];
	_ =	sdelay $0x2  }
0x2dc: {  	v1 =	vadd.f32 v1, v0  }
0x2dd: {  	v2 =	vadd.f32 v2, v0  }
0x2de: {  	v60 =	vadd.f32 v3, v0;
	[tilespmem:s11+$0x18300] =	vst v1  }
0x2df: {  	[tilespmem:s11+$0x19B00] =	vst v2  }
0x2e0: {  	s3 =	sor.u32 $0x380, s18;
	v4 =	vld [tilespmem:s11+$0x1CB80];
	[tilespmem:s11+$0x1B300] =	vst v60  }
0x2e1: {  	v0 =	vld [tilespmem:s3+$0x16800];
	_ =	sdelay $0x4  }
0x2e2: {  	v0 =	vadd.f32 v0, v4;
	_ =	sdelay $0x1  }
0x2e3: {  	[tilespmem:s3+$0x16800] =	vst v0  }
0x2e4: {  	v0 =	vld [tilespmem:s11+$0x18380]  }
0x2e5: {  	v61 =	vld [tilespmem:s11+$0x19B80]  }
0x2e6: {  	v62 =	vld [tilespmem:s11+$0x1B380];
	_ =	sdelay $0x2  }
0x2e7: {  	v0 =	vadd.f32 v0, v4  }
0x2e8: {  	v1 =	vadd.f32 v61, v4  }
0x2e9: {  	v63 =	vadd.f32 v62, v4;
	[tilespmem:s11+$0x18380] =	vst v0  }
0x2ea: {  	[tilespmem:s11+$0x19B80] =	vst v1  }
0x2eb: {  	s0 =	sadd.s32 s4, s0;
	s2 =	sadd.s32 $0x1, s2;
	s13 =	simm.s32 $0x16800;
	[tilespmem:s11+$0x1B380] =	vst v63  }
0x2ec: {  	[hbm4b:s0+s6] =	stream.linear.scatter [tilespmem:s13], [sflag:$0x8], $0x1800, $0x38;
	[tilespmem:$0x1E000] =	vst v63  }
0x2ed: {  	s18 =	sadd.s32 s4, s26;
	s19 =	simm.s32 $0x18000;
	p0 =	sne.s32 s2, $0x8  }
0x2ee: {  	[hbm4b:s18+s6] =	stream.linear.scatter [tilespmem:s19], [sflag:$0x8], $0x1800, $0x38;
	[tilespmem:$0x1E000] =	vst v63  }
.Ltmp4:
0x2ef: {  	_ = 	snop;
	(pc) =	sbr.rel @p0 .LBB2_2-.Ltmp4, $4  }
0x2f0: {  	s23 =	sadd.s32 s4, s31;
	s24 =	simm.s32 $0x19800  }
0x2f1: {  	[hbm4b:s23+s6] =	stream.linear.scatter [tilespmem:s24], [sflag:$0x8], $0x1800, $0x38;
	[tilespmem:$0x1E000] =	vst v63  }
0x2f2: {  	s26 =	sadd.s32 s4, s5;
	s31 =	simm.s32 $0x1B000  }
0x2f3: {  	[hbm4b:s26+s6] =	stream.linear.scatter [tilespmem:s31], [sflag:$0x8], $0x1800, $0x38;
	[tilespmem:$0x1E000] =	vst v63  }
0x2f4: {  	s0 =	simm.s32 $0x7  }
0x2f5: {  	_ =	swait.ge [sflag:s0], $0x1800  }
0x2f6: {  	[sflag:s0] =	ssyncset.done $0x0  }
0x2f7: {  	[sflag:s0] =	ssyncadd.s32 $0xFFFFE800  }
0x2f8: {  	_ =	swait.ge [sflag:s0], $0x1800  }
0x2f9: {  	[sflag:s0] =	ssyncset.done $0x0  }
0x2fa: {  	[sflag:s0] =	ssyncadd.s32 $0xFFFFE800  }
0x2fb: {  	_ =	swait.ge [sflag:s0], $0x1800  }
0x2fc: {  	[sflag:s0] =	ssyncset.done $0x0  }
0x2fd: {  	[sflag:s0] =	ssyncadd.s32 $0xFFFFE800  }
0x2fe: {  	_ =	swait.ge [sflag:s0], $0x1800  }
0x2ff: {  	[sflag:s0] =	ssyncset.done $0x0  }
0x300: {  	s2 =	simm.s32 $0x8;
	[sflag:s0] =	ssyncadd.s32 $0xFFFFE800  }
0x301: {  	_ =	swait.ge [sflag:s2], $0x1800  }
0x302: {  	[sflag:s2] =	ssyncset.done $0x0  }
0x303: {  	[sflag:s2] =	ssyncadd.s32 $0xFFFFE800  }
0x304: {  	_ =	swait.ge [sflag:s2], $0x1800  }
0x305: {  	[sflag:s2] =	ssyncset.done $0x0  }
0x306: {  	[sflag:s2] =	ssyncadd.s32 $0xFFFFE800  }
0x307: {  	_ =	swait.ge [sflag:s2], $0x1800  }
0x308: {  	[sflag:s2] =	ssyncset.done $0x0  }
0x309: {  	[sflag:s2] =	ssyncadd.s32 $0xFFFFE800  }
0x30a: {  	_ =	swait.ge [sflag:s2], $0x1800  }
0x30b: {  	s3 =	rddreg [dreg:$0x15]  }
0x30c: {  	s31 =	rddreg [dreg:$0x14];
	s3 =	sadd.s32 $0x1, s3  }
0x30d: {  	p0 =	sne.s32 s3, s31  }
.Ltmp5:
0x30e: {  	_ = 	snop;
	(pc) =	sbr.rel @p0 .LBB2_1-.Ltmp5, $3  }
0x30f: {  	_ =	sdelay $0x1  }
0x310: {  	[sflag:s2] =	ssyncset.done $0x0  }
0x311: {  	[sflag:s2] =	ssyncadd.s32 $0xFFFFE800  }
0x312: {  	_ =	sfence.sel $0x180000  }
0x313: {  	[bflag:$0x0] =	sbarrier.arrive $0xFFFF  }
0x314: {  	_ =	strace $0x90000047  }
0x315: {  	s0 =	stileid.u32;
	[bflag:$0x2] =	sbarrier.arrive $0xFFFF  }
0x316: {  	p0 =	sne.s32 s0, $0x0;
	s0 =	rddreg [dreg:$0x3]  }
0x317: {  	s0 =	sadd.s32 @!p0 $0x100000, s0  }
0x318: {  	[sflag:s0] =	ssyncadd.tile.s32 @!p0 $0x1;
	_ =	shalt  }
.Lfunc_end2:
_tile_overlayer_lowered:
.L_overlay_start_2:
0x319: {  	(tag) =	ssettag $0x2  }
0x31a: {  	s0 =	rddreg [dreg:$0x0];
	s2 =	stileid.u32  }
0x31b: {  	s1 =	rddreg [dreg:$0x1];
	p0 =	sne.s32 s2, $0x0  }
0x31c: {  	s3 =	rddreg [dreg:$0x2];
	[bflag:$0x3] =	sbarrier.arrive $0xFFFF;
	s2 =	simm.s32 @!p0 $0x1C09  }
0x31d: {  	[timem:s3], [sflag:s2] =	dma.local @!p0 [hbm:s0], s1  }
0x31e: {  	s0 =	simm.s32 @!p0 $0x9  }
0x31f: {  	_ =	swait.ge @!p0 [sflag:s0], s1  }
0x320: {  	s1 =	ssub.s32 @!p0 $0x0, s1;
	[sflag:s0] =	ssyncset.done @!p0 $0x0  }
0x321: {  	[sflag:s0] =	ssyncadd.s32 @!p0 s1  }
0x322: {  	[bflag:$0x3] =	sbarrier.arrive $0xFFFF  }
0x323: {  	_ =	shalt  }

</sc_bundles>
